<compile_context>
chip_gen: v7x
topology: tpu7x:2x2x1
jax: 0.10.2.dev20260603
libtpu: 0.0.44.dev20260713+nightly
codegen_flags: <defaults>
</compile_context>

<pallas_src>
import functools

import jax
import jax.numpy as jnp
from jax import lax
from jax.experimental import pallas as pl
from jax.experimental.pallas import tpu as pltpu
from jax.experimental.pallas import tpu_sc as plsc

SENT = 4096
W = 200
D = 64
VOC = 1000
NC, NS = 2, 16
NW = NC * NS
SB = SENT // NW

_mesh = plsc.VectorSubcoreMesh(core_axis_name="c", subcore_axis_name="s")


@functools.partial(
    pl.kernel,
    mesh=_mesh,
    out_type=jax.ShapeDtypeStruct((W, D // 8, NW, 8, SB), jnp.float32),
    scratch_types=[
        pltpu.VMEM((VOC * D,), jnp.float32),
        pltpu.VMEM((SB, W), jnp.int32),
        pltpu.VMEM((2, D // 8, 8, SB), jnp.float32),
        pltpu.SemaphoreType.DMA,
        pltpu.SemaphoreType.DMA,
        pltpu.SemaphoreType.DMA,
    ],
    compiler_params=pltpu.CompilerParams(use_tc_tiling_on_sc=False,
                                         needs_layout_passes=False),
)
def _emb_lookup(idx_hbm, table_hbm, out_hbm, table_v, idx_v, blk_v,
                sem_i, sem_o0, sem_o1):
    wid = lax.axis_index("s") * NC + lax.axis_index("c")
    sems_o = (sem_o0, sem_o1)

    t_copy = pltpu.async_copy(table_hbm, table_v, sem_i)
    pltpu.async_copy(idx_hbm.at[pl.ds(wid * SB, SB)], idx_v, sem_i)
    t_copy.wait()
    pltpu.make_async_copy(idx_hbm.at[pl.ds(0, SB)], idx_v, sem_i).wait()

    lane = lax.iota(jnp.int32, 16)

    def build(w, b):
        wvec = jnp.zeros((16,), jnp.int32) + w
        sidxs = [plsc.load_gather(idx_v, [lane + g * 16, wvec])
                 for g in range(SB // 16)]
        for g in range(SB // 16):
            @plsc.parallel_loop(0, D, unroll=8)
            def _d(d, sidx=sidxs[g], g=g):
                val = plsc.load_gather(table_v, [sidx + d * VOC])
                blk_v[b, d // 8, d % 8, pl.ds(g * 16, 16)] = val

    def flush(w, b):
        pltpu.async_copy(blk_v.at[b], out_hbm.at[w, :, wid], sems_o[b])

    def drain(b):
        pltpu.make_async_copy(blk_v.at[b], out_hbm.at[0, :, wid],
                              sems_o[b]).wait()

    build(0, 0)
    flush(0, 0)

    @pl.loop(1, W - 1, step=2)
    def _pipeline(w0):
        build(w0, 1)
        drain(0)
        flush(w0, 1)
        build(w0 + 1, 0)
        drain(1)
        flush(w0 + 1, 0)

    build(W - 1, 1)
    drain(0)
    flush(W - 1, 1)
    drain(1)


def kernel(inputs, table):
    idx = inputs.astype(jnp.int32)
    out5 = _emb_lookup(idx, table.T.reshape(-1))
    return out5.transpose(2, 4, 0, 1, 3).reshape(SENT, W, D)

# --- scband reference (transcript-rebuilt; emitter-appended) ---
"""Pipeline reference for scband-char-embedding-40450001994323 (READ-ONLY COPY).

The authoritative reference and input builder live on the scoring server;
editing this copy changes nothing except your own understanding.
"""

import jax, jax.numpy as jnp
import numpy as np

N_CHARS = 1000
EMB = 64
PAD_IDX = 0
SENT_LEN = 4096
MAX_WORD_LEN = 200


def setup_inputs(seed: int = 0) -> dict:
    key = jax.random.key(seed)
    k_idx, k_tbl = jax.random.split(key)
    inputs = jax.random.randint(k_idx, (SENT_LEN, MAX_WORD_LEN), 0, N_CHARS)
    table = jax.random.normal(k_tbl, (N_CHARS, EMB), dtype=jnp.float32)
    # padding_idx row is initialized to zero in torch.nn.Embedding
    table = table.at[PAD_IDX].set(0.0)
    return {"inputs": inputs, "table": table}


def reference(inputs, table):
    # CharEmbedding.forward: embedding lookup (dropout=0.0 -> identity)
    inputs_emb = jnp.take(table, inputs, axis=0)
    return inputs_emb

if __name__ == "__main__":
    import jax
    _d = setup_inputs()
    print(jax.jit(kernel)(*tuple(_d.values())))

</pallas_src>

<mosaic_0001>
#map = affine_map<(d0, d1) -> (0, 0)>
#map1 = affine_map<(d0, d1) -> (0)>
#map2 = affine_map<(d0, d1) -> (0, 0, 0, 0, 0)>
module attributes {stable_mosaic.version = 14 : i64} {
  func.func @_emb_lookup(%arg0: i32, %arg1: i32, %arg2: memref<4096x200xi32, #tpu.memory_space<hbm>>, %arg3: memref<64000xf32, #tpu.memory_space<hbm>>, %arg4: memref<200x8x32x8x128xf32, #tpu.memory_space<hbm>>, %arg5: memref<64000xf32, #tpu.memory_space<vmem>>, %arg6: memref<128x200xi32, #tpu.memory_space<vmem>>, %arg7: memref<2x8x8x128xf32, #tpu.memory_space<vmem>>, %arg8: memref<!tpu.dma_semaphore, #tpu.memory_space<semaphore_mem>>, %arg9: memref<!tpu.dma_semaphore, #tpu.memory_space<semaphore_mem>>, %arg10: memref<!tpu.dma_semaphore, #tpu.memory_space<semaphore_mem>>) attributes {dimension_semantics = [#tpu.dimension_semantics<core_parallel>, #tpu.dimension_semantics<subcore_parallel>], iteration_bounds = array<i64: 2, 16>, scalar_prefetch = 0 : i64, scratch_operands = 6 : i64, tpu.core_type = #tpu.core_type<sc_vector_subcore>, window_params = [{transform_indices = #map}, {transform_indices = #map1}, {transform_indices = #map2}]} {
    %mul3A = arith.constant 2 : i32
    %mul3A_0 = arith.muli %arg1, %mul3A : i32
    %add3A = arith.addi %mul3A_0, %arg0 : i32
    tpu.enqueue_dma source(%arg3 : memref<64000xf32, #tpu.memory_space<hbm>>) target(%arg5 : memref<64000xf32, #tpu.memory_space<vmem>>) target_semaphore(%arg8 : memref<!tpu.dma_semaphore, #tpu.memory_space<semaphore_mem>>)
    %mul3A_1 = arith.constant 128 : i32
    %mul3A_2 = arith.muli %add3A, %mul3A_1 : i32
    %dma_start3A = arith.constant 0 : i32
    %dma_start3A_3 = tpu.memref_slice %arg2[%mul3A_2, %dma_start3A] : memref<4096x200xi32, #tpu.memory_space<hbm>> -> memref<128x200xi32, #tpu.memory_space<hbm>>
    %dma_start3A_4 = arith.constant 0 : i32
    %dma_start3A_5 = tpu.memref_slice %arg2[%mul3A_2, %dma_start3A_4] : memref<4096x200xi32, #tpu.memory_space<hbm>> -> memref<128x200xi32, #tpu.memory_space<hbm>>
    tpu.enqueue_dma source(%dma_start3A_5 : memref<128x200xi32, #tpu.memory_space<hbm>>) target(%arg6 : memref<128x200xi32, #tpu.memory_space<vmem>>) target_semaphore(%arg8 : memref<!tpu.dma_semaphore, #tpu.memory_space<semaphore_mem>>)
    tpu.wait_dma2 semaphore(%arg8 : memref<!tpu.dma_semaphore, #tpu.memory_space<semaphore_mem>>) src(%arg3 : memref<64000xf32, #tpu.memory_space<hbm>>) dst(%arg5 : memref<64000xf32, #tpu.memory_space<vmem>>)
    %dma_wait3A = arith.constant 0 : i32
    %dma_wait3A_6 = arith.constant 0 : i32
    %dma_wait3A_7 = tpu.memref_slice %arg2[%dma_wait3A, %dma_wait3A_6] : memref<4096x200xi32, #tpu.memory_space<hbm>> -> memref<128x200xi32, #tpu.memory_space<hbm>>
    %dma_wait3A_8 = arith.constant 0 : i32
    %dma_wait3A_9 = arith.constant 0 : i32
    %dma_wait3A_10 = tpu.memref_slice %arg2[%dma_wait3A_8, %dma_wait3A_9] : memref<4096x200xi32, #tpu.memory_space<hbm>> -> memref<128x200xi32, #tpu.memory_space<hbm>>
    tpu.wait_dma2 semaphore(%arg8 : memref<!tpu.dma_semaphore, #tpu.memory_space<semaphore_mem>>) src(%dma_wait3A_10 : memref<128x200xi32, #tpu.memory_space<hbm>>) dst(%arg6 : memref<128x200xi32, #tpu.memory_space<vmem>>)
    %iota3A = tpu.iota {dimensions = array<i32: 0>} : vector<16xi32>
    %broadcast_in_dim3A = arith.constant 0 : i32
    %broadcast_in_dim3A_11 = vector.broadcast %broadcast_in_dim3A : i32 to vector<16xi32>
    %add3A_12 = arith.constant 0 : i32
    %add3A_13 = vector.broadcast %add3A_12 : i32 to vector<16xi32>
    %add3A_14 = arith.addi %broadcast_in_dim3A_11, %add3A_13 : vector<16xi32>
    %add3A_15 = arith.constant 0 : i32
    %add3A_16 = vector.broadcast %add3A_15 : i32 to vector<16xi32>
    %add3A_17 = arith.addi %iota3A, %add3A_16 : vector<16xi32>
    %gather3A = tpu.vector_load_idx %arg6[%add3A_17, %add3A_14] : memref<128x200xi32, #tpu.memory_space<vmem>>[vector<16xi32>, vector<16xi32>], vector<16xi32>,
    %add3A_18 = arith.constant 16 : i32
    %add3A_19 = vector.broadcast %add3A_18 : i32 to vector<16xi32>
    %add3A_20 = arith.addi %iota3A, %add3A_19 : vector<16xi32>
    %gather3A_21 = tpu.vector_load_idx %arg6[%add3A_20, %add3A_14] : memref<128x200xi32, #tpu.memory_space<vmem>>[vector<16xi32>, vector<16xi32>], vector<16xi32>,
    %add3A_22 = arith.constant 32 : i32
    %add3A_23 = vector.broadcast %add3A_22 : i32 to vector<16xi32>
    %add3A_24 = arith.addi %iota3A, %add3A_23 : vector<16xi32>
    %gather3A_25 = tpu.vector_load_idx %arg6[%add3A_24, %add3A_14] : memref<128x200xi32, #tpu.memory_space<vmem>>[vector<16xi32>, vector<16xi32>], vector<16xi32>,
    %add3A_26 = arith.constant 48 : i32
    %add3A_27 = vector.broadcast %add3A_26 : i32 to vector<16xi32>
    %add3A_28 = arith.addi %iota3A, %add3A_27 : vector<16xi32>
    %gather3A_29 = tpu.vector_load_idx %arg6[%add3A_28, %add3A_14] : memref<128x200xi32, #tpu.memory_space<vmem>>[vector<16xi32>, vector<16xi32>], vector<16xi32>,
    %add3A_30 = arith.constant 64 : i32
    %add3A_31 = vector.broadcast %add3A_30 : i32 to vector<16xi32>
    %add3A_32 = arith.addi %iota3A, %add3A_31 : vector<16xi32>
    %gather3A_33 = tpu.vector_load_idx %arg6[%add3A_32, %add3A_14] : memref<128x200xi32, #tpu.memory_space<vmem>>[vector<16xi32>, vector<16xi32>], vector<16xi32>,
    %add3A_34 = arith.constant 80 : i32
    %add3A_35 = vector.broadcast %add3A_34 : i32 to vector<16xi32>
    %add3A_36 = arith.addi %iota3A, %add3A_35 : vector<16xi32>
    %gather3A_37 = tpu.vector_load_idx %arg6[%add3A_36, %add3A_14] : memref<128x200xi32, #tpu.memory_space<vmem>>[vector<16xi32>, vector<16xi32>], vector<16xi32>,
    %add3A_38 = arith.constant 96 : i32
    %add3A_39 = vector.broadcast %add3A_38 : i32 to vector<16xi32>
    %add3A_40 = arith.addi %iota3A, %add3A_39 : vector<16xi32>
    %gather3A_41 = tpu.vector_load_idx %arg6[%add3A_40, %add3A_14] : memref<128x200xi32, #tpu.memory_space<vmem>>[vector<16xi32>, vector<16xi32>], vector<16xi32>,
    %add3A_42 = arith.constant 112 : i32
    %add3A_43 = vector.broadcast %add3A_42 : i32 to vector<16xi32>
    %add3A_44 = arith.addi %iota3A, %add3A_43 : vector<16xi32>
    %gather3A_45 = tpu.vector_load_idx %arg6[%add3A_44, %add3A_14] : memref<128x200xi32, #tpu.memory_space<vmem>>[vector<16xi32>, vector<16xi32>], vector<16xi32>,
    %parallel_loop3A = arith.constant 0 : i32
    %parallel_loop3A_46 = arith.constant 64 : i32
    %parallel_loop3A_47 = arith.constant 1 : i32
    scf.for %parallel_loop3A_222 = %parallel_loop3A to %parallel_loop3A_46 step %parallel_loop3A_47  : i32 {
      %parallel_loop3A_223 = arith.constant 1000 : i32
      %parallel_loop3A_224 = arith.muli %parallel_loop3A_222, %parallel_loop3A_223 : i32
      %parallel_loop3A_225 = vector.broadcast %parallel_loop3A_224 : i32 to vector<16xi32>
      %parallel_loop3A_226 = arith.addi %gather3A, %parallel_loop3A_225 : vector<16xi32>
      %parallel_loop3A_227 = tpu.vector_load_idx %arg5[%parallel_loop3A_226] : memref<64000xf32, #tpu.memory_space<vmem>>[vector<16xi32>], vector<16xf32>,
      %parallel_loop3A_228 = arith.constant 8 : i32
      %parallel_loop3A_229 = arith.divsi %parallel_loop3A_222, %parallel_loop3A_228 : i32
      %parallel_loop3A_230 = arith.constant 0 : i32
      %parallel_loop3A_231 = arith.cmpi sgt, %parallel_loop3A_222, %parallel_loop3A_230 : i32
      %parallel_loop3A_232 = arith.extui %parallel_loop3A_231 : i1 to i32
      %parallel_loop3A_233 = arith.constant 0 : i32
      %parallel_loop3A_234 = arith.cmpi slt, %parallel_loop3A_222, %parallel_loop3A_233 : i32
      %parallel_loop3A_235 = arith.extui %parallel_loop3A_234 : i1 to i32
      %parallel_loop3A_236 = arith.subi %parallel_loop3A_232, %parallel_loop3A_235 : i32
      %parallel_loop3A_237 = arith.constant 0 : i32
      %parallel_loop3A_238 = arith.cmpi sgt, %parallel_loop3A_228, %parallel_loop3A_237 : i32
      %parallel_loop3A_239 = arith.extui %parallel_loop3A_238 : i1 to i32
      %parallel_loop3A_240 = arith.constant 0 : i32
      %parallel_loop3A_241 = arith.cmpi slt, %parallel_loop3A_228, %parallel_loop3A_240 : i32
      %parallel_loop3A_242 = arith.extui %parallel_loop3A_241 : i1 to i32
      %parallel_loop3A_243 = arith.subi %parallel_loop3A_239, %parallel_loop3A_242 : i32
      %parallel_loop3A_244 = arith.cmpi ne, %parallel_loop3A_236, %parallel_loop3A_243 : i32
      %parallel_loop3A_245 = arith.remsi %parallel_loop3A_222, %parallel_loop3A_228 : i32
      %parallel_loop3A_246 = arith.constant 0 : i32
      %parallel_loop3A_247 = arith.cmpi ne, %parallel_loop3A_245, %parallel_loop3A_246 : i32
      %parallel_loop3A_248 = arith.andi %parallel_loop3A_244, %parallel_loop3A_247 : i1
      %parallel_loop3A_249 = arith.constant 1 : i32
      %parallel_loop3A_250 = arith.subi %parallel_loop3A_229, %parallel_loop3A_249 : i32
      %parallel_loop3A_251 = arith.select %parallel_loop3A_248, %parallel_loop3A_250, %parallel_loop3A_229 : i32
      %parallel_loop3A_252 = arith.constant 8 : i32
      %parallel_loop3A_253 = arith.constant 0 : i32
      %parallel_loop3A_254 = arith.cmpi eq, %parallel_loop3A_252, %parallel_loop3A_253 : i32
      %parallel_loop3A_255 = arith.constant 1 : i32
      %parallel_loop3A_256 = arith.select %parallel_loop3A_254, %parallel_loop3A_255, %parallel_loop3A_252 : i32
      %parallel_loop3A_257 = arith.remsi %parallel_loop3A_222, %parallel_loop3A_256 : i32
      %parallel_loop3A_258 = arith.constant 0 : i32
      %parallel_loop3A_259 = arith.cmpi ne, %parallel_loop3A_257, %parallel_loop3A_258 : i32
      %parallel_loop3A_260 = arith.constant 0 : i32
      %parallel_loop3A_261 = arith.cmpi slt, %parallel_loop3A_257, %parallel_loop3A_260 : i32
      %parallel_loop3A_262 = arith.constant 0 : i32
      %parallel_loop3A_263 = arith.cmpi slt, %parallel_loop3A_256, %parallel_loop3A_262 : i32
      %parallel_loop3A_264 = arith.xori %parallel_loop3A_261, %parallel_loop3A_263 : i1
      %parallel_loop3A_265 = arith.andi %parallel_loop3A_264, %parallel_loop3A_259 : i1
      %parallel_loop3A_266 = arith.addi %parallel_loop3A_257, %parallel_loop3A_256 : i32
      %parallel_loop3A_267 = arith.select %parallel_loop3A_265, %parallel_loop3A_266, %parallel_loop3A_257 : i32
      %parallel_loop3A_268 = arith.constant 0 : i32
      %parallel_loop3A_269 = arith.index_cast %parallel_loop3A_268 : i32 to index
      %parallel_loop3A_270 = arith.index_cast %parallel_loop3A_251 : i32 to index
      %parallel_loop3A_271 = arith.index_cast %parallel_loop3A_267 : i32 to index
      %parallel_loop3A_272 = arith.constant 0 : index
      %parallel_loop3A_273 = tpu.vector_load %arg7[%parallel_loop3A_269, %parallel_loop3A_270, %parallel_loop3A_271, %parallel_loop3A_272] {strides = array<i32>} : memref<2x8x8x128xf32, #tpu.memory_space<vmem>>, vector<16xf32>,
      tpu.vector_store %arg7[%parallel_loop3A_269, %parallel_loop3A_270, %parallel_loop3A_271, %parallel_loop3A_272], %parallel_loop3A_227 {strides = array<i32>} : memref<2x8x8x128xf32, #tpu.memory_space<vmem>>, vector<16xf32>,
    } {sc.loop_unroll_factor = 8 : i64, sc.parallel_access}
    %parallel_loop3A_48 = arith.constant 0 : i32
    %parallel_loop3A_49 = arith.constant 64 : i32
    %parallel_loop3A_50 = arith.constant 1 : i32
    scf.for %parallel_loop3A_222 = %parallel_loop3A_48 to %parallel_loop3A_49 step %parallel_loop3A_50  : i32 {
      %parallel_loop3A_223 = arith.constant 1000 : i32
      %parallel_loop3A_224 = arith.muli %parallel_loop3A_222, %parallel_loop3A_223 : i32
      %parallel_loop3A_225 = vector.broadcast %parallel_loop3A_224 : i32 to vector<16xi32>
      %parallel_loop3A_226 = arith.addi %gather3A_21, %parallel_loop3A_225 : vector<16xi32>
      %parallel_loop3A_227 = tpu.vector_load_idx %arg5[%parallel_loop3A_226] : memref<64000xf32, #tpu.memory_space<vmem>>[vector<16xi32>], vector<16xf32>,
      %parallel_loop3A_228 = arith.constant 8 : i32
      %parallel_loop3A_229 = arith.divsi %parallel_loop3A_222, %parallel_loop3A_228 : i32
      %parallel_loop3A_230 = arith.constant 0 : i32
      %parallel_loop3A_231 = arith.cmpi sgt, %parallel_loop3A_222, %parallel_loop3A_230 : i32
      %parallel_loop3A_232 = arith.extui %parallel_loop3A_231 : i1 to i32
      %parallel_loop3A_233 = arith.constant 0 : i32
      %parallel_loop3A_234 = arith.cmpi slt, %parallel_loop3A_222, %parallel_loop3A_233 : i32
      %parallel_loop3A_235 = arith.extui %parallel_loop3A_234 : i1 to i32
      %parallel_loop3A_236 = arith.subi %parallel_loop3A_232, %parallel_loop3A_235 : i32
      %parallel_loop3A_237 = arith.constant 0 : i32
      %parallel_loop3A_238 = arith.cmpi sgt, %parallel_loop3A_228, %parallel_loop3A_237 : i32
      %parallel_loop3A_239 = arith.extui %parallel_loop3A_238 : i1 to i32
      %parallel_loop3A_240 = arith.constant 0 : i32
      %parallel_loop3A_241 = arith.cmpi slt, %parallel_loop3A_228, %parallel_loop3A_240 : i32
      %parallel_loop3A_242 = arith.extui %parallel_loop3A_241 : i1 to i32
      %parallel_loop3A_243 = arith.subi %parallel_loop3A_239, %parallel_loop3A_242 : i32
      %parallel_loop3A_244 = arith.cmpi ne, %parallel_loop3A_236, %parallel_loop3A_243 : i32
      %parallel_loop3A_245 = arith.remsi %parallel_loop3A_222, %parallel_loop3A_228 : i32
      %parallel_loop3A_246 = arith.constant 0 : i32
      %parallel_loop3A_247 = arith.cmpi ne, %parallel_loop3A_245, %parallel_loop3A_246 : i32
      %parallel_loop3A_248 = arith.andi %parallel_loop3A_244, %parallel_loop3A_247 : i1
      %parallel_loop3A_249 = arith.constant 1 : i32
      %parallel_loop3A_250 = arith.subi %parallel_loop3A_229, %parallel_loop3A_249 : i32
      %parallel_loop3A_251 = arith.select %parallel_loop3A_248, %parallel_loop3A_250, %parallel_loop3A_229 : i32
      %parallel_loop3A_252 = arith.constant 8 : i32
      %parallel_loop3A_253 = arith.constant 0 : i32
      %parallel_loop3A_254 = arith.cmpi eq, %parallel_loop3A_252, %parallel_loop3A_253 : i32
      %parallel_loop3A_255 = arith.constant 1 : i32
      %parallel_loop3A_256 = arith.select %parallel_loop3A_254, %parallel_loop3A_255, %parallel_loop3A_252 : i32
      %parallel_loop3A_257 = arith.remsi %parallel_loop3A_222, %parallel_loop3A_256 : i32
      %parallel_loop3A_258 = arith.constant 0 : i32
      %parallel_loop3A_259 = arith.cmpi ne, %parallel_loop3A_257, %parallel_loop3A_258 : i32
      %parallel_loop3A_260 = arith.constant 0 : i32
      %parallel_loop3A_261 = arith.cmpi slt, %parallel_loop3A_257, %parallel_loop3A_260 : i32
      %parallel_loop3A_262 = arith.constant 0 : i32
      %parallel_loop3A_263 = arith.cmpi slt, %parallel_loop3A_256, %parallel_loop3A_262 : i32
      %parallel_loop3A_264 = arith.xori %parallel_loop3A_261, %parallel_loop3A_263 : i1
      %parallel_loop3A_265 = arith.andi %parallel_loop3A_264, %parallel_loop3A_259 : i1
      %parallel_loop3A_266 = arith.addi %parallel_loop3A_257, %parallel_loop3A_256 : i32
      %parallel_loop3A_267 = arith.select %parallel_loop3A_265, %parallel_loop3A_266, %parallel_loop3A_257 : i32
      %parallel_loop3A_268 = arith.constant 0 : i32
      %parallel_loop3A_269 = arith.index_cast %parallel_loop3A_268 : i32 to index
      %parallel_loop3A_270 = arith.index_cast %parallel_loop3A_251 : i32 to index
      %parallel_loop3A_271 = arith.index_cast %parallel_loop3A_267 : i32 to index
      %parallel_loop3A_272 = arith.constant 16 : index
      %parallel_loop3A_273 = tpu.vector_load %arg7[%parallel_loop3A_269, %parallel_loop3A_270, %parallel_loop3A_271, %parallel_loop3A_272] {strides = array<i32>} : memref<2x8x8x128xf32, #tpu.memory_space<vmem>>, vector<16xf32>,
      tpu.vector_store %arg7[%parallel_loop3A_269, %parallel_loop3A_270, %parallel_loop3A_271, %parallel_loop3A_272], %parallel_loop3A_227 {strides = array<i32>} : memref<2x8x8x128xf32, #tpu.memory_space<vmem>>, vector<16xf32>,
    } {sc.loop_unroll_factor = 8 : i64, sc.parallel_access}
    %parallel_loop3A_51 = arith.constant 0 : i32
    %parallel_loop3A_52 = arith.constant 64 : i32
    %parallel_loop3A_53 = arith.constant 1 : i32
    scf.for %parallel_loop3A_222 = %parallel_loop3A_51 to %parallel_loop3A_52 step %parallel_loop3A_53  : i32 {
      %parallel_loop3A_223 = arith.constant 1000 : i32
      %parallel_loop3A_224 = arith.muli %parallel_loop3A_222, %parallel_loop3A_223 : i32
      %parallel_loop3A_225 = vector.broadcast %parallel_loop3A_224 : i32 to vector<16xi32>
      %parallel_loop3A_226 = arith.addi %gather3A_25, %parallel_loop3A_225 : vector<16xi32>
      %parallel_loop3A_227 = tpu.vector_load_idx %arg5[%parallel_loop3A_226] : memref<64000xf32, #tpu.memory_space<vmem>>[vector<16xi32>], vector<16xf32>,
      %parallel_loop3A_228 = arith.constant 8 : i32
      %parallel_loop3A_229 = arith.divsi %parallel_loop3A_222, %parallel_loop3A_228 : i32
      %parallel_loop3A_230 = arith.constant 0 : i32
      %parallel_loop3A_231 = arith.cmpi sgt, %parallel_loop3A_222, %parallel_loop3A_230 : i32
      %parallel_loop3A_232 = arith.extui %parallel_loop3A_231 : i1 to i32
      %parallel_loop3A_233 = arith.constant 0 : i32
      %parallel_loop3A_234 = arith.cmpi slt, %parallel_loop3A_222, %parallel_loop3A_233 : i32
      %parallel_loop3A_235 = arith.extui %parallel_loop3A_234 : i1 to i32
      %parallel_loop3A_236 = arith.subi %parallel_loop3A_232, %parallel_loop3A_235 : i32
      %parallel_loop3A_237 = arith.constant 0 : i32
      %parallel_loop3A_238 = arith.cmpi sgt, %parallel_loop3A_228, %parallel_loop3A_237 : i32
      %parallel_loop3A_239 = arith.extui %parallel_loop3A_238 : i1 to i32
      %parallel_loop3A_240 = arith.constant 0 : i32
      %parallel_loop3A_241 = arith.cmpi slt, %parallel_loop3A_228, %parallel_loop3A_240 : i32
      %parallel_loop3A_242 = arith.extui %parallel_loop3A_241 : i1 to i32
      %parallel_loop3A_243 = arith.subi %parallel_loop3A_239, %parallel_loop3A_242 : i32
      %parallel_loop3A_244 = arith.cmpi ne, %parallel_loop3A_236, %parallel_loop3A_243 : i32
      %parallel_loop3A_245 = arith.remsi %parallel_loop3A_222, %parallel_loop3A_228 : i32
      %parallel_loop3A_246 = arith.constant 0 : i32
      %parallel_loop3A_247 = arith.cmpi ne, %parallel_loop3A_245, %parallel_loop3A_246 : i32
      %parallel_loop3A_248 = arith.andi %parallel_loop3A_244, %parallel_loop3A_247 : i1
      %parallel_loop3A_249 = arith.constant 1 : i32
      %parallel_loop3A_250 = arith.subi %parallel_loop3A_229, %parallel_loop3A_249 : i32
      %parallel_loop3A_251 = arith.select %parallel_loop3A_248, %parallel_loop3A_250, %parallel_loop3A_229 : i32
      %parallel_loop3A_252 = arith.constant 8 : i32
      %parallel_loop3A_253 = arith.constant 0 : i32
      %parallel_loop3A_254 = arith.cmpi eq, %parallel_loop3A_252, %parallel_loop3A_253 : i32
      %parallel_loop3A_255 = arith.constant 1 : i32
      %parallel_loop3A_256 = arith.select %parallel_loop3A_254, %parallel_loop3A_255, %parallel_loop3A_252 : i32
      %parallel_loop3A_257 = arith.remsi %parallel_loop3A_222, %parallel_loop3A_256 : i32
      %parallel_loop3A_258 = arith.constant 0 : i32
      %parallel_loop3A_259 = arith.cmpi ne, %parallel_loop3A_257, %parallel_loop3A_258 : i32
      %parallel_loop3A_260 = arith.constant 0 : i32
      %parallel_loop3A_261 = arith.cmpi slt, %parallel_loop3A_257, %parallel_loop3A_260 : i32
      %parallel_loop3A_262 = arith.constant 0 : i32
      %parallel_loop3A_263 = arith.cmpi slt, %parallel_loop3A_256, %parallel_loop3A_262 : i32
      %parallel_loop3A_264 = arith.xori %parallel_loop3A_261, %parallel_loop3A_263 : i1
      %parallel_loop3A_265 = arith.andi %parallel_loop3A_264, %parallel_loop3A_259 : i1
      %parallel_loop3A_266 = arith.addi %parallel_loop3A_257, %parallel_loop3A_256 : i32
      %parallel_loop3A_267 = arith.select %parallel_loop3A_265, %parallel_loop3A_266, %parallel_loop3A_257 : i32
      %parallel_loop3A_268 = arith.constant 0 : i32
      %parallel_loop3A_269 = arith.index_cast %parallel_loop3A_268 : i32 to index
      %parallel_loop3A_270 = arith.index_cast %parallel_loop3A_251 : i32 to index
      %parallel_loop3A_271 = arith.index_cast %parallel_loop3A_267 : i32 to index
      %parallel_loop3A_272 = arith.constant 32 : index
      %parallel_loop3A_273 = tpu.vector_load %arg7[%parallel_loop3A_269, %parallel_loop3A_270, %parallel_loop3A_271, %parallel_loop3A_272] {strides = array<i32>} : memref<2x8x8x128xf32, #tpu.memory_space<vmem>>, vector<16xf32>,
      tpu.vector_store %arg7[%parallel_loop3A_269, %parallel_loop3A_270, %parallel_loop3A_271, %parallel_loop3A_272], %parallel_loop3A_227 {strides = array<i32>} : memref<2x8x8x128xf32, #tpu.memory_space<vmem>>, vector<16xf32>,
    } {sc.loop_unroll_factor = 8 : i64, sc.parallel_access}
    %parallel_loop3A_54 = arith.constant 0 : i32
    %parallel_loop3A_55 = arith.constant 64 : i32
    %parallel_loop3A_56 = arith.constant 1 : i32
    scf.for %parallel_loop3A_222 = %parallel_loop3A_54 to %parallel_loop3A_55 step %parallel_loop3A_56  : i32 {
      %parallel_loop3A_223 = arith.constant 1000 : i32
      %parallel_loop3A_224 = arith.muli %parallel_loop3A_222, %parallel_loop3A_223 : i32
      %parallel_loop3A_225 = vector.broadcast %parallel_loop3A_224 : i32 to vector<16xi32>
      %parallel_loop3A_226 = arith.addi %gather3A_29, %parallel_loop3A_225 : vector<16xi32>
      %parallel_loop3A_227 = tpu.vector_load_idx %arg5[%parallel_loop3A_226] : memref<64000xf32, #tpu.memory_space<vmem>>[vector<16xi32>], vector<16xf32>,
      %parallel_loop3A_228 = arith.constant 8 : i32
      %parallel_loop3A_229 = arith.divsi %parallel_loop3A_222, %parallel_loop3A_228 : i32
      %parallel_loop3A_230 = arith.constant 0 : i32
      %parallel_loop3A_231 = arith.cmpi sgt, %parallel_loop3A_222, %parallel_loop3A_230 : i32
      %parallel_loop3A_232 = arith.extui %parallel_loop3A_231 : i1 to i32
      %parallel_loop3A_233 = arith.constant 0 : i32
      %parallel_loop3A_234 = arith.cmpi slt, %parallel_loop3A_222, %parallel_loop3A_233 : i32
      %parallel_loop3A_235 = arith.extui %parallel_loop3A_234 : i1 to i32
      %parallel_loop3A_236 = arith.subi %parallel_loop3A_232, %parallel_loop3A_235 : i32
      %parallel_loop3A_237 = arith.constant 0 : i32
      %parallel_loop3A_238 = arith.cmpi sgt, %parallel_loop3A_228, %parallel_loop3A_237 : i32
      %parallel_loop3A_239 = arith.extui %parallel_loop3A_238 : i1 to i32
      %parallel_loop3A_240 = arith.constant 0 : i32
      %parallel_loop3A_241 = arith.cmpi slt, %parallel_loop3A_228, %parallel_loop3A_240 : i32
      %parallel_loop3A_242 = arith.extui %parallel_loop3A_241 : i1 to i32
      %parallel_loop3A_243 = arith.subi %parallel_loop3A_239, %parallel_loop3A_242 : i32
      %parallel_loop3A_244 = arith.cmpi ne, %parallel_loop3A_236, %parallel_loop3A_243 : i32
      %parallel_loop3A_245 = arith.remsi %parallel_loop3A_222, %parallel_loop3A_228 : i32
      %parallel_loop3A_246 = arith.constant 0 : i32
      %parallel_loop3A_247 = arith.cmpi ne, %parallel_loop3A_245, %parallel_loop3A_246 : i32
      %parallel_loop3A_248 = arith.andi %parallel_loop3A_244, %parallel_loop3A_247 : i1
      %parallel_loop3A_249 = arith.constant 1 : i32
      %parallel_loop3A_250 = arith.subi %parallel_loop3A_229, %parallel_loop3A_249 : i32
      %parallel_loop3A_251 = arith.select %parallel_loop3A_248, %parallel_loop3A_250, %parallel_loop3A_229 : i32
      %parallel_loop3A_252 = arith.constant 8 : i32
      %parallel_loop3A_253 = arith.constant 0 : i32
      %parallel_loop3A_254 = arith.cmpi eq, %parallel_loop3A_252, %parallel_loop3A_253 : i32
      %parallel_loop3A_255 = arith.constant 1 : i32
      %parallel_loop3A_256 = arith.select %parallel_loop3A_254, %parallel_loop3A_255, %parallel_loop3A_252 : i32
      %parallel_loop3A_257 = arith.remsi %parallel_loop3A_222, %parallel_loop3A_256 : i32
      %parallel_loop3A_258 = arith.constant 0 : i32
      %parallel_loop3A_259 = arith.cmpi ne, %parallel_loop3A_257, %parallel_loop3A_258 : i32
      %parallel_loop3A_260 = arith.constant 0 : i32
      %parallel_loop3A_261 = arith.cmpi slt, %parallel_loop3A_257, %parallel_loop3A_260 : i32
      %parallel_loop3A_262 = arith.constant 0 : i32
      %parallel_loop3A_263 = arith.cmpi slt, %parallel_loop3A_256, %parallel_loop3A_262 : i32
      %parallel_loop3A_264 = arith.xori %parallel_loop3A_261, %parallel_loop3A_263 : i1
      %parallel_loop3A_265 = arith.andi %parallel_loop3A_264, %parallel_loop3A_259 : i1
      %parallel_loop3A_266 = arith.addi %parallel_loop3A_257, %parallel_loop3A_256 : i32
      %parallel_loop3A_267 = arith.select %parallel_loop3A_265, %parallel_loop3A_266, %parallel_loop3A_257 : i32
      %parallel_loop3A_268 = arith.constant 0 : i32
      %parallel_loop3A_269 = arith.index_cast %parallel_loop3A_268 : i32 to index
      %parallel_loop3A_270 = arith.index_cast %parallel_loop3A_251 : i32 to index
      %parallel_loop3A_271 = arith.index_cast %parallel_loop3A_267 : i32 to index
      %parallel_loop3A_272 = arith.constant 48 : index
      %parallel_loop3A_273 = tpu.vector_load %arg7[%parallel_loop3A_269, %parallel_loop3A_270, %parallel_loop3A_271, %parallel_loop3A_272] {strides = array<i32>} : memref<2x8x8x128xf32, #tpu.memory_space<vmem>>, vector<16xf32>,
      tpu.vector_store %arg7[%parallel_loop3A_269, %parallel_loop3A_270, %parallel_loop3A_271, %parallel_loop3A_272], %parallel_loop3A_227 {strides = array<i32>} : memref<2x8x8x128xf32, #tpu.memory_space<vmem>>, vector<16xf32>,
    } {sc.loop_unroll_factor = 8 : i64, sc.parallel_access}
    %parallel_loop3A_57 = arith.constant 0 : i32
    %parallel_loop3A_58 = arith.constant 64 : i32
    %parallel_loop3A_59 = arith.constant 1 : i32
    scf.for %parallel_loop3A_222 = %parallel_loop3A_57 to %parallel_loop3A_58 step %parallel_loop3A_59  : i32 {
      %parallel_loop3A_223 = arith.constant 1000 : i32
      %parallel_loop3A_224 = arith.muli %parallel_loop3A_222, %parallel_loop3A_223 : i32
      %parallel_loop3A_225 = vector.broadcast %parallel_loop3A_224 : i32 to vector<16xi32>
      %parallel_loop3A_226 = arith.addi %gather3A_33, %parallel_loop3A_225 : vector<16xi32>
      %parallel_loop3A_227 = tpu.vector_load_idx %arg5[%parallel_loop3A_226] : memref<64000xf32, #tpu.memory_space<vmem>>[vector<16xi32>], vector<16xf32>,
      %parallel_loop3A_228 = arith.constant 8 : i32
      %parallel_loop3A_229 = arith.divsi %parallel_loop3A_222, %parallel_loop3A_228 : i32
      %parallel_loop3A_230 = arith.constant 0 : i32
      %parallel_loop3A_231 = arith.cmpi sgt, %parallel_loop3A_222, %parallel_loop3A_230 : i32
      %parallel_loop3A_232 = arith.extui %parallel_loop3A_231 : i1 to i32
      %parallel_loop3A_233 = arith.constant 0 : i32
      %parallel_loop3A_234 = arith.cmpi slt, %parallel_loop3A_222, %parallel_loop3A_233 : i32
      %parallel_loop3A_235 = arith.extui %parallel_loop3A_234 : i1 to i32
      %parallel_loop3A_236 = arith.subi %parallel_loop3A_232, %parallel_loop3A_235 : i32
      %parallel_loop3A_237 = arith.constant 0 : i32
      %parallel_loop3A_238 = arith.cmpi sgt, %parallel_loop3A_228, %parallel_loop3A_237 : i32
      %parallel_loop3A_239 = arith.extui %parallel_loop3A_238 : i1 to i32
      %parallel_loop3A_240 = arith.constant 0 : i32
      %parallel_loop3A_241 = arith.cmpi slt, %parallel_loop3A_228, %parallel_loop3A_240 : i32
      %parallel_loop3A_242 = arith.extui %parallel_loop3A_241 : i1 to i32
      %parallel_loop3A_243 = arith.subi %parallel_loop3A_239, %parallel_loop3A_242 : i32
      %parallel_loop3A_244 = arith.cmpi ne, %parallel_loop3A_236, %parallel_loop3A_243 : i32
      %parallel_loop3A_245 = arith.remsi %parallel_loop3A_222, %parallel_loop3A_228 : i32
      %parallel_loop3A_246 = arith.constant 0 : i32
      %parallel_loop3A_247 = arith.cmpi ne, %parallel_loop3A_245, %parallel_loop3A_246 : i32
      %parallel_loop3A_248 = arith.andi %parallel_loop3A_244, %parallel_loop3A_247 : i1
      %parallel_loop3A_249 = arith.constant 1 : i32
      %parallel_loop3A_250 = arith.subi %parallel_loop3A_229, %parallel_loop3A_249 : i32
      %parallel_loop3A_251 = arith.select %parallel_loop3A_248, %parallel_loop3A_250, %parallel_loop3A_229 : i32
      %parallel_loop3A_252 = arith.constant 8 : i32
      %parallel_loop3A_253 = arith.constant 0 : i32
      %parallel_loop3A_254 = arith.cmpi eq, %parallel_loop3A_252, %parallel_loop3A_253 : i32
      %parallel_loop3A_255 = arith.constant 1 : i32
      %parallel_loop3A_256 = arith.select %parallel_loop3A_254, %parallel_loop3A_255, %parallel_loop3A_252 : i32
      %parallel_loop3A_257 = arith.remsi %parallel_loop3A_222, %parallel_loop3A_256 : i32
      %parallel_loop3A_258 = arith.constant 0 : i32
      %parallel_loop3A_259 = arith.cmpi ne, %parallel_loop3A_257, %parallel_loop3A_258 : i32
      %parallel_loop3A_260 = arith.constant 0 : i32
      %parallel_loop3A_261 = arith.cmpi slt, %parallel_loop3A_257, %parallel_loop3A_260 : i32
      %parallel_loop3A_262 = arith.constant 0 : i32
      %parallel_loop3A_263 = arith.cmpi slt, %parallel_loop3A_256, %parallel_loop3A_262 : i32
      %parallel_loop3A_264 = arith.xori %parallel_loop3A_261, %parallel_loop3A_263 : i1
      %parallel_loop3A_265 = arith.andi %parallel_loop3A_264, %parallel_loop3A_259 : i1
      %parallel_loop3A_266 = arith.addi %parallel_loop3A_257, %parallel_loop3A_256 : i32
      %parallel_loop3A_267 = arith.select %parallel_loop3A_265, %parallel_loop3A_266, %parallel_loop3A_257 : i32
      %parallel_loop3A_268 = arith.constant 0 : i32
      %parallel_loop3A_269 = arith.index_cast %parallel_loop3A_268 : i32 to index
      %parallel_loop3A_270 = arith.index_cast %parallel_loop3A_251 : i32 to index
      %parallel_loop3A_271 = arith.index_cast %parallel_loop3A_267 : i32 to index
      %parallel_loop3A_272 = arith.constant 64 : index
      %parallel_loop3A_273 = tpu.vector_load %arg7[%parallel_loop3A_269, %parallel_loop3A_270, %parallel_loop3A_271, %parallel_loop3A_272] {strides = array<i32>} : memref<2x8x8x128xf32, #tpu.memory_space<vmem>>, vector<16xf32>,
      tpu.vector_store %arg7[%parallel_loop3A_269, %parallel_loop3A_270, %parallel_loop3A_271, %parallel_loop3A_272], %parallel_loop3A_227 {strides = array<i32>} : memref<2x8x8x128xf32, #tpu.memory_space<vmem>>, vector<16xf32>,
    } {sc.loop_unroll_factor = 8 : i64, sc.parallel_access}
    %parallel_loop3A_60 = arith.constant 0 : i32
    %parallel_loop3A_61 = arith.constant 64 : i32
    %parallel_loop3A_62 = arith.constant 1 : i32
    scf.for %parallel_loop3A_222 = %parallel_loop3A_60 to %parallel_loop3A_61 step %parallel_loop3A_62  : i32 {
      %parallel_loop3A_223 = arith.constant 1000 : i32
      %parallel_loop3A_224 = arith.muli %parallel_loop3A_222, %parallel_loop3A_223 : i32
      %parallel_loop3A_225 = vector.broadcast %parallel_loop3A_224 : i32 to vector<16xi32>
      %parallel_loop3A_226 = arith.addi %gather3A_37, %parallel_loop3A_225 : vector<16xi32>
      %parallel_loop3A_227 = tpu.vector_load_idx %arg5[%parallel_loop3A_226] : memref<64000xf32, #tpu.memory_space<vmem>>[vector<16xi32>], vector<16xf32>,
      %parallel_loop3A_228 = arith.constant 8 : i32
      %parallel_loop3A_229 = arith.divsi %parallel_loop3A_222, %parallel_loop3A_228 : i32
      %parallel_loop3A_230 = arith.constant 0 : i32
      %parallel_loop3A_231 = arith.cmpi sgt, %parallel_loop3A_222, %parallel_loop3A_230 : i32
      %parallel_loop3A_232 = arith.extui %parallel_loop3A_231 : i1 to i32
      %parallel_loop3A_233 = arith.constant 0 : i32
      %parallel_loop3A_234 = arith.cmpi slt, %parallel_loop3A_222, %parallel_loop3A_233 : i32
      %parallel_loop3A_235 = arith.extui %parallel_loop3A_234 : i1 to i32
      %parallel_loop3A_236 = arith.subi %parallel_loop3A_232, %parallel_loop3A_235 : i32
      %parallel_loop3A_237 = arith.constant 0 : i32
      %parallel_loop3A_238 = arith.cmpi sgt, %parallel_loop3A_228, %parallel_loop3A_237 : i32
      %parallel_loop3A_239 = arith.extui %parallel_loop3A_238 : i1 to i32
      %parallel_loop3A_240 = arith.constant 0 : i32
      %parallel_loop3A_241 = arith.cmpi slt, %parallel_loop3A_228, %parallel_loop3A_240 : i32
      %parallel_loop3A_242 = arith.extui %parallel_loop3A_241 : i1 to i32
      %parallel_loop3A_243 = arith.subi %parallel_loop3A_239, %parallel_loop3A_242 : i32
      %parallel_loop3A_244 = arith.cmpi ne, %parallel_loop3A_236, %parallel_loop3A_243 : i32
      %parallel_loop3A_245 = arith.remsi %parallel_loop3A_222, %parallel_loop3A_228 : i32
      %parallel_loop3A_246 = arith.constant 0 : i32
      %parallel_loop3A_247 = arith.cmpi ne, %parallel_loop3A_245, %parallel_loop3A_246 : i32
      %parallel_loop3A_248 = arith.andi %parallel_loop3A_244, %parallel_loop3A_247 : i1
      %parallel_loop3A_249 = arith.constant 1 : i32
      %parallel_loop3A_250 = arith.subi %parallel_loop3A_229, %parallel_loop3A_249 : i32
      %parallel_loop3A_251 = arith.select %parallel_loop3A_248, %parallel_loop3A_250, %parallel_loop3A_229 : i32
      %parallel_loop3A_252 = arith.constant 8 : i32
      %parallel_loop3A_253 = arith.constant 0 : i32
      %parallel_loop3A_254 = arith.cmpi eq, %parallel_loop3A_252, %parallel_loop3A_253 : i32
      %parallel_loop3A_255 = arith.constant 1 : i32
      %parallel_loop3A_256 = arith.select %parallel_loop3A_254, %parallel_loop3A_255, %parallel_loop3A_252 : i32
      %parallel_loop3A_257 = arith.remsi %parallel_loop3A_222, %parallel_loop3A_256 : i32
      %parallel_loop3A_258 = arith.constant 0 : i32
      %parallel_loop3A_259 = arith.cmpi ne, %parallel_loop3A_257, %parallel_loop3A_258 : i32
      %parallel_loop3A_260 = arith.constant 0 : i32
      %parallel_loop3A_261 = arith.cmpi slt, %parallel_loop3A_257, %parallel_loop3A_260 : i32
      %parallel_loop3A_262 = arith.constant 0 : i32
      %parallel_loop3A_263 = arith.cmpi slt, %parallel_loop3A_256, %parallel_loop3A_262 : i32
      %parallel_loop3A_264 = arith.xori %parallel_loop3A_261, %parallel_loop3A_263 : i1
      %parallel_loop3A_265 = arith.andi %parallel_loop3A_264, %parallel_loop3A_259 : i1
      %parallel_loop3A_266 = arith.addi %parallel_loop3A_257, %parallel_loop3A_256 : i32
      %parallel_loop3A_267 = arith.select %parallel_loop3A_265, %parallel_loop3A_266, %parallel_loop3A_257 : i32
      %parallel_loop3A_268 = arith.constant 0 : i32
      %parallel_loop3A_269 = arith.index_cast %parallel_loop3A_268 : i32 to index
      %parallel_loop3A_270 = arith.index_cast %parallel_loop3A_251 : i32 to index
      %parallel_loop3A_271 = arith.index_cast %parallel_loop3A_267 : i32 to index
      %parallel_loop3A_272 = arith.constant 80 : index
      %parallel_loop3A_273 = tpu.vector_load %arg7[%parallel_loop3A_269, %parallel_loop3A_270, %parallel_loop3A_271, %parallel_loop3A_272] {strides = array<i32>} : memref<2x8x8x128xf32, #tpu.memory_space<vmem>>, vector<16xf32>,
      tpu.vector_store %arg7[%parallel_loop3A_269, %parallel_loop3A_270, %parallel_loop3A_271, %parallel_loop3A_272], %parallel_loop3A_227 {strides = array<i32>} : memref<2x8x8x128xf32, #tpu.memory_space<vmem>>, vector<16xf32>,
    } {sc.loop_unroll_factor = 8 : i64, sc.parallel_access}
    %parallel_loop3A_63 = arith.constant 0 : i32
    %parallel_loop3A_64 = arith.constant 64 : i32
    %parallel_loop3A_65 = arith.constant 1 : i32
    scf.for %parallel_loop3A_222 = %parallel_loop3A_63 to %parallel_loop3A_64 step %parallel_loop3A_65  : i32 {
      %parallel_loop3A_223 = arith.constant 1000 : i32
      %parallel_loop3A_224 = arith.muli %parallel_loop3A_222, %parallel_loop3A_223 : i32
      %parallel_loop3A_225 = vector.broadcast %parallel_loop3A_224 : i32 to vector<16xi32>
      %parallel_loop3A_226 = arith.addi %gather3A_41, %parallel_loop3A_225 : vector<16xi32>
      %parallel_loop3A_227 = tpu.vector_load_idx %arg5[%parallel_loop3A_226] : memref<64000xf32, #tpu.memory_space<vmem>>[vector<16xi32>], vector<16xf32>,
      %parallel_loop3A_228 = arith.constant 8 : i32
      %parallel_loop3A_229 = arith.divsi %parallel_loop3A_222, %parallel_loop3A_228 : i32
      %parallel_loop3A_230 = arith.constant 0 : i32
      %parallel_loop3A_231 = arith.cmpi sgt, %parallel_loop3A_222, %parallel_loop3A_230 : i32
      %parallel_loop3A_232 = arith.extui %parallel_loop3A_231 : i1 to i32
      %parallel_loop3A_233 = arith.constant 0 : i32
      %parallel_loop3A_234 = arith.cmpi slt, %parallel_loop3A_222, %parallel_loop3A_233 : i32
      %parallel_loop3A_235 = arith.extui %parallel_loop3A_234 : i1 to i32
      %parallel_loop3A_236 = arith.subi %parallel_loop3A_232, %parallel_loop3A_235 : i32
      %parallel_loop3A_237 = arith.constant 0 : i32
      %parallel_loop3A_238 = arith.cmpi sgt, %parallel_loop3A_228, %parallel_loop3A_237 : i32
      %parallel_loop3A_239 = arith.extui %parallel_loop3A_238 : i1 to i32
      %parallel_loop3A_240 = arith.constant 0 : i32
      %parallel_loop3A_241 = arith.cmpi slt, %parallel_loop3A_228, %parallel_loop3A_240 : i32
      %parallel_loop3A_242 = arith.extui %parallel_loop3A_241 : i1 to i32
      %parallel_loop3A_243 = arith.subi %parallel_loop3A_239, %parallel_loop3A_242 : i32
      %parallel_loop3A_244 = arith.cmpi ne, %parallel_loop3A_236, %parallel_loop3A_243 : i32
      %parallel_loop3A_245 = arith.remsi %parallel_loop3A_222, %parallel_loop3A_228 : i32
      %parallel_loop3A_246 = arith.constant 0 : i32
      %parallel_loop3A_247 = arith.cmpi ne, %parallel_loop3A_245, %parallel_loop3A_246 : i32
      %parallel_loop3A_248 = arith.andi %parallel_loop3A_244, %parallel_loop3A_247 : i1
      %parallel_loop3A_249 = arith.constant 1 : i32
      %parallel_loop3A_250 = arith.subi %parallel_loop3A_229, %parallel_loop3A_249 : i32
      %parallel_loop3A_251 = arith.select %parallel_loop3A_248, %parallel_loop3A_250, %parallel_loop3A_229 : i32
      %parallel_loop3A_252 = arith.constant 8 : i32
      %parallel_loop3A_253 = arith.constant 0 : i32
      %parallel_loop3A_254 = arith.cmpi eq, %parallel_loop3A_252, %parallel_loop3A_253 : i32
      %parallel_loop3A_255 = arith.constant 1 : i32
      %parallel_loop3A_256 = arith.select %parallel_loop3A_254, %parallel_loop3A_255, %parallel_loop3A_252 : i32
      %parallel_loop3A_257 = arith.remsi %parallel_loop3A_222, %parallel_loop3A_256 : i32
      %parallel_loop3A_258 = arith.constant 0 : i32
      %parallel_loop3A_259 = arith.cmpi ne, %parallel_loop3A_257, %parallel_loop3A_258 : i32
      %parallel_loop3A_260 = arith.constant 0 : i32
      %parallel_loop3A_261 = arith.cmpi slt, %parallel_loop3A_257, %parallel_loop3A_260 : i32
      %parallel_loop3A_262 = arith.constant 0 : i32
      %parallel_loop3A_263 = arith.cmpi slt, %parallel_loop3A_256, %parallel_loop3A_262 : i32
      %parallel_loop3A_264 = arith.xori %parallel_loop3A_261, %parallel_loop3A_263 : i1
      %parallel_loop3A_265 = arith.andi %parallel_loop3A_264, %parallel_loop3A_259 : i1
      %parallel_loop3A_266 = arith.addi %parallel_loop3A_257, %parallel_loop3A_256 : i32
      %parallel_loop3A_267 = arith.select %parallel_loop3A_265, %parallel_loop3A_266, %parallel_loop3A_257 : i32
      %parallel_loop3A_268 = arith.constant 0 : i32
      %parallel_loop3A_269 = arith.index_cast %parallel_loop3A_268 : i32 to index
      %parallel_loop3A_270 = arith.index_cast %parallel_loop3A_251 : i32 to index
      %parallel_loop3A_271 = arith.index_cast %parallel_loop3A_267 : i32 to index
      %parallel_loop3A_272 = arith.constant 96 : index
      %parallel_loop3A_273 = tpu.vector_load %arg7[%parallel_loop3A_269, %parallel_loop3A_270, %parallel_loop3A_271, %parallel_loop3A_272] {strides = array<i32>} : memref<2x8x8x128xf32, #tpu.memory_space<vmem>>, vector<16xf32>,
      tpu.vector_store %arg7[%parallel_loop3A_269, %parallel_loop3A_270, %parallel_loop3A_271, %parallel_loop3A_272], %parallel_loop3A_227 {strides = array<i32>} : memref<2x8x8x128xf32, #tpu.memory_space<vmem>>, vector<16xf32>,
    } {sc.loop_unroll_factor = 8 : i64, sc.parallel_access}
    %parallel_loop3A_66 = arith.constant 0 : i32
    %parallel_loop3A_67 = arith.constant 64 : i32
    %parallel_loop3A_68 = arith.constant 1 : i32
    scf.for %parallel_loop3A_222 = %parallel_loop3A_66 to %parallel_loop3A_67 step %parallel_loop3A_68  : i32 {
      %parallel_loop3A_223 = arith.constant 1000 : i32
      %parallel_loop3A_224 = arith.muli %parallel_loop3A_222, %parallel_loop3A_223 : i32
      %parallel_loop3A_225 = vector.broadcast %parallel_loop3A_224 : i32 to vector<16xi32>
      %parallel_loop3A_226 = arith.addi %gather3A_45, %parallel_loop3A_225 : vector<16xi32>
      %parallel_loop3A_227 = tpu.vector_load_idx %arg5[%parallel_loop3A_226] : memref<64000xf32, #tpu.memory_space<vmem>>[vector<16xi32>], vector<16xf32>,
      %parallel_loop3A_228 = arith.constant 8 : i32
      %parallel_loop3A_229 = arith.divsi %parallel_loop3A_222, %parallel_loop3A_228 : i32
      %parallel_loop3A_230 = arith.constant 0 : i32
      %parallel_loop3A_231 = arith.cmpi sgt, %parallel_loop3A_222, %parallel_loop3A_230 : i32
      %parallel_loop3A_232 = arith.extui %parallel_loop3A_231 : i1 to i32
      %parallel_loop3A_233 = arith.constant 0 : i32
      %parallel_loop3A_234 = arith.cmpi slt, %parallel_loop3A_222, %parallel_loop3A_233 : i32
      %parallel_loop3A_235 = arith.extui %parallel_loop3A_234 : i1 to i32
      %parallel_loop3A_236 = arith.subi %parallel_loop3A_232, %parallel_loop3A_235 : i32
      %parallel_loop3A_237 = arith.constant 0 : i32
      %parallel_loop3A_238 = arith.cmpi sgt, %parallel_loop3A_228, %parallel_loop3A_237 : i32
      %parallel_loop3A_239 = arith.extui %parallel_loop3A_238 : i1 to i32
      %parallel_loop3A_240 = arith.constant 0 : i32
      %parallel_loop3A_241 = arith.cmpi slt, %parallel_loop3A_228, %parallel_loop3A_240 : i32
      %parallel_loop3A_242 = arith.extui %parallel_loop3A_241 : i1 to i32
      %parallel_loop3A_243 = arith.subi %parallel_loop3A_239, %parallel_loop3A_242 : i32
      %parallel_loop3A_244 = arith.cmpi ne, %parallel_loop3A_236, %parallel_loop3A_243 : i32
      %parallel_loop3A_245 = arith.remsi %parallel_loop3A_222, %parallel_loop3A_228 : i32
      %parallel_loop3A_246 = arith.constant 0 : i32
      %parallel_loop3A_247 = arith.cmpi ne, %parallel_loop3A_245, %parallel_loop3A_246 : i32
      %parallel_loop3A_248 = arith.andi %parallel_loop3A_244, %parallel_loop3A_247 : i1
      %parallel_loop3A_249 = arith.constant 1 : i32
      %parallel_loop3A_250 = arith.subi %parallel_loop3A_229, %parallel_loop3A_249 : i32
      %parallel_loop3A_251 = arith.select %parallel_loop3A_248, %parallel_loop3A_250, %parallel_loop3A_229 : i32
      %parallel_loop3A_252 = arith.constant 8 : i32
      %parallel_loop3A_253 = arith.constant 0 : i32
      %parallel_loop3A_254 = arith.cmpi eq, %parallel_loop3A_252, %parallel_loop3A_253 : i32
      %parallel_loop3A_255 = arith.constant 1 : i32
      %parallel_loop3A_256 = arith.select %parallel_loop3A_254, %parallel_loop3A_255, %parallel_loop3A_252 : i32
      %parallel_loop3A_257 = arith.remsi %parallel_loop3A_222, %parallel_loop3A_256 : i32
      %parallel_loop3A_258 = arith.constant 0 : i32
      %parallel_loop3A_259 = arith.cmpi ne, %parallel_loop3A_257, %parallel_loop3A_258 : i32
      %parallel_loop3A_260 = arith.constant 0 : i32
      %parallel_loop3A_261 = arith.cmpi slt, %parallel_loop3A_257, %parallel_loop3A_260 : i32
      %parallel_loop3A_262 = arith.constant 0 : i32
      %parallel_loop3A_263 = arith.cmpi slt, %parallel_loop3A_256, %parallel_loop3A_262 : i32
      %parallel_loop3A_264 = arith.xori %parallel_loop3A_261, %parallel_loop3A_263 : i1
      %parallel_loop3A_265 = arith.andi %parallel_loop3A_264, %parallel_loop3A_259 : i1
      %parallel_loop3A_266 = arith.addi %parallel_loop3A_257, %parallel_loop3A_256 : i32
      %parallel_loop3A_267 = arith.select %parallel_loop3A_265, %parallel_loop3A_266, %parallel_loop3A_257 : i32
      %parallel_loop3A_268 = arith.constant 0 : i32
      %parallel_loop3A_269 = arith.index_cast %parallel_loop3A_268 : i32 to index
      %parallel_loop3A_270 = arith.index_cast %parallel_loop3A_251 : i32 to index
      %parallel_loop3A_271 = arith.index_cast %parallel_loop3A_267 : i32 to index
      %parallel_loop3A_272 = arith.constant 112 : index
      %parallel_loop3A_273 = tpu.vector_load %arg7[%parallel_loop3A_269, %parallel_loop3A_270, %parallel_loop3A_271, %parallel_loop3A_272] {strides = array<i32>} : memref<2x8x8x128xf32, #tpu.memory_space<vmem>>, vector<16xf32>,
      tpu.vector_store %arg7[%parallel_loop3A_269, %parallel_loop3A_270, %parallel_loop3A_271, %parallel_loop3A_272], %parallel_loop3A_227 {strides = array<i32>} : memref<2x8x8x128xf32, #tpu.memory_space<vmem>>, vector<16xf32>,
    } {sc.loop_unroll_factor = 8 : i64, sc.parallel_access}
    %dma_start3A_69 = arith.constant 0 : i32
    %dma_start3A_70 = arith.constant 0 : i32
    %dma_start3A_71 = arith.constant 0 : i32
    %dma_start3A_72 = arith.constant 0 : i32
    %dma_start3A_73 = arith.constant 0 : i32
    %dma_start3A_74 = tpu.memref_slice %arg7[%dma_start3A_69, %dma_start3A_71, %dma_start3A_72, %dma_start3A_73] : memref<2x8x8x128xf32, #tpu.memory_space<vmem>> -> memref<1x8x8x128xf32, #tpu.memory_space<vmem>>
    %dma_start3A_75 = tpu.memref_squeeze %dma_start3A_74 : memref<1x8x8x128xf32, #tpu.memory_space<vmem>> -> memref<8x8x128xf32, #tpu.memory_space<vmem>>
    %dma_start3A_76 = arith.constant 0 : i32
    %dma_start3A_77 = arith.constant 0 : i32
    %dma_start3A_78 = arith.constant 0 : i32
    %dma_start3A_79 = tpu.memref_slice %arg4[%dma_start3A_70, %dma_start3A_76, %add3A, %dma_start3A_77, %dma_start3A_78] : memref<200x8x32x8x128xf32, #tpu.memory_space<hbm>> -> memref<1x8x1x8x128xf32, #tpu.memory_space<hbm>>
    %dma_start3A_80 = tpu.memref_squeeze %dma_start3A_79 : memref<1x8x1x8x128xf32, #tpu.memory_space<hbm>> -> memref<8x8x128xf32, #tpu.memory_space<hbm>>
    %dma_start3A_81 = arith.constant 0 : i32
    %dma_start3A_82 = arith.constant 0 : i32
    %dma_start3A_83 = arith.constant 0 : i32
    %dma_start3A_84 = tpu.memref_slice %arg4[%dma_start3A_70, %dma_start3A_81, %add3A, %dma_start3A_82, %dma_start3A_83] : memref<200x8x32x8x128xf32, #tpu.memory_space<hbm>> -> memref<1x8x1x8x128xf32, #tpu.memory_space<hbm>>
    %dma_start3A_85 = tpu.memref_squeeze %dma_start3A_84 : memref<1x8x1x8x128xf32, #tpu.memory_space<hbm>> -> memref<8x8x128xf32, #tpu.memory_space<hbm>>
    %dma_start3A_86 = arith.constant 0 : i32
    %dma_start3A_87 = arith.constant 0 : i32
    %dma_start3A_88 = arith.constant 0 : i32
    %dma_start3A_89 = tpu.memref_slice %arg7[%dma_start3A_69, %dma_start3A_86, %dma_start3A_87, %dma_start3A_88] : memref<2x8x8x128xf32, #tpu.memory_space<vmem>> -> memref<1x8x8x128xf32, #tpu.memory_space<vmem>>
    %dma_start3A_90 = tpu.memref_squeeze %dma_start3A_89 : memref<1x8x8x128xf32, #tpu.memory_space<vmem>> -> memref<8x8x128xf32, #tpu.memory_space<vmem>>
    tpu.enqueue_dma source(%dma_start3A_90 : memref<8x8x128xf32, #tpu.memory_space<vmem>>) target(%dma_start3A_85 : memref<8x8x128xf32, #tpu.memory_space<hbm>>) target_semaphore(%arg9 : memref<!tpu.dma_semaphore, #tpu.memory_space<semaphore_mem>>)
    %scan3A = arith.constant 0 : i32
    %scan3A_91 = arith.constant 99 : i32
    %scan3A_92 = arith.addi %scan3A, %scan3A_91 : i32
    %scan3A_93 = arith.constant 1 : i32
    scf.for %scan3A_222 = %scan3A to %scan3A_92 step %scan3A_93  : i32 {
      %mul3A_223 = arith.constant 2 : i32
      %mul3A_224 = arith.muli %scan3A_222, %mul3A_223 : i32
      %add3A_225 = arith.constant 1 : i32
      %add3A_226 = arith.addi %add3A_225, %mul3A_224 : i32
      %broadcast_in_dim3A_227 = arith.constant 0 : i32
      %broadcast_in_dim3A_228 = vector.broadcast %broadcast_in_dim3A_227 : i32 to vector<16xi32>
      %add3A_229 = vector.broadcast %add3A_226 : i32 to vector<16xi32>
      %add3A_230 = arith.addi %broadcast_in_dim3A_228, %add3A_229 : vector<16xi32>
      %add3A_231 = arith.constant 0 : i32
      %add3A_232 = vector.broadcast %add3A_231 : i32 to vector<16xi32>
      %add3A_233 = arith.addi %iota3A, %add3A_232 : vector<16xi32>
      %gather3A_234 = tpu.vector_load_idx %arg6[%add3A_233, %add3A_230] : memref<128x200xi32, #tpu.memory_space<vmem>>[vector<16xi32>, vector<16xi32>], vector<16xi32>,
      %add3A_235 = arith.constant 16 : i32
      %add3A_236 = vector.broadcast %add3A_235 : i32 to vector<16xi32>
      %add3A_237 = arith.addi %iota3A, %add3A_236 : vector<16xi32>
      %gather3A_238 = tpu.vector_load_idx %arg6[%add3A_237, %add3A_230] : memref<128x200xi32, #tpu.memory_space<vmem>>[vector<16xi32>, vector<16xi32>], vector<16xi32>,
      %add3A_239 = arith.constant 32 : i32
      %add3A_240 = vector.broadcast %add3A_239 : i32 to vector<16xi32>
      %add3A_241 = arith.addi %iota3A, %add3A_240 : vector<16xi32>
      %gather3A_242 = tpu.vector_load_idx %arg6[%add3A_241, %add3A_230] : memref<128x200xi32, #tpu.memory_space<vmem>>[vector<16xi32>, vector<16xi32>], vector<16xi32>,
      %add3A_243 = arith.constant 48 : i32
      %add3A_244 = vector.broadcast %add3A_243 : i32 to vector<16xi32>
      %add3A_245 = arith.addi %iota3A, %add3A_244 : vector<16xi32>
      %gather3A_246 = tpu.vector_load_idx %arg6[%add3A_245, %add3A_230] : memref<128x200xi32, #tpu.memory_space<vmem>>[vector<16xi32>, vector<16xi32>], vector<16xi32>,
      %add3A_247 = arith.constant 64 : i32
      %add3A_248 = vector.broadcast %add3A_247 : i32 to vector<16xi32>
      %add3A_249 = arith.addi %iota3A, %add3A_248 : vector<16xi32>
      %gather3A_250 = tpu.vector_load_idx %arg6[%add3A_249, %add3A_230] : memref<128x200xi32, #tpu.memory_space<vmem>>[vector<16xi32>, vector<16xi32>], vector<16xi32>,
      %add3A_251 = arith.constant 80 : i32
      %add3A_252 = vector.broadcast %add3A_251 : i32 to vector<16xi32>
      %add3A_253 = arith.addi %iota3A, %add3A_252 : vector<16xi32>
      %gather3A_254 = tpu.vector_load_idx %arg6[%add3A_253, %add3A_230] : memref<128x200xi32, #tpu.memory_space<vmem>>[vector<16xi32>, vector<16xi32>], vector<16xi32>,
      %add3A_255 = arith.constant 96 : i32
      %add3A_256 = vector.broadcast %add3A_255 : i32 to vector<16xi32>
      %add3A_257 = arith.addi %iota3A, %add3A_256 : vector<16xi32>
      %gather3A_258 = tpu.vector_load_idx %arg6[%add3A_257, %add3A_230] : memref<128x200xi32, #tpu.memory_space<vmem>>[vector<16xi32>, vector<16xi32>], vector<16xi32>,
      %add3A_259 = arith.constant 112 : i32
      %add3A_260 = vector.broadcast %add3A_259 : i32 to vector<16xi32>
      %add3A_261 = arith.addi %iota3A, %add3A_260 : vector<16xi32>
      %gather3A_262 = tpu.vector_load_idx %arg6[%add3A_261, %add3A_230] : memref<128x200xi32, #tpu.memory_space<vmem>>[vector<16xi32>, vector<16xi32>], vector<16xi32>,
      %parallel_loop3A_263 = arith.constant 0 : i32
      %parallel_loop3A_264 = arith.constant 64 : i32
      %parallel_loop3A_265 = arith.constant 1 : i32
      scf.for %parallel_loop3A_437 = %parallel_loop3A_263 to %parallel_loop3A_264 step %parallel_loop3A_265  : i32 {
        %parallel_loop3A_438 = arith.constant 1000 : i32
        %parallel_loop3A_439 = arith.muli %parallel_loop3A_437, %parallel_loop3A_438 : i32
        %parallel_loop3A_440 = vector.broadcast %parallel_loop3A_439 : i32 to vector<16xi32>
        %parallel_loop3A_441 = arith.addi %gather3A_234, %parallel_loop3A_440 : vector<16xi32>
        %parallel_loop3A_442 = tpu.vector_load_idx %arg5[%parallel_loop3A_441] : memref<64000xf32, #tpu.memory_space<vmem>>[vector<16xi32>], vector<16xf32>,
        %parallel_loop3A_443 = arith.constant 8 : i32
        %parallel_loop3A_444 = arith.divsi %parallel_loop3A_437, %parallel_loop3A_443 : i32
        %parallel_loop3A_445 = arith.constant 0 : i32
        %parallel_loop3A_446 = arith.cmpi sgt, %parallel_loop3A_437, %parallel_loop3A_445 : i32
        %parallel_loop3A_447 = arith.extui %parallel_loop3A_446 : i1 to i32
        %parallel_loop3A_448 = arith.constant 0 : i32
        %parallel_loop3A_449 = arith.cmpi slt, %parallel_loop3A_437, %parallel_loop3A_448 : i32
        %parallel_loop3A_450 = arith.extui %parallel_loop3A_449 : i1 to i32
        %parallel_loop3A_451 = arith.subi %parallel_loop3A_447, %parallel_loop3A_450 : i32
        %parallel_loop3A_452 = arith.constant 0 : i32
        %parallel_loop3A_453 = arith.cmpi sgt, %parallel_loop3A_443, %parallel_loop3A_452 : i32
        %parallel_loop3A_454 = arith.extui %parallel_loop3A_453 : i1 to i32
        %parallel_loop3A_455 = arith.constant 0 : i32
        %parallel_loop3A_456 = arith.cmpi slt, %parallel_loop3A_443, %parallel_loop3A_455 : i32
        %parallel_loop3A_457 = arith.extui %parallel_loop3A_456 : i1 to i32
        %parallel_loop3A_458 = arith.subi %parallel_loop3A_454, %parallel_loop3A_457 : i32
        %parallel_loop3A_459 = arith.cmpi ne, %parallel_loop3A_451, %parallel_loop3A_458 : i32
        %parallel_loop3A_460 = arith.remsi %parallel_loop3A_437, %parallel_loop3A_443 : i32
        %parallel_loop3A_461 = arith.constant 0 : i32
        %parallel_loop3A_462 = arith.cmpi ne, %parallel_loop3A_460, %parallel_loop3A_461 : i32
        %parallel_loop3A_463 = arith.andi %parallel_loop3A_459, %parallel_loop3A_462 : i1
        %parallel_loop3A_464 = arith.constant 1 : i32
        %parallel_loop3A_465 = arith.subi %parallel_loop3A_444, %parallel_loop3A_464 : i32
        %parallel_loop3A_466 = arith.select %parallel_loop3A_463, %parallel_loop3A_465, %parallel_loop3A_444 : i32
        %parallel_loop3A_467 = arith.constant 8 : i32
        %parallel_loop3A_468 = arith.constant 0 : i32
        %parallel_loop3A_469 = arith.cmpi eq, %parallel_loop3A_467, %parallel_loop3A_468 : i32
        %parallel_loop3A_470 = arith.constant 1 : i32
        %parallel_loop3A_471 = arith.select %parallel_loop3A_469, %parallel_loop3A_470, %parallel_loop3A_467 : i32
        %parallel_loop3A_472 = arith.remsi %parallel_loop3A_437, %parallel_loop3A_471 : i32
        %parallel_loop3A_473 = arith.constant 0 : i32
        %parallel_loop3A_474 = arith.cmpi ne, %parallel_loop3A_472, %parallel_loop3A_473 : i32
        %parallel_loop3A_475 = arith.constant 0 : i32
        %parallel_loop3A_476 = arith.cmpi slt, %parallel_loop3A_472, %parallel_loop3A_475 : i32
        %parallel_loop3A_477 = arith.constant 0 : i32
        %parallel_loop3A_478 = arith.cmpi slt, %parallel_loop3A_471, %parallel_loop3A_477 : i32
        %parallel_loop3A_479 = arith.xori %parallel_loop3A_476, %parallel_loop3A_478 : i1
        %parallel_loop3A_480 = arith.andi %parallel_loop3A_479, %parallel_loop3A_474 : i1
        %parallel_loop3A_481 = arith.addi %parallel_loop3A_472, %parallel_loop3A_471 : i32
        %parallel_loop3A_482 = arith.select %parallel_loop3A_480, %parallel_loop3A_481, %parallel_loop3A_472 : i32
        %parallel_loop3A_483 = arith.constant 1 : i32
        %parallel_loop3A_484 = arith.index_cast %parallel_loop3A_483 : i32 to index
        %parallel_loop3A_485 = arith.index_cast %parallel_loop3A_466 : i32 to index
        %parallel_loop3A_486 = arith.index_cast %parallel_loop3A_482 : i32 to index
        %parallel_loop3A_487 = arith.constant 0 : index
        %parallel_loop3A_488 = tpu.vector_load %arg7[%parallel_loop3A_484, %parallel_loop3A_485, %parallel_loop3A_486, %parallel_loop3A_487] {strides = array<i32>} : memref<2x8x8x128xf32, #tpu.memory_space<vmem>>, vector<16xf32>,
        tpu.vector_store %arg7[%parallel_loop3A_484, %parallel_loop3A_485, %parallel_loop3A_486, %parallel_loop3A_487], %parallel_loop3A_442 {strides = array<i32>} : memref<2x8x8x128xf32, #tpu.memory_space<vmem>>, vector<16xf32>,
      } {sc.loop_unroll_factor = 8 : i64, sc.parallel_access}
      %parallel_loop3A_266 = arith.constant 0 : i32
      %parallel_loop3A_267 = arith.constant 64 : i32
      %parallel_loop3A_268 = arith.constant 1 : i32
      scf.for %parallel_loop3A_437 = %parallel_loop3A_266 to %parallel_loop3A_267 step %parallel_loop3A_268  : i32 {
        %parallel_loop3A_438 = arith.constant 1000 : i32
        %parallel_loop3A_439 = arith.muli %parallel_loop3A_437, %parallel_loop3A_438 : i32
        %parallel_loop3A_440 = vector.broadcast %parallel_loop3A_439 : i32 to vector<16xi32>
        %parallel_loop3A_441 = arith.addi %gather3A_238, %parallel_loop3A_440 : vector<16xi32>
        %parallel_loop3A_442 = tpu.vector_load_idx %arg5[%parallel_loop3A_441] : memref<64000xf32, #tpu.memory_space<vmem>>[vector<16xi32>], vector<16xf32>,
        %parallel_loop3A_443 = arith.constant 8 : i32
        %parallel_loop3A_444 = arith.divsi %parallel_loop3A_437, %parallel_loop3A_443 : i32
        %parallel_loop3A_445 = arith.constant 0 : i32
        %parallel_loop3A_446 = arith.cmpi sgt, %parallel_loop3A_437, %parallel_loop3A_445 : i32
        %parallel_loop3A_447 = arith.extui %parallel_loop3A_446 : i1 to i32
        %parallel_loop3A_448 = arith.constant 0 : i32
        %parallel_loop3A_449 = arith.cmpi slt, %parallel_loop3A_437, %parallel_loop3A_448 : i32
        %parallel_loop3A_450 = arith.extui %parallel_loop3A_449 : i1 to i32
        %parallel_loop3A_451 = arith.subi %parallel_loop3A_447, %parallel_loop3A_450 : i32
        %parallel_loop3A_452 = arith.constant 0 : i32
        %parallel_loop3A_453 = arith.cmpi sgt, %parallel_loop3A_443, %parallel_loop3A_452 : i32
        %parallel_loop3A_454 = arith.extui %parallel_loop3A_453 : i1 to i32
        %parallel_loop3A_455 = arith.constant 0 : i32
        %parallel_loop3A_456 = arith.cmpi slt, %parallel_loop3A_443, %parallel_loop3A_455 : i32
        %parallel_loop3A_457 = arith.extui %parallel_loop3A_456 : i1 to i32
        %parallel_loop3A_458 = arith.subi %parallel_loop3A_454, %parallel_loop3A_457 : i32
        %parallel_loop3A_459 = arith.cmpi ne, %parallel_loop3A_451, %parallel_loop3A_458 : i32
        %parallel_loop3A_460 = arith.remsi %parallel_loop3A_437, %parallel_loop3A_443 : i32
        %parallel_loop3A_461 = arith.constant 0 : i32
        %parallel_loop3A_462 = arith.cmpi ne, %parallel_loop3A_460, %parallel_loop3A_461 : i32
        %parallel_loop3A_463 = arith.andi %parallel_loop3A_459, %parallel_loop3A_462 : i1
        %parallel_loop3A_464 = arith.constant 1 : i32
        %parallel_loop3A_465 = arith.subi %parallel_loop3A_444, %parallel_loop3A_464 : i32
        %parallel_loop3A_466 = arith.select %parallel_loop3A_463, %parallel_loop3A_465, %parallel_loop3A_444 : i32
        %parallel_loop3A_467 = arith.constant 8 : i32
        %parallel_loop3A_468 = arith.constant 0 : i32
        %parallel_loop3A_469 = arith.cmpi eq, %parallel_loop3A_467, %parallel_loop3A_468 : i32
        %parallel_loop3A_470 = arith.constant 1 : i32
        %parallel_loop3A_471 = arith.select %parallel_loop3A_469, %parallel_loop3A_470, %parallel_loop3A_467 : i32
        %parallel_loop3A_472 = arith.remsi %parallel_loop3A_437, %parallel_loop3A_471 : i32
        %parallel_loop3A_473 = arith.constant 0 : i32
        %parallel_loop3A_474 = arith.cmpi ne, %parallel_loop3A_472, %parallel_loop3A_473 : i32
        %parallel_loop3A_475 = arith.constant 0 : i32
        %parallel_loop3A_476 = arith.cmpi slt, %parallel_loop3A_472, %parallel_loop3A_475 : i32
        %parallel_loop3A_477 = arith.constant 0 : i32
        %parallel_loop3A_478 = arith.cmpi slt, %parallel_loop3A_471, %parallel_loop3A_477 : i32
        %parallel_loop3A_479 = arith.xori %parallel_loop3A_476, %parallel_loop3A_478 : i1
        %parallel_loop3A_480 = arith.andi %parallel_loop3A_479, %parallel_loop3A_474 : i1
        %parallel_loop3A_481 = arith.addi %parallel_loop3A_472, %parallel_loop3A_471 : i32
        %parallel_loop3A_482 = arith.select %parallel_loop3A_480, %parallel_loop3A_481, %parallel_loop3A_472 : i32
        %parallel_loop3A_483 = arith.constant 1 : i32
        %parallel_loop3A_484 = arith.index_cast %parallel_loop3A_483 : i32 to index
        %parallel_loop3A_485 = arith.index_cast %parallel_loop3A_466 : i32 to index
        %parallel_loop3A_486 = arith.index_cast %parallel_loop3A_482 : i32 to index
        %parallel_loop3A_487 = arith.constant 16 : index
        %parallel_loop3A_488 = tpu.vector_load %arg7[%parallel_loop3A_484, %parallel_loop3A_485, %parallel_loop3A_486, %parallel_loop3A_487] {strides = array<i32>} : memref<2x8x8x128xf32, #tpu.memory_space<vmem>>, vector<16xf32>,
        tpu.vector_store %arg7[%parallel_loop3A_484, %parallel_loop3A_485, %parallel_loop3A_486, %parallel_loop3A_487], %parallel_loop3A_442 {strides = array<i32>} : memref<2x8x8x128xf32, #tpu.memory_space<vmem>>, vector<16xf32>,
      } {sc.loop_unroll_factor = 8 : i64, sc.parallel_access}
      %parallel_loop3A_269 = arith.constant 0 : i32
      %parallel_loop3A_270 = arith.constant 64 : i32
      %parallel_loop3A_271 = arith.constant 1 : i32
      scf.for %parallel_loop3A_437 = %parallel_loop3A_269 to %parallel_loop3A_270 step %parallel_loop3A_271  : i32 {
        %parallel_loop3A_438 = arith.constant 1000 : i32
        %parallel_loop3A_439 = arith.muli %parallel_loop3A_437, %parallel_loop3A_438 : i32
        %parallel_loop3A_440 = vector.broadcast %parallel_loop3A_439 : i32 to vector<16xi32>
        %parallel_loop3A_441 = arith.addi %gather3A_242, %parallel_loop3A_440 : vector<16xi32>
        %parallel_loop3A_442 = tpu.vector_load_idx %arg5[%parallel_loop3A_441] : memref<64000xf32, #tpu.memory_space<vmem>>[vector<16xi32>], vector<16xf32>,
        %parallel_loop3A_443 = arith.constant 8 : i32
        %parallel_loop3A_444 = arith.divsi %parallel_loop3A_437, %parallel_loop3A_443 : i32
        %parallel_loop3A_445 = arith.constant 0 : i32
        %parallel_loop3A_446 = arith.cmpi sgt, %parallel_loop3A_437, %parallel_loop3A_445 : i32
        %parallel_loop3A_447 = arith.extui %parallel_loop3A_446 : i1 to i32
        %parallel_loop3A_448 = arith.constant 0 : i32
        %parallel_loop3A_449 = arith.cmpi slt, %parallel_loop3A_437, %parallel_loop3A_448 : i32
        %parallel_loop3A_450 = arith.extui %parallel_loop3A_449 : i1 to i32
        %parallel_loop3A_451 = arith.subi %parallel_loop3A_447, %parallel_loop3A_450 : i32
        %parallel_loop3A_452 = arith.constant 0 : i32
        %parallel_loop3A_453 = arith.cmpi sgt, %parallel_loop3A_443, %parallel_loop3A_452 : i32
        %parallel_loop3A_454 = arith.extui %parallel_loop3A_453 : i1 to i32
        %parallel_loop3A_455 = arith.constant 0 : i32
        %parallel_loop3A_456 = arith.cmpi slt, %parallel_loop3A_443, %parallel_loop3A_455 : i32
        %parallel_loop3A_457 = arith.extui %parallel_loop3A_456 : i1 to i32
        %parallel_loop3A_458 = arith.subi %parallel_loop3A_454, %parallel_loop3A_457 : i32
        %parallel_loop3A_459 = arith.cmpi ne, %parallel_loop3A_451, %parallel_loop3A_458 : i32
        %parallel_loop3A_460 = arith.remsi %parallel_loop3A_437, %parallel_loop3A_443 : i32
        %parallel_loop3A_461 = arith.constant 0 : i32
        %parallel_loop3A_462 = arith.cmpi ne, %parallel_loop3A_460, %parallel_loop3A_461 : i32
        %parallel_loop3A_463 = arith.andi %parallel_loop3A_459, %parallel_loop3A_462 : i1
        %parallel_loop3A_464 = arith.constant 1 : i32
        %parallel_loop3A_465 = arith.subi %parallel_loop3A_444, %parallel_loop3A_464 : i32
        %parallel_loop3A_466 = arith.select %parallel_loop3A_463, %parallel_loop3A_465, %parallel_loop3A_444 : i32
        %parallel_loop3A_467 = arith.constant 8 : i32
        %parallel_loop3A_468 = arith.constant 0 : i32
        %parallel_loop3A_469 = arith.cmpi eq, %parallel_loop3A_467, %parallel_loop3A_468 : i32
        %parallel_loop3A_470 = arith.constant 1 : i32
        %parallel_loop3A_471 = arith.select %parallel_loop3A_469, %parallel_loop3A_470, %parallel_loop3A_467 : i32
        %parallel_loop3A_472 = arith.remsi %parallel_loop3A_437, %parallel_loop3A_471 : i32
        %parallel_loop3A_473 = arith.constant 0 : i32
        %parallel_loop3A_474 = arith.cmpi ne, %parallel_loop3A_472, %parallel_loop3A_473 : i32
        %parallel_loop3A_475 = arith.constant 0 : i32
        %parallel_loop3A_476 = arith.cmpi slt, %parallel_loop3A_472, %parallel_loop3A_475 : i32
        %parallel_loop3A_477 = arith.constant 0 : i32
        %parallel_loop3A_478 = arith.cmpi slt, %parallel_loop3A_471, %parallel_loop3A_477 : i32
        %parallel_loop3A_479 = arith.xori %parallel_loop3A_476, %parallel_loop3A_478 : i1
        %parallel_loop3A_480 = arith.andi %parallel_loop3A_479, %parallel_loop3A_474 : i1
        %parallel_loop3A_481 = arith.addi %parallel_loop3A_472, %parallel_loop3A_471 : i32
        %parallel_loop3A_482 = arith.select %parallel_loop3A_480, %parallel_loop3A_481, %parallel_loop3A_472 : i32
        %parallel_loop3A_483 = arith.constant 1 : i32
        %parallel_loop3A_484 = arith.index_cast %parallel_loop3A_483 : i32 to index
        %parallel_loop3A_485 = arith.index_cast %parallel_loop3A_466 : i32 to index
        %parallel_loop3A_486 = arith.index_cast %parallel_loop3A_482 : i32 to index
        %parallel_loop3A_487 = arith.constant 32 : index
        %parallel_loop3A_488 = tpu.vector_load %arg7[%parallel_loop3A_484, %parallel_loop3A_485, %parallel_loop3A_486, %parallel_loop3A_487] {strides = array<i32>} : memref<2x8x8x128xf32, #tpu.memory_space<vmem>>, vector<16xf32>,
        tpu.vector_store %arg7[%parallel_loop3A_484, %parallel_loop3A_485, %parallel_loop3A_486, %parallel_loop3A_487], %parallel_loop3A_442 {strides = array<i32>} : memref<2x8x8x128xf32, #tpu.memory_space<vmem>>, vector<16xf32>,
      } {sc.loop_unroll_factor = 8 : i64, sc.parallel_access}
      %parallel_loop3A_272 = arith.constant 0 : i32
      %parallel_loop3A_273 = arith.constant 64 : i32
      %parallel_loop3A_274 = arith.constant 1 : i32
      scf.for %parallel_loop3A_437 = %parallel_loop3A_272 to %parallel_loop3A_273 step %parallel_loop3A_274  : i32 {
        %parallel_loop3A_438 = arith.constant 1000 : i32
        %parallel_loop3A_439 = arith.muli %parallel_loop3A_437, %parallel_loop3A_438 : i32
        %parallel_loop3A_440 = vector.broadcast %parallel_loop3A_439 : i32 to vector<16xi32>
        %parallel_loop3A_441 = arith.addi %gather3A_246, %parallel_loop3A_440 : vector<16xi32>
        %parallel_loop3A_442 = tpu.vector_load_idx %arg5[%parallel_loop3A_441] : memref<64000xf32, #tpu.memory_space<vmem>>[vector<16xi32>], vector<16xf32>,
        %parallel_loop3A_443 = arith.constant 8 : i32
        %parallel_loop3A_444 = arith.divsi %parallel_loop3A_437, %parallel_loop3A_443 : i32
        %parallel_loop3A_445 = arith.constant 0 : i32
        %parallel_loop3A_446 = arith.cmpi sgt, %parallel_loop3A_437, %parallel_loop3A_445 : i32
        %parallel_loop3A_447 = arith.extui %parallel_loop3A_446 : i1 to i32
        %parallel_loop3A_448 = arith.constant 0 : i32
        %parallel_loop3A_449 = arith.cmpi slt, %parallel_loop3A_437, %parallel_loop3A_448 : i32
        %parallel_loop3A_450 = arith.extui %parallel_loop3A_449 : i1 to i32
        %parallel_loop3A_451 = arith.subi %parallel_loop3A_447, %parallel_loop3A_450 : i32
        %parallel_loop3A_452 = arith.constant 0 : i32
        %parallel_loop3A_453 = arith.cmpi sgt, %parallel_loop3A_443, %parallel_loop3A_452 : i32
        %parallel_loop3A_454 = arith.extui %parallel_loop3A_453 : i1 to i32
        %parallel_loop3A_455 = arith.constant 0 : i32
        %parallel_loop3A_456 = arith.cmpi slt, %parallel_loop3A_443, %parallel_loop3A_455 : i32
        %parallel_loop3A_457 = arith.extui %parallel_loop3A_456 : i1 to i32
        %parallel_loop3A_458 = arith.subi %parallel_loop3A_454, %parallel_loop3A_457 : i32
        %parallel_loop3A_459 = arith.cmpi ne, %parallel_loop3A_451, %parallel_loop3A_458 : i32
        %parallel_loop3A_460 = arith.remsi %parallel_loop3A_437, %parallel_loop3A_443 : i32
        %parallel_loop3A_461 = arith.constant 0 : i32
        %parallel_loop3A_462 = arith.cmpi ne, %parallel_loop3A_460, %parallel_loop3A_461 : i32
        %parallel_loop3A_463 = arith.andi %parallel_loop3A_459, %parallel_loop3A_462 : i1
        %parallel_loop3A_464 = arith.constant 1 : i32
        %parallel_loop3A_465 = arith.subi %parallel_loop3A_444, %parallel_loop3A_464 : i32
        %parallel_loop3A_466 = arith.select %parallel_loop3A_463, %parallel_loop3A_465, %parallel_loop3A_444 : i32
        %parallel_loop3A_467 = arith.constant 8 : i32
        %parallel_loop3A_468 = arith.constant 0 : i32
        %parallel_loop3A_469 = arith.cmpi eq, %parallel_loop3A_467, %parallel_loop3A_468 : i32
        %parallel_loop3A_470 = arith.constant 1 : i32
        %parallel_loop3A_471 = arith.select %parallel_loop3A_469, %parallel_loop3A_470, %parallel_loop3A_467 : i32
        %parallel_loop3A_472 = arith.remsi %parallel_loop3A_437, %parallel_loop3A_471 : i32
        %parallel_loop3A_473 = arith.constant 0 : i32
        %parallel_loop3A_474 = arith.cmpi ne, %parallel_loop3A_472, %parallel_loop3A_473 : i32
        %parallel_loop3A_475 = arith.constant 0 : i32
        %parallel_loop3A_476 = arith.cmpi slt, %parallel_loop3A_472, %parallel_loop3A_475 : i32
        %parallel_loop3A_477 = arith.constant 0 : i32
        %parallel_loop3A_478 = arith.cmpi slt, %parallel_loop3A_471, %parallel_loop3A_477 : i32
        %parallel_loop3A_479 = arith.xori %parallel_loop3A_476, %parallel_loop3A_478 : i1
        %parallel_loop3A_480 = arith.andi %parallel_loop3A_479, %parallel_loop3A_474 : i1
        %parallel_loop3A_481 = arith.addi %parallel_loop3A_472, %parallel_loop3A_471 : i32
        %parallel_loop3A_482 = arith.select %parallel_loop3A_480, %parallel_loop3A_481, %parallel_loop3A_472 : i32
        %parallel_loop3A_483 = arith.constant 1 : i32
        %parallel_loop3A_484 = arith.index_cast %parallel_loop3A_483 : i32 to index
        %parallel_loop3A_485 = arith.index_cast %parallel_loop3A_466 : i32 to index
        %parallel_loop3A_486 = arith.index_cast %parallel_loop3A_482 : i32 to index
        %parallel_loop3A_487 = arith.constant 48 : index
        %parallel_loop3A_488 = tpu.vector_load %arg7[%parallel_loop3A_484, %parallel_loop3A_485, %parallel_loop3A_486, %parallel_loop3A_487] {strides = array<i32>} : memref<2x8x8x128xf32, #tpu.memory_space<vmem>>, vector<16xf32>,
        tpu.vector_store %arg7[%parallel_loop3A_484, %parallel_loop3A_485, %parallel_loop3A_486, %parallel_loop3A_487], %parallel_loop3A_442 {strides = array<i32>} : memref<2x8x8x128xf32, #tpu.memory_space<vmem>>, vector<16xf32>,
      } {sc.loop_unroll_factor = 8 : i64, sc.parallel_access}
      %parallel_loop3A_275 = arith.constant 0 : i32
      %parallel_loop3A_276 = arith.constant 64 : i32
      %parallel_loop3A_277 = arith.constant 1 : i32
      scf.for %parallel_loop3A_437 = %parallel_loop3A_275 to %parallel_loop3A_276 step %parallel_loop3A_277  : i32 {
        %parallel_loop3A_438 = arith.constant 1000 : i32
        %parallel_loop3A_439 = arith.muli %parallel_loop3A_437, %parallel_loop3A_438 : i32
        %parallel_loop3A_440 = vector.broadcast %parallel_loop3A_439 : i32 to vector<16xi32>
        %parallel_loop3A_441 = arith.addi %gather3A_250, %parallel_loop3A_440 : vector<16xi32>
        %parallel_loop3A_442 = tpu.vector_load_idx %arg5[%parallel_loop3A_441] : memref<64000xf32, #tpu.memory_space<vmem>>[vector<16xi32>], vector<16xf32>,
        %parallel_loop3A_443 = arith.constant 8 : i32
        %parallel_loop3A_444 = arith.divsi %parallel_loop3A_437, %parallel_loop3A_443 : i32
        %parallel_loop3A_445 = arith.constant 0 : i32
        %parallel_loop3A_446 = arith.cmpi sgt, %parallel_loop3A_437, %parallel_loop3A_445 : i32
        %parallel_loop3A_447 = arith.extui %parallel_loop3A_446 : i1 to i32
        %parallel_loop3A_448 = arith.constant 0 : i32
        %parallel_loop3A_449 = arith.cmpi slt, %parallel_loop3A_437, %parallel_loop3A_448 : i32
        %parallel_loop3A_450 = arith.extui %parallel_loop3A_449 : i1 to i32
        %parallel_loop3A_451 = arith.subi %parallel_loop3A_447, %parallel_loop3A_450 : i32
        %parallel_loop3A_452 = arith.constant 0 : i32
        %parallel_loop3A_453 = arith.cmpi sgt, %parallel_loop3A_443, %parallel_loop3A_452 : i32
        %parallel_loop3A_454 = arith.extui %parallel_loop3A_453 : i1 to i32
        %parallel_loop3A_455 = arith.constant 0 : i32
        %parallel_loop3A_456 = arith.cmpi slt, %parallel_loop3A_443, %parallel_loop3A_455 : i32
        %parallel_loop3A_457 = arith.extui %parallel_loop3A_456 : i1 to i32
        %parallel_loop3A_458 = arith.subi %parallel_loop3A_454, %parallel_loop3A_457 : i32
        %parallel_loop3A_459 = arith.cmpi ne, %parallel_loop3A_451, %parallel_loop3A_458 : i32
        %parallel_loop3A_460 = arith.remsi %parallel_loop3A_437, %parallel_loop3A_443 : i32
        %parallel_loop3A_461 = arith.constant 0 : i32
        %parallel_loop3A_462 = arith.cmpi ne, %parallel_loop3A_460, %parallel_loop3A_461 : i32
        %parallel_loop3A_463 = arith.andi %parallel_loop3A_459, %parallel_loop3A_462 : i1
        %parallel_loop3A_464 = arith.constant 1 : i32
        %parallel_loop3A_465 = arith.subi %parallel_loop3A_444, %parallel_loop3A_464 : i32
        %parallel_loop3A_466 = arith.select %parallel_loop3A_463, %parallel_loop3A_465, %parallel_loop3A_444 : i32
        %parallel_loop3A_467 = arith.constant 8 : i32
        %parallel_loop3A_468 = arith.constant 0 : i32
        %parallel_loop3A_469 = arith.cmpi eq, %parallel_loop3A_467, %parallel_loop3A_468 : i32
        %parallel_loop3A_470 = arith.constant 1 : i32
        %parallel_loop3A_471 = arith.select %parallel_loop3A_469, %parallel_loop3A_470, %parallel_loop3A_467 : i32
        %parallel_loop3A_472 = arith.remsi %parallel_loop3A_437, %parallel_loop3A_471 : i32
        %parallel_loop3A_473 = arith.constant 0 : i32
        %parallel_loop3A_474 = arith.cmpi ne, %parallel_loop3A_472, %parallel_loop3A_473 : i32
        %parallel_loop3A_475 = arith.constant 0 : i32
        %parallel_loop3A_476 = arith.cmpi slt, %parallel_loop3A_472, %parallel_loop3A_475 : i32
        %parallel_loop3A_477 = arith.constant 0 : i32
        %parallel_loop3A_478 = arith.cmpi slt, %parallel_loop3A_471, %parallel_loop3A_477 : i32
        %parallel_loop3A_479 = arith.xori %parallel_loop3A_476, %parallel_loop3A_478 : i1
        %parallel_loop3A_480 = arith.andi %parallel_loop3A_479, %parallel_loop3A_474 : i1
        %parallel_loop3A_481 = arith.addi %parallel_loop3A_472, %parallel_loop3A_471 : i32
        %parallel_loop3A_482 = arith.select %parallel_loop3A_480, %parallel_loop3A_481, %parallel_loop3A_472 : i32
        %parallel_loop3A_483 = arith.constant 1 : i32
        %parallel_loop3A_484 = arith.index_cast %parallel_loop3A_483 : i32 to index
        %parallel_loop3A_485 = arith.index_cast %parallel_loop3A_466 : i32 to index
        %parallel_loop3A_486 = arith.index_cast %parallel_loop3A_482 : i32 to index
        %parallel_loop3A_487 = arith.constant 64 : index
        %parallel_loop3A_488 = tpu.vector_load %arg7[%parallel_loop3A_484, %parallel_loop3A_485, %parallel_loop3A_486, %parallel_loop3A_487] {strides = array<i32>} : memref<2x8x8x128xf32, #tpu.memory_space<vmem>>, vector<16xf32>,
        tpu.vector_store %arg7[%parallel_loop3A_484, %parallel_loop3A_485, %parallel_loop3A_486, %parallel_loop3A_487], %parallel_loop3A_442 {strides = array<i32>} : memref<2x8x8x128xf32, #tpu.memory_space<vmem>>, vector<16xf32>,
      } {sc.loop_unroll_factor = 8 : i64, sc.parallel_access}
      %parallel_loop3A_278 = arith.constant 0 : i32
      %parallel_loop3A_279 = arith.constant 64 : i32
      %parallel_loop3A_280 = arith.constant 1 : i32
      scf.for %parallel_loop3A_437 = %parallel_loop3A_278 to %parallel_loop3A_279 step %parallel_loop3A_280  : i32 {
        %parallel_loop3A_438 = arith.constant 1000 : i32
        %parallel_loop3A_439 = arith.muli %parallel_loop3A_437, %parallel_loop3A_438 : i32
        %parallel_loop3A_440 = vector.broadcast %parallel_loop3A_439 : i32 to vector<16xi32>
        %parallel_loop3A_441 = arith.addi %gather3A_254, %parallel_loop3A_440 : vector<16xi32>
        %parallel_loop3A_442 = tpu.vector_load_idx %arg5[%parallel_loop3A_441] : memref<64000xf32, #tpu.memory_space<vmem>>[vector<16xi32>], vector<16xf32>,
        %parallel_loop3A_443 = arith.constant 8 : i32
        %parallel_loop3A_444 = arith.divsi %parallel_loop3A_437, %parallel_loop3A_443 : i32
        %parallel_loop3A_445 = arith.constant 0 : i32
        %parallel_loop3A_446 = arith.cmpi sgt, %parallel_loop3A_437, %parallel_loop3A_445 : i32
        %parallel_loop3A_447 = arith.extui %parallel_loop3A_446 : i1 to i32
        %parallel_loop3A_448 = arith.constant 0 : i32
        %parallel_loop3A_449 = arith.cmpi slt, %parallel_loop3A_437, %parallel_loop3A_448 : i32
        %parallel_loop3A_450 = arith.extui %parallel_loop3A_449 : i1 to i32
        %parallel_loop3A_451 = arith.subi %parallel_loop3A_447, %parallel_loop3A_450 : i32
        %parallel_loop3A_452 = arith.constant 0 : i32
        %parallel_loop3A_453 = arith.cmpi sgt, %parallel_loop3A_443, %parallel_loop3A_452 : i32
        %parallel_loop3A_454 = arith.extui %parallel_loop3A_453 : i1 to i32
        %parallel_loop3A_455 = arith.constant 0 : i32
        %parallel_loop3A_456 = arith.cmpi slt, %parallel_loop3A_443, %parallel_loop3A_455 : i32
        %parallel_loop3A_457 = arith.extui %parallel_loop3A_456 : i1 to i32
        %parallel_loop3A_458 = arith.subi %parallel_loop3A_454, %parallel_loop3A_457 : i32
        %parallel_loop3A_459 = arith.cmpi ne, %parallel_loop3A_451, %parallel_loop3A_458 : i32
        %parallel_loop3A_460 = arith.remsi %parallel_loop3A_437, %parallel_loop3A_443 : i32
        %parallel_loop3A_461 = arith.constant 0 : i32
        %parallel_loop3A_462 = arith.cmpi ne, %parallel_loop3A_460, %parallel_loop3A_461 : i32
        %parallel_loop3A_463 = arith.andi %parallel_loop3A_459, %parallel_loop3A_462 : i1
        %parallel_loop3A_464 = arith.constant 1 : i32
        %parallel_loop3A_465 = arith.subi %parallel_loop3A_444, %parallel_loop3A_464 : i32
        %parallel_loop3A_466 = arith.select %parallel_loop3A_463, %parallel_loop3A_465, %parallel_loop3A_444 : i32
        %parallel_loop3A_467 = arith.constant 8 : i32
        %parallel_loop3A_468 = arith.constant 0 : i32
        %parallel_loop3A_469 = arith.cmpi eq, %parallel_loop3A_467, %parallel_loop3A_468 : i32
        %parallel_loop3A_470 = arith.constant 1 : i32
        %parallel_loop3A_471 = arith.select %parallel_loop3A_469, %parallel_loop3A_470, %parallel_loop3A_467 : i32
        %parallel_loop3A_472 = arith.remsi %parallel_loop3A_437, %parallel_loop3A_471 : i32
        %parallel_loop3A_473 = arith.constant 0 : i32
        %parallel_loop3A_474 = arith.cmpi ne, %parallel_loop3A_472, %parallel_loop3A_473 : i32
        %parallel_loop3A_475 = arith.constant 0 : i32
        %parallel_loop3A_476 = arith.cmpi slt, %parallel_loop3A_472, %parallel_loop3A_475 : i32
        %parallel_loop3A_477 = arith.constant 0 : i32
        %parallel_loop3A_478 = arith.cmpi slt, %parallel_loop3A_471, %parallel_loop3A_477 : i32
        %parallel_loop3A_479 = arith.xori %parallel_loop3A_476, %parallel_loop3A_478 : i1
        %parallel_loop3A_480 = arith.andi %parallel_loop3A_479, %parallel_loop3A_474 : i1
        %parallel_loop3A_481 = arith.addi %parallel_loop3A_472, %parallel_loop3A_471 : i32
        %parallel_loop3A_482 = arith.select %parallel_loop3A_480, %parallel_loop3A_481, %parallel_loop3A_472 : i32
        %parallel_loop3A_483 = arith.constant 1 : i32
        %parallel_loop3A_484 = arith.index_cast %parallel_loop3A_483 : i32 to index
        %parallel_loop3A_485 = arith.index_cast %parallel_loop3A_466 : i32 to index
        %parallel_loop3A_486 = arith.index_cast %parallel_loop3A_482 : i32 to index
        %parallel_loop3A_487 = arith.constant 80 : index
        %parallel_loop3A_488 = tpu.vector_load %arg7[%parallel_loop3A_484, %parallel_loop3A_485, %parallel_loop3A_486, %parallel_loop3A_487] {strides = array<i32>} : memref<2x8x8x128xf32, #tpu.memory_space<vmem>>, vector<16xf32>,
        tpu.vector_store %arg7[%parallel_loop3A_484, %parallel_loop3A_485, %parallel_loop3A_486, %parallel_loop3A_487], %parallel_loop3A_442 {strides = array<i32>} : memref<2x8x8x128xf32, #tpu.memory_space<vmem>>, vector<16xf32>,
      } {sc.loop_unroll_factor = 8 : i64, sc.parallel_access}
      %parallel_loop3A_281 = arith.constant 0 : i32
      %parallel_loop3A_282 = arith.constant 64 : i32
      %parallel_loop3A_283 = arith.constant 1 : i32
      scf.for %parallel_loop3A_437 = %parallel_loop3A_281 to %parallel_loop3A_282 step %parallel_loop3A_283  : i32 {
        %parallel_loop3A_438 = arith.constant 1000 : i32
        %parallel_loop3A_439 = arith.muli %parallel_loop3A_437, %parallel_loop3A_438 : i32
        %parallel_loop3A_440 = vector.broadcast %parallel_loop3A_439 : i32 to vector<16xi32>
        %parallel_loop3A_441 = arith.addi %gather3A_258, %parallel_loop3A_440 : vector<16xi32>
        %parallel_loop3A_442 = tpu.vector_load_idx %arg5[%parallel_loop3A_441] : memref<64000xf32, #tpu.memory_space<vmem>>[vector<16xi32>], vector<16xf32>,
        %parallel_loop3A_443 = arith.constant 8 : i32
        %parallel_loop3A_444 = arith.divsi %parallel_loop3A_437, %parallel_loop3A_443 : i32
        %parallel_loop3A_445 = arith.constant 0 : i32
        %parallel_loop3A_446 = arith.cmpi sgt, %parallel_loop3A_437, %parallel_loop3A_445 : i32
        %parallel_loop3A_447 = arith.extui %parallel_loop3A_446 : i1 to i32
        %parallel_loop3A_448 = arith.constant 0 : i32
        %parallel_loop3A_449 = arith.cmpi slt, %parallel_loop3A_437, %parallel_loop3A_448 : i32
        %parallel_loop3A_450 = arith.extui %parallel_loop3A_449 : i1 to i32
        %parallel_loop3A_451 = arith.subi %parallel_loop3A_447, %parallel_loop3A_450 : i32
        %parallel_loop3A_452 = arith.constant 0 : i32
        %parallel_loop3A_453 = arith.cmpi sgt, %parallel_loop3A_443, %parallel_loop3A_452 : i32
        %parallel_loop3A_454 = arith.extui %parallel_loop3A_453 : i1 to i32
        %parallel_loop3A_455 = arith.constant 0 : i32
        %parallel_loop3A_456 = arith.cmpi slt, %parallel_loop3A_443, %parallel_loop3A_455 : i32
        %parallel_loop3A_457 = arith.extui %parallel_loop3A_456 : i1 to i32
        %parallel_loop3A_458 = arith.subi %parallel_loop3A_454, %parallel_loop3A_457 : i32
        %parallel_loop3A_459 = arith.cmpi ne, %parallel_loop3A_451, %parallel_loop3A_458 : i32
        %parallel_loop3A_460 = arith.remsi %parallel_loop3A_437, %parallel_loop3A_443 : i32
        %parallel_loop3A_461 = arith.constant 0 : i32
        %parallel_loop3A_462 = arith.cmpi ne, %parallel_loop3A_460, %parallel_loop3A_461 : i32
        %parallel_loop3A_463 = arith.andi %parallel_loop3A_459, %parallel_loop3A_462 : i1
        %parallel_loop3A_464 = arith.constant 1 : i32
        %parallel_loop3A_465 = arith.subi %parallel_loop3A_444, %parallel_loop3A_464 : i32
        %parallel_loop3A_466 = arith.select %parallel_loop3A_463, %parallel_loop3A_465, %parallel_loop3A_444 : i32
        %parallel_loop3A_467 = arith.constant 8 : i32
        %parallel_loop3A_468 = arith.constant 0 : i32
        %parallel_loop3A_469 = arith.cmpi eq, %parallel_loop3A_467, %parallel_loop3A_468 : i32
        %parallel_loop3A_470 = arith.constant 1 : i32
        %parallel_loop3A_471 = arith.select %parallel_loop3A_469, %parallel_loop3A_470, %parallel_loop3A_467 : i32
        %parallel_loop3A_472 = arith.remsi %parallel_loop3A_437, %parallel_loop3A_471 : i32
        %parallel_loop3A_473 = arith.constant 0 : i32
        %parallel_loop3A_474 = arith.cmpi ne, %parallel_loop3A_472, %parallel_loop3A_473 : i32
        %parallel_loop3A_475 = arith.constant 0 : i32
        %parallel_loop3A_476 = arith.cmpi slt, %parallel_loop3A_472, %parallel_loop3A_475 : i32
        %parallel_loop3A_477 = arith.constant 0 : i32
        %parallel_loop3A_478 = arith.cmpi slt, %parallel_loop3A_471, %parallel_loop3A_477 : i32
        %parallel_loop3A_479 = arith.xori %parallel_loop3A_476, %parallel_loop3A_478 : i1
        %parallel_loop3A_480 = arith.andi %parallel_loop3A_479, %parallel_loop3A_474 : i1
        %parallel_loop3A_481 = arith.addi %parallel_loop3A_472, %parallel_loop3A_471 : i32
        %parallel_loop3A_482 = arith.select %parallel_loop3A_480, %parallel_loop3A_481, %parallel_loop3A_472 : i32
        %parallel_loop3A_483 = arith.constant 1 : i32
        %parallel_loop3A_484 = arith.index_cast %parallel_loop3A_483 : i32 to index
        %parallel_loop3A_485 = arith.index_cast %parallel_loop3A_466 : i32 to index
        %parallel_loop3A_486 = arith.index_cast %parallel_loop3A_482 : i32 to index
        %parallel_loop3A_487 = arith.constant 96 : index
        %parallel_loop3A_488 = tpu.vector_load %arg7[%parallel_loop3A_484, %parallel_loop3A_485, %parallel_loop3A_486, %parallel_loop3A_487] {strides = array<i32>} : memref<2x8x8x128xf32, #tpu.memory_space<vmem>>, vector<16xf32>,
        tpu.vector_store %arg7[%parallel_loop3A_484, %parallel_loop3A_485, %parallel_loop3A_486, %parallel_loop3A_487], %parallel_loop3A_442 {strides = array<i32>} : memref<2x8x8x128xf32, #tpu.memory_space<vmem>>, vector<16xf32>,
      } {sc.loop_unroll_factor = 8 : i64, sc.parallel_access}
      %parallel_loop3A_284 = arith.constant 0 : i32
      %parallel_loop3A_285 = arith.constant 64 : i32
      %parallel_loop3A_286 = arith.constant 1 : i32
      scf.for %parallel_loop3A_437 = %parallel_loop3A_284 to %parallel_loop3A_285 step %parallel_loop3A_286  : i32 {
        %parallel_loop3A_438 = arith.constant 1000 : i32
        %parallel_loop3A_439 = arith.muli %parallel_loop3A_437, %parallel_loop3A_438 : i32
        %parallel_loop3A_440 = vector.broadcast %parallel_loop3A_439 : i32 to vector<16xi32>
        %parallel_loop3A_441 = arith.addi %gather3A_262, %parallel_loop3A_440 : vector<16xi32>
        %parallel_loop3A_442 = tpu.vector_load_idx %arg5[%parallel_loop3A_441] : memref<64000xf32, #tpu.memory_space<vmem>>[vector<16xi32>], vector<16xf32>,
        %parallel_loop3A_443 = arith.constant 8 : i32
        %parallel_loop3A_444 = arith.divsi %parallel_loop3A_437, %parallel_loop3A_443 : i32
        %parallel_loop3A_445 = arith.constant 0 : i32
        %parallel_loop3A_446 = arith.cmpi sgt, %parallel_loop3A_437, %parallel_loop3A_445 : i32
        %parallel_loop3A_447 = arith.extui %parallel_loop3A_446 : i1 to i32
        %parallel_loop3A_448 = arith.constant 0 : i32
        %parallel_loop3A_449 = arith.cmpi slt, %parallel_loop3A_437, %parallel_loop3A_448 : i32
        %parallel_loop3A_450 = arith.extui %parallel_loop3A_449 : i1 to i32
        %parallel_loop3A_451 = arith.subi %parallel_loop3A_447, %parallel_loop3A_450 : i32
        %parallel_loop3A_452 = arith.constant 0 : i32
        %parallel_loop3A_453 = arith.cmpi sgt, %parallel_loop3A_443, %parallel_loop3A_452 : i32
        %parallel_loop3A_454 = arith.extui %parallel_loop3A_453 : i1 to i32
        %parallel_loop3A_455 = arith.constant 0 : i32
        %parallel_loop3A_456 = arith.cmpi slt, %parallel_loop3A_443, %parallel_loop3A_455 : i32
        %parallel_loop3A_457 = arith.extui %parallel_loop3A_456 : i1 to i32
        %parallel_loop3A_458 = arith.subi %parallel_loop3A_454, %parallel_loop3A_457 : i32
        %parallel_loop3A_459 = arith.cmpi ne, %parallel_loop3A_451, %parallel_loop3A_458 : i32
        %parallel_loop3A_460 = arith.remsi %parallel_loop3A_437, %parallel_loop3A_443 : i32
        %parallel_loop3A_461 = arith.constant 0 : i32
        %parallel_loop3A_462 = arith.cmpi ne, %parallel_loop3A_460, %parallel_loop3A_461 : i32
        %parallel_loop3A_463 = arith.andi %parallel_loop3A_459, %parallel_loop3A_462 : i1
        %parallel_loop3A_464 = arith.constant 1 : i32
        %parallel_loop3A_465 = arith.subi %parallel_loop3A_444, %parallel_loop3A_464 : i32
        %parallel_loop3A_466 = arith.select %parallel_loop3A_463, %parallel_loop3A_465, %parallel_loop3A_444 : i32
        %parallel_loop3A_467 = arith.constant 8 : i32
        %parallel_loop3A_468 = arith.constant 0 : i32
        %parallel_loop3A_469 = arith.cmpi eq, %parallel_loop3A_467, %parallel_loop3A_468 : i32
        %parallel_loop3A_470 = arith.constant 1 : i32
        %parallel_loop3A_471 = arith.select %parallel_loop3A_469, %parallel_loop3A_470, %parallel_loop3A_467 : i32
        %parallel_loop3A_472 = arith.remsi %parallel_loop3A_437, %parallel_loop3A_471 : i32
        %parallel_loop3A_473 = arith.constant 0 : i32
        %parallel_loop3A_474 = arith.cmpi ne, %parallel_loop3A_472, %parallel_loop3A_473 : i32
        %parallel_loop3A_475 = arith.constant 0 : i32
        %parallel_loop3A_476 = arith.cmpi slt, %parallel_loop3A_472, %parallel_loop3A_475 : i32
        %parallel_loop3A_477 = arith.constant 0 : i32
        %parallel_loop3A_478 = arith.cmpi slt, %parallel_loop3A_471, %parallel_loop3A_477 : i32
        %parallel_loop3A_479 = arith.xori %parallel_loop3A_476, %parallel_loop3A_478 : i1
        %parallel_loop3A_480 = arith.andi %parallel_loop3A_479, %parallel_loop3A_474 : i1
        %parallel_loop3A_481 = arith.addi %parallel_loop3A_472, %parallel_loop3A_471 : i32
        %parallel_loop3A_482 = arith.select %parallel_loop3A_480, %parallel_loop3A_481, %parallel_loop3A_472 : i32
        %parallel_loop3A_483 = arith.constant 1 : i32
        %parallel_loop3A_484 = arith.index_cast %parallel_loop3A_483 : i32 to index
        %parallel_loop3A_485 = arith.index_cast %parallel_loop3A_466 : i32 to index
        %parallel_loop3A_486 = arith.index_cast %parallel_loop3A_482 : i32 to index
        %parallel_loop3A_487 = arith.constant 112 : index
        %parallel_loop3A_488 = tpu.vector_load %arg7[%parallel_loop3A_484, %parallel_loop3A_485, %parallel_loop3A_486, %parallel_loop3A_487] {strides = array<i32>} : memref<2x8x8x128xf32, #tpu.memory_space<vmem>>, vector<16xf32>,
        tpu.vector_store %arg7[%parallel_loop3A_484, %parallel_loop3A_485, %parallel_loop3A_486, %parallel_loop3A_487], %parallel_loop3A_442 {strides = array<i32>} : memref<2x8x8x128xf32, #tpu.memory_space<vmem>>, vector<16xf32>,
      } {sc.loop_unroll_factor = 8 : i64, sc.parallel_access}
      %dma_wait3A_287 = arith.constant 0 : i32
      %dma_wait3A_288 = arith.constant 0 : i32
      %dma_wait3A_289 = arith.constant 0 : i32
      %dma_wait3A_290 = arith.constant 0 : i32
      %dma_wait3A_291 = arith.constant 0 : i32
      %dma_wait3A_292 = tpu.memref_slice %arg7[%dma_wait3A_287, %dma_wait3A_289, %dma_wait3A_290, %dma_wait3A_291] : memref<2x8x8x128xf32, #tpu.memory_space<vmem>> -> memref<1x8x8x128xf32, #tpu.memory_space<vmem>>
      %dma_wait3A_293 = tpu.memref_squeeze %dma_wait3A_292 : memref<1x8x8x128xf32, #tpu.memory_space<vmem>> -> memref<8x8x128xf32, #tpu.memory_space<vmem>>
      %dma_wait3A_294 = arith.constant 0 : i32
      %dma_wait3A_295 = arith.constant 0 : i32
      %dma_wait3A_296 = arith.constant 0 : i32
      %dma_wait3A_297 = tpu.memref_slice %arg4[%dma_wait3A_288, %dma_wait3A_294, %add3A, %dma_wait3A_295, %dma_wait3A_296] : memref<200x8x32x8x128xf32, #tpu.memory_space<hbm>> -> memref<1x8x1x8x128xf32, #tpu.memory_space<hbm>>
      %dma_wait3A_298 = tpu.memref_squeeze %dma_wait3A_297 : memref<1x8x1x8x128xf32, #tpu.memory_space<hbm>> -> memref<8x8x128xf32, #tpu.memory_space<hbm>>
      %dma_wait3A_299 = arith.constant 0 : i32
      %dma_wait3A_300 = arith.constant 0 : i32
      %dma_wait3A_301 = arith.constant 0 : i32
      %dma_wait3A_302 = tpu.memref_slice %arg4[%dma_wait3A_288, %dma_wait3A_299, %add3A, %dma_wait3A_300, %dma_wait3A_301] : memref<200x8x32x8x128xf32, #tpu.memory_space<hbm>> -> memref<1x8x1x8x128xf32, #tpu.memory_space<hbm>>
      %dma_wait3A_303 = tpu.memref_squeeze %dma_wait3A_302 : memref<1x8x1x8x128xf32, #tpu.memory_space<hbm>> -> memref<8x8x128xf32, #tpu.memory_space<hbm>>
      %dma_wait3A_304 = arith.constant 0 : i32
      %dma_wait3A_305 = arith.constant 0 : i32
      %dma_wait3A_306 = arith.constant 0 : i32
      %dma_wait3A_307 = tpu.memref_slice %arg7[%dma_wait3A_287, %dma_wait3A_304, %dma_wait3A_305, %dma_wait3A_306] : memref<2x8x8x128xf32, #tpu.memory_space<vmem>> -> memref<1x8x8x128xf32, #tpu.memory_space<vmem>>
      %dma_wait3A_308 = tpu.memref_squeeze %dma_wait3A_307 : memref<1x8x8x128xf32, #tpu.memory_space<vmem>> -> memref<8x8x128xf32, #tpu.memory_space<vmem>>
      tpu.wait_dma2 semaphore(%arg9 : memref<!tpu.dma_semaphore, #tpu.memory_space<semaphore_mem>>) src(%dma_wait3A_308 : memref<8x8x128xf32, #tpu.memory_space<vmem>>) dst(%dma_wait3A_303 : memref<8x8x128xf32, #tpu.memory_space<hbm>>)
      %dma_start3A_309 = arith.constant 1 : i32
      %dma_start3A_310 = arith.constant 0 : i32
      %dma_start3A_311 = arith.constant 0 : i32
      %dma_start3A_312 = arith.constant 0 : i32
      %dma_start3A_313 = tpu.memref_slice %arg7[%dma_start3A_309, %dma_start3A_310, %dma_start3A_311, %dma_start3A_312] : memref<2x8x8x128xf32, #tpu.memory_space<vmem>> -> memref<1x8x8x128xf32, #tpu.memory_space<vmem>>
      %dma_start3A_314 = tpu.memref_squeeze %dma_start3A_313 : memref<1x8x8x128xf32, #tpu.memory_space<vmem>> -> memref<8x8x128xf32, #tpu.memory_space<vmem>>
      %dma_start3A_315 = arith.constant 0 : i32
      %dma_start3A_316 = arith.constant 0 : i32
      %dma_start3A_317 = arith.constant 0 : i32
      %dma_start3A_318 = tpu.memref_slice %arg4[%add3A_226, %dma_start3A_315, %add3A, %dma_start3A_316, %dma_start3A_317] : memref<200x8x32x8x128xf32, #tpu.memory_space<hbm>> -> memref<1x8x1x8x128xf32, #tpu.memory_space<hbm>>
      %dma_start3A_319 = tpu.memref_squeeze %dma_start3A_318 : memref<1x8x1x8x128xf32, #tpu.memory_space<hbm>> -> memref<8x8x128xf32, #tpu.memory_space<hbm>>
      %dma_start3A_320 = arith.constant 0 : i32
      %dma_start3A_321 = arith.constant 0 : i32
      %dma_start3A_322 = arith.constant 0 : i32
      %dma_start3A_323 = tpu.memref_slice %arg4[%add3A_226, %dma_start3A_320, %add3A, %dma_start3A_321, %dma_start3A_322] : memref<200x8x32x8x128xf32, #tpu.memory_space<hbm>> -> memref<1x8x1x8x128xf32, #tpu.memory_space<hbm>>
      %dma_start3A_324 = tpu.memref_squeeze %dma_start3A_323 : memref<1x8x1x8x128xf32, #tpu.memory_space<hbm>> -> memref<8x8x128xf32, #tpu.memory_space<hbm>>
      %dma_start3A_325 = arith.constant 0 : i32
      %dma_start3A_326 = arith.constant 0 : i32
      %dma_start3A_327 = arith.constant 0 : i32
      %dma_start3A_328 = tpu.memref_slice %arg7[%dma_start3A_309, %dma_start3A_325, %dma_start3A_326, %dma_start3A_327] : memref<2x8x8x128xf32, #tpu.memory_space<vmem>> -> memref<1x8x8x128xf32, #tpu.memory_space<vmem>>
      %dma_start3A_329 = tpu.memref_squeeze %dma_start3A_328 : memref<1x8x8x128xf32, #tpu.memory_space<vmem>> -> memref<8x8x128xf32, #tpu.memory_space<vmem>>
      tpu.enqueue_dma source(%dma_start3A_329 : memref<8x8x128xf32, #tpu.memory_space<vmem>>) target(%dma_start3A_324 : memref<8x8x128xf32, #tpu.memory_space<hbm>>) target_semaphore(%arg10 : memref<!tpu.dma_semaphore, #tpu.memory_space<semaphore_mem>>)
      %add3A_330 = arith.constant 1 : i32
      %add3A_331 = arith.addi %add3A_226, %add3A_330 : i32
      %broadcast_in_dim3A_332 = arith.constant 0 : i32
      %broadcast_in_dim3A_333 = vector.broadcast %broadcast_in_dim3A_332 : i32 to vector<16xi32>
      %add3A_334 = vector.broadcast %add3A_331 : i32 to vector<16xi32>
      %add3A_335 = arith.addi %broadcast_in_dim3A_333, %add3A_334 : vector<16xi32>
      %add3A_336 = arith.constant 0 : i32
      %add3A_337 = vector.broadcast %add3A_336 : i32 to vector<16xi32>
      %add3A_338 = arith.addi %iota3A, %add3A_337 : vector<16xi32>
      %gather3A_339 = tpu.vector_load_idx %arg6[%add3A_338, %add3A_335] : memref<128x200xi32, #tpu.memory_space<vmem>>[vector<16xi32>, vector<16xi32>], vector<16xi32>,
      %add3A_340 = arith.constant 16 : i32
      %add3A_341 = vector.broadcast %add3A_340 : i32 to vector<16xi32>
      %add3A_342 = arith.addi %iota3A, %add3A_341 : vector<16xi32>
      %gather3A_343 = tpu.vector_load_idx %arg6[%add3A_342, %add3A_335] : memref<128x200xi32, #tpu.memory_space<vmem>>[vector<16xi32>, vector<16xi32>], vector<16xi32>,
      %add3A_344 = arith.constant 32 : i32
      %add3A_345 = vector.broadcast %add3A_344 : i32 to vector<16xi32>
      %add3A_346 = arith.addi %iota3A, %add3A_345 : vector<16xi32>
      %gather3A_347 = tpu.vector_load_idx %arg6[%add3A_346, %add3A_335] : memref<128x200xi32, #tpu.memory_space<vmem>>[vector<16xi32>, vector<16xi32>], vector<16xi32>,
      %add3A_348 = arith.constant 48 : i32
      %add3A_349 = vector.broadcast %add3A_348 : i32 to vector<16xi32>
      %add3A_350 = arith.addi %iota3A, %add3A_349 : vector<16xi32>
      %gather3A_351 = tpu.vector_load_idx %arg6[%add3A_350, %add3A_335] : memref<128x200xi32, #tpu.memory_space<vmem>>[vector<16xi32>, vector<16xi32>], vector<16xi32>,
      %add3A_352 = arith.constant 64 : i32
      %add3A_353 = vector.broadcast %add3A_352 : i32 to vector<16xi32>
      %add3A_354 = arith.addi %iota3A, %add3A_353 : vector<16xi32>
      %gather3A_355 = tpu.vector_load_idx %arg6[%add3A_354, %add3A_335] : memref<128x200xi32, #tpu.memory_space<vmem>>[vector<16xi32>, vector<16xi32>], vector<16xi32>,
      %add3A_356 = arith.constant 80 : i32
      %add3A_357 = vector.broadcast %add3A_356 : i32 to vector<16xi32>
      %add3A_358 = arith.addi %iota3A, %add3A_357 : vector<16xi32>
      %gather3A_359 = tpu.vector_load_idx %arg6[%add3A_358, %add3A_335] : memref<128x200xi32, #tpu.memory_space<vmem>>[vector<16xi32>, vector<16xi32>], vector<16xi32>,
      %add3A_360 = arith.constant 96 : i32
      %add3A_361 = vector.broadcast %add3A_360 : i32 to vector<16xi32>
      %add3A_362 = arith.addi %iota3A, %add3A_361 : vector<16xi32>
      %gather3A_363 = tpu.vector_load_idx %arg6[%add3A_362, %add3A_335] : memref<128x200xi32, #tpu.memory_space<vmem>>[vector<16xi32>, vector<16xi32>], vector<16xi32>,
      %add3A_364 = arith.constant 112 : i32
      %add3A_365 = vector.broadcast %add3A_364 : i32 to vector<16xi32>
      %add3A_366 = arith.addi %iota3A, %add3A_365 : vector<16xi32>
      %gather3A_367 = tpu.vector_load_idx %arg6[%add3A_366, %add3A_335] : memref<128x200xi32, #tpu.memory_space<vmem>>[vector<16xi32>, vector<16xi32>], vector<16xi32>,
      %parallel_loop3A_368 = arith.constant 0 : i32
      %parallel_loop3A_369 = arith.constant 64 : i32
      %parallel_loop3A_370 = arith.constant 1 : i32
      scf.for %parallel_loop3A_437 = %parallel_loop3A_368 to %parallel_loop3A_369 step %parallel_loop3A_370  : i32 {
        %parallel_loop3A_438 = arith.constant 1000 : i32
        %parallel_loop3A_439 = arith.muli %parallel_loop3A_437, %parallel_loop3A_438 : i32
        %parallel_loop3A_440 = vector.broadcast %parallel_loop3A_439 : i32 to vector<16xi32>
        %parallel_loop3A_441 = arith.addi %gather3A_339, %parallel_loop3A_440 : vector<16xi32>
        %parallel_loop3A_442 = tpu.vector_load_idx %arg5[%parallel_loop3A_441] : memref<64000xf32, #tpu.memory_space<vmem>>[vector<16xi32>], vector<16xf32>,
        %parallel_loop3A_443 = arith.constant 8 : i32
        %parallel_loop3A_444 = arith.divsi %parallel_loop3A_437, %parallel_loop3A_443 : i32
        %parallel_loop3A_445 = arith.constant 0 : i32
        %parallel_loop3A_446 = arith.cmpi sgt, %parallel_loop3A_437, %parallel_loop3A_445 : i32
        %parallel_loop3A_447 = arith.extui %parallel_loop3A_446 : i1 to i32
        %parallel_loop3A_448 = arith.constant 0 : i32
        %parallel_loop3A_449 = arith.cmpi slt, %parallel_loop3A_437, %parallel_loop3A_448 : i32
        %parallel_loop3A_450 = arith.extui %parallel_loop3A_449 : i1 to i32
        %parallel_loop3A_451 = arith.subi %parallel_loop3A_447, %parallel_loop3A_450 : i32
        %parallel_loop3A_452 = arith.constant 0 : i32
        %parallel_loop3A_453 = arith.cmpi sgt, %parallel_loop3A_443, %parallel_loop3A_452 : i32
        %parallel_loop3A_454 = arith.extui %parallel_loop3A_453 : i1 to i32
        %parallel_loop3A_455 = arith.constant 0 : i32
        %parallel_loop3A_456 = arith.cmpi slt, %parallel_loop3A_443, %parallel_loop3A_455 : i32
        %parallel_loop3A_457 = arith.extui %parallel_loop3A_456 : i1 to i32
        %parallel_loop3A_458 = arith.subi %parallel_loop3A_454, %parallel_loop3A_457 : i32
        %parallel_loop3A_459 = arith.cmpi ne, %parallel_loop3A_451, %parallel_loop3A_458 : i32
        %parallel_loop3A_460 = arith.remsi %parallel_loop3A_437, %parallel_loop3A_443 : i32
        %parallel_loop3A_461 = arith.constant 0 : i32
        %parallel_loop3A_462 = arith.cmpi ne, %parallel_loop3A_460, %parallel_loop3A_461 : i32
        %parallel_loop3A_463 = arith.andi %parallel_loop3A_459, %parallel_loop3A_462 : i1
        %parallel_loop3A_464 = arith.constant 1 : i32
        %parallel_loop3A_465 = arith.subi %parallel_loop3A_444, %parallel_loop3A_464 : i32
        %parallel_loop3A_466 = arith.select %parallel_loop3A_463, %parallel_loop3A_465, %parallel_loop3A_444 : i32
        %parallel_loop3A_467 = arith.constant 8 : i32
        %parallel_loop3A_468 = arith.constant 0 : i32
        %parallel_loop3A_469 = arith.cmpi eq, %parallel_loop3A_467, %parallel_loop3A_468 : i32
        %parallel_loop3A_470 = arith.constant 1 : i32
        %parallel_loop3A_471 = arith.select %parallel_loop3A_469, %parallel_loop3A_470, %parallel_loop3A_467 : i32
        %parallel_loop3A_472 = arith.remsi %parallel_loop3A_437, %parallel_loop3A_471 : i32
        %parallel_loop3A_473 = arith.constant 0 : i32
        %parallel_loop3A_474 = arith.cmpi ne, %parallel_loop3A_472, %parallel_loop3A_473 : i32
        %parallel_loop3A_475 = arith.constant 0 : i32
        %parallel_loop3A_476 = arith.cmpi slt, %parallel_loop3A_472, %parallel_loop3A_475 : i32
        %parallel_loop3A_477 = arith.constant 0 : i32
        %parallel_loop3A_478 = arith.cmpi slt, %parallel_loop3A_471, %parallel_loop3A_477 : i32
        %parallel_loop3A_479 = arith.xori %parallel_loop3A_476, %parallel_loop3A_478 : i1
        %parallel_loop3A_480 = arith.andi %parallel_loop3A_479, %parallel_loop3A_474 : i1
        %parallel_loop3A_481 = arith.addi %parallel_loop3A_472, %parallel_loop3A_471 : i32
        %parallel_loop3A_482 = arith.select %parallel_loop3A_480, %parallel_loop3A_481, %parallel_loop3A_472 : i32
        %parallel_loop3A_483 = arith.constant 0 : i32
        %parallel_loop3A_484 = arith.index_cast %parallel_loop3A_483 : i32 to index
        %parallel_loop3A_485 = arith.index_cast %parallel_loop3A_466 : i32 to index
        %parallel_loop3A_486 = arith.index_cast %parallel_loop3A_482 : i32 to index
        %parallel_loop3A_487 = arith.constant 0 : index
        %parallel_loop3A_488 = tpu.vector_load %arg7[%parallel_loop3A_484, %parallel_loop3A_485, %parallel_loop3A_486, %parallel_loop3A_487] {strides = array<i32>} : memref<2x8x8x128xf32, #tpu.memory_space<vmem>>, vector<16xf32>,
        tpu.vector_store %arg7[%parallel_loop3A_484, %parallel_loop3A_485, %parallel_loop3A_486, %parallel_loop3A_487], %parallel_loop3A_442 {strides = array<i32>} : memref<2x8x8x128xf32, #tpu.memory_space<vmem>>, vector<16xf32>,
      } {sc.loop_unroll_factor = 8 : i64, sc.parallel_access}
      %parallel_loop3A_371 = arith.constant 0 : i32
      %parallel_loop3A_372 = arith.constant 64 : i32
      %parallel_loop3A_373 = arith.constant 1 : i32
      scf.for %parallel_loop3A_437 = %parallel_loop3A_371 to %parallel_loop3A_372 step %parallel_loop3A_373  : i32 {
        %parallel_loop3A_438 = arith.constant 1000 : i32
        %parallel_loop3A_439 = arith.muli %parallel_loop3A_437, %parallel_loop3A_438 : i32
        %parallel_loop3A_440 = vector.broadcast %parallel_loop3A_439 : i32 to vector<16xi32>
        %parallel_loop3A_441 = arith.addi %gather3A_343, %parallel_loop3A_440 : vector<16xi32>
        %parallel_loop3A_442 = tpu.vector_load_idx %arg5[%parallel_loop3A_441] : memref<64000xf32, #tpu.memory_space<vmem>>[vector<16xi32>], vector<16xf32>,
        %parallel_loop3A_443 = arith.constant 8 : i32
        %parallel_loop3A_444 = arith.divsi %parallel_loop3A_437, %parallel_loop3A_443 : i32
        %parallel_loop3A_445 = arith.constant 0 : i32
        %parallel_loop3A_446 = arith.cmpi sgt, %parallel_loop3A_437, %parallel_loop3A_445 : i32
        %parallel_loop3A_447 = arith.extui %parallel_loop3A_446 : i1 to i32
        %parallel_loop3A_448 = arith.constant 0 : i32
        %parallel_loop3A_449 = arith.cmpi slt, %parallel_loop3A_437, %parallel_loop3A_448 : i32
        %parallel_loop3A_450 = arith.extui %parallel_loop3A_449 : i1 to i32
        %parallel_loop3A_451 = arith.subi %parallel_loop3A_447, %parallel_loop3A_450 : i32
        %parallel_loop3A_452 = arith.constant 0 : i32
        %parallel_loop3A_453 = arith.cmpi sgt, %parallel_loop3A_443, %parallel_loop3A_452 : i32
        %parallel_loop3A_454 = arith.extui %parallel_loop3A_453 : i1 to i32
        %parallel_loop3A_455 = arith.constant 0 : i32
        %parallel_loop3A_456 = arith.cmpi slt, %parallel_loop3A_443, %parallel_loop3A_455 : i32
        %parallel_loop3A_457 = arith.extui %parallel_loop3A_456 : i1 to i32
        %parallel_loop3A_458 = arith.subi %parallel_loop3A_454, %parallel_loop3A_457 : i32
        %parallel_loop3A_459 = arith.cmpi ne, %parallel_loop3A_451, %parallel_loop3A_458 : i32
        %parallel_loop3A_460 = arith.remsi %parallel_loop3A_437, %parallel_loop3A_443 : i32
        %parallel_loop3A_461 = arith.constant 0 : i32
        %parallel_loop3A_462 = arith.cmpi ne, %parallel_loop3A_460, %parallel_loop3A_461 : i32
        %parallel_loop3A_463 = arith.andi %parallel_loop3A_459, %parallel_loop3A_462 : i1
        %parallel_loop3A_464 = arith.constant 1 : i32
        %parallel_loop3A_465 = arith.subi %parallel_loop3A_444, %parallel_loop3A_464 : i32
        %parallel_loop3A_466 = arith.select %parallel_loop3A_463, %parallel_loop3A_465, %parallel_loop3A_444 : i32
        %parallel_loop3A_467 = arith.constant 8 : i32
        %parallel_loop3A_468 = arith.constant 0 : i32
        %parallel_loop3A_469 = arith.cmpi eq, %parallel_loop3A_467, %parallel_loop3A_468 : i32
        %parallel_loop3A_470 = arith.constant 1 : i32
        %parallel_loop3A_471 = arith.select %parallel_loop3A_469, %parallel_loop3A_470, %parallel_loop3A_467 : i32
        %parallel_loop3A_472 = arith.remsi %parallel_loop3A_437, %parallel_loop3A_471 : i32
        %parallel_loop3A_473 = arith.constant 0 : i32
        %parallel_loop3A_474 = arith.cmpi ne, %parallel_loop3A_472, %parallel_loop3A_473 : i32
        %parallel_loop3A_475 = arith.constant 0 : i32
        %parallel_loop3A_476 = arith.cmpi slt, %parallel_loop3A_472, %parallel_loop3A_475 : i32
        %parallel_loop3A_477 = arith.constant 0 : i32
        %parallel_loop3A_478 = arith.cmpi slt, %parallel_loop3A_471, %parallel_loop3A_477 : i32
        %parallel_loop3A_479 = arith.xori %parallel_loop3A_476, %parallel_loop3A_478 : i1
        %parallel_loop3A_480 = arith.andi %parallel_loop3A_479, %parallel_loop3A_474 : i1
        %parallel_loop3A_481 = arith.addi %parallel_loop3A_472, %parallel_loop3A_471 : i32
        %parallel_loop3A_482 = arith.select %parallel_loop3A_480, %parallel_loop3A_481, %parallel_loop3A_472 : i32
        %parallel_loop3A_483 = arith.constant 0 : i32
        %parallel_loop3A_484 = arith.index_cast %parallel_loop3A_483 : i32 to index
        %parallel_loop3A_485 = arith.index_cast %parallel_loop3A_466 : i32 to index
        %parallel_loop3A_486 = arith.index_cast %parallel_loop3A_482 : i32 to index
        %parallel_loop3A_487 = arith.constant 16 : index
        %parallel_loop3A_488 = tpu.vector_load %arg7[%parallel_loop3A_484, %parallel_loop3A_485, %parallel_loop3A_486, %parallel_loop3A_487] {strides = array<i32>} : memref<2x8x8x128xf32, #tpu.memory_space<vmem>>, vector<16xf32>,
        tpu.vector_store %arg7[%parallel_loop3A_484, %parallel_loop3A_485, %parallel_loop3A_486, %parallel_loop3A_487], %parallel_loop3A_442 {strides = array<i32>} : memref<2x8x8x128xf32, #tpu.memory_space<vmem>>, vector<16xf32>,
      } {sc.loop_unroll_factor = 8 : i64, sc.parallel_access}
      %parallel_loop3A_374 = arith.constant 0 : i32
      %parallel_loop3A_375 = arith.constant 64 : i32
      %parallel_loop3A_376 = arith.constant 1 : i32
      scf.for %parallel_loop3A_437 = %parallel_loop3A_374 to %parallel_loop3A_375 step %parallel_loop3A_376  : i32 {
        %parallel_loop3A_438 = arith.constant 1000 : i32
        %parallel_loop3A_439 = arith.muli %parallel_loop3A_437, %parallel_loop3A_438 : i32
        %parallel_loop3A_440 = vector.broadcast %parallel_loop3A_439 : i32 to vector<16xi32>
        %parallel_loop3A_441 = arith.addi %gather3A_347, %parallel_loop3A_440 : vector<16xi32>
        %parallel_loop3A_442 = tpu.vector_load_idx %arg5[%parallel_loop3A_441] : memref<64000xf32, #tpu.memory_space<vmem>>[vector<16xi32>], vector<16xf32>,
        %parallel_loop3A_443 = arith.constant 8 : i32
        %parallel_loop3A_444 = arith.divsi %parallel_loop3A_437, %parallel_loop3A_443 : i32
        %parallel_loop3A_445 = arith.constant 0 : i32
        %parallel_loop3A_446 = arith.cmpi sgt, %parallel_loop3A_437, %parallel_loop3A_445 : i32
        %parallel_loop3A_447 = arith.extui %parallel_loop3A_446 : i1 to i32
        %parallel_loop3A_448 = arith.constant 0 : i32
        %parallel_loop3A_449 = arith.cmpi slt, %parallel_loop3A_437, %parallel_loop3A_448 : i32
        %parallel_loop3A_450 = arith.extui %parallel_loop3A_449 : i1 to i32
        %parallel_loop3A_451 = arith.subi %parallel_loop3A_447, %parallel_loop3A_450 : i32
        %parallel_loop3A_452 = arith.constant 0 : i32
        %parallel_loop3A_453 = arith.cmpi sgt, %parallel_loop3A_443, %parallel_loop3A_452 : i32
        %parallel_loop3A_454 = arith.extui %parallel_loop3A_453 : i1 to i32
        %parallel_loop3A_455 = arith.constant 0 : i32
        %parallel_loop3A_456 = arith.cmpi slt, %parallel_loop3A_443, %parallel_loop3A_455 : i32
        %parallel_loop3A_457 = arith.extui %parallel_loop3A_456 : i1 to i32
        %parallel_loop3A_458 = arith.subi %parallel_loop3A_454, %parallel_loop3A_457 : i32
        %parallel_loop3A_459 = arith.cmpi ne, %parallel_loop3A_451, %parallel_loop3A_458 : i32
        %parallel_loop3A_460 = arith.remsi %parallel_loop3A_437, %parallel_loop3A_443 : i32
        %parallel_loop3A_461 = arith.constant 0 : i32
        %parallel_loop3A_462 = arith.cmpi ne, %parallel_loop3A_460, %parallel_loop3A_461 : i32
        %parallel_loop3A_463 = arith.andi %parallel_loop3A_459, %parallel_loop3A_462 : i1
        %parallel_loop3A_464 = arith.constant 1 : i32
        %parallel_loop3A_465 = arith.subi %parallel_loop3A_444, %parallel_loop3A_464 : i32
        %parallel_loop3A_466 = arith.select %parallel_loop3A_463, %parallel_loop3A_465, %parallel_loop3A_444 : i32
        %parallel_loop3A_467 = arith.constant 8 : i32
        %parallel_loop3A_468 = arith.constant 0 : i32
        %parallel_loop3A_469 = arith.cmpi eq, %parallel_loop3A_467, %parallel_loop3A_468 : i32
        %parallel_loop3A_470 = arith.constant 1 : i32
        %parallel_loop3A_471 = arith.select %parallel_loop3A_469, %parallel_loop3A_470, %parallel_loop3A_467 : i32
        %parallel_loop3A_472 = arith.remsi %parallel_loop3A_437, %parallel_loop3A_471 : i32
        %parallel_loop3A_473 = arith.constant 0 : i32
        %parallel_loop3A_474 = arith.cmpi ne, %parallel_loop3A_472, %parallel_loop3A_473 : i32
        %parallel_loop3A_475 = arith.constant 0 : i32
        %parallel_loop3A_476 = arith.cmpi slt, %parallel_loop3A_472, %parallel_loop3A_475 : i32
        %parallel_loop3A_477 = arith.constant 0 : i32
        %parallel_loop3A_478 = arith.cmpi slt, %parallel_loop3A_471, %parallel_loop3A_477 : i32
        %parallel_loop3A_479 = arith.xori %parallel_loop3A_476, %parallel_loop3A_478 : i1
        %parallel_loop3A_480 = arith.andi %parallel_loop3A_479, %parallel_loop3A_474 : i1
        %parallel_loop3A_481 = arith.addi %parallel_loop3A_472, %parallel_loop3A_471 : i32
        %parallel_loop3A_482 = arith.select %parallel_loop3A_480, %parallel_loop3A_481, %parallel_loop3A_472 : i32
        %parallel_loop3A_483 = arith.constant 0 : i32
        %parallel_loop3A_484 = arith.index_cast %parallel_loop3A_483 : i32 to index
        %parallel_loop3A_485 = arith.index_cast %parallel_loop3A_466 : i32 to index
        %parallel_loop3A_486 = arith.index_cast %parallel_loop3A_482 : i32 to index
        %parallel_loop3A_487 = arith.constant 32 : index
        %parallel_loop3A_488 = tpu.vector_load %arg7[%parallel_loop3A_484, %parallel_loop3A_485, %parallel_loop3A_486, %parallel_loop3A_487] {strides = array<i32>} : memref<2x8x8x128xf32, #tpu.memory_space<vmem>>, vector<16xf32>,
        tpu.vector_store %arg7[%parallel_loop3A_484, %parallel_loop3A_485, %parallel_loop3A_486, %parallel_loop3A_487], %parallel_loop3A_442 {strides = array<i32>} : memref<2x8x8x128xf32, #tpu.memory_space<vmem>>, vector<16xf32>,
      } {sc.loop_unroll_factor = 8 : i64, sc.parallel_access}
      %parallel_loop3A_377 = arith.constant 0 : i32
      %parallel_loop3A_378 = arith.constant 64 : i32
      %parallel_loop3A_379 = arith.constant 1 : i32
      scf.for %parallel_loop3A_437 = %parallel_loop3A_377 to %parallel_loop3A_378 step %parallel_loop3A_379  : i32 {
        %parallel_loop3A_438 = arith.constant 1000 : i32
        %parallel_loop3A_439 = arith.muli %parallel_loop3A_437, %parallel_loop3A_438 : i32
        %parallel_loop3A_440 = vector.broadcast %parallel_loop3A_439 : i32 to vector<16xi32>
        %parallel_loop3A_441 = arith.addi %gather3A_351, %parallel_loop3A_440 : vector<16xi32>
        %parallel_loop3A_442 = tpu.vector_load_idx %arg5[%parallel_loop3A_441] : memref<64000xf32, #tpu.memory_space<vmem>>[vector<16xi32>], vector<16xf32>,
        %parallel_loop3A_443 = arith.constant 8 : i32
        %parallel_loop3A_444 = arith.divsi %parallel_loop3A_437, %parallel_loop3A_443 : i32
        %parallel_loop3A_445 = arith.constant 0 : i32
        %parallel_loop3A_446 = arith.cmpi sgt, %parallel_loop3A_437, %parallel_loop3A_445 : i32
        %parallel_loop3A_447 = arith.extui %parallel_loop3A_446 : i1 to i32
        %parallel_loop3A_448 = arith.constant 0 : i32
        %parallel_loop3A_449 = arith.cmpi slt, %parallel_loop3A_437, %parallel_loop3A_448 : i32
        %parallel_loop3A_450 = arith.extui %parallel_loop3A_449 : i1 to i32
        %parallel_loop3A_451 = arith.subi %parallel_loop3A_447, %parallel_loop3A_450 : i32
        %parallel_loop3A_452 = arith.constant 0 : i32
        %parallel_loop3A_453 = arith.cmpi sgt, %parallel_loop3A_443, %parallel_loop3A_452 : i32
        %parallel_loop3A_454 = arith.extui %parallel_loop3A_453 : i1 to i32
        %parallel_loop3A_455 = arith.constant 0 : i32
        %parallel_loop3A_456 = arith.cmpi slt, %parallel_loop3A_443, %parallel_loop3A_455 : i32
        %parallel_loop3A_457 = arith.extui %parallel_loop3A_456 : i1 to i32
        %parallel_loop3A_458 = arith.subi %parallel_loop3A_454, %parallel_loop3A_457 : i32
        %parallel_loop3A_459 = arith.cmpi ne, %parallel_loop3A_451, %parallel_loop3A_458 : i32
        %parallel_loop3A_460 = arith.remsi %parallel_loop3A_437, %parallel_loop3A_443 : i32
        %parallel_loop3A_461 = arith.constant 0 : i32
        %parallel_loop3A_462 = arith.cmpi ne, %parallel_loop3A_460, %parallel_loop3A_461 : i32
        %parallel_loop3A_463 = arith.andi %parallel_loop3A_459, %parallel_loop3A_462 : i1
        %parallel_loop3A_464 = arith.constant 1 : i32
        %parallel_loop3A_465 = arith.subi %parallel_loop3A_444, %parallel_loop3A_464 : i32
        %parallel_loop3A_466 = arith.select %parallel_loop3A_463, %parallel_loop3A_465, %parallel_loop3A_444 : i32
        %parallel_loop3A_467 = arith.constant 8 : i32
        %parallel_loop3A_468 = arith.constant 0 : i32
        %parallel_loop3A_469 = arith.cmpi eq, %parallel_loop3A_467, %parallel_loop3A_468 : i32
        %parallel_loop3A_470 = arith.constant 1 : i32
        %parallel_loop3A_471 = arith.select %parallel_loop3A_469, %parallel_loop3A_470, %parallel_loop3A_467 : i32
        %parallel_loop3A_472 = arith.remsi %parallel_loop3A_437, %parallel_loop3A_471 : i32
        %parallel_loop3A_473 = arith.constant 0 : i32
        %parallel_loop3A_474 = arith.cmpi ne, %parallel_loop3A_472, %parallel_loop3A_473 : i32
        %parallel_loop3A_475 = arith.constant 0 : i32
        %parallel_loop3A_476 = arith.cmpi slt, %parallel_loop3A_472, %parallel_loop3A_475 : i32
        %parallel_loop3A_477 = arith.constant 0 : i32
        %parallel_loop3A_478 = arith.cmpi slt, %parallel_loop3A_471, %parallel_loop3A_477 : i32
        %parallel_loop3A_479 = arith.xori %parallel_loop3A_476, %parallel_loop3A_478 : i1
        %parallel_loop3A_480 = arith.andi %parallel_loop3A_479, %parallel_loop3A_474 : i1
        %parallel_loop3A_481 = arith.addi %parallel_loop3A_472, %parallel_loop3A_471 : i32
        %parallel_loop3A_482 = arith.select %parallel_loop3A_480, %parallel_loop3A_481, %parallel_loop3A_472 : i32
        %parallel_loop3A_483 = arith.constant 0 : i32
        %parallel_loop3A_484 = arith.index_cast %parallel_loop3A_483 : i32 to index
        %parallel_loop3A_485 = arith.index_cast %parallel_loop3A_466 : i32 to index
        %parallel_loop3A_486 = arith.index_cast %parallel_loop3A_482 : i32 to index
        %parallel_loop3A_487 = arith.constant 48 : index
        %parallel_loop3A_488 = tpu.vector_load %arg7[%parallel_loop3A_484, %parallel_loop3A_485, %parallel_loop3A_486, %parallel_loop3A_487] {strides = array<i32>} : memref<2x8x8x128xf32, #tpu.memory_space<vmem>>, vector<16xf32>,
        tpu.vector_store %arg7[%parallel_loop3A_484, %parallel_loop3A_485, %parallel_loop3A_486, %parallel_loop3A_487], %parallel_loop3A_442 {strides = array<i32>} : memref<2x8x8x128xf32, #tpu.memory_space<vmem>>, vector<16xf32>,
      } {sc.loop_unroll_factor = 8 : i64, sc.parallel_access}
      %parallel_loop3A_380 = arith.constant 0 : i32
      %parallel_loop3A_381 = arith.constant 64 : i32
      %parallel_loop3A_382 = arith.constant 1 : i32
      scf.for %parallel_loop3A_437 = %parallel_loop3A_380 to %parallel_loop3A_381 step %parallel_loop3A_382  : i32 {
        %parallel_loop3A_438 = arith.constant 1000 : i32
        %parallel_loop3A_439 = arith.muli %parallel_loop3A_437, %parallel_loop3A_438 : i32
        %parallel_loop3A_440 = vector.broadcast %parallel_loop3A_439 : i32 to vector<16xi32>
        %parallel_loop3A_441 = arith.addi %gather3A_355, %parallel_loop3A_440 : vector<16xi32>
        %parallel_loop3A_442 = tpu.vector_load_idx %arg5[%parallel_loop3A_441] : memref<64000xf32, #tpu.memory_space<vmem>>[vector<16xi32>], vector<16xf32>,
        %parallel_loop3A_443 = arith.constant 8 : i32
        %parallel_loop3A_444 = arith.divsi %parallel_loop3A_437, %parallel_loop3A_443 : i32
        %parallel_loop3A_445 = arith.constant 0 : i32
        %parallel_loop3A_446 = arith.cmpi sgt, %parallel_loop3A_437, %parallel_loop3A_445 : i32
        %parallel_loop3A_447 = arith.extui %parallel_loop3A_446 : i1 to i32
        %parallel_loop3A_448 = arith.constant 0 : i32
        %parallel_loop3A_449 = arith.cmpi slt, %parallel_loop3A_437, %parallel_loop3A_448 : i32
        %parallel_loop3A_450 = arith.extui %parallel_loop3A_449 : i1 to i32
        %parallel_loop3A_451 = arith.subi %parallel_loop3A_447, %parallel_loop3A_450 : i32
        %parallel_loop3A_452 = arith.constant 0 : i32
        %parallel_loop3A_453 = arith.cmpi sgt, %parallel_loop3A_443, %parallel_loop3A_452 : i32
        %parallel_loop3A_454 = arith.extui %parallel_loop3A_453 : i1 to i32
        %parallel_loop3A_455 = arith.constant 0 : i32
        %parallel_loop3A_456 = arith.cmpi slt, %parallel_loop3A_443, %parallel_loop3A_455 : i32
        %parallel_loop3A_457 = arith.extui %parallel_loop3A_456 : i1 to i32
        %parallel_loop3A_458 = arith.subi %parallel_loop3A_454, %parallel_loop3A_457 : i32
        %parallel_loop3A_459 = arith.cmpi ne, %parallel_loop3A_451, %parallel_loop3A_458 : i32
        %parallel_loop3A_460 = arith.remsi %parallel_loop3A_437, %parallel_loop3A_443 : i32
        %parallel_loop3A_461 = arith.constant 0 : i32
        %parallel_loop3A_462 = arith.cmpi ne, %parallel_loop3A_460, %parallel_loop3A_461 : i32
        %parallel_loop3A_463 = arith.andi %parallel_loop3A_459, %parallel_loop3A_462 : i1
        %parallel_loop3A_464 = arith.constant 1 : i32
        %parallel_loop3A_465 = arith.subi %parallel_loop3A_444, %parallel_loop3A_464 : i32
        %parallel_loop3A_466 = arith.select %parallel_loop3A_463, %parallel_loop3A_465, %parallel_loop3A_444 : i32
        %parallel_loop3A_467 = arith.constant 8 : i32
        %parallel_loop3A_468 = arith.constant 0 : i32
        %parallel_loop3A_469 = arith.cmpi eq, %parallel_loop3A_467, %parallel_loop3A_468 : i32
        %parallel_loop3A_470 = arith.constant 1 : i32
        %parallel_loop3A_471 = arith.select %parallel_loop3A_469, %parallel_loop3A_470, %parallel_loop3A_467 : i32
        %parallel_loop3A_472 = arith.remsi %parallel_loop3A_437, %parallel_loop3A_471 : i32
        %parallel_loop3A_473 = arith.constant 0 : i32
        %parallel_loop3A_474 = arith.cmpi ne, %parallel_loop3A_472, %parallel_loop3A_473 : i32
        %parallel_loop3A_475 = arith.constant 0 : i32
        %parallel_loop3A_476 = arith.cmpi slt, %parallel_loop3A_472, %parallel_loop3A_475 : i32
        %parallel_loop3A_477 = arith.constant 0 : i32
        %parallel_loop3A_478 = arith.cmpi slt, %parallel_loop3A_471, %parallel_loop3A_477 : i32
        %parallel_loop3A_479 = arith.xori %parallel_loop3A_476, %parallel_loop3A_478 : i1
        %parallel_loop3A_480 = arith.andi %parallel_loop3A_479, %parallel_loop3A_474 : i1
        %parallel_loop3A_481 = arith.addi %parallel_loop3A_472, %parallel_loop3A_471 : i32
        %parallel_loop3A_482 = arith.select %parallel_loop3A_480, %parallel_loop3A_481, %parallel_loop3A_472 : i32
        %parallel_loop3A_483 = arith.constant 0 : i32
        %parallel_loop3A_484 = arith.index_cast %parallel_loop3A_483 : i32 to index
        %parallel_loop3A_485 = arith.index_cast %parallel_loop3A_466 : i32 to index
        %parallel_loop3A_486 = arith.index_cast %parallel_loop3A_482 : i32 to index
        %parallel_loop3A_487 = arith.constant 64 : index
        %parallel_loop3A_488 = tpu.vector_load %arg7[%parallel_loop3A_484, %parallel_loop3A_485, %parallel_loop3A_486, %parallel_loop3A_487] {strides = array<i32>} : memref<2x8x8x128xf32, #tpu.memory_space<vmem>>, vector<16xf32>,
        tpu.vector_store %arg7[%parallel_loop3A_484, %parallel_loop3A_485, %parallel_loop3A_486, %parallel_loop3A_487], %parallel_loop3A_442 {strides = array<i32>} : memref<2x8x8x128xf32, #tpu.memory_space<vmem>>, vector<16xf32>,
      } {sc.loop_unroll_factor = 8 : i64, sc.parallel_access}
      %parallel_loop3A_383 = arith.constant 0 : i32
      %parallel_loop3A_384 = arith.constant 64 : i32
      %parallel_loop3A_385 = arith.constant 1 : i32
      scf.for %parallel_loop3A_437 = %parallel_loop3A_383 to %parallel_loop3A_384 step %parallel_loop3A_385  : i32 {
        %parallel_loop3A_438 = arith.constant 1000 : i32
        %parallel_loop3A_439 = arith.muli %parallel_loop3A_437, %parallel_loop3A_438 : i32
        %parallel_loop3A_440 = vector.broadcast %parallel_loop3A_439 : i32 to vector<16xi32>
        %parallel_loop3A_441 = arith.addi %gather3A_359, %parallel_loop3A_440 : vector<16xi32>
        %parallel_loop3A_442 = tpu.vector_load_idx %arg5[%parallel_loop3A_441] : memref<64000xf32, #tpu.memory_space<vmem>>[vector<16xi32>], vector<16xf32>,
        %parallel_loop3A_443 = arith.constant 8 : i32
        %parallel_loop3A_444 = arith.divsi %parallel_loop3A_437, %parallel_loop3A_443 : i32
        %parallel_loop3A_445 = arith.constant 0 : i32
        %parallel_loop3A_446 = arith.cmpi sgt, %parallel_loop3A_437, %parallel_loop3A_445 : i32
        %parallel_loop3A_447 = arith.extui %parallel_loop3A_446 : i1 to i32
        %parallel_loop3A_448 = arith.constant 0 : i32
        %parallel_loop3A_449 = arith.cmpi slt, %parallel_loop3A_437, %parallel_loop3A_448 : i32
        %parallel_loop3A_450 = arith.extui %parallel_loop3A_449 : i1 to i32
        %parallel_loop3A_451 = arith.subi %parallel_loop3A_447, %parallel_loop3A_450 : i32
        %parallel_loop3A_452 = arith.constant 0 : i32
        %parallel_loop3A_453 = arith.cmpi sgt, %parallel_loop3A_443, %parallel_loop3A_452 : i32
        %parallel_loop3A_454 = arith.extui %parallel_loop3A_453 : i1 to i32
        %parallel_loop3A_455 = arith.constant 0 : i32
        %parallel_loop3A_456 = arith.cmpi slt, %parallel_loop3A_443, %parallel_loop3A_455 : i32
        %parallel_loop3A_457 = arith.extui %parallel_loop3A_456 : i1 to i32
        %parallel_loop3A_458 = arith.subi %parallel_loop3A_454, %parallel_loop3A_457 : i32
        %parallel_loop3A_459 = arith.cmpi ne, %parallel_loop3A_451, %parallel_loop3A_458 : i32
        %parallel_loop3A_460 = arith.remsi %parallel_loop3A_437, %parallel_loop3A_443 : i32
        %parallel_loop3A_461 = arith.constant 0 : i32
        %parallel_loop3A_462 = arith.cmpi ne, %parallel_loop3A_460, %parallel_loop3A_461 : i32
        %parallel_loop3A_463 = arith.andi %parallel_loop3A_459, %parallel_loop3A_462 : i1
        %parallel_loop3A_464 = arith.constant 1 : i32
        %parallel_loop3A_465 = arith.subi %parallel_loop3A_444, %parallel_loop3A_464 : i32
        %parallel_loop3A_466 = arith.select %parallel_loop3A_463, %parallel_loop3A_465, %parallel_loop3A_444 : i32
        %parallel_loop3A_467 = arith.constant 8 : i32
        %parallel_loop3A_468 = arith.constant 0 : i32
        %parallel_loop3A_469 = arith.cmpi eq, %parallel_loop3A_467, %parallel_loop3A_468 : i32
        %parallel_loop3A_470 = arith.constant 1 : i32
        %parallel_loop3A_471 = arith.select %parallel_loop3A_469, %parallel_loop3A_470, %parallel_loop3A_467 : i32
        %parallel_loop3A_472 = arith.remsi %parallel_loop3A_437, %parallel_loop3A_471 : i32
        %parallel_loop3A_473 = arith.constant 0 : i32
        %parallel_loop3A_474 = arith.cmpi ne, %parallel_loop3A_472, %parallel_loop3A_473 : i32
        %parallel_loop3A_475 = arith.constant 0 : i32
        %parallel_loop3A_476 = arith.cmpi slt, %parallel_loop3A_472, %parallel_loop3A_475 : i32
        %parallel_loop3A_477 = arith.constant 0 : i32
        %parallel_loop3A_478 = arith.cmpi slt, %parallel_loop3A_471, %parallel_loop3A_477 : i32
        %parallel_loop3A_479 = arith.xori %parallel_loop3A_476, %parallel_loop3A_478 : i1
        %parallel_loop3A_480 = arith.andi %parallel_loop3A_479, %parallel_loop3A_474 : i1
        %parallel_loop3A_481 = arith.addi %parallel_loop3A_472, %parallel_loop3A_471 : i32
        %parallel_loop3A_482 = arith.select %parallel_loop3A_480, %parallel_loop3A_481, %parallel_loop3A_472 : i32
        %parallel_loop3A_483 = arith.constant 0 : i32
        %parallel_loop3A_484 = arith.index_cast %parallel_loop3A_483 : i32 to index
        %parallel_loop3A_485 = arith.index_cast %parallel_loop3A_466 : i32 to index
        %parallel_loop3A_486 = arith.index_cast %parallel_loop3A_482 : i32 to index
        %parallel_loop3A_487 = arith.constant 80 : index
        %parallel_loop3A_488 = tpu.vector_load %arg7[%parallel_loop3A_484, %parallel_loop3A_485, %parallel_loop3A_486, %parallel_loop3A_487] {strides = array<i32>} : memref<2x8x8x128xf32, #tpu.memory_space<vmem>>, vector<16xf32>,
        tpu.vector_store %arg7[%parallel_loop3A_484, %parallel_loop3A_485, %parallel_loop3A_486, %parallel_loop3A_487], %parallel_loop3A_442 {strides = array<i32>} : memref<2x8x8x128xf32, #tpu.memory_space<vmem>>, vector<16xf32>,
      } {sc.loop_unroll_factor = 8 : i64, sc.parallel_access}
      %parallel_loop3A_386 = arith.constant 0 : i32
      %parallel_loop3A_387 = arith.constant 64 : i32
      %parallel_loop3A_388 = arith.constant 1 : i32
      scf.for %parallel_loop3A_437 = %parallel_loop3A_386 to %parallel_loop3A_387 step %parallel_loop3A_388  : i32 {
        %parallel_loop3A_438 = arith.constant 1000 : i32
        %parallel_loop3A_439 = arith.muli %parallel_loop3A_437, %parallel_loop3A_438 : i32
        %parallel_loop3A_440 = vector.broadcast %parallel_loop3A_439 : i32 to vector<16xi32>
        %parallel_loop3A_441 = arith.addi %gather3A_363, %parallel_loop3A_440 : vector<16xi32>
        %parallel_loop3A_442 = tpu.vector_load_idx %arg5[%parallel_loop3A_441] : memref<64000xf32, #tpu.memory_space<vmem>>[vector<16xi32>], vector<16xf32>,
        %parallel_loop3A_443 = arith.constant 8 : i32
        %parallel_loop3A_444 = arith.divsi %parallel_loop3A_437, %parallel_loop3A_443 : i32
        %parallel_loop3A_445 = arith.constant 0 : i32
        %parallel_loop3A_446 = arith.cmpi sgt, %parallel_loop3A_437, %parallel_loop3A_445 : i32
        %parallel_loop3A_447 = arith.extui %parallel_loop3A_446 : i1 to i32
        %parallel_loop3A_448 = arith.constant 0 : i32
        %parallel_loop3A_449 = arith.cmpi slt, %parallel_loop3A_437, %parallel_loop3A_448 : i32
        %parallel_loop3A_450 = arith.extui %parallel_loop3A_449 : i1 to i32
        %parallel_loop3A_451 = arith.subi %parallel_loop3A_447, %parallel_loop3A_450 : i32
        %parallel_loop3A_452 = arith.constant 0 : i32
        %parallel_loop3A_453 = arith.cmpi sgt, %parallel_loop3A_443, %parallel_loop3A_452 : i32
        %parallel_loop3A_454 = arith.extui %parallel_loop3A_453 : i1 to i32
        %parallel_loop3A_455 = arith.constant 0 : i32
        %parallel_loop3A_456 = arith.cmpi slt, %parallel_loop3A_443, %parallel_loop3A_455 : i32
        %parallel_loop3A_457 = arith.extui %parallel_loop3A_456 : i1 to i32
        %parallel_loop3A_458 = arith.subi %parallel_loop3A_454, %parallel_loop3A_457 : i32
        %parallel_loop3A_459 = arith.cmpi ne, %parallel_loop3A_451, %parallel_loop3A_458 : i32
        %parallel_loop3A_460 = arith.remsi %parallel_loop3A_437, %parallel_loop3A_443 : i32
        %parallel_loop3A_461 = arith.constant 0 : i32
        %parallel_loop3A_462 = arith.cmpi ne, %parallel_loop3A_460, %parallel_loop3A_461 : i32
        %parallel_loop3A_463 = arith.andi %parallel_loop3A_459, %parallel_loop3A_462 : i1
        %parallel_loop3A_464 = arith.constant 1 : i32
        %parallel_loop3A_465 = arith.subi %parallel_loop3A_444, %parallel_loop3A_464 : i32
        %parallel_loop3A_466 = arith.select %parallel_loop3A_463, %parallel_loop3A_465, %parallel_loop3A_444 : i32
        %parallel_loop3A_467 = arith.constant 8 : i32
        %parallel_loop3A_468 = arith.constant 0 : i32
        %parallel_loop3A_469 = arith.cmpi eq, %parallel_loop3A_467, %parallel_loop3A_468 : i32
        %parallel_loop3A_470 = arith.constant 1 : i32
        %parallel_loop3A_471 = arith.select %parallel_loop3A_469, %parallel_loop3A_470, %parallel_loop3A_467 : i32
        %parallel_loop3A_472 = arith.remsi %parallel_loop3A_437, %parallel_loop3A_471 : i32
        %parallel_loop3A_473 = arith.constant 0 : i32
        %parallel_loop3A_474 = arith.cmpi ne, %parallel_loop3A_472, %parallel_loop3A_473 : i32
        %parallel_loop3A_475 = arith.constant 0 : i32
        %parallel_loop3A_476 = arith.cmpi slt, %parallel_loop3A_472, %parallel_loop3A_475 : i32
        %parallel_loop3A_477 = arith.constant 0 : i32
        %parallel_loop3A_478 = arith.cmpi slt, %parallel_loop3A_471, %parallel_loop3A_477 : i32
        %parallel_loop3A_479 = arith.xori %parallel_loop3A_476, %parallel_loop3A_478 : i1
        %parallel_loop3A_480 = arith.andi %parallel_loop3A_479, %parallel_loop3A_474 : i1
        %parallel_loop3A_481 = arith.addi %parallel_loop3A_472, %parallel_loop3A_471 : i32
        %parallel_loop3A_482 = arith.select %parallel_loop3A_480, %parallel_loop3A_481, %parallel_loop3A_472 : i32
        %parallel_loop3A_483 = arith.constant 0 : i32
        %parallel_loop3A_484 = arith.index_cast %parallel_loop3A_483 : i32 to index
        %parallel_loop3A_485 = arith.index_cast %parallel_loop3A_466 : i32 to index
        %parallel_loop3A_486 = arith.index_cast %parallel_loop3A_482 : i32 to index
        %parallel_loop3A_487 = arith.constant 96 : index
        %parallel_loop3A_488 = tpu.vector_load %arg7[%parallel_loop3A_484, %parallel_loop3A_485, %parallel_loop3A_486, %parallel_loop3A_487] {strides = array<i32>} : memref<2x8x8x128xf32, #tpu.memory_space<vmem>>, vector<16xf32>,
        tpu.vector_store %arg7[%parallel_loop3A_484, %parallel_loop3A_485, %parallel_loop3A_486, %parallel_loop3A_487], %parallel_loop3A_442 {strides = array<i32>} : memref<2x8x8x128xf32, #tpu.memory_space<vmem>>, vector<16xf32>,
      } {sc.loop_unroll_factor = 8 : i64, sc.parallel_access}
      %parallel_loop3A_389 = arith.constant 0 : i32
      %parallel_loop3A_390 = arith.constant 64 : i32
      %parallel_loop3A_391 = arith.constant 1 : i32
      scf.for %parallel_loop3A_437 = %parallel_loop3A_389 to %parallel_loop3A_390 step %parallel_loop3A_391  : i32 {
        %parallel_loop3A_438 = arith.constant 1000 : i32
        %parallel_loop3A_439 = arith.muli %parallel_loop3A_437, %parallel_loop3A_438 : i32
        %parallel_loop3A_440 = vector.broadcast %parallel_loop3A_439 : i32 to vector<16xi32>
        %parallel_loop3A_441 = arith.addi %gather3A_367, %parallel_loop3A_440 : vector<16xi32>
        %parallel_loop3A_442 = tpu.vector_load_idx %arg5[%parallel_loop3A_441] : memref<64000xf32, #tpu.memory_space<vmem>>[vector<16xi32>], vector<16xf32>,
        %parallel_loop3A_443 = arith.constant 8 : i32
        %parallel_loop3A_444 = arith.divsi %parallel_loop3A_437, %parallel_loop3A_443 : i32
        %parallel_loop3A_445 = arith.constant 0 : i32
        %parallel_loop3A_446 = arith.cmpi sgt, %parallel_loop3A_437, %parallel_loop3A_445 : i32
        %parallel_loop3A_447 = arith.extui %parallel_loop3A_446 : i1 to i32
        %parallel_loop3A_448 = arith.constant 0 : i32
        %parallel_loop3A_449 = arith.cmpi slt, %parallel_loop3A_437, %parallel_loop3A_448 : i32
        %parallel_loop3A_450 = arith.extui %parallel_loop3A_449 : i1 to i32
        %parallel_loop3A_451 = arith.subi %parallel_loop3A_447, %parallel_loop3A_450 : i32
        %parallel_loop3A_452 = arith.constant 0 : i32
        %parallel_loop3A_453 = arith.cmpi sgt, %parallel_loop3A_443, %parallel_loop3A_452 : i32
        %parallel_loop3A_454 = arith.extui %parallel_loop3A_453 : i1 to i32
        %parallel_loop3A_455 = arith.constant 0 : i32
        %parallel_loop3A_456 = arith.cmpi slt, %parallel_loop3A_443, %parallel_loop3A_455 : i32
        %parallel_loop3A_457 = arith.extui %parallel_loop3A_456 : i1 to i32
        %parallel_loop3A_458 = arith.subi %parallel_loop3A_454, %parallel_loop3A_457 : i32
        %parallel_loop3A_459 = arith.cmpi ne, %parallel_loop3A_451, %parallel_loop3A_458 : i32
        %parallel_loop3A_460 = arith.remsi %parallel_loop3A_437, %parallel_loop3A_443 : i32
        %parallel_loop3A_461 = arith.constant 0 : i32
        %parallel_loop3A_462 = arith.cmpi ne, %parallel_loop3A_460, %parallel_loop3A_461 : i32
        %parallel_loop3A_463 = arith.andi %parallel_loop3A_459, %parallel_loop3A_462 : i1
        %parallel_loop3A_464 = arith.constant 1 : i32
        %parallel_loop3A_465 = arith.subi %parallel_loop3A_444, %parallel_loop3A_464 : i32
        %parallel_loop3A_466 = arith.select %parallel_loop3A_463, %parallel_loop3A_465, %parallel_loop3A_444 : i32
        %parallel_loop3A_467 = arith.constant 8 : i32
        %parallel_loop3A_468 = arith.constant 0 : i32
        %parallel_loop3A_469 = arith.cmpi eq, %parallel_loop3A_467, %parallel_loop3A_468 : i32
        %parallel_loop3A_470 = arith.constant 1 : i32
        %parallel_loop3A_471 = arith.select %parallel_loop3A_469, %parallel_loop3A_470, %parallel_loop3A_467 : i32
        %parallel_loop3A_472 = arith.remsi %parallel_loop3A_437, %parallel_loop3A_471 : i32
        %parallel_loop3A_473 = arith.constant 0 : i32
        %parallel_loop3A_474 = arith.cmpi ne, %parallel_loop3A_472, %parallel_loop3A_473 : i32
        %parallel_loop3A_475 = arith.constant 0 : i32
        %parallel_loop3A_476 = arith.cmpi slt, %parallel_loop3A_472, %parallel_loop3A_475 : i32
        %parallel_loop3A_477 = arith.constant 0 : i32
        %parallel_loop3A_478 = arith.cmpi slt, %parallel_loop3A_471, %parallel_loop3A_477 : i32
        %parallel_loop3A_479 = arith.xori %parallel_loop3A_476, %parallel_loop3A_478 : i1
        %parallel_loop3A_480 = arith.andi %parallel_loop3A_479, %parallel_loop3A_474 : i1
        %parallel_loop3A_481 = arith.addi %parallel_loop3A_472, %parallel_loop3A_471 : i32
        %parallel_loop3A_482 = arith.select %parallel_loop3A_480, %parallel_loop3A_481, %parallel_loop3A_472 : i32
        %parallel_loop3A_483 = arith.constant 0 : i32
        %parallel_loop3A_484 = arith.index_cast %parallel_loop3A_483 : i32 to index
        %parallel_loop3A_485 = arith.index_cast %parallel_loop3A_466 : i32 to index
        %parallel_loop3A_486 = arith.index_cast %parallel_loop3A_482 : i32 to index
        %parallel_loop3A_487 = arith.constant 112 : index
        %parallel_loop3A_488 = tpu.vector_load %arg7[%parallel_loop3A_484, %parallel_loop3A_485, %parallel_loop3A_486, %parallel_loop3A_487] {strides = array<i32>} : memref<2x8x8x128xf32, #tpu.memory_space<vmem>>, vector<16xf32>,
        tpu.vector_store %arg7[%parallel_loop3A_484, %parallel_loop3A_485, %parallel_loop3A_486, %parallel_loop3A_487], %parallel_loop3A_442 {strides = array<i32>} : memref<2x8x8x128xf32, #tpu.memory_space<vmem>>, vector<16xf32>,
      } {sc.loop_unroll_factor = 8 : i64, sc.parallel_access}
      %dma_wait3A_392 = arith.constant 1 : i32
      %dma_wait3A_393 = arith.constant 0 : i32
      %dma_wait3A_394 = arith.constant 0 : i32
      %dma_wait3A_395 = arith.constant 0 : i32
      %dma_wait3A_396 = arith.constant 0 : i32
      %dma_wait3A_397 = tpu.memref_slice %arg7[%dma_wait3A_392, %dma_wait3A_394, %dma_wait3A_395, %dma_wait3A_396] : memref<2x8x8x128xf32, #tpu.memory_space<vmem>> -> memref<1x8x8x128xf32, #tpu.memory_space<vmem>>
      %dma_wait3A_398 = tpu.memref_squeeze %dma_wait3A_397 : memref<1x8x8x128xf32, #tpu.memory_space<vmem>> -> memref<8x8x128xf32, #tpu.memory_space<vmem>>
      %dma_wait3A_399 = arith.constant 0 : i32
      %dma_wait3A_400 = arith.constant 0 : i32
      %dma_wait3A_401 = arith.constant 0 : i32
      %dma_wait3A_402 = tpu.memref_slice %arg4[%dma_wait3A_393, %dma_wait3A_399, %add3A, %dma_wait3A_400, %dma_wait3A_401] : memref<200x8x32x8x128xf32, #tpu.memory_space<hbm>> -> memref<1x8x1x8x128xf32, #tpu.memory_space<hbm>>
      %dma_wait3A_403 = tpu.memref_squeeze %dma_wait3A_402 : memref<1x8x1x8x128xf32, #tpu.memory_space<hbm>> -> memref<8x8x128xf32, #tpu.memory_space<hbm>>
      %dma_wait3A_404 = arith.constant 0 : i32
      %dma_wait3A_405 = arith.constant 0 : i32
      %dma_wait3A_406 = arith.constant 0 : i32
      %dma_wait3A_407 = tpu.memref_slice %arg4[%dma_wait3A_393, %dma_wait3A_404, %add3A, %dma_wait3A_405, %dma_wait3A_406] : memref<200x8x32x8x128xf32, #tpu.memory_space<hbm>> -> memref<1x8x1x8x128xf32, #tpu.memory_space<hbm>>
      %dma_wait3A_408 = tpu.memref_squeeze %dma_wait3A_407 : memref<1x8x1x8x128xf32, #tpu.memory_space<hbm>> -> memref<8x8x128xf32, #tpu.memory_space<hbm>>
      %dma_wait3A_409 = arith.constant 0 : i32
      %dma_wait3A_410 = arith.constant 0 : i32
      %dma_wait3A_411 = arith.constant 0 : i32
      %dma_wait3A_412 = tpu.memref_slice %arg7[%dma_wait3A_392, %dma_wait3A_409, %dma_wait3A_410, %dma_wait3A_411] : memref<2x8x8x128xf32, #tpu.memory_space<vmem>> -> memref<1x8x8x128xf32, #tpu.memory_space<vmem>>
      %dma_wait3A_413 = tpu.memref_squeeze %dma_wait3A_412 : memref<1x8x8x128xf32, #tpu.memory_space<vmem>> -> memref<8x8x128xf32, #tpu.memory_space<vmem>>
      tpu.wait_dma2 semaphore(%arg10 : memref<!tpu.dma_semaphore, #tpu.memory_space<semaphore_mem>>) src(%dma_wait3A_413 : memref<8x8x128xf32, #tpu.memory_space<vmem>>) dst(%dma_wait3A_408 : memref<8x8x128xf32, #tpu.memory_space<hbm>>)
      %add3A_414 = arith.constant 1 : i32
      %add3A_415 = arith.addi %add3A_226, %add3A_414 : i32
      %dma_start3A_416 = arith.constant 0 : i32
      %dma_start3A_417 = arith.constant 0 : i32
      %dma_start3A_418 = arith.constant 0 : i32
      %dma_start3A_419 = arith.constant 0 : i32
      %dma_start3A_420 = tpu.memref_slice %arg7[%dma_start3A_416, %dma_start3A_417, %dma_start3A_418, %dma_start3A_419] : memref<2x8x8x128xf32, #tpu.memory_space<vmem>> -> memref<1x8x8x128xf32, #tpu.memory_space<vmem>>
      %dma_start3A_421 = tpu.memref_squeeze %dma_start3A_420 : memref<1x8x8x128xf32, #tpu.memory_space<vmem>> -> memref<8x8x128xf32, #tpu.memory_space<vmem>>
      %dma_start3A_422 = arith.constant 0 : i32
      %dma_start3A_423 = arith.constant 0 : i32
      %dma_start3A_424 = arith.constant 0 : i32
      %dma_start3A_425 = tpu.memref_slice %arg4[%add3A_415, %dma_start3A_422, %add3A, %dma_start3A_423, %dma_start3A_424] : memref<200x8x32x8x128xf32, #tpu.memory_space<hbm>> -> memref<1x8x1x8x128xf32, #tpu.memory_space<hbm>>
      %dma_start3A_426 = tpu.memref_squeeze %dma_start3A_425 : memref<1x8x1x8x128xf32, #tpu.memory_space<hbm>> -> memref<8x8x128xf32, #tpu.memory_space<hbm>>
      %dma_start3A_427 = arith.constant 0 : i32
      %dma_start3A_428 = arith.constant 0 : i32
      %dma_start3A_429 = arith.constant 0 : i32
      %dma_start3A_430 = tpu.memref_slice %arg4[%add3A_415, %dma_start3A_427, %add3A, %dma_start3A_428, %dma_start3A_429] : memref<200x8x32x8x128xf32, #tpu.memory_space<hbm>> -> memref<1x8x1x8x128xf32, #tpu.memory_space<hbm>>
      %dma_start3A_431 = tpu.memref_squeeze %dma_start3A_430 : memref<1x8x1x8x128xf32, #tpu.memory_space<hbm>> -> memref<8x8x128xf32, #tpu.memory_space<hbm>>
      %dma_start3A_432 = arith.constant 0 : i32
      %dma_start3A_433 = arith.constant 0 : i32
      %dma_start3A_434 = arith.constant 0 : i32
      %dma_start3A_435 = tpu.memref_slice %arg7[%dma_start3A_416, %dma_start3A_432, %dma_start3A_433, %dma_start3A_434] : memref<2x8x8x128xf32, #tpu.memory_space<vmem>> -> memref<1x8x8x128xf32, #tpu.memory_space<vmem>>
      %dma_start3A_436 = tpu.memref_squeeze %dma_start3A_435 : memref<1x8x8x128xf32, #tpu.memory_space<vmem>> -> memref<8x8x128xf32, #tpu.memory_space<vmem>>
      tpu.enqueue_dma source(%dma_start3A_436 : memref<8x8x128xf32, #tpu.memory_space<vmem>>) target(%dma_start3A_431 : memref<8x8x128xf32, #tpu.memory_space<hbm>>) target_semaphore(%arg9 : memref<!tpu.dma_semaphore, #tpu.memory_space<semaphore_mem>>)
    }
    %scan3A_94 = arith.constant 99 : i32
    %broadcast_in_dim3A_95 = arith.constant 0 : i32
    %broadcast_in_dim3A_96 = vector.broadcast %broadcast_in_dim3A_95 : i32 to vector<16xi32>
    %add3A_97 = arith.constant 199 : i32
    %add3A_98 = vector.broadcast %add3A_97 : i32 to vector<16xi32>
    %add3A_99 = arith.addi %broadcast_in_dim3A_96, %add3A_98 : vector<16xi32>
    %add3A_100 = arith.constant 0 : i32
    %add3A_101 = vector.broadcast %add3A_100 : i32 to vector<16xi32>
    %add3A_102 = arith.addi %iota3A, %add3A_101 : vector<16xi32>
    %gather3A_103 = tpu.vector_load_idx %arg6[%add3A_102, %add3A_99] : memref<128x200xi32, #tpu.memory_space<vmem>>[vector<16xi32>, vector<16xi32>], vector<16xi32>,
    %add3A_104 = arith.constant 16 : i32
    %add3A_105 = vector.broadcast %add3A_104 : i32 to vector<16xi32>
    %add3A_106 = arith.addi %iota3A, %add3A_105 : vector<16xi32>
    %gather3A_107 = tpu.vector_load_idx %arg6[%add3A_106, %add3A_99] : memref<128x200xi32, #tpu.memory_space<vmem>>[vector<16xi32>, vector<16xi32>], vector<16xi32>,
    %add3A_108 = arith.constant 32 : i32
    %add3A_109 = vector.broadcast %add3A_108 : i32 to vector<16xi32>
    %add3A_110 = arith.addi %iota3A, %add3A_109 : vector<16xi32>
    %gather3A_111 = tpu.vector_load_idx %arg6[%add3A_110, %add3A_99] : memref<128x200xi32, #tpu.memory_space<vmem>>[vector<16xi32>, vector<16xi32>], vector<16xi32>,
    %add3A_112 = arith.constant 48 : i32
    %add3A_113 = vector.broadcast %add3A_112 : i32 to vector<16xi32>
    %add3A_114 = arith.addi %iota3A, %add3A_113 : vector<16xi32>
    %gather3A_115 = tpu.vector_load_idx %arg6[%add3A_114, %add3A_99] : memref<128x200xi32, #tpu.memory_space<vmem>>[vector<16xi32>, vector<16xi32>], vector<16xi32>,
    %add3A_116 = arith.constant 64 : i32
    %add3A_117 = vector.broadcast %add3A_116 : i32 to vector<16xi32>
    %add3A_118 = arith.addi %iota3A, %add3A_117 : vector<16xi32>
    %gather3A_119 = tpu.vector_load_idx %arg6[%add3A_118, %add3A_99] : memref<128x200xi32, #tpu.memory_space<vmem>>[vector<16xi32>, vector<16xi32>], vector<16xi32>,
    %add3A_120 = arith.constant 80 : i32
    %add3A_121 = vector.broadcast %add3A_120 : i32 to vector<16xi32>
    %add3A_122 = arith.addi %iota3A, %add3A_121 : vector<16xi32>
    %gather3A_123 = tpu.vector_load_idx %arg6[%add3A_122, %add3A_99] : memref<128x200xi32, #tpu.memory_space<vmem>>[vector<16xi32>, vector<16xi32>], vector<16xi32>,
    %add3A_124 = arith.constant 96 : i32
    %add3A_125 = vector.broadcast %add3A_124 : i32 to vector<16xi32>
    %add3A_126 = arith.addi %iota3A, %add3A_125 : vector<16xi32>
    %gather3A_127 = tpu.vector_load_idx %arg6[%add3A_126, %add3A_99] : memref<128x200xi32, #tpu.memory_space<vmem>>[vector<16xi32>, vector<16xi32>], vector<16xi32>,
    %add3A_128 = arith.constant 112 : i32
    %add3A_129 = vector.broadcast %add3A_128 : i32 to vector<16xi32>
    %add3A_130 = arith.addi %iota3A, %add3A_129 : vector<16xi32>
    %gather3A_131 = tpu.vector_load_idx %arg6[%add3A_130, %add3A_99] : memref<128x200xi32, #tpu.memory_space<vmem>>[vector<16xi32>, vector<16xi32>], vector<16xi32>,
    %parallel_loop3A_132 = arith.constant 0 : i32
    %parallel_loop3A_133 = arith.constant 64 : i32
    %parallel_loop3A_134 = arith.constant 1 : i32
    scf.for %parallel_loop3A_222 = %parallel_loop3A_132 to %parallel_loop3A_133 step %parallel_loop3A_134  : i32 {
      %parallel_loop3A_223 = arith.constant 1000 : i32
      %parallel_loop3A_224 = arith.muli %parallel_loop3A_222, %parallel_loop3A_223 : i32
      %parallel_loop3A_225 = vector.broadcast %parallel_loop3A_224 : i32 to vector<16xi32>
      %parallel_loop3A_226 = arith.addi %gather3A_103, %parallel_loop3A_225 : vector<16xi32>
      %parallel_loop3A_227 = tpu.vector_load_idx %arg5[%parallel_loop3A_226] : memref<64000xf32, #tpu.memory_space<vmem>>[vector<16xi32>], vector<16xf32>,
      %parallel_loop3A_228 = arith.constant 8 : i32
      %parallel_loop3A_229 = arith.divsi %parallel_loop3A_222, %parallel_loop3A_228 : i32
      %parallel_loop3A_230 = arith.constant 0 : i32
      %parallel_loop3A_231 = arith.cmpi sgt, %parallel_loop3A_222, %parallel_loop3A_230 : i32
      %parallel_loop3A_232 = arith.extui %parallel_loop3A_231 : i1 to i32
      %parallel_loop3A_233 = arith.constant 0 : i32
      %parallel_loop3A_234 = arith.cmpi slt, %parallel_loop3A_222, %parallel_loop3A_233 : i32
      %parallel_loop3A_235 = arith.extui %parallel_loop3A_234 : i1 to i32
      %parallel_loop3A_236 = arith.subi %parallel_loop3A_232, %parallel_loop3A_235 : i32
      %parallel_loop3A_237 = arith.constant 0 : i32
      %parallel_loop3A_238 = arith.cmpi sgt, %parallel_loop3A_228, %parallel_loop3A_237 : i32
      %parallel_loop3A_239 = arith.extui %parallel_loop3A_238 : i1 to i32
      %parallel_loop3A_240 = arith.constant 0 : i32
      %parallel_loop3A_241 = arith.cmpi slt, %parallel_loop3A_228, %parallel_loop3A_240 : i32
      %parallel_loop3A_242 = arith.extui %parallel_loop3A_241 : i1 to i32
      %parallel_loop3A_243 = arith.subi %parallel_loop3A_239, %parallel_loop3A_242 : i32
      %parallel_loop3A_244 = arith.cmpi ne, %parallel_loop3A_236, %parallel_loop3A_243 : i32
      %parallel_loop3A_245 = arith.remsi %parallel_loop3A_222, %parallel_loop3A_228 : i32
      %parallel_loop3A_246 = arith.constant 0 : i32
      %parallel_loop3A_247 = arith.cmpi ne, %parallel_loop3A_245, %parallel_loop3A_246 : i32
      %parallel_loop3A_248 = arith.andi %parallel_loop3A_244, %parallel_loop3A_247 : i1
      %parallel_loop3A_249 = arith.constant 1 : i32
      %parallel_loop3A_250 = arith.subi %parallel_loop3A_229, %parallel_loop3A_249 : i32
      %parallel_loop3A_251 = arith.select %parallel_loop3A_248, %parallel_loop3A_250, %parallel_loop3A_229 : i32
      %parallel_loop3A_252 = arith.constant 8 : i32
      %parallel_loop3A_253 = arith.constant 0 : i32
      %parallel_loop3A_254 = arith.cmpi eq, %parallel_loop3A_252, %parallel_loop3A_253 : i32
      %parallel_loop3A_255 = arith.constant 1 : i32
      %parallel_loop3A_256 = arith.select %parallel_loop3A_254, %parallel_loop3A_255, %parallel_loop3A_252 : i32
      %parallel_loop3A_257 = arith.remsi %parallel_loop3A_222, %parallel_loop3A_256 : i32
      %parallel_loop3A_258 = arith.constant 0 : i32
      %parallel_loop3A_259 = arith.cmpi ne, %parallel_loop3A_257, %parallel_loop3A_258 : i32
      %parallel_loop3A_260 = arith.constant 0 : i32
      %parallel_loop3A_261 = arith.cmpi slt, %parallel_loop3A_257, %parallel_loop3A_260 : i32
      %parallel_loop3A_262 = arith.constant 0 : i32
      %parallel_loop3A_263 = arith.cmpi slt, %parallel_loop3A_256, %parallel_loop3A_262 : i32
      %parallel_loop3A_264 = arith.xori %parallel_loop3A_261, %parallel_loop3A_263 : i1
      %parallel_loop3A_265 = arith.andi %parallel_loop3A_264, %parallel_loop3A_259 : i1
      %parallel_loop3A_266 = arith.addi %parallel_loop3A_257, %parallel_loop3A_256 : i32
      %parallel_loop3A_267 = arith.select %parallel_loop3A_265, %parallel_loop3A_266, %parallel_loop3A_257 : i32
      %parallel_loop3A_268 = arith.constant 1 : i32
      %parallel_loop3A_269 = arith.index_cast %parallel_loop3A_268 : i32 to index
      %parallel_loop3A_270 = arith.index_cast %parallel_loop3A_251 : i32 to index
      %parallel_loop3A_271 = arith.index_cast %parallel_loop3A_267 : i32 to index
      %parallel_loop3A_272 = arith.constant 0 : index
      %parallel_loop3A_273 = tpu.vector_load %arg7[%parallel_loop3A_269, %parallel_loop3A_270, %parallel_loop3A_271, %parallel_loop3A_272] {strides = array<i32>} : memref<2x8x8x128xf32, #tpu.memory_space<vmem>>, vector<16xf32>,
      tpu.vector_store %arg7[%parallel_loop3A_269, %parallel_loop3A_270, %parallel_loop3A_271, %parallel_loop3A_272], %parallel_loop3A_227 {strides = array<i32>} : memref<2x8x8x128xf32, #tpu.memory_space<vmem>>, vector<16xf32>,
    } {sc.loop_unroll_factor = 8 : i64, sc.parallel_access}
    %parallel_loop3A_135 = arith.constant 0 : i32
    %parallel_loop3A_136 = arith.constant 64 : i32
    %parallel_loop3A_137 = arith.constant 1 : i32
    scf.for %parallel_loop3A_222 = %parallel_loop3A_135 to %parallel_loop3A_136 step %parallel_loop3A_137  : i32 {
      %parallel_loop3A_223 = arith.constant 1000 : i32
      %parallel_loop3A_224 = arith.muli %parallel_loop3A_222, %parallel_loop3A_223 : i32
      %parallel_loop3A_225 = vector.broadcast %parallel_loop3A_224 : i32 to vector<16xi32>
      %parallel_loop3A_226 = arith.addi %gather3A_107, %parallel_loop3A_225 : vector<16xi32>
      %parallel_loop3A_227 = tpu.vector_load_idx %arg5[%parallel_loop3A_226] : memref<64000xf32, #tpu.memory_space<vmem>>[vector<16xi32>], vector<16xf32>,
      %parallel_loop3A_228 = arith.constant 8 : i32
      %parallel_loop3A_229 = arith.divsi %parallel_loop3A_222, %parallel_loop3A_228 : i32
      %parallel_loop3A_230 = arith.constant 0 : i32
      %parallel_loop3A_231 = arith.cmpi sgt, %parallel_loop3A_222, %parallel_loop3A_230 : i32
      %parallel_loop3A_232 = arith.extui %parallel_loop3A_231 : i1 to i32
      %parallel_loop3A_233 = arith.constant 0 : i32
      %parallel_loop3A_234 = arith.cmpi slt, %parallel_loop3A_222, %parallel_loop3A_233 : i32
      %parallel_loop3A_235 = arith.extui %parallel_loop3A_234 : i1 to i32
      %parallel_loop3A_236 = arith.subi %parallel_loop3A_232, %parallel_loop3A_235 : i32
      %parallel_loop3A_237 = arith.constant 0 : i32
      %parallel_loop3A_238 = arith.cmpi sgt, %parallel_loop3A_228, %parallel_loop3A_237 : i32
      %parallel_loop3A_239 = arith.extui %parallel_loop3A_238 : i1 to i32
      %parallel_loop3A_240 = arith.constant 0 : i32
      %parallel_loop3A_241 = arith.cmpi slt, %parallel_loop3A_228, %parallel_loop3A_240 : i32
      %parallel_loop3A_242 = arith.extui %parallel_loop3A_241 : i1 to i32
      %parallel_loop3A_243 = arith.subi %parallel_loop3A_239, %parallel_loop3A_242 : i32
      %parallel_loop3A_244 = arith.cmpi ne, %parallel_loop3A_236, %parallel_loop3A_243 : i32
      %parallel_loop3A_245 = arith.remsi %parallel_loop3A_222, %parallel_loop3A_228 : i32
      %parallel_loop3A_246 = arith.constant 0 : i32
      %parallel_loop3A_247 = arith.cmpi ne, %parallel_loop3A_245, %parallel_loop3A_246 : i32
      %parallel_loop3A_248 = arith.andi %parallel_loop3A_244, %parallel_loop3A_247 : i1
      %parallel_loop3A_249 = arith.constant 1 : i32
      %parallel_loop3A_250 = arith.subi %parallel_loop3A_229, %parallel_loop3A_249 : i32
      %parallel_loop3A_251 = arith.select %parallel_loop3A_248, %parallel_loop3A_250, %parallel_loop3A_229 : i32
      %parallel_loop3A_252 = arith.constant 8 : i32
      %parallel_loop3A_253 = arith.constant 0 : i32
      %parallel_loop3A_254 = arith.cmpi eq, %parallel_loop3A_252, %parallel_loop3A_253 : i32
      %parallel_loop3A_255 = arith.constant 1 : i32
      %parallel_loop3A_256 = arith.select %parallel_loop3A_254, %parallel_loop3A_255, %parallel_loop3A_252 : i32
      %parallel_loop3A_257 = arith.remsi %parallel_loop3A_222, %parallel_loop3A_256 : i32
      %parallel_loop3A_258 = arith.constant 0 : i32
      %parallel_loop3A_259 = arith.cmpi ne, %parallel_loop3A_257, %parallel_loop3A_258 : i32
      %parallel_loop3A_260 = arith.constant 0 : i32
      %parallel_loop3A_261 = arith.cmpi slt, %parallel_loop3A_257, %parallel_loop3A_260 : i32
      %parallel_loop3A_262 = arith.constant 0 : i32
      %parallel_loop3A_263 = arith.cmpi slt, %parallel_loop3A_256, %parallel_loop3A_262 : i32
      %parallel_loop3A_264 = arith.xori %parallel_loop3A_261, %parallel_loop3A_263 : i1
      %parallel_loop3A_265 = arith.andi %parallel_loop3A_264, %parallel_loop3A_259 : i1
      %parallel_loop3A_266 = arith.addi %parallel_loop3A_257, %parallel_loop3A_256 : i32
      %parallel_loop3A_267 = arith.select %parallel_loop3A_265, %parallel_loop3A_266, %parallel_loop3A_257 : i32
      %parallel_loop3A_268 = arith.constant 1 : i32
      %parallel_loop3A_269 = arith.index_cast %parallel_loop3A_268 : i32 to index
      %parallel_loop3A_270 = arith.index_cast %parallel_loop3A_251 : i32 to index
      %parallel_loop3A_271 = arith.index_cast %parallel_loop3A_267 : i32 to index
      %parallel_loop3A_272 = arith.constant 16 : index
      %parallel_loop3A_273 = tpu.vector_load %arg7[%parallel_loop3A_269, %parallel_loop3A_270, %parallel_loop3A_271, %parallel_loop3A_272] {strides = array<i32>} : memref<2x8x8x128xf32, #tpu.memory_space<vmem>>, vector<16xf32>,
      tpu.vector_store %arg7[%parallel_loop3A_269, %parallel_loop3A_270, %parallel_loop3A_271, %parallel_loop3A_272], %parallel_loop3A_227 {strides = array<i32>} : memref<2x8x8x128xf32, #tpu.memory_space<vmem>>, vector<16xf32>,
    } {sc.loop_unroll_factor = 8 : i64, sc.parallel_access}
    %parallel_loop3A_138 = arith.constant 0 : i32
    %parallel_loop3A_139 = arith.constant 64 : i32
    %parallel_loop3A_140 = arith.constant 1 : i32
    scf.for %parallel_loop3A_222 = %parallel_loop3A_138 to %parallel_loop3A_139 step %parallel_loop3A_140  : i32 {
      %parallel_loop3A_223 = arith.constant 1000 : i32
      %parallel_loop3A_224 = arith.muli %parallel_loop3A_222, %parallel_loop3A_223 : i32
      %parallel_loop3A_225 = vector.broadcast %parallel_loop3A_224 : i32 to vector<16xi32>
      %parallel_loop3A_226 = arith.addi %gather3A_111, %parallel_loop3A_225 : vector<16xi32>
      %parallel_loop3A_227 = tpu.vector_load_idx %arg5[%parallel_loop3A_226] : memref<64000xf32, #tpu.memory_space<vmem>>[vector<16xi32>], vector<16xf32>,
      %parallel_loop3A_228 = arith.constant 8 : i32
      %parallel_loop3A_229 = arith.divsi %parallel_loop3A_222, %parallel_loop3A_228 : i32
      %parallel_loop3A_230 = arith.constant 0 : i32
      %parallel_loop3A_231 = arith.cmpi sgt, %parallel_loop3A_222, %parallel_loop3A_230 : i32
      %parallel_loop3A_232 = arith.extui %parallel_loop3A_231 : i1 to i32
      %parallel_loop3A_233 = arith.constant 0 : i32
      %parallel_loop3A_234 = arith.cmpi slt, %parallel_loop3A_222, %parallel_loop3A_233 : i32
      %parallel_loop3A_235 = arith.extui %parallel_loop3A_234 : i1 to i32
      %parallel_loop3A_236 = arith.subi %parallel_loop3A_232, %parallel_loop3A_235 : i32
      %parallel_loop3A_237 = arith.constant 0 : i32
      %parallel_loop3A_238 = arith.cmpi sgt, %parallel_loop3A_228, %parallel_loop3A_237 : i32
      %parallel_loop3A_239 = arith.extui %parallel_loop3A_238 : i1 to i32
      %parallel_loop3A_240 = arith.constant 0 : i32
      %parallel_loop3A_241 = arith.cmpi slt, %parallel_loop3A_228, %parallel_loop3A_240 : i32
      %parallel_loop3A_242 = arith.extui %parallel_loop3A_241 : i1 to i32
      %parallel_loop3A_243 = arith.subi %parallel_loop3A_239, %parallel_loop3A_242 : i32
      %parallel_loop3A_244 = arith.cmpi ne, %parallel_loop3A_236, %parallel_loop3A_243 : i32
      %parallel_loop3A_245 = arith.remsi %parallel_loop3A_222, %parallel_loop3A_228 : i32
      %parallel_loop3A_246 = arith.constant 0 : i32
      %parallel_loop3A_247 = arith.cmpi ne, %parallel_loop3A_245, %parallel_loop3A_246 : i32
      %parallel_loop3A_248 = arith.andi %parallel_loop3A_244, %parallel_loop3A_247 : i1
      %parallel_loop3A_249 = arith.constant 1 : i32
      %parallel_loop3A_250 = arith.subi %parallel_loop3A_229, %parallel_loop3A_249 : i32
      %parallel_loop3A_251 = arith.select %parallel_loop3A_248, %parallel_loop3A_250, %parallel_loop3A_229 : i32
      %parallel_loop3A_252 = arith.constant 8 : i32
      %parallel_loop3A_253 = arith.constant 0 : i32
      %parallel_loop3A_254 = arith.cmpi eq, %parallel_loop3A_252, %parallel_loop3A_253 : i32
      %parallel_loop3A_255 = arith.constant 1 : i32
      %parallel_loop3A_256 = arith.select %parallel_loop3A_254, %parallel_loop3A_255, %parallel_loop3A_252 : i32
      %parallel_loop3A_257 = arith.remsi %parallel_loop3A_222, %parallel_loop3A_256 : i32
      %parallel_loop3A_258 = arith.constant 0 : i32
      %parallel_loop3A_259 = arith.cmpi ne, %parallel_loop3A_257, %parallel_loop3A_258 : i32
      %parallel_loop3A_260 = arith.constant 0 : i32
      %parallel_loop3A_261 = arith.cmpi slt, %parallel_loop3A_257, %parallel_loop3A_260 : i32
      %parallel_loop3A_262 = arith.constant 0 : i32
      %parallel_loop3A_263 = arith.cmpi slt, %parallel_loop3A_256, %parallel_loop3A_262 : i32
      %parallel_loop3A_264 = arith.xori %parallel_loop3A_261, %parallel_loop3A_263 : i1
      %parallel_loop3A_265 = arith.andi %parallel_loop3A_264, %parallel_loop3A_259 : i1
      %parallel_loop3A_266 = arith.addi %parallel_loop3A_257, %parallel_loop3A_256 : i32
      %parallel_loop3A_267 = arith.select %parallel_loop3A_265, %parallel_loop3A_266, %parallel_loop3A_257 : i32
      %parallel_loop3A_268 = arith.constant 1 : i32
      %parallel_loop3A_269 = arith.index_cast %parallel_loop3A_268 : i32 to index
      %parallel_loop3A_270 = arith.index_cast %parallel_loop3A_251 : i32 to index
      %parallel_loop3A_271 = arith.index_cast %parallel_loop3A_267 : i32 to index
      %parallel_loop3A_272 = arith.constant 32 : index
      %parallel_loop3A_273 = tpu.vector_load %arg7[%parallel_loop3A_269, %parallel_loop3A_270, %parallel_loop3A_271, %parallel_loop3A_272] {strides = array<i32>} : memref<2x8x8x128xf32, #tpu.memory_space<vmem>>, vector<16xf32>,
      tpu.vector_store %arg7[%parallel_loop3A_269, %parallel_loop3A_270, %parallel_loop3A_271, %parallel_loop3A_272], %parallel_loop3A_227 {strides = array<i32>} : memref<2x8x8x128xf32, #tpu.memory_space<vmem>>, vector<16xf32>,
    } {sc.loop_unroll_factor = 8 : i64, sc.parallel_access}
    %parallel_loop3A_141 = arith.constant 0 : i32
    %parallel_loop3A_142 = arith.constant 64 : i32
    %parallel_loop3A_143 = arith.constant 1 : i32
    scf.for %parallel_loop3A_222 = %parallel_loop3A_141 to %parallel_loop3A_142 step %parallel_loop3A_143  : i32 {
      %parallel_loop3A_223 = arith.constant 1000 : i32
      %parallel_loop3A_224 = arith.muli %parallel_loop3A_222, %parallel_loop3A_223 : i32
      %parallel_loop3A_225 = vector.broadcast %parallel_loop3A_224 : i32 to vector<16xi32>
      %parallel_loop3A_226 = arith.addi %gather3A_115, %parallel_loop3A_225 : vector<16xi32>
      %parallel_loop3A_227 = tpu.vector_load_idx %arg5[%parallel_loop3A_226] : memref<64000xf32, #tpu.memory_space<vmem>>[vector<16xi32>], vector<16xf32>,
      %parallel_loop3A_228 = arith.constant 8 : i32
      %parallel_loop3A_229 = arith.divsi %parallel_loop3A_222, %parallel_loop3A_228 : i32
      %parallel_loop3A_230 = arith.constant 0 : i32
      %parallel_loop3A_231 = arith.cmpi sgt, %parallel_loop3A_222, %parallel_loop3A_230 : i32
      %parallel_loop3A_232 = arith.extui %parallel_loop3A_231 : i1 to i32
      %parallel_loop3A_233 = arith.constant 0 : i32
      %parallel_loop3A_234 = arith.cmpi slt, %parallel_loop3A_222, %parallel_loop3A_233 : i32
      %parallel_loop3A_235 = arith.extui %parallel_loop3A_234 : i1 to i32
      %parallel_loop3A_236 = arith.subi %parallel_loop3A_232, %parallel_loop3A_235 : i32
      %parallel_loop3A_237 = arith.constant 0 : i32
      %parallel_loop3A_238 = arith.cmpi sgt, %parallel_loop3A_228, %parallel_loop3A_237 : i32
      %parallel_loop3A_239 = arith.extui %parallel_loop3A_238 : i1 to i32
      %parallel_loop3A_240 = arith.constant 0 : i32
      %parallel_loop3A_241 = arith.cmpi slt, %parallel_loop3A_228, %parallel_loop3A_240 : i32
      %parallel_loop3A_242 = arith.extui %parallel_loop3A_241 : i1 to i32
      %parallel_loop3A_243 = arith.subi %parallel_loop3A_239, %parallel_loop3A_242 : i32
      %parallel_loop3A_244 = arith.cmpi ne, %parallel_loop3A_236, %parallel_loop3A_243 : i32
      %parallel_loop3A_245 = arith.remsi %parallel_loop3A_222, %parallel_loop3A_228 : i32
      %parallel_loop3A_246 = arith.constant 0 : i32
      %parallel_loop3A_247 = arith.cmpi ne, %parallel_loop3A_245, %parallel_loop3A_246 : i32
      %parallel_loop3A_248 = arith.andi %parallel_loop3A_244, %parallel_loop3A_247 : i1
      %parallel_loop3A_249 = arith.constant 1 : i32
      %parallel_loop3A_250 = arith.subi %parallel_loop3A_229, %parallel_loop3A_249 : i32
      %parallel_loop3A_251 = arith.select %parallel_loop3A_248, %parallel_loop3A_250, %parallel_loop3A_229 : i32
      %parallel_loop3A_252 = arith.constant 8 : i32
      %parallel_loop3A_253 = arith.constant 0 : i32
      %parallel_loop3A_254 = arith.cmpi eq, %parallel_loop3A_252, %parallel_loop3A_253 : i32
      %parallel_loop3A_255 = arith.constant 1 : i32
      %parallel_loop3A_256 = arith.select %parallel_loop3A_254, %parallel_loop3A_255, %parallel_loop3A_252 : i32
      %parallel_loop3A_257 = arith.remsi %parallel_loop3A_222, %parallel_loop3A_256 : i32
      %parallel_loop3A_258 = arith.constant 0 : i32
      %parallel_loop3A_259 = arith.cmpi ne, %parallel_loop3A_257, %parallel_loop3A_258 : i32
      %parallel_loop3A_260 = arith.constant 0 : i32
      %parallel_loop3A_261 = arith.cmpi slt, %parallel_loop3A_257, %parallel_loop3A_260 : i32
      %parallel_loop3A_262 = arith.constant 0 : i32
      %parallel_loop3A_263 = arith.cmpi slt, %parallel_loop3A_256, %parallel_loop3A_262 : i32
      %parallel_loop3A_264 = arith.xori %parallel_loop3A_261, %parallel_loop3A_263 : i1
      %parallel_loop3A_265 = arith.andi %parallel_loop3A_264, %parallel_loop3A_259 : i1
      %parallel_loop3A_266 = arith.addi %parallel_loop3A_257, %parallel_loop3A_256 : i32
      %parallel_loop3A_267 = arith.select %parallel_loop3A_265, %parallel_loop3A_266, %parallel_loop3A_257 : i32
      %parallel_loop3A_268 = arith.constant 1 : i32
      %parallel_loop3A_269 = arith.index_cast %parallel_loop3A_268 : i32 to index
      %parallel_loop3A_270 = arith.index_cast %parallel_loop3A_251 : i32 to index
      %parallel_loop3A_271 = arith.index_cast %parallel_loop3A_267 : i32 to index
      %parallel_loop3A_272 = arith.constant 48 : index
      %parallel_loop3A_273 = tpu.vector_load %arg7[%parallel_loop3A_269, %parallel_loop3A_270, %parallel_loop3A_271, %parallel_loop3A_272] {strides = array<i32>} : memref<2x8x8x128xf32, #tpu.memory_space<vmem>>, vector<16xf32>,
      tpu.vector_store %arg7[%parallel_loop3A_269, %parallel_loop3A_270, %parallel_loop3A_271, %parallel_loop3A_272], %parallel_loop3A_227 {strides = array<i32>} : memref<2x8x8x128xf32, #tpu.memory_space<vmem>>, vector<16xf32>,
    } {sc.loop_unroll_factor = 8 : i64, sc.parallel_access}
    %parallel_loop3A_144 = arith.constant 0 : i32
    %parallel_loop3A_145 = arith.constant 64 : i32
    %parallel_loop3A_146 = arith.constant 1 : i32
    scf.for %parallel_loop3A_222 = %parallel_loop3A_144 to %parallel_loop3A_145 step %parallel_loop3A_146  : i32 {
      %parallel_loop3A_223 = arith.constant 1000 : i32
      %parallel_loop3A_224 = arith.muli %parallel_loop3A_222, %parallel_loop3A_223 : i32
      %parallel_loop3A_225 = vector.broadcast %parallel_loop3A_224 : i32 to vector<16xi32>
      %parallel_loop3A_226 = arith.addi %gather3A_119, %parallel_loop3A_225 : vector<16xi32>
      %parallel_loop3A_227 = tpu.vector_load_idx %arg5[%parallel_loop3A_226] : memref<64000xf32, #tpu.memory_space<vmem>>[vector<16xi32>], vector<16xf32>,
      %parallel_loop3A_228 = arith.constant 8 : i32
      %parallel_loop3A_229 = arith.divsi %parallel_loop3A_222, %parallel_loop3A_228 : i32
      %parallel_loop3A_230 = arith.constant 0 : i32
      %parallel_loop3A_231 = arith.cmpi sgt, %parallel_loop3A_222, %parallel_loop3A_230 : i32
      %parallel_loop3A_232 = arith.extui %parallel_loop3A_231 : i1 to i32
      %parallel_loop3A_233 = arith.constant 0 : i32
      %parallel_loop3A_234 = arith.cmpi slt, %parallel_loop3A_222, %parallel_loop3A_233 : i32
      %parallel_loop3A_235 = arith.extui %parallel_loop3A_234 : i1 to i32
      %parallel_loop3A_236 = arith.subi %parallel_loop3A_232, %parallel_loop3A_235 : i32
      %parallel_loop3A_237 = arith.constant 0 : i32
      %parallel_loop3A_238 = arith.cmpi sgt, %parallel_loop3A_228, %parallel_loop3A_237 : i32
      %parallel_loop3A_239 = arith.extui %parallel_loop3A_238 : i1 to i32
      %parallel_loop3A_240 = arith.constant 0 : i32
      %parallel_loop3A_241 = arith.cmpi slt, %parallel_loop3A_228, %parallel_loop3A_240 : i32
      %parallel_loop3A_242 = arith.extui %parallel_loop3A_241 : i1 to i32
      %parallel_loop3A_243 = arith.subi %parallel_loop3A_239, %parallel_loop3A_242 : i32
      %parallel_loop3A_244 = arith.cmpi ne, %parallel_loop3A_236, %parallel_loop3A_243 : i32
      %parallel_loop3A_245 = arith.remsi %parallel_loop3A_222, %parallel_loop3A_228 : i32
      %parallel_loop3A_246 = arith.constant 0 : i32
      %parallel_loop3A_247 = arith.cmpi ne, %parallel_loop3A_245, %parallel_loop3A_246 : i32
      %parallel_loop3A_248 = arith.andi %parallel_loop3A_244, %parallel_loop3A_247 : i1
      %parallel_loop3A_249 = arith.constant 1 : i32
      %parallel_loop3A_250 = arith.subi %parallel_loop3A_229, %parallel_loop3A_249 : i32
      %parallel_loop3A_251 = arith.select %parallel_loop3A_248, %parallel_loop3A_250, %parallel_loop3A_229 : i32
      %parallel_loop3A_252 = arith.constant 8 : i32
      %parallel_loop3A_253 = arith.constant 0 : i32
      %parallel_loop3A_254 = arith.cmpi eq, %parallel_loop3A_252, %parallel_loop3A_253 : i32
      %parallel_loop3A_255 = arith.constant 1 : i32
      %parallel_loop3A_256 = arith.select %parallel_loop3A_254, %parallel_loop3A_255, %parallel_loop3A_252 : i32
      %parallel_loop3A_257 = arith.remsi %parallel_loop3A_222, %parallel_loop3A_256 : i32
      %parallel_loop3A_258 = arith.constant 0 : i32
      %parallel_loop3A_259 = arith.cmpi ne, %parallel_loop3A_257, %parallel_loop3A_258 : i32
      %parallel_loop3A_260 = arith.constant 0 : i32
      %parallel_loop3A_261 = arith.cmpi slt, %parallel_loop3A_257, %parallel_loop3A_260 : i32
      %parallel_loop3A_262 = arith.constant 0 : i32
      %parallel_loop3A_263 = arith.cmpi slt, %parallel_loop3A_256, %parallel_loop3A_262 : i32
      %parallel_loop3A_264 = arith.xori %parallel_loop3A_261, %parallel_loop3A_263 : i1
      %parallel_loop3A_265 = arith.andi %parallel_loop3A_264, %parallel_loop3A_259 : i1
      %parallel_loop3A_266 = arith.addi %parallel_loop3A_257, %parallel_loop3A_256 : i32
      %parallel_loop3A_267 = arith.select %parallel_loop3A_265, %parallel_loop3A_266, %parallel_loop3A_257 : i32
      %parallel_loop3A_268 = arith.constant 1 : i32
      %parallel_loop3A_269 = arith.index_cast %parallel_loop3A_268 : i32 to index
      %parallel_loop3A_270 = arith.index_cast %parallel_loop3A_251 : i32 to index
      %parallel_loop3A_271 = arith.index_cast %parallel_loop3A_267 : i32 to index
      %parallel_loop3A_272 = arith.constant 64 : index
      %parallel_loop3A_273 = tpu.vector_load %arg7[%parallel_loop3A_269, %parallel_loop3A_270, %parallel_loop3A_271, %parallel_loop3A_272] {strides = array<i32>} : memref<2x8x8x128xf32, #tpu.memory_space<vmem>>, vector<16xf32>,
      tpu.vector_store %arg7[%parallel_loop3A_269, %parallel_loop3A_270, %parallel_loop3A_271, %parallel_loop3A_272], %parallel_loop3A_227 {strides = array<i32>} : memref<2x8x8x128xf32, #tpu.memory_space<vmem>>, vector<16xf32>,
    } {sc.loop_unroll_factor = 8 : i64, sc.parallel_access}
    %parallel_loop3A_147 = arith.constant 0 : i32
    %parallel_loop3A_148 = arith.constant 64 : i32
    %parallel_loop3A_149 = arith.constant 1 : i32
    scf.for %parallel_loop3A_222 = %parallel_loop3A_147 to %parallel_loop3A_148 step %parallel_loop3A_149  : i32 {
      %parallel_loop3A_223 = arith.constant 1000 : i32
      %parallel_loop3A_224 = arith.muli %parallel_loop3A_222, %parallel_loop3A_223 : i32
      %parallel_loop3A_225 = vector.broadcast %parallel_loop3A_224 : i32 to vector<16xi32>
      %parallel_loop3A_226 = arith.addi %gather3A_123, %parallel_loop3A_225 : vector<16xi32>
      %parallel_loop3A_227 = tpu.vector_load_idx %arg5[%parallel_loop3A_226] : memref<64000xf32, #tpu.memory_space<vmem>>[vector<16xi32>], vector<16xf32>,
      %parallel_loop3A_228 = arith.constant 8 : i32
      %parallel_loop3A_229 = arith.divsi %parallel_loop3A_222, %parallel_loop3A_228 : i32
      %parallel_loop3A_230 = arith.constant 0 : i32
      %parallel_loop3A_231 = arith.cmpi sgt, %parallel_loop3A_222, %parallel_loop3A_230 : i32
      %parallel_loop3A_232 = arith.extui %parallel_loop3A_231 : i1 to i32
      %parallel_loop3A_233 = arith.constant 0 : i32
      %parallel_loop3A_234 = arith.cmpi slt, %parallel_loop3A_222, %parallel_loop3A_233 : i32
      %parallel_loop3A_235 = arith.extui %parallel_loop3A_234 : i1 to i32
      %parallel_loop3A_236 = arith.subi %parallel_loop3A_232, %parallel_loop3A_235 : i32
      %parallel_loop3A_237 = arith.constant 0 : i32
      %parallel_loop3A_238 = arith.cmpi sgt, %parallel_loop3A_228, %parallel_loop3A_237 : i32
      %parallel_loop3A_239 = arith.extui %parallel_loop3A_238 : i1 to i32
      %parallel_loop3A_240 = arith.constant 0 : i32
      %parallel_loop3A_241 = arith.cmpi slt, %parallel_loop3A_228, %parallel_loop3A_240 : i32
      %parallel_loop3A_242 = arith.extui %parallel_loop3A_241 : i1 to i32
      %parallel_loop3A_243 = arith.subi %parallel_loop3A_239, %parallel_loop3A_242 : i32
      %parallel_loop3A_244 = arith.cmpi ne, %parallel_loop3A_236, %parallel_loop3A_243 : i32
      %parallel_loop3A_245 = arith.remsi %parallel_loop3A_222, %parallel_loop3A_228 : i32
      %parallel_loop3A_246 = arith.constant 0 : i32
      %parallel_loop3A_247 = arith.cmpi ne, %parallel_loop3A_245, %parallel_loop3A_246 : i32
      %parallel_loop3A_248 = arith.andi %parallel_loop3A_244, %parallel_loop3A_247 : i1
      %parallel_loop3A_249 = arith.constant 1 : i32
      %parallel_loop3A_250 = arith.subi %parallel_loop3A_229, %parallel_loop3A_249 : i32
      %parallel_loop3A_251 = arith.select %parallel_loop3A_248, %parallel_loop3A_250, %parallel_loop3A_229 : i32
      %parallel_loop3A_252 = arith.constant 8 : i32
      %parallel_loop3A_253 = arith.constant 0 : i32
      %parallel_loop3A_254 = arith.cmpi eq, %parallel_loop3A_252, %parallel_loop3A_253 : i32
      %parallel_loop3A_255 = arith.constant 1 : i32
      %parallel_loop3A_256 = arith.select %parallel_loop3A_254, %parallel_loop3A_255, %parallel_loop3A_252 : i32
      %parallel_loop3A_257 = arith.remsi %parallel_loop3A_222, %parallel_loop3A_256 : i32
      %parallel_loop3A_258 = arith.constant 0 : i32
      %parallel_loop3A_259 = arith.cmpi ne, %parallel_loop3A_257, %parallel_loop3A_258 : i32
      %parallel_loop3A_260 = arith.constant 0 : i32
      %parallel_loop3A_261 = arith.cmpi slt, %parallel_loop3A_257, %parallel_loop3A_260 : i32
      %parallel_loop3A_262 = arith.constant 0 : i32
      %parallel_loop3A_263 = arith.cmpi slt, %parallel_loop3A_256, %parallel_loop3A_262 : i32
      %parallel_loop3A_264 = arith.xori %parallel_loop3A_261, %parallel_loop3A_263 : i1
      %parallel_loop3A_265 = arith.andi %parallel_loop3A_264, %parallel_loop3A_259 : i1
      %parallel_loop3A_266 = arith.addi %parallel_loop3A_257, %parallel_loop3A_256 : i32
      %parallel_loop3A_267 = arith.select %parallel_loop3A_265, %parallel_loop3A_266, %parallel_loop3A_257 : i32
      %parallel_loop3A_268 = arith.constant 1 : i32
      %parallel_loop3A_269 = arith.index_cast %parallel_loop3A_268 : i32 to index
      %parallel_loop3A_270 = arith.index_cast %parallel_loop3A_251 : i32 to index
      %parallel_loop3A_271 = arith.index_cast %parallel_loop3A_267 : i32 to index
      %parallel_loop3A_272 = arith.constant 80 : index
      %parallel_loop3A_273 = tpu.vector_load %arg7[%parallel_loop3A_269, %parallel_loop3A_270, %parallel_loop3A_271, %parallel_loop3A_272] {strides = array<i32>} : memref<2x8x8x128xf32, #tpu.memory_space<vmem>>, vector<16xf32>,
      tpu.vector_store %arg7[%parallel_loop3A_269, %parallel_loop3A_270, %parallel_loop3A_271, %parallel_loop3A_272], %parallel_loop3A_227 {strides = array<i32>} : memref<2x8x8x128xf32, #tpu.memory_space<vmem>>, vector<16xf32>,
    } {sc.loop_unroll_factor = 8 : i64, sc.parallel_access}
    %parallel_loop3A_150 = arith.constant 0 : i32
    %parallel_loop3A_151 = arith.constant 64 : i32
    %parallel_loop3A_152 = arith.constant 1 : i32
    scf.for %parallel_loop3A_222 = %parallel_loop3A_150 to %parallel_loop3A_151 step %parallel_loop3A_152  : i32 {
      %parallel_loop3A_223 = arith.constant 1000 : i32
      %parallel_loop3A_224 = arith.muli %parallel_loop3A_222, %parallel_loop3A_223 : i32
      %parallel_loop3A_225 = vector.broadcast %parallel_loop3A_224 : i32 to vector<16xi32>
      %parallel_loop3A_226 = arith.addi %gather3A_127, %parallel_loop3A_225 : vector<16xi32>
      %parallel_loop3A_227 = tpu.vector_load_idx %arg5[%parallel_loop3A_226] : memref<64000xf32, #tpu.memory_space<vmem>>[vector<16xi32>], vector<16xf32>,
      %parallel_loop3A_228 = arith.constant 8 : i32
      %parallel_loop3A_229 = arith.divsi %parallel_loop3A_222, %parallel_loop3A_228 : i32
      %parallel_loop3A_230 = arith.constant 0 : i32
      %parallel_loop3A_231 = arith.cmpi sgt, %parallel_loop3A_222, %parallel_loop3A_230 : i32
      %parallel_loop3A_232 = arith.extui %parallel_loop3A_231 : i1 to i32
      %parallel_loop3A_233 = arith.constant 0 : i32
      %parallel_loop3A_234 = arith.cmpi slt, %parallel_loop3A_222, %parallel_loop3A_233 : i32
      %parallel_loop3A_235 = arith.extui %parallel_loop3A_234 : i1 to i32
      %parallel_loop3A_236 = arith.subi %parallel_loop3A_232, %parallel_loop3A_235 : i32
      %parallel_loop3A_237 = arith.constant 0 : i32
      %parallel_loop3A_238 = arith.cmpi sgt, %parallel_loop3A_228, %parallel_loop3A_237 : i32
      %parallel_loop3A_239 = arith.extui %parallel_loop3A_238 : i1 to i32
      %parallel_loop3A_240 = arith.constant 0 : i32
      %parallel_loop3A_241 = arith.cmpi slt, %parallel_loop3A_228, %parallel_loop3A_240 : i32
      %parallel_loop3A_242 = arith.extui %parallel_loop3A_241 : i1 to i32
      %parallel_loop3A_243 = arith.subi %parallel_loop3A_239, %parallel_loop3A_242 : i32
      %parallel_loop3A_244 = arith.cmpi ne, %parallel_loop3A_236, %parallel_loop3A_243 : i32
      %parallel_loop3A_245 = arith.remsi %parallel_loop3A_222, %parallel_loop3A_228 : i32
      %parallel_loop3A_246 = arith.constant 0 : i32
      %parallel_loop3A_247 = arith.cmpi ne, %parallel_loop3A_245, %parallel_loop3A_246 : i32
      %parallel_loop3A_248 = arith.andi %parallel_loop3A_244, %parallel_loop3A_247 : i1
      %parallel_loop3A_249 = arith.constant 1 : i32
      %parallel_loop3A_250 = arith.subi %parallel_loop3A_229, %parallel_loop3A_249 : i32
      %parallel_loop3A_251 = arith.select %parallel_loop3A_248, %parallel_loop3A_250, %parallel_loop3A_229 : i32
      %parallel_loop3A_252 = arith.constant 8 : i32
      %parallel_loop3A_253 = arith.constant 0 : i32
      %parallel_loop3A_254 = arith.cmpi eq, %parallel_loop3A_252, %parallel_loop3A_253 : i32
      %parallel_loop3A_255 = arith.constant 1 : i32
      %parallel_loop3A_256 = arith.select %parallel_loop3A_254, %parallel_loop3A_255, %parallel_loop3A_252 : i32
      %parallel_loop3A_257 = arith.remsi %parallel_loop3A_222, %parallel_loop3A_256 : i32
      %parallel_loop3A_258 = arith.constant 0 : i32
      %parallel_loop3A_259 = arith.cmpi ne, %parallel_loop3A_257, %parallel_loop3A_258 : i32
      %parallel_loop3A_260 = arith.constant 0 : i32
      %parallel_loop3A_261 = arith.cmpi slt, %parallel_loop3A_257, %parallel_loop3A_260 : i32
      %parallel_loop3A_262 = arith.constant 0 : i32
      %parallel_loop3A_263 = arith.cmpi slt, %parallel_loop3A_256, %parallel_loop3A_262 : i32
      %parallel_loop3A_264 = arith.xori %parallel_loop3A_261, %parallel_loop3A_263 : i1
      %parallel_loop3A_265 = arith.andi %parallel_loop3A_264, %parallel_loop3A_259 : i1
      %parallel_loop3A_266 = arith.addi %parallel_loop3A_257, %parallel_loop3A_256 : i32
      %parallel_loop3A_267 = arith.select %parallel_loop3A_265, %parallel_loop3A_266, %parallel_loop3A_257 : i32
      %parallel_loop3A_268 = arith.constant 1 : i32
      %parallel_loop3A_269 = arith.index_cast %parallel_loop3A_268 : i32 to index
      %parallel_loop3A_270 = arith.index_cast %parallel_loop3A_251 : i32 to index
      %parallel_loop3A_271 = arith.index_cast %parallel_loop3A_267 : i32 to index
      %parallel_loop3A_272 = arith.constant 96 : index
      %parallel_loop3A_273 = tpu.vector_load %arg7[%parallel_loop3A_269, %parallel_loop3A_270, %parallel_loop3A_271, %parallel_loop3A_272] {strides = array<i32>} : memref<2x8x8x128xf32, #tpu.memory_space<vmem>>, vector<16xf32>,
      tpu.vector_store %arg7[%parallel_loop3A_269, %parallel_loop3A_270, %parallel_loop3A_271, %parallel_loop3A_272], %parallel_loop3A_227 {strides = array<i32>} : memref<2x8x8x128xf32, #tpu.memory_space<vmem>>, vector<16xf32>,
    } {sc.loop_unroll_factor = 8 : i64, sc.parallel_access}
    %parallel_loop3A_153 = arith.constant 0 : i32
    %parallel_loop3A_154 = arith.constant 64 : i32
    %parallel_loop3A_155 = arith.constant 1 : i32
    scf.for %parallel_loop3A_222 = %parallel_loop3A_153 to %parallel_loop3A_154 step %parallel_loop3A_155  : i32 {
      %parallel_loop3A_223 = arith.constant 1000 : i32
      %parallel_loop3A_224 = arith.muli %parallel_loop3A_222, %parallel_loop3A_223 : i32
      %parallel_loop3A_225 = vector.broadcast %parallel_loop3A_224 : i32 to vector<16xi32>
      %parallel_loop3A_226 = arith.addi %gather3A_131, %parallel_loop3A_225 : vector<16xi32>
      %parallel_loop3A_227 = tpu.vector_load_idx %arg5[%parallel_loop3A_226] : memref<64000xf32, #tpu.memory_space<vmem>>[vector<16xi32>], vector<16xf32>,
      %parallel_loop3A_228 = arith.constant 8 : i32
      %parallel_loop3A_229 = arith.divsi %parallel_loop3A_222, %parallel_loop3A_228 : i32
      %parallel_loop3A_230 = arith.constant 0 : i32
      %parallel_loop3A_231 = arith.cmpi sgt, %parallel_loop3A_222, %parallel_loop3A_230 : i32
      %parallel_loop3A_232 = arith.extui %parallel_loop3A_231 : i1 to i32
      %parallel_loop3A_233 = arith.constant 0 : i32
      %parallel_loop3A_234 = arith.cmpi slt, %parallel_loop3A_222, %parallel_loop3A_233 : i32
      %parallel_loop3A_235 = arith.extui %parallel_loop3A_234 : i1 to i32
      %parallel_loop3A_236 = arith.subi %parallel_loop3A_232, %parallel_loop3A_235 : i32
      %parallel_loop3A_237 = arith.constant 0 : i32
      %parallel_loop3A_238 = arith.cmpi sgt, %parallel_loop3A_228, %parallel_loop3A_237 : i32
      %parallel_loop3A_239 = arith.extui %parallel_loop3A_238 : i1 to i32
      %parallel_loop3A_240 = arith.constant 0 : i32
      %parallel_loop3A_241 = arith.cmpi slt, %parallel_loop3A_228, %parallel_loop3A_240 : i32
      %parallel_loop3A_242 = arith.extui %parallel_loop3A_241 : i1 to i32
      %parallel_loop3A_243 = arith.subi %parallel_loop3A_239, %parallel_loop3A_242 : i32
      %parallel_loop3A_244 = arith.cmpi ne, %parallel_loop3A_236, %parallel_loop3A_243 : i32
      %parallel_loop3A_245 = arith.remsi %parallel_loop3A_222, %parallel_loop3A_228 : i32
      %parallel_loop3A_246 = arith.constant 0 : i32
      %parallel_loop3A_247 = arith.cmpi ne, %parallel_loop3A_245, %parallel_loop3A_246 : i32
      %parallel_loop3A_248 = arith.andi %parallel_loop3A_244, %parallel_loop3A_247 : i1
      %parallel_loop3A_249 = arith.constant 1 : i32
      %parallel_loop3A_250 = arith.subi %parallel_loop3A_229, %parallel_loop3A_249 : i32
      %parallel_loop3A_251 = arith.select %parallel_loop3A_248, %parallel_loop3A_250, %parallel_loop3A_229 : i32
      %parallel_loop3A_252 = arith.constant 8 : i32
      %parallel_loop3A_253 = arith.constant 0 : i32
      %parallel_loop3A_254 = arith.cmpi eq, %parallel_loop3A_252, %parallel_loop3A_253 : i32
      %parallel_loop3A_255 = arith.constant 1 : i32
      %parallel_loop3A_256 = arith.select %parallel_loop3A_254, %parallel_loop3A_255, %parallel_loop3A_252 : i32
      %parallel_loop3A_257 = arith.remsi %parallel_loop3A_222, %parallel_loop3A_256 : i32
      %parallel_loop3A_258 = arith.constant 0 : i32
      %parallel_loop3A_259 = arith.cmpi ne, %parallel_loop3A_257, %parallel_loop3A_258 : i32
      %parallel_loop3A_260 = arith.constant 0 : i32
      %parallel_loop3A_261 = arith.cmpi slt, %parallel_loop3A_257, %parallel_loop3A_260 : i32
      %parallel_loop3A_262 = arith.constant 0 : i32
      %parallel_loop3A_263 = arith.cmpi slt, %parallel_loop3A_256, %parallel_loop3A_262 : i32
      %parallel_loop3A_264 = arith.xori %parallel_loop3A_261, %parallel_loop3A_263 : i1
      %parallel_loop3A_265 = arith.andi %parallel_loop3A_264, %parallel_loop3A_259 : i1
      %parallel_loop3A_266 = arith.addi %parallel_loop3A_257, %parallel_loop3A_256 : i32
      %parallel_loop3A_267 = arith.select %parallel_loop3A_265, %parallel_loop3A_266, %parallel_loop3A_257 : i32
      %parallel_loop3A_268 = arith.constant 1 : i32
      %parallel_loop3A_269 = arith.index_cast %parallel_loop3A_268 : i32 to index
      %parallel_loop3A_270 = arith.index_cast %parallel_loop3A_251 : i32 to index
      %parallel_loop3A_271 = arith.index_cast %parallel_loop3A_267 : i32 to index
      %parallel_loop3A_272 = arith.constant 112 : index
      %parallel_loop3A_273 = tpu.vector_load %arg7[%parallel_loop3A_269, %parallel_loop3A_270, %parallel_loop3A_271, %parallel_loop3A_272] {strides = array<i32>} : memref<2x8x8x128xf32, #tpu.memory_space<vmem>>, vector<16xf32>,
      tpu.vector_store %arg7[%parallel_loop3A_269, %parallel_loop3A_270, %parallel_loop3A_271, %parallel_loop3A_272], %parallel_loop3A_227 {strides = array<i32>} : memref<2x8x8x128xf32, #tpu.memory_space<vmem>>, vector<16xf32>,
    } {sc.loop_unroll_factor = 8 : i64, sc.parallel_access}
    %dma_wait3A_156 = arith.constant 0 : i32
    %dma_wait3A_157 = arith.constant 0 : i32
    %dma_wait3A_158 = arith.constant 0 : i32
    %dma_wait3A_159 = arith.constant 0 : i32
    %dma_wait3A_160 = arith.constant 0 : i32
    %dma_wait3A_161 = tpu.memref_slice %arg7[%dma_wait3A_156, %dma_wait3A_158, %dma_wait3A_159, %dma_wait3A_160] : memref<2x8x8x128xf32, #tpu.memory_space<vmem>> -> memref<1x8x8x128xf32, #tpu.memory_space<vmem>>
    %dma_wait3A_162 = tpu.memref_squeeze %dma_wait3A_161 : memref<1x8x8x128xf32, #tpu.memory_space<vmem>> -> memref<8x8x128xf32, #tpu.memory_space<vmem>>
    %dma_wait3A_163 = arith.constant 0 : i32
    %dma_wait3A_164 = arith.constant 0 : i32
    %dma_wait3A_165 = arith.constant 0 : i32
    %dma_wait3A_166 = tpu.memref_slice %arg4[%dma_wait3A_157, %dma_wait3A_163, %add3A, %dma_wait3A_164, %dma_wait3A_165] : memref<200x8x32x8x128xf32, #tpu.memory_space<hbm>> -> memref<1x8x1x8x128xf32, #tpu.memory_space<hbm>>
    %dma_wait3A_167 = tpu.memref_squeeze %dma_wait3A_166 : memref<1x8x1x8x128xf32, #tpu.memory_space<hbm>> -> memref<8x8x128xf32, #tpu.memory_space<hbm>>
    %dma_wait3A_168 = arith.constant 0 : i32
    %dma_wait3A_169 = arith.constant 0 : i32
    %dma_wait3A_170 = arith.constant 0 : i32
    %dma_wait3A_171 = tpu.memref_slice %arg4[%dma_wait3A_157, %dma_wait3A_168, %add3A, %dma_wait3A_169, %dma_wait3A_170] : memref<200x8x32x8x128xf32, #tpu.memory_space<hbm>> -> memref<1x8x1x8x128xf32, #tpu.memory_space<hbm>>
    %dma_wait3A_172 = tpu.memref_squeeze %dma_wait3A_171 : memref<1x8x1x8x128xf32, #tpu.memory_space<hbm>> -> memref<8x8x128xf32, #tpu.memory_space<hbm>>
    %dma_wait3A_173 = arith.constant 0 : i32
    %dma_wait3A_174 = arith.constant 0 : i32
    %dma_wait3A_175 = arith.constant 0 : i32
    %dma_wait3A_176 = tpu.memref_slice %arg7[%dma_wait3A_156, %dma_wait3A_173, %dma_wait3A_174, %dma_wait3A_175] : memref<2x8x8x128xf32, #tpu.memory_space<vmem>> -> memref<1x8x8x128xf32, #tpu.memory_space<vmem>>
    %dma_wait3A_177 = tpu.memref_squeeze %dma_wait3A_176 : memref<1x8x8x128xf32, #tpu.memory_space<vmem>> -> memref<8x8x128xf32, #tpu.memory_space<vmem>>
    tpu.wait_dma2 semaphore(%arg9 : memref<!tpu.dma_semaphore, #tpu.memory_space<semaphore_mem>>) src(%dma_wait3A_177 : memref<8x8x128xf32, #tpu.memory_space<vmem>>) dst(%dma_wait3A_172 : memref<8x8x128xf32, #tpu.memory_space<hbm>>)
    %dma_start3A_178 = arith.constant 1 : i32
    %dma_start3A_179 = arith.constant 199 : i32
    %dma_start3A_180 = arith.constant 0 : i32
    %dma_start3A_181 = arith.constant 0 : i32
    %dma_start3A_182 = arith.constant 0 : i32
    %dma_start3A_183 = tpu.memref_slice %arg7[%dma_start3A_178, %dma_start3A_180, %dma_start3A_181, %dma_start3A_182] : memref<2x8x8x128xf32, #tpu.memory_space<vmem>> -> memref<1x8x8x128xf32, #tpu.memory_space<vmem>>
    %dma_start3A_184 = tpu.memref_squeeze %dma_start3A_183 : memref<1x8x8x128xf32, #tpu.memory_space<vmem>> -> memref<8x8x128xf32, #tpu.memory_space<vmem>>
    %dma_start3A_185 = arith.constant 0 : i32
    %dma_start3A_186 = arith.constant 0 : i32
    %dma_start3A_187 = arith.constant 0 : i32
    %dma_start3A_188 = tpu.memref_slice %arg4[%dma_start3A_179, %dma_start3A_185, %add3A, %dma_start3A_186, %dma_start3A_187] : memref<200x8x32x8x128xf32, #tpu.memory_space<hbm>> -> memref<1x8x1x8x128xf32, #tpu.memory_space<hbm>>
    %dma_start3A_189 = tpu.memref_squeeze %dma_start3A_188 : memref<1x8x1x8x128xf32, #tpu.memory_space<hbm>> -> memref<8x8x128xf32, #tpu.memory_space<hbm>>
    %dma_start3A_190 = arith.constant 0 : i32
    %dma_start3A_191 = arith.constant 0 : i32
    %dma_start3A_192 = arith.constant 0 : i32
    %dma_start3A_193 = tpu.memref_slice %arg4[%dma_start3A_179, %dma_start3A_190, %add3A, %dma_start3A_191, %dma_start3A_192] : memref<200x8x32x8x128xf32, #tpu.memory_space<hbm>> -> memref<1x8x1x8x128xf32, #tpu.memory_space<hbm>>
    %dma_start3A_194 = tpu.memref_squeeze %dma_start3A_193 : memref<1x8x1x8x128xf32, #tpu.memory_space<hbm>> -> memref<8x8x128xf32, #tpu.memory_space<hbm>>
    %dma_start3A_195 = arith.constant 0 : i32
    %dma_start3A_196 = arith.constant 0 : i32
    %dma_start3A_197 = arith.constant 0 : i32
    %dma_start3A_198 = tpu.memref_slice %arg7[%dma_start3A_178, %dma_start3A_195, %dma_start3A_196, %dma_start3A_197] : memref<2x8x8x128xf32, #tpu.memory_space<vmem>> -> memref<1x8x8x128xf32, #tpu.memory_space<vmem>>
    %dma_start3A_199 = tpu.memref_squeeze %dma_start3A_198 : memref<1x8x8x128xf32, #tpu.memory_space<vmem>> -> memref<8x8x128xf32, #tpu.memory_space<vmem>>
    tpu.enqueue_dma source(%dma_start3A_199 : memref<8x8x128xf32, #tpu.memory_space<vmem>>) target(%dma_start3A_194 : memref<8x8x128xf32, #tpu.memory_space<hbm>>) target_semaphore(%arg10 : memref<!tpu.dma_semaphore, #tpu.memory_space<semaphore_mem>>)
    %dma_wait3A_200 = arith.constant 1 : i32
    %dma_wait3A_201 = arith.constant 0 : i32
    %dma_wait3A_202 = arith.constant 0 : i32
    %dma_wait3A_203 = arith.constant 0 : i32
    %dma_wait3A_204 = arith.constant 0 : i32
    %dma_wait3A_205 = tpu.memref_slice %arg7[%dma_wait3A_200, %dma_wait3A_202, %dma_wait3A_203, %dma_wait3A_204] : memref<2x8x8x128xf32, #tpu.memory_space<vmem>> -> memref<1x8x8x128xf32, #tpu.memory_space<vmem>>
    %dma_wait3A_206 = tpu.memref_squeeze %dma_wait3A_205 : memref<1x8x8x128xf32, #tpu.memory_space<vmem>> -> memref<8x8x128xf32, #tpu.memory_space<vmem>>
    %dma_wait3A_207 = arith.constant 0 : i32
    %dma_wait3A_208 = arith.constant 0 : i32
    %dma_wait3A_209 = arith.constant 0 : i32
    %dma_wait3A_210 = tpu.memref_slice %arg4[%dma_wait3A_201, %dma_wait3A_207, %add3A, %dma_wait3A_208, %dma_wait3A_209] : memref<200x8x32x8x128xf32, #tpu.memory_space<hbm>> -> memref<1x8x1x8x128xf32, #tpu.memory_space<hbm>>
    %dma_wait3A_211 = tpu.memref_squeeze %dma_wait3A_210 : memref<1x8x1x8x128xf32, #tpu.memory_space<hbm>> -> memref<8x8x128xf32, #tpu.memory_space<hbm>>
    %dma_wait3A_212 = arith.constant 0 : i32
    %dma_wait3A_213 = arith.constant 0 : i32
    %dma_wait3A_214 = arith.constant 0 : i32
    %dma_wait3A_215 = tpu.memref_slice %arg4[%dma_wait3A_201, %dma_wait3A_212, %add3A, %dma_wait3A_213, %dma_wait3A_214] : memref<200x8x32x8x128xf32, #tpu.memory_space<hbm>> -> memref<1x8x1x8x128xf32, #tpu.memory_space<hbm>>
    %dma_wait3A_216 = tpu.memref_squeeze %dma_wait3A_215 : memref<1x8x1x8x128xf32, #tpu.memory_space<hbm>> -> memref<8x8x128xf32, #tpu.memory_space<hbm>>
    %dma_wait3A_217 = arith.constant 0 : i32
    %dma_wait3A_218 = arith.constant 0 : i32
    %dma_wait3A_219 = arith.constant 0 : i32
    %dma_wait3A_220 = tpu.memref_slice %arg7[%dma_wait3A_200, %dma_wait3A_217, %dma_wait3A_218, %dma_wait3A_219] : memref<2x8x8x128xf32, #tpu.memory_space<vmem>> -> memref<1x8x8x128xf32, #tpu.memory_space<vmem>>
    %dma_wait3A_221 = tpu.memref_squeeze %dma_wait3A_220 : memref<1x8x8x128xf32, #tpu.memory_space<vmem>> -> memref<8x8x128xf32, #tpu.memory_space<vmem>>
    tpu.wait_dma2 semaphore(%arg10 : memref<!tpu.dma_semaphore, #tpu.memory_space<semaphore_mem>>) src(%dma_wait3A_221 : memref<8x8x128xf32, #tpu.memory_space<vmem>>) dst(%dma_wait3A_216 : memref<8x8x128xf32, #tpu.memory_space<hbm>>)
    return
  }
}

</mosaic_0001>

<sc_bundles>
// kernel: kernel.3.cloned.1.call-start
scs
__scs_entry_jumppad:
0x0: {  	(pc) =	sbr.rel $0x88, $3  }
0x1: {  	(tag) =	ssettag $0x0;
	lr =	simm.s32 $0x1  }
0x2: {  	[smem:$0x3F9F] =	sst lr;
	_ =	strace $0xD0000000  }
0x3: {  	_ = 	snop  }
0x4: {  	_ = 	snop  }
0x5: {  	_ = 	snop  }
0x6: {  	_ = 	snop  }
0x7: {  	_ = 	snop  }
__scs_overlays_trampoline_lowered:
0x8: {  	[smem:$0x3FAE] =	sst s0  }
0x9: {  	[smem:$0x3FAF] =	sst s1  }
0xa: {  	[smem:$0x3FB0] =	sst s2  }
0xb: {  	[smem:$0x3FB1] =	sst s3  }
0xc: {  	[smem:$0x3FB2] =	sst s4  }
0xd: {  	[smem:$0x3FB3] =	sst s5  }
0xe: {  	[smem:$0x3FB4] =	sst s6  }
0xf: {  	[smem:$0x3FB5] =	sst s7  }
0x10: {  	[smem:$0x3FB6] =	sst s8  }
0x11: {  	[smem:$0x3FB7] =	sst s9;
	s0 =	simm.s32 @!p0 $0x0  }
0x12: {  	s1 =	sld [smem:$0x3F9D];
	s0 =	simm.s32 @p0 $0x1  }
0x13: {  	[smem:$0x3FB8] =	sst s0;
	s0 =	simm.s32 @!p1 $0x0  }
0x14: {  	s2 =	sld [smem:$0x3F9C];
	s0 =	simm.s32 @p1 $0x1  }
0x15: {  	[smem:$0x3FB9] =	sst s0;
	s0 =	simm.s32 @!p2 $0x0  }
0x16: {  	s3 =	sld [smem:$0x3FDB];
	s0 =	simm.s32 @p2 $0x1  }
0x17: {  	s4 =	simm.s32 $0x1BF5;
	[smem:$0x3FBB] =	sst s0  }
0x18: {  	s0 =	sld [smem:$0x3F9E];
	_ =	swait.ge [sflag:s4], $0x0  }
0x19: {  	s7 =	sld [smem:$0x3F9F]  }
0x1a: {  	s8 =	sadd.s32 $0xFFFFE003, lr  }
0x1b: {  	s9 =	sadd.s32 $0xFFFFFEF7, lr;
	s5 =	simm.s32 $0xFFFFFFFF;
	p2 =	slt.u32 s8, $0xFFFFF086  }
0x1c: {  	p1 =	slt.u32 s9, $0xF7A;
	s5 =	simm.s32 @!p2 $0x0  }
0x1d: {  	s5 =	simm.s32 @p1 $0x1;
	p0 =	seq.s32 s7, s2  }
0x1e: {  	s7 =	smul.u32 @!p0 $0xF7A, s2;
	p2 =	seq.s32 @!p0 s5, $0x0  }
0x1f: {  	s9 =	smul.u32 $0xF7A, s1;
	s8 =	simm.s32 @!p0 $0x1BF5;
	p2 =	por !p2, p0  }
0x20: {  	[sflag:s8] =	ssyncset.s32 @!p0 $0xFFFFF086;
	s6 =	sadd.s32 @!p0 s3, s7;
	s7 =	simm.s32 @!p0 $0x108  }
0x21: {  	s3 =	sadd.s32 s3, s9;
	s6 =	sadd.s32 @!p0 $0x88, s6;
	s7 =	simm.s32 @p2 $0x1082  }
0x22: {  	[simem:s7], [sflag:s8] =	dma.local @!p0 [hbm:s6], $0xF7A  }
0x23: {  	s9 =	sor.u32 $0xD0000000, s2;
	s6 =	simm.s32 $0x108;
	_ =	swait.ge @!p0 [sflag:s8], $0x0  }
0x24: {  	s3 =	sadd.s32 $0x88, s3;
	s6 =	simm.s32 @!p1 $0x1082;
	[sflag:s4] =	ssyncset.s32 $0xFFFFF086  }
0x25: {  	[simem:s6], [sflag:s4] =	dma.local [hbm:s3], $0xF7A  }
0x26: {  	[smem:$0x3F9F] =	sst s1;
	(tag) =	ssettag s2;
	_ =	strace s9  }
0x27: {  	s1 =	sld [smem:$0x3FAF]  }
0x28: {  	s2 =	sld [smem:$0x3FB0]  }
0x29: {  	s4 =	sld [smem:$0x3FB2]  }
0x2a: {  	p0 =	seq.s32 s5, $0x0;
	s5 =	sld [smem:$0x3FB3]  }
0x2b: {  	s6 =	sld [smem:$0x3FB4]  }
0x2c: {  	s7 =	sld [smem:$0x3FB5]  }
0x2d: {  	s3 =	simm.s32 $0x108;
	s8 =	sld [smem:$0x3FB6]  }
0x2e: {  	s3 =	simm.s32 @!p0 $0x1082;
	s9 =	sld [smem:$0x3FB7]  }
0x2f: {  	lr =	sadd.s32 s0, s3;
	s0 =	sld [smem:$0x3FAE]  }
0x30: {  	s3 =	sld [smem:$0x3FB1]  }
0x31: {  	[smem:$0x3FBA] =	sst s10  }
0x32: {  	s10 =	sld [smem:$0x3FB8];
	_ =	sdelay $0x3  }
0x33: {  	p0 =	seq.s32 s10, $0x1;
	s10 =	sld [smem:$0x3FBA];
	_ =	sdelay $0x3  }
0x34: {  	[smem:$0x3FBA] =	sst s10  }
0x35: {  	s10 =	sld [smem:$0x3FB9];
	_ =	sdelay $0x3  }
0x36: {  	p1 =	seq.s32 s10, $0x1;
	s10 =	sld [smem:$0x3FBA];
	_ =	sdelay $0x3  }
0x37: {  	[smem:$0x3FBA] =	sst s10  }
0x38: {  	s10 =	sld [smem:$0x3FBB]  }
0x39: {  	_ = 	snop;
	(pc) =	sbr.ind lr, $3  }
0x3a: {  	_ = 	snop  }
0x3b: {  	_ = 	snop  }
0x3c: {  	p2 =	seq.s32 s10, $0x1;
	s10 =	sld [smem:$0x3FBA]  }
0x3d: {  	_ =	shalt  }
0x3e: {  	_ =	shalt  }
0x3f: {  	_ =	shalt  }
0x40: {  	_ =	shalt  }
0x41: {  	_ =	shalt  }
0x42: {  	_ =	shalt  }
0x43: {  	_ =	shalt  }
0x44: {  	_ =	shalt  }
0x45: {  	_ =	shalt  }
0x46: {  	_ =	shalt  }
0x47: {  	_ =	shalt  }
0x48: {  	_ =	shalt  }
0x49: {  	_ =	shalt  }
0x4a: {  	_ =	shalt  }
0x4b: {  	_ =	shalt  }
0x4c: {  	_ =	shalt  }
0x4d: {  	_ =	shalt  }
0x4e: {  	_ =	shalt  }
0x4f: {  	_ =	shalt  }
0x50: {  	_ =	shalt  }
0x51: {  	_ =	shalt  }
0x52: {  	_ =	shalt  }
0x53: {  	_ =	shalt  }
0x54: {  	_ =	shalt  }
0x55: {  	_ =	shalt  }
0x56: {  	_ =	shalt  }
0x57: {  	_ =	shalt  }
0x58: {  	_ =	shalt  }
0x59: {  	_ =	shalt  }
0x5a: {  	_ =	shalt  }
0x5b: {  	_ =	shalt  }
0x5c: {  	_ =	shalt  }
0x5d: {  	_ =	shalt  }
0x5e: {  	_ =	shalt  }
0x5f: {  	_ =	shalt  }
0x60: {  	_ =	shalt  }
0x61: {  	_ =	shalt  }
0x62: {  	_ =	shalt  }
0x63: {  	_ =	shalt  }
0x64: {  	_ =	shalt  }
0x65: {  	_ =	shalt  }
0x66: {  	_ =	shalt  }
0x67: {  	_ =	shalt  }
0x68: {  	_ =	shalt  }
0x69: {  	_ =	shalt  }
0x6a: {  	_ =	shalt  }
0x6b: {  	_ =	shalt  }
0x6c: {  	_ =	shalt  }
0x6d: {  	_ =	shalt  }
0x6e: {  	_ =	shalt  }
0x6f: {  	_ =	shalt  }
0x70: {  	_ =	shalt  }
0x71: {  	_ =	shalt  }
0x72: {  	_ =	shalt  }
0x73: {  	_ =	shalt  }
0x74: {  	_ =	shalt  }
0x75: {  	_ =	shalt  }
0x76: {  	_ =	shalt  }
0x77: {  	_ =	shalt  }
0x78: {  	_ =	shalt  }
0x79: {  	_ =	shalt  }
0x7a: {  	_ =	shalt  }
0x7b: {  	_ =	shalt  }
0x7c: {  	_ =	shalt  }
0x7d: {  	_ =	shalt  }
0x7e: {  	_ =	shalt  }
0x7f: {  	_ =	shalt  }
0x80: {  	_ =	shalt  }
0x81: {  	_ =	shalt  }
0x82: {  	_ =	shalt  }
0x83: {  	_ =	shalt  }
0x84: {  	_ =	shalt  }
0x85: {  	_ =	shalt  }
0x86: {  	_ =	shalt  }
0x87: {  	_ =	shalt  }
.Lfunc_end0:
.L_simem_size_0:
called_computation_lowered:
.L_overlay_start_0:
0x88: {  	s2 =	sld [smem:$0x3FD9]  }
0x89: {  	s3 =	sld [smem:$0x3FFE];
	_ =	sdelay $0x1  }
0x8a: {  	s1 =	srdreg.scid  }
0x8b: {  	s0 =	sand.u32 $0x1, s1  }
0x8c: {  	s17 =	sshll.u32 s0, $0xA;
	s2 =	sadd.s32 s3, s2  }
0x8d: {  	s2 =	sadd.s32 s2, s17  }
0x8e: {  	[smem:$0x3FC6] =	sst s2  }
0x8f: {  	_ = 	snop  }
0x90: {  	s2 =	sld [smem:$0x3FD0];
	(tm) =	ssettm $0x1  }
0x91: {  	s18 =	sld [smem:$0x3FFB];
	_ =	sdelay $0x3  }
0x92: {  	_ =	strace s18  }
0x93: {  	s3 =	sld [smem:$0x3FFC];
	_ =	sdelay $0x3  }
0x94: {  	_ =	strace s3  }
0x95: {  	s3 =	sld [smem:$0x3FFD];
	_ =	sdelay $0x3  }
0x96: {  	_ =	strace s3  }
0x97: {  	_ =	strace $0x8FFFFFFF  }
0x98: {  	s19 =	sld [smem:$0x3FDB];
	_ =	sdelay $0x1  }
0x99: {  	s4 =	simm.s32 $_scs_section_size  }
0x9a: {  	s5 =	simm.s32 $_size__tile_overlayer_lowered;
	s6 =	simm.s32 $_tile_overlayer_lowered  }
0x9b: {  	s22 =	simm.s32 $0x1BFF;
	s21 =	sshll.u32 s6, $0x1;
	s3 =	sadd.s32 s4, s19  }
0x9c: {  	s7 =	simm.s32 $0x0;
	s20 =	sshll.u32 s5, $0x1;
	s5 =	sadd.s32 s21, s3  }
0x9d: {  	[timem:s7], [sflag:s22] =	dma.local [hbm:s5], s20  }
0x9e: {  	_ =	swait.ge [sflag:s22], s20  }
0x9f: {  	s4 =	ssub.s32 $0x0, s20;
	[sflag:s22] =	ssyncset.done $0x0  }
0xa0: {  	[sflag:s22] =	ssyncadd.s32 s4;
	_ =	sdelay $0x1  }
0xa1: {  	s23 =	simm.s32 $0x1B8B  }
0xa2: {  	_ =	swait.ge [sflag:s23], $0x1  }
0xa3: {  	[sflag:s23] =	ssyncset.done $0x0  }
0xa4: {  	s25 =	simm.s32 $0x1B8E;
	s24 =	sld [smem:$0x3FFE];
	[sflag:s23] =	ssyncadd.s32 $0xFFFFFFFF  }
0xa5: {  	s26 =	simm.s32 $execute0_lowered;
	[smem:$0x3FD2] =	sst s25  }
0xa6: {  	s5 =	sshll.u32 s26, $0x1;
	_ =	strace $0x80000046;
	[dreg:$0x1] =	wrdreg $0xFFFFFFFF  }
0xa7: {  	s28 =	simm.s32 $_size_execute0_lowered;
	s3 =	sadd.s32 s3, s5;
	[dreg:$0x0] =	wrdreg $0x0  }
0xa8: {  	s5 =	sshll.u32 s28, $0x1;
	[dreg:$0x2] =	wrdreg s3  }
0xa9: {  	[dreg:$0x3] =	wrdreg s5  }
0xaa: {  	[dreg:$0x4] =	wrdreg $0xC0  }
0xab: {  	_ =	task [dreg:s7], $0x5FFFF  }
0xac: {  	[dreg:$0x1] =	wrdreg $0xFFFFFFFF  }
0xad: {  	[dreg:$0x0] =	wrdreg $0x60  }
0xae: {  	[dreg:$0x2] =	wrdreg s24  }
0xaf: {  	[dreg:$0x3] =	wrdreg s2  }
0xb0: {  	[dreg:$0x4] =	wrdreg $0x9  }
0xb1: {  	_ =	task.clear_ibuf [dreg:s7], $0x5FFFF;
	_ =	strace $0x90000046  }
0xb2: {  	s29 =	simm.s32 $0x9;
	_ =	strace $0x80000048  }
0xb3: {  	_ =	swait.ge [sflag:s29], $0x1  }
0xb4: {  	[sflag:s29] =	ssyncadd.s32 $0xFFFFFFFF  }
0xb5: {  	_ =	strace $0x90000048  }
0xb6: {  	_ =	sfence  }
0xb7: {  	s30 =	sld [smem:$0x0];
	_ =	sdelay $0x2  }
0xb8: {  	s31 =	sshll.u32 s1, $0xD;
	s1 =	sshrl.u32 s1, $0x2  }
0xb9: {  	s3 =	sand.u32 $0x4000, s31;
	s1 =	sadd.s32 s1, s30  }
0xba: {  	s0 =	sor.u32 s3, s0;
	s1 =	sshll.u32 s1, $0x11  }
0xbb: {  	s0 =	sor.u32 s1, s0  }
0xbc: {  	s0 =	sadd.s32 $0x8F2B, s0  }
0xbd: {  	[sflag:s0] =	ssyncadd.remote.s32 $0x1  }
0xbe: {  	_ =	sfence.sel $0xFFFF  }
0xbf: {  	[dreg:$0x0] =	wrdreg $0xFFFFFFFF;
	(pc) =	sbr.abs _section_cstart, $3  }
0xc0: {  	[dreg:$0x1] =	wrdreg $0xFFFFFFFF  }
0xc1: {  	_ =	task.clear_ibuf [dreg:s7], $0x2FFFF;
	_ =	strace $0x9FFFFFFF  }
0xc2: {  	(tm) =	ssettm $0x7FFFFFFF  }
0xc3: {  	_ =	shalt  }
tec
execute0_lowered:
.L_overlay_start_1:
0x0: {  	(tag) =	ssettag $0x1  }
0x1: {  	s0 =	srdreg.scid;
	s2 =	stileid.u32  }
0x2: {  	s1 =	rddreg [dreg:$0x0];
	s0 =	sand.u32 $0x1, s0;
	s3 =	sshll.u32 s2, $0x1  }
0x3: {  	s28 =	rddreg [dreg:$0x1];
	s4 =	sor.u32 s0, s3  }
0x4: {  	v0 =	vlaneseq.u32;
	s3 =	simm.s32 $0x0;
	s0 =	ssub.s32 $0x2, s0;
	s5 =	smul.u32 $0xC80, s4  }
0x5: {  	v0 =	vmul.u32 $0xC8, v0;
	[smem:$0x7FF] =	sst s3;
	s29 =	sshrl.u32 s0, $0x1;
	s6 =	sshll.u32 s4, $0x7  }
0x6: {  	_ =	strace $0x80000047;
	s0 =	ssub.s32 s0, s29;
	s31 =	sadd.s32 s28, s6  }
0x7: {  	v1 =	vadd.s32 $0xC80, v0;
	v2 =	vadd.s32 $0x1900, v0;
	v3 =	vadd.s32 $0x2580, v0;
	s5 =	sadd.s32 s5, s1;
	s1 =	sadd.s32 $0x400, s1;
	[dreg:$0x5] =	wrdreg s31  }
0x8: {  	s10 =	simm.s32 $0xFA00;
	v4 =	vadd.s32 $0x3200, v0;
	v5 =	vadd.s32 $0x3E80, v0;
	v6 =	vadd.s32 $0x4B00, v0;
	s0 =	smax.u32 s0, $0x1;
	[dreg:$0x3] =	wrdreg s1  }
0x9: {  	s15 =	simm.s32 $0x2;
	v7 =	vadd.s32 $0x5780, v0;
	v8 =	vadd.s32 $0xC7, v0;
	v9 =	vadd.s32 $0xD47, v0;
	s30 =	sadd.s32 $0x2400, s5;
	[dreg:$0x7] =	wrdreg s0  }
0xa: {  	s17 =	simm.s32 $0x3;
	v10 =	vadd.s32 $0x19C7, v0;
	v11 =	vadd.s32 $0x2647, v0;
	v12 =	vadd.s32 $0x32C7, v0;
	s1 =	sadd.s32 $0x638000, s31;
	[dreg:$0x4] =	wrdreg s30  }
0xb: {  	s2 =	simm.s32 $0x0;
	s7 =	sshll.u32 s4, $0xA;
	v13 =	vadd.s32 $0x3F47, v0;
	v14 =	vadd.s32 $0x4BC7, v0;
	v15 =	vadd.s32 $0x5847, v0;
	[dreg:$0x6] =	wrdreg s1  }
.LBB2_1:
0xc: {  	s0 =	rddreg [dreg:$0x3]  }
0xd: {  	[tilespmem:s3], [sflag:$0x1] =	stream.linear.gather [hbm4b:s0+s3], $0xFA00, $0x38;
	[tilespmem:$0x19E00] =	vst v63  }
0xe: {  	s16 =	rddreg [dreg:$0x4];
	s18 =	simm.s32 $0x1  }
0xf: {  	[tilespmem:s10], [sflag:$0x1] =	stream.linear.gather [hbm4b:s16+s3], $0x6400, $0x38;
	[tilespmem:$0x19E00] =	vst v63  }
0x10: {  	_ =	swait.ge [sflag:s18], $0xFA00  }
0x11: {  	[sflag:s18] =	ssyncset.done $0x0  }
0x12: {  	[sflag:s18] =	ssyncadd.s32 $0xFFFF0600  }
0x13: {  	_ =	swait.ge [sflag:s18], $0x6400  }
0x14: {  	[sflag:s18] =	ssyncset.done $0x0  }
0x15: {  	[sflag:s18] =	ssyncadd.s32 $0xFFFF9C00  }
0x16: {  	v23 =	vld.idx.msk [tilespmem:v0+s10+$0x0], $0xffff;
	_ =	sdelay $0x2  }
0x17: {  	v22 =	vld.idx.msk [tilespmem:v1+s10+$0x0], $0xffff  }
0x18: {  	s19 =	simm.s32 $0x1B58;
	v21 =	vld.idx.msk [tilespmem:v2+s10+$0x0], $0xffff  }
0x19: {  	s1 =	simm.s32 $0x3E8;
	v20 =	vld.idx.msk [tilespmem:v3+s10+$0x0], $0xffff;
	v24 =	vadd.s32 s19, v23  }
0x1a: {  	s20 =	simm.s32 $0x7D0;
	v19 =	vld.idx.msk [tilespmem:v4+s10+$0x0], $0xffff;
	v25 =	vadd.s32 s1, v23  }
0x1b: {  	s21 =	simm.s32 $0xBB8;
	v18 =	vld.idx.msk [tilespmem:v5+s10+$0x0], $0xffff;
	v26 =	vadd.s32 s20, v23  }
0x1c: {  	s22 =	simm.s32 $0xFA0;
	v17 =	vld.idx.msk [tilespmem:v6+s10+$0x0], $0xffff;
	v27 =	vadd.s32 s21, v23  }
0x1d: {  	s23 =	simm.s32 $0x1388;
	v16 =	vld.idx.msk [tilespmem:v7+s10+$0x0], $0xffff;
	v28 =	vadd.s32 s22, v23  }
0x1e: {  	s24 =	simm.s32 $0x1770;
	v29 =	vadd.s32 s23, v23;
	v24 =	vld.idx.msk [tilespmem:v24+s3+$0x0], $0xffff  }
0x1f: {  	v30 =	vadd.s32 s24, v23;
	v25 =	vld.idx.msk [tilespmem:v25+s3+$0x0], $0xffff  }
0x20: {  	s26 =	simm.s32 $0x2328;
	v26 =	vld.idx.msk [tilespmem:v26+s3+$0x0], $0xffff  }
0x21: {  	s25 =	simm.s32 $0x3A98;
	v32 =	vadd.s32 s26, v23;
	v31 =	vld.idx.msk [tilespmem:v27+s3+$0x0], $0xffff  }
0x22: {  	s28 =	simm.s32 $0x2710;
	s0 =	simm.s32 $0x16000;
	v27 =	vadd.s32 s25, v23;
	v28 =	vld.idx.msk [tilespmem:v28+s3+$0x0], $0xffff  }
0x23: {  	s30 =	simm.s32 $0x2AF8;
	v36 =	vadd.s32 s28, v23;
	v37 =	vld.idx.msk [tilespmem:v29+s3+$0x0], $0xffff;
	[tilespmem:s0+$0x180] =	vst v24  }
0x24: {  	s4 =	simm.s32 $0x2EE0;
	v35 =	vadd.s32 s30, v23;
	v33 =	vld.idx.msk [tilespmem:v30+s3+$0x0], $0xffff;
	[tilespmem:s0+$0xFFFFFE80] =	vst v25  }
0x25: {  	s5 =	simm.s32 $0x32C8;
	v34 =	vadd.s32 s4, v23;
	v30 =	vld.idx.msk [tilespmem:v23+s3+$0x0], $0xffff;
	[tilespmem:s0+$0xFFFFFF00] =	vst v26  }
0x26: {  	s31 =	simm.s32 $0x36B0;
	v29 =	vld.idx.msk [tilespmem:v32+s3+$0x0], $0xffff;
	[tilespmem:s0+$0xFFFFFF80] =	vst v31;
	v31 =	vadd.s32 s5, v23  }
0x27: {  	s29 =	simm.s32 $0x1F40;
	v24 =	vadd.s32 $0x1F40, v23;
	v27 =	vld.idx.msk [tilespmem:v27+s3+$0x0], $0xffff;
	[tilespmem:s0+$0x0] =	vst v28;
	v28 =	vadd.s32 s31, v23  }
0x28: {  	s1 =	simm.s32 $0x8;
	s4 =	simm.s32 $0x3E80;
	s19 =	simm.s32 $0x0;
	v32 =	vld.idx.msk [tilespmem:v36+s3+$0x0], $0xffff;
	[tilespmem:s0+$0x80] =	vst v37;
	v25 =	vadd.s32 s29, v24;
	v26 =	vadd.s32 s3, v24  }
.LBB2_2:
0x29: {  	s5 =	sadd.s32 $0x3E8, s4;
	s6 =	sadd.s32 $0x1B58, s4;
	s1 =	sadd.s32 $0x8, s1;
	v36 =	vld.idx.msk [tilespmem:v35+s19+$0x0], $0xffff;
	[tilespmem:s0+$0x100] =	vst v33;
	v37 =	vmov v25;
	v25 =	vadd.s32 s4, v24  }
0x2a: {  	s8 =	sadd.s32 $0xBB8, s4;
	v38 =	vadd.s32 s5, v23;
	s5 =	sadd.s32 $0x7D0, s4;
	v39 =	vadd.s32 s6, v23;
	p0 =	slt.u32 s1, $0x38;
	v40 =	vld.idx.msk [tilespmem:v34+s19+$0x0], $0xffff;
	[tilespmem:s0+$0xFFFFFE00] =	vst v30  }
0x2b: {  	v35 =	vadd.s32 s8, v23;
	s6 =	sadd.s32 $0x1388, s4;
	s0 =	sadd.s32 $0x400, s0;
	v41 =	vadd.s32 s5, v23;
	s5 =	sadd.s32 $0xFA0, s4;
	v42 =	vld.idx.msk [tilespmem:v31+s19+$0x0], $0xffff  }
0x2c: {  	v31 =	vadd.s32 s6, v23;
	v34 =	vadd.s32 s5, v23;
	s5 =	sadd.s32 $0x1770, s4;
	v33 =	vld.idx.msk [tilespmem:v28+s19+$0x0], $0xffff;
	[tilespmem:s0+$0x180] =	vst v27  }
.Ltmp0:
0x2d: {  	v28 =	vadd.s32 s5, v23;
	v30 =	vld.idx.msk [tilespmem:v26+s19+$0x0], $0xffff;
	[tilespmem:s0+$0xFFFFFE80] =	vst v29;
	v26 =	vmov v37;
	(pc) =	sbr.rel @p0 .LBB2_2-.Ltmp0, $4  }
0x2e: {  	s19 =	simm.s32 $0x0;
	[tilespmem:s0+$0xFFFFFF00] =	vst v32  }
0x2f: {  	v27 =	vld.idx.msk [tilespmem:v39+s19+$0x0], $0xffff;
	[tilespmem:s0+$0xFFFFFF80] =	vst v36  }
0x30: {  	v29 =	vld.idx.msk [tilespmem:v38+s19+$0x0], $0xffff;
	[tilespmem:s0+$0x0] =	vst v40  }
0x31: {  	s4 =	sadd.s32 $0x1F40, s4;
	v32 =	vld.idx.msk [tilespmem:v41+s19+$0x0], $0xffff;
	[tilespmem:s0+$0x80] =	vst v42  }
0x32: {  	_ =	sdelay $0x3  }
0x33: {  	v23 =	vld.idx.msk [tilespmem:v35+s19+$0x0], $0xffff;
	[tilespmem:s0+$0x100] =	vst v33  }
0x34: {  	v24 =	vld.idx.msk [tilespmem:v34+s19+$0x0], $0xffff;
	[tilespmem:s0+$0xFFFFFE00] =	vst v30;
	s1 =	sadd.s32 $0x400, s0  }
0x35: {  	v25 =	vld.idx.msk [tilespmem:v31+s19+$0x0], $0xffff;
	[tilespmem:s1+$0x180] =	vst v27  }
0x36: {  	v26 =	vld.idx.msk [tilespmem:v26+s19+$0x0], $0xffff;
	[tilespmem:s1+$0xFFFFFE80] =	vst v29  }
0x37: {  	s21 =	simm.s32 $0xFA0;
	v27 =	vld.idx.msk [tilespmem:v28+s19+$0x0], $0xffff;
	[tilespmem:s1+$0xFFFFFF00] =	vst v32  }
0x38: {  	s22 =	simm.s32 $0x1388;
	v28 =	vadd.s32 s21, v22;
	[tilespmem:s1+$0xFFFFFF80] =	vst v23  }
0x39: {  	s23 =	simm.s32 $0x1B58;
	v29 =	vadd.s32 s22, v22;
	[tilespmem:s1+$0x0] =	vst v24  }
0x3a: {  	s24 =	simm.s32 $0x1770;
	v24 =	vadd.s32 s23, v22;
	[tilespmem:s1+$0x80] =	vst v25  }
0x3b: {  	s20 =	simm.s32 $0x3E8;
	v30 =	vadd.s32 s24, v22;
	[tilespmem:s1+$0xFFFFFE00] =	vst v26  }
0x3c: {  	s0 =	simm.s32 $0xBB8;
	v25 =	vadd.s32 s20, v22;
	[tilespmem:s1+$0x100] =	vst v27  }
0x3d: {  	s25 =	simm.s32 $0x7D0;
	v26 =	vadd.s32 s0, v22;
	v28 =	vld.idx.msk [tilespmem:v28+s19+$0x0], $0xffff  }
0x3e: {  	v27 =	vadd.s32 s25, v22;
	s1 =	simm.s32 $0x1F40;
	v36 =	vld.idx.msk [tilespmem:v29+s19+$0x0], $0xffff  }
0x3f: {  	v31 =	vadd.s32 s1, v22;
	v24 =	vld.idx.msk [tilespmem:v24+s19+$0x0], $0xffff  }
0x40: {  	s6 =	simm.s32 $0x2710;
	v23 =	vadd.s32 s19, v22;
	v32 =	vld.idx.msk [tilespmem:v30+s19+$0x0], $0xffff  }
0x41: {  	s28 =	simm.s32 $0x3A98;
	v63 =	vadd.s32 s6, v22;
	v25 =	vld.idx.msk [tilespmem:v25+s19+$0x0], $0xffff  }
0x42: {  	s26 =	simm.s32 $0x2328;
	s8 =	simm.s32 $0x16010;
	v61 =	vadd.s32 s28, v22;
	v26 =	vld.idx.msk [tilespmem:v26+s19+$0x0], $0xffff  }
0x43: {  	s29 =	simm.s32 $0x2AF8;
	v62 =	vadd.s32 s26, v22;
	v27 =	vld.idx.msk [tilespmem:v27+s19+$0x0], $0xffff;
	[tilespmem:s8+$0x0] =	vst v28  }
0x44: {  	s30 =	simm.s32 $0x2EE0;
	[tilespmem:s8+$0x180] =	vst v24;
	v24 =	vld.idx.msk [tilespmem:v31+s19+$0x0], $0xffff;
	v31 =	vadd.s32 s29, v22  }
0x45: {  	s4 =	simm.s32 $0x32C8;
	v30 =	vadd.s32 s30, v22;
	v23 =	vld.idx.msk [tilespmem:v23+s19+$0x0], $0xffff;
	[tilespmem:s8+$0x80] =	vst v36  }
0x46: {  	s5 =	simm.s32 $0x36B0;
	v29 =	vld.idx.msk [tilespmem:v63+s19+$0x0], $0xffff;
	v28 =	vadd.s32 s4, v22;
	[tilespmem:s8+$0xFFFFFE80] =	vst v25  }
0x47: {  	v25 =	vld.idx.msk [tilespmem:v61+s19+$0x0], $0xffff;
	[tilespmem:s8+$0xFFFFFF80] =	vst v26;
	v26 =	vadd.s32 s5, v22  }
0x48: {  	s9 =	simm.s32 $0x8;
	s11 =	simm.s32 $0x3E80;
	[tilespmem:s8+$0xFFFFFF00] =	vst v27;
	v27 =	vld.idx.msk [tilespmem:v62+s19+$0x0], $0xffff  }
.LBB2_4:
0x49: {  	v33 =	vadd.s32 s11, v22;
	s14 =	sadd.s32 $0x3E8, s11;
	s16 =	sadd.s32 $0x1B58, s11;
	s9 =	sadd.s32 $0x8, s9;
	v34 =	vld.idx.msk [tilespmem:v31+s19+$0x0], $0xffff;
	[tilespmem:s8+$0x100] =	vst v32  }
0x4a: {  	s18 =	sadd.s32 $0xBB8, s11;
	v35 =	vadd.s32 s14, v22;
	s14 =	sadd.s32 $0x7D0, s11;
	v36 =	vadd.s32 s16, v22;
	p0 =	slt.u32 s9, $0x38;
	v37 =	vld.idx.msk [tilespmem:v30+s19+$0x0], $0xffff;
	[tilespmem:s8+$0xFFFFFE00] =	vst v23  }
0x4b: {  	v31 =	vadd.s32 s18, v22;
	s16 =	sadd.s32 $0x1388, s11;
	s8 =	sadd.s32 $0x400, s8;
	v23 =	vmov v24;
	v38 =	vadd.s32 s14, v22;
	s14 =	sadd.s32 $0xFA0, s11;
	v39 =	vld.idx.msk [tilespmem:v28+s19+$0x0], $0xffff  }
0x4c: {  	v28 =	vadd.s32 s16, v22;
	v30 =	vadd.s32 s14, v22;
	s14 =	sadd.s32 $0x1770, s11;
	v32 =	vld.idx.msk [tilespmem:v26+s19+$0x0], $0xffff;
	[tilespmem:s8+$0x180] =	vst v25  }
.Ltmp1:
0x4d: {  	v26 =	vadd.s32 s14, v22;
	[tilespmem:s8+$0xFFFFFE80] =	vst v27;
	(pc) =	sbr.rel @p0 .LBB2_4-.Ltmp1, $4  }
0x4e: {  	v24 =	vld.idx.msk [tilespmem:v33+s19+$0x0], $0xffff;
	[tilespmem:s8+$0xFFFFFF00] =	vst v29  }
0x4f: {  	v25 =	vld.idx.msk [tilespmem:v36+s19+$0x0], $0xffff;
	[tilespmem:s8+$0xFFFFFF80] =	vst v34  }
0x50: {  	v27 =	vld.idx.msk [tilespmem:v35+s19+$0x0], $0xffff;
	[tilespmem:s8+$0x0] =	vst v37  }
0x51: {  	s11 =	sadd.s32 $0x1F40, s11;
	v29 =	vld.idx.msk [tilespmem:v38+s19+$0x0], $0xffff;
	[tilespmem:s8+$0x80] =	vst v39  }
0x52: {  	_ =	sdelay $0x2  }
0x53: {  	[tilespmem:s8+$0x100] =	vst v32  }
0x54: {  	v22 =	vld.idx.msk [tilespmem:v31+s19+$0x0], $0xffff;
	[tilespmem:s8+$0xFFFFFE00] =	vst v23;
	s31 =	sadd.s32 $0x400, s8  }
0x55: {  	v30 =	vld.idx.msk [tilespmem:v30+s19+$0x0], $0xffff;
	[tilespmem:s31+$0xFFFFFE00] =	vst v24  }
0x56: {  	v23 =	vld.idx.msk [tilespmem:v28+s19+$0x0], $0xffff;
	[tilespmem:s31+$0x180] =	vst v25  }
0x57: {  	v25 =	vld.idx.msk [tilespmem:v26+s19+$0x0], $0xffff;
	[tilespmem:s31+$0xFFFFFE80] =	vst v27  }
0x58: {  	v26 =	vadd.s32 s20, v21;
	[tilespmem:s31+$0xFFFFFF00] =	vst v29  }
0x59: {  	[tilespmem:s31+$0xFFFFFF80] =	vst v22;
	v22 =	vadd.s32 s23, v21  }
0x5a: {  	p1 =	por $0x1, $0x1;
	[tilespmem:s31+$0x0] =	vst v30;
	v30 =	vadd.s32 s25, v21  }
.Ltmp2:
0x5b: {  	[tilespmem:s31+$0x80] =	vst v23;
	(pc) =	sbr.rel @!p1 .LBB2_6-.Ltmp2, $4  }
0x5c: {  	s20 =	simm.s32 $0x0;
	[tilespmem:s31+$0x100] =	vst v25  }
0x5d: {  	v23 =	vld.idx.msk [tilespmem:v26+s20+$0x0], $0xffff  }
0x5e: {  	v28 =	vadd.s32 s0, v21;
	v24 =	vadd.s32 s24, v21;
	v22 =	vld.idx.msk [tilespmem:v22+s20+$0x0], $0xffff  }
0x5f: {  	s0 =	simm.s32 $0x16020;
	p0 =	por $0x0, $0x0;
	v27 =	vadd.s32 s21, v21;
	v29 =	vadd.s32 s19, v21;
	v26 =	vadd.s32 s22, v21;
	v25 =	vld.idx.msk [tilespmem:v30+s20+$0x0], $0xffff;
	[dreg:$0x8] =	wrdreg s2  }
0x60: {  	_ =	sdelay $0x3  }
0x61: {  	v28 =	vld.idx.msk [tilespmem:v28+s20+$0x0], $0xffff;
	_ =	sdelay $0x1  }
0x62: {  	v32 =	vadd.s32 s28, v21  }
0x63: {  	v33 =	vadd.s32 s26, v21;
	v34 =	vld.idx.msk [tilespmem:v27+s20+$0x0], $0xffff  }
0x64: {  	v35 =	vadd.s32 s6, v21;
	v36 =	vld.idx.msk [tilespmem:v26+s20+$0x0], $0xffff;
	p3 =	por $0x1, $0x1;
	[tilespmem:s0+$0xFFFFFE80] =	vst v23  }
.Ltmp3:
0x65: {  	v31 =	vld.idx.msk [tilespmem:v24+s20+$0x0], $0xffff;
	[tilespmem:s0+$0xFFFFFF80] =	vst v28;
	v28 =	vadd.s32 s29, v21;
	(pc) =	sbr.rel @!p3 .LBB2_8-.Ltmp3, $4  }
0x66: {  	v30 =	vld.idx.msk [tilespmem:v29+s20+$0x0], $0xffff;
	v27 =	vadd.s32 s30, v21;
	[tilespmem:s0+$0x180] =	vst v22  }
0x67: {  	v26 =	vadd.s32 s4, v21;
	[tilespmem:s0+$0xFFFFFF00] =	vst v25;
	v22 =	vld.idx.msk [tilespmem:v32+s20+$0x0], $0xffff  }
0x68: {  	s6 =	simm.s32 $0x8;
	v24 =	vadd.s32 s5, v21;
	v23 =	vld.idx.msk [tilespmem:v33+s20+$0x0], $0xffff;
	[tilespmem:s0+$0x0] =	vst v34  }
0x69: {  	v29 =	vadd.s32 s1, v21;
	s4 =	simm.s32 $0x3E80;
	p2 =	por $0x1, $0x1;
	s1 =	simm.s32 $0x16020;
	v25 =	vld.idx.msk [tilespmem:v35+s20+$0x0], $0xffff;
	[tilespmem:s0+$0x80] =	vst v36  }
.LBB2_9:
0x6a: {  	v32 =	vadd.s32 s4, v21;
	s5 =	sadd.s32 $0x3E8, s4;
	s8 =	sadd.s32 $0x1B58, s4;
	s6 =	sadd.s32 $0x8, s6;
	v33 =	vld.idx.msk [tilespmem:v28+s20+$0x0], $0xffff;
	[tilespmem:s1+$0x100] =	vst v31  }
0x6b: {  	s9 =	sadd.s32 $0xBB8, s4;
	v34 =	vadd.s32 s5, v21;
	s5 =	sadd.s32 $0x7D0, s4;
	v35 =	vadd.s32 s8, v21;
	p3 =	slt.u32 s6, $0x38;
	v36 =	vld.idx.msk [tilespmem:v27+s20+$0x0], $0xffff;
	[tilespmem:s1+$0xFFFFFE00] =	vst v30  }
0x6c: {  	v28 =	vadd.s32 s9, v21;
	s8 =	sadd.s32 $0x1388, s4;
	s1 =	sadd.s32 $0x400, s1;
	v37 =	vadd.s32 s5, v21;
	s5 =	sadd.s32 $0xFA0, s4;
	v38 =	vld.idx.msk [tilespmem:v26+s20+$0x0], $0xffff  }
0x6d: {  	v26 =	vadd.s32 s8, v21;
	v27 =	vadd.s32 s5, v21;
	s5 =	sadd.s32 $0x1770, s4;
	v31 =	vld.idx.msk [tilespmem:v24+s20+$0x0], $0xffff;
	[tilespmem:s1+$0x180] =	vst v22  }
.Ltmp4:
0x6e: {  	v24 =	vadd.s32 s5, v21;
	v30 =	vld.idx.msk [tilespmem:v29+s20+$0x0], $0xffff;
	[tilespmem:s1+$0xFFFFFE80] =	vst v23;
	v29 =	vmov v32;
	(pc) =	sbr.rel @p3 .LBB2_9-.Ltmp4, $4  }
0x6f: {  	s20 =	simm.s32 $0x0;
	[tilespmem:s1+$0xFFFFFF00] =	vst v25  }
0x70: {  	v22 =	vld.idx.msk [tilespmem:v35+s20+$0x0], $0xffff;
	[tilespmem:s1+$0xFFFFFF80] =	vst v33  }
0x71: {  	v23 =	vld.idx.msk [tilespmem:v34+s20+$0x0], $0xffff;
	[tilespmem:s1+$0x0] =	vst v36  }
0x72: {  	s4 =	sadd.s32 $0x1F40, s4;
	v25 =	vld.idx.msk [tilespmem:v37+s20+$0x0], $0xffff;
	[tilespmem:s1+$0x80] =	vst v38  }
.LBB2_10:
0x73: {  	_ =	sdelay $0x3  }
0x74: {  	v21 =	vld.idx.msk [tilespmem:v28+s20+$0x0], $0xffff;
	[tilespmem:s1+$0x100] =	vst @p2 v31;
	s4 =	sadd.s32 @p2 $0x400, s1  }
0x75: {  	v27 =	vld.idx.msk [tilespmem:v27+s20+$0x0], $0xffff;
	[tilespmem:s1+$0xFFFFFE00] =	vst @p2 v30;
	s0 =	smov.u32 @p2 s4  }
0x76: {  	v26 =	vld.idx.msk [tilespmem:v26+s20+$0x0], $0xffff;
	[tilespmem:s0+$0x180] =	vst v22  }
0x77: {  	v22 =	vld.idx.msk [tilespmem:v24+s20+$0x0], $0xffff;
	[tilespmem:s0+$0xFFFFFE80] =	vst v23  }
0x78: {  	v23 =	vld.idx.msk [tilespmem:v29+s20+$0x0], $0xffff;
	[tilespmem:s0+$0xFFFFFF00] =	vst v25  }
0x79: {  	s22 =	sadd.s32 $0x1B58, s20;
	[tilespmem:s0+$0xFFFFFF80] =	vst v21;
	v21 =	vadd.s32 s20, v20  }
0x7a: {  	s19 =	sadd.s32 $0x3E8, s20;
	v24 =	vadd.s32 s22, v20;
	[tilespmem:s0+$0x0] =	vst v27  }
0x7b: {  	s28 =	sadd.s32 $0x7D0, s20;
	v25 =	vadd.s32 s19, v20;
	[tilespmem:s0+$0x80] =	vst v26  }
0x7c: {  	v29 =	vadd.s32 s28, v20;
	[tilespmem:s0+$0x100] =	vst v22  }
.Ltmp5:
0x7d: {  	[tilespmem:s0+$0xFFFFFE00] =	vst v23;
	(pc) =	sbr.rel @!p1 .LBB2_11-.Ltmp5, $4  }
0x7e: {  	v21 =	vld.idx.msk [tilespmem:v21+s20+$0x0], $0xffff  }
0x7f: {  	s23 =	sadd.s32 $0xBB8, s20;
	v22 =	vld.idx.msk [tilespmem:v24+s20+$0x0], $0xffff  }
0x80: {  	s24 =	sadd.s32 $0xFA0, s20;
	s25 =	sadd.s32 $0x1388, s20;
	s26 =	sadd.s32 $0x1770, s20;
	v28 =	vadd.s32 s23, v20;
	v23 =	vld.idx.msk [tilespmem:v25+s20+$0x0], $0xffff  }
0x81: {  	s1 =	simm.s32 $0x16030;
	s21 =	sadd.s32 $0x1F40, s20;
	s2 =	simm.s32 $0x400;
	v27 =	vadd.s32 s24, v20;
	v26 =	vadd.s32 s25, v20;
	v24 =	vadd.s32 s26, v20;
	v25 =	vld.idx.msk [tilespmem:v29+s20+$0x0], $0xffff  }
0x82: {  	_ =	sdelay $0x3  }
0x83: {  	v28 =	vld.idx.msk [tilespmem:v28+s20+$0x0], $0xffff  }
0x84: {  	v30 =	vadd.s32 s21, v20;
	s0 =	sadd.s32 $0x1B58, s21  }
0x85: {  	s4 =	sadd.s32 $0x3E8, s21;
	v31 =	vadd.s32 s0, v20  }
0x86: {  	s18 =	sadd.s32 $0x7D0, s21;
	v33 =	vld.idx.msk [tilespmem:v27+s20+$0x0], $0xffff;
	v32 =	vadd.s32 s4, v20  }
0x87: {  	v35 =	vld.idx.msk [tilespmem:v26+s20+$0x0], $0xffff;
	s29 =	sadd.s32 $0xBB8, s21;
	p1 =	por $0x1, $0x1;
	v34 =	vadd.s32 s18, v20;
	[tilespmem:s1+$0x180] =	vst v22  }
.Ltmp6:
0x88: {  	v29 =	vld.idx.msk [tilespmem:v24+s20+$0x0], $0xffff;
	s5 =	sadd.s32 $0xFA0, s21;
	[tilespmem:s1+$0xFFFFFF80] =	vst v28;
	v28 =	vadd.s32 s29, v20;
	(pc) =	sbr.rel @!p1 .LBB2_13-.Ltmp6, $4  }
0x89: {  	s30 =	sadd.s32 $0x1388, s21;
	v27 =	vadd.s32 s5, v20;
	[tilespmem:s1+$0xFFFFFE80] =	vst v23;
	v30 =	vld.idx.msk [tilespmem:v30+s20+$0x0], $0xffff  }
0x8a: {  	s31 =	sadd.s32 $0x1770, s21;
	v26 =	vadd.s32 s30, v20;
	[tilespmem:s1+$0xFFFFFF00] =	vst v25;
	v22 =	vld.idx.msk [tilespmem:v31+s20+$0x0], $0xffff  }
0x8b: {  	p0 =	por $0x1, $0x1;
	v24 =	vadd.s32 s31, v20;
	[tilespmem:s1+$0x0] =	vst v33;
	v23 =	vld.idx.msk [tilespmem:v32+s20+$0x0], $0xffff  }
0x8c: {  	s0 =	simm.s32 $0x8;
	s5 =	sadd.s32 $0x1F40, s21;
	s4 =	simm.s32 $0x16030;
	[tilespmem:s1+$0x80] =	vst v35;
	v25 =	vld.idx.msk [tilespmem:v34+s20+$0x0], $0xffff  }
.LBB2_14:
0x8d: {  	v31 =	vadd.s32 s5, v20;
	s6 =	sadd.s32 $0x3E8, s5;
	s8 =	sadd.s32 $0x1B58, s5;
	s0 =	sadd.s32 $0x8, s0;
	v32 =	vld.idx.msk [tilespmem:v28+s20+$0x0], $0xffff;
	[tilespmem:s4+$0x100] =	vst v29  }
0x8e: {  	s9 =	sadd.s32 $0xBB8, s5;
	v33 =	vadd.s32 s6, v20;
	s6 =	sadd.s32 $0x7D0, s5;
	v34 =	vadd.s32 s8, v20;
	p1 =	slt.u32 s0, $0x38;
	v35 =	vld.idx.msk [tilespmem:v27+s20+$0x0], $0xffff;
	[tilespmem:s4+$0xFFFFFE00] =	vst v21  }
0x8f: {  	v28 =	vadd.s32 s9, v20;
	s8 =	sadd.s32 $0x1388, s5;
	s4 =	sadd.s32 $0x400, s4;
	v21 =	vmov v30;
	v36 =	vadd.s32 s6, v20;
	s6 =	sadd.s32 $0xFA0, s5;
	v37 =	vld.idx.msk [tilespmem:v26+s20+$0x0], $0xffff  }
0x90: {  	v26 =	vadd.s32 s8, v20;
	v27 =	vadd.s32 s6, v20;
	s6 =	sadd.s32 $0x1770, s5;
	v29 =	vld.idx.msk [tilespmem:v24+s20+$0x0], $0xffff;
	[tilespmem:s4+$0x180] =	vst v22  }
.Ltmp7:
0x91: {  	v24 =	vadd.s32 s6, v20;
	[tilespmem:s4+$0xFFFFFE80] =	vst v23;
	(pc) =	sbr.rel @p1 .LBB2_14-.Ltmp7, $4  }
0x92: {  	v30 =	vld.idx.msk [tilespmem:v31+s20+$0x0], $0xffff;
	[tilespmem:s4+$0xFFFFFF00] =	vst v25  }
0x93: {  	v22 =	vld.idx.msk [tilespmem:v34+s20+$0x0], $0xffff;
	[tilespmem:s4+$0xFFFFFF80] =	vst v32  }
0x94: {  	v23 =	vld.idx.msk [tilespmem:v33+s20+$0x0], $0xffff;
	[tilespmem:s4+$0x0] =	vst v35  }
0x95: {  	s5 =	sadd.s32 $0x1F40, s5;
	v25 =	vld.idx.msk [tilespmem:v36+s20+$0x0], $0xffff;
	[tilespmem:s4+$0x80] =	vst v37  }
0x96: {  	_ = 	snop  }
0x97: {  	v20 =	vmov v21;
	v21 =	vmov v30  }
.LBB2_16:
0x98: {  	_ =	sdelay $0x2  }
0x99: {  	[tilespmem:s4+$0x100] =	vst @p0 v29;
	s0 =	sadd.s32 @p0 $0x400, s4  }
0x9a: {  	v28 =	vld.idx.msk [tilespmem:v28+s20+$0x0], $0xffff;
	[tilespmem:s4+$0xFFFFFE00] =	vst @p0 v20;
	s1 =	smov.u32 @p0 s0  }
0x9b: {  	v20 =	vld.idx.msk [tilespmem:v27+s20+$0x0], $0xffff;
	[tilespmem:s1+$0x180] =	vst v22  }
0x9c: {  	v26 =	vld.idx.msk [tilespmem:v26+s20+$0x0], $0xffff;
	[tilespmem:s1+$0xFFFFFE80] =	vst v23  }
0x9d: {  	v22 =	vld.idx.msk [tilespmem:v24+s20+$0x0], $0xffff;
	[tilespmem:s1+$0xFFFFFF00] =	vst v25  }
0x9e: {  	v23 =	vadd.s32 s22, v19;
	[tilespmem:s1+$0xFFFFFE00] =	vst v21  }
0x9f: {  	v24 =	vadd.s32 s19, v19;
	[tilespmem:s1+$0xFFFFFF80] =	vst v28  }
0xa0: {  	p1 =	por $0x1, $0x1;
	[tilespmem:s1+$0x0] =	vst v20;
	v28 =	vadd.s32 s28, v19  }
.Ltmp8:
0xa1: {  	[tilespmem:s1+$0x80] =	vst v26;
	(pc) =	sbr.rel @!p1 .LBB2_17-.Ltmp8, $4  }
0xa2: {  	s19 =	simm.s32 $0x0;
	[tilespmem:s1+$0x100] =	vst v22  }
0xa3: {  	v20 =	vld.idx.msk [tilespmem:v23+s19+$0x0], $0xffff  }
0xa4: {  	v27 =	vadd.s32 s20, v19;
	v25 =	vadd.s32 s24, v19;
	v21 =	vld.idx.msk [tilespmem:v24+s19+$0x0], $0xffff  }
0xa5: {  	p0 =	por $0x0, $0x0;
	v26 =	vadd.s32 s23, v19;
	s1 =	simm.s32 $0x16040;
	v22 =	vadd.s32 s26, v19;
	v24 =	vadd.s32 s25, v19;
	v23 =	vld.idx.msk [tilespmem:v28+s19+$0x0], $0xffff  }
0xa6: {  	_ =	sdelay $0x3  }
0xa7: {  	v26 =	vld.idx.msk [tilespmem:v26+s19+$0x0], $0xffff  }
0xa8: {  	s0 =	sadd.s32 $0x1B58, s21  }
0xa9: {  	s4 =	sadd.s32 $0x3E8, s21;
	v30 =	vadd.s32 s0, v19  }
0xaa: {  	s28 =	sadd.s32 $0x7D0, s21;
	v32 =	vld.idx.msk [tilespmem:v25+s19+$0x0], $0xffff;
	v31 =	vadd.s32 s4, v19  }
0xab: {  	v34 =	vld.idx.msk [tilespmem:v24+s19+$0x0], $0xffff;
	s29 =	sadd.s32 $0xBB8, s21;
	p3 =	por $0x1, $0x1;
	v33 =	vadd.s32 s28, v19;
	[tilespmem:s1+$0x180] =	vst v20  }
.Ltmp9:
0xac: {  	v29 =	vld.idx.msk [tilespmem:v22+s19+$0x0], $0xffff;
	s5 =	sadd.s32 $0xFA0, s21;
	[tilespmem:s1+$0xFFFFFF80] =	vst v26;
	v26 =	vadd.s32 s29, v19;
	(pc) =	sbr.rel @!p3 .LBB2_19-.Ltmp9, $4  }
0xad: {  	v28 =	vld.idx.msk [tilespmem:v27+s19+$0x0], $0xffff;
	s30 =	sadd.s32 $0x1388, s21;
	v25 =	vadd.s32 s5, v19;
	[tilespmem:s1+$0xFFFFFE80] =	vst v21  }
0xae: {  	s31 =	sadd.s32 $0x1770, s21;
	v24 =	vadd.s32 s30, v19;
	[tilespmem:s1+$0xFFFFFF00] =	vst v23;
	v20 =	vld.idx.msk [tilespmem:v30+s19+$0x0], $0xffff  }
0xaf: {  	p2 =	por $0x1, $0x1;
	v22 =	vadd.s32 s31, v19;
	[tilespmem:s1+$0x0] =	vst v32;
	v21 =	vld.idx.msk [tilespmem:v31+s19+$0x0], $0xffff  }
0xb0: {  	v27 =	vadd.s32 s21, v19;
	s0 =	simm.s32 $0x8;
	s5 =	sadd.s32 $0x1F40, s21;
	s4 =	simm.s32 $0x16040;
	[tilespmem:s1+$0x80] =	vst v34;
	v23 =	vld.idx.msk [tilespmem:v33+s19+$0x0], $0xffff  }
.LBB2_20:
0xb1: {  	v30 =	vadd.s32 s5, v19;
	s6 =	sadd.s32 $0x3E8, s5;
	s8 =	sadd.s32 $0x1B58, s5;
	s0 =	sadd.s32 $0x8, s0;
	v31 =	vld.idx.msk [tilespmem:v26+s19+$0x0], $0xffff;
	[tilespmem:s4+$0x100] =	vst v29  }
0xb2: {  	s9 =	sadd.s32 $0xBB8, s5;
	v32 =	vadd.s32 s6, v19;
	s6 =	sadd.s32 $0x7D0, s5;
	v33 =	vadd.s32 s8, v19;
	p3 =	slt.u32 s0, $0x38;
	v34 =	vld.idx.msk [tilespmem:v25+s19+$0x0], $0xffff;
	[tilespmem:s4+$0xFFFFFE00] =	vst v28  }
0xb3: {  	v26 =	vadd.s32 s9, v19;
	s8 =	sadd.s32 $0x1388, s5;
	s4 =	sadd.s32 $0x400, s4;
	v35 =	vadd.s32 s6, v19;
	s6 =	sadd.s32 $0xFA0, s5;
	v36 =	vld.idx.msk [tilespmem:v24+s19+$0x0], $0xffff  }
0xb4: {  	v24 =	vadd.s32 s8, v19;
	v25 =	vadd.s32 s6, v19;
	s6 =	sadd.s32 $0x1770, s5;
	v29 =	vld.idx.msk [tilespmem:v22+s19+$0x0], $0xffff;
	[tilespmem:s4+$0x180] =	vst v20  }
.Ltmp10:
0xb5: {  	v22 =	vadd.s32 s6, v19;
	v28 =	vld.idx.msk [tilespmem:v27+s19+$0x0], $0xffff;
	[tilespmem:s4+$0xFFFFFE80] =	vst v21;
	v27 =	vmov v30;
	(pc) =	sbr.rel @p3 .LBB2_20-.Ltmp10, $4  }
0xb6: {  	s19 =	simm.s32 $0x0;
	[tilespmem:s4+$0xFFFFFF00] =	vst v23  }
0xb7: {  	v20 =	vld.idx.msk [tilespmem:v33+s19+$0x0], $0xffff;
	[tilespmem:s4+$0xFFFFFF80] =	vst v31  }
0xb8: {  	v21 =	vld.idx.msk [tilespmem:v32+s19+$0x0], $0xffff;
	[tilespmem:s4+$0x0] =	vst v34  }
0xb9: {  	s5 =	sadd.s32 $0x1F40, s5;
	v23 =	vld.idx.msk [tilespmem:v35+s19+$0x0], $0xffff;
	[tilespmem:s4+$0x80] =	vst v36  }
.LBB2_21:
0xba: {  	_ =	sdelay $0x3  }
0xbb: {  	v19 =	vld.idx.msk [tilespmem:v26+s19+$0x0], $0xffff;
	[tilespmem:s4+$0x100] =	vst @p2 v29;
	s0 =	sadd.s32 @p2 $0x400, s4  }
0xbc: {  	v25 =	vld.idx.msk [tilespmem:v25+s19+$0x0], $0xffff;
	[tilespmem:s4+$0xFFFFFE00] =	vst @p2 v28;
	s1 =	smov.u32 @p2 s0  }
0xbd: {  	v24 =	vld.idx.msk [tilespmem:v24+s19+$0x0], $0xffff;
	[tilespmem:s1+$0x180] =	vst v20  }
0xbe: {  	v20 =	vld.idx.msk [tilespmem:v22+s19+$0x0], $0xffff;
	[tilespmem:s1+$0xFFFFFE80] =	vst v21  }
0xbf: {  	v21 =	vld.idx.msk [tilespmem:v27+s19+$0x0], $0xffff;
	[tilespmem:s1+$0xFFFFFF00] =	vst v23  }
0xc0: {  	s22 =	sadd.s32 $0x1B58, s19;
	[tilespmem:s1+$0xFFFFFF80] =	vst v19;
	v19 =	vadd.s32 s19, v18  }
0xc1: {  	s21 =	sadd.s32 $0x3E8, s19;
	v22 =	vadd.s32 s22, v18;
	[tilespmem:s1+$0x0] =	vst v25  }
0xc2: {  	s28 =	sadd.s32 $0x7D0, s19;
	v23 =	vadd.s32 s21, v18;
	[tilespmem:s1+$0x80] =	vst v24  }
0xc3: {  	v27 =	vadd.s32 s28, v18;
	[tilespmem:s1+$0x100] =	vst v20  }
.Ltmp11:
0xc4: {  	[tilespmem:s1+$0xFFFFFE00] =	vst v21;
	(pc) =	sbr.rel @!p1 .LBB2_22-.Ltmp11, $4  }
0xc5: {  	v19 =	vld.idx.msk [tilespmem:v19+s19+$0x0], $0xffff  }
0xc6: {  	s23 =	sadd.s32 $0xBB8, s19;
	v20 =	vld.idx.msk [tilespmem:v22+s19+$0x0], $0xffff  }
0xc7: {  	s24 =	sadd.s32 $0xFA0, s19;
	s25 =	sadd.s32 $0x1388, s19;
	s26 =	sadd.s32 $0x1770, s19;
	v26 =	vadd.s32 s23, v18;
	v21 =	vld.idx.msk [tilespmem:v23+s19+$0x0], $0xffff  }
0xc8: {  	s20 =	sadd.s32 $0x1F40, s19;
	v25 =	vadd.s32 s24, v18;
	v24 =	vadd.s32 s25, v18;
	s1 =	simm.s32 $0x16050;
	v22 =	vadd.s32 s26, v18;
	v23 =	vld.idx.msk [tilespmem:v27+s19+$0x0], $0xffff  }
0xc9: {  	_ =	sdelay $0x3  }
0xca: {  	v26 =	vld.idx.msk [tilespmem:v26+s19+$0x0], $0xffff  }
0xcb: {  	v28 =	vadd.s32 s20, v18;
	s0 =	sadd.s32 $0x1B58, s20  }
0xcc: {  	s4 =	sadd.s32 $0x3E8, s20;
	v29 =	vadd.s32 s0, v18  }
0xcd: {  	s18 =	sadd.s32 $0x7D0, s20;
	v31 =	vld.idx.msk [tilespmem:v25+s19+$0x0], $0xffff;
	v30 =	vadd.s32 s4, v18  }
0xce: {  	v33 =	vld.idx.msk [tilespmem:v24+s19+$0x0], $0xffff;
	s29 =	sadd.s32 $0xBB8, s20;
	p1 =	por $0x1, $0x1;
	v32 =	vadd.s32 s18, v18;
	[tilespmem:s1+$0x180] =	vst v20  }
.Ltmp12:
0xcf: {  	v27 =	vld.idx.msk [tilespmem:v22+s19+$0x0], $0xffff;
	s5 =	sadd.s32 $0xFA0, s20;
	[tilespmem:s1+$0xFFFFFF80] =	vst v26;
	v26 =	vadd.s32 s29, v18;
	(pc) =	sbr.rel @!p1 .LBB2_24-.Ltmp12, $4  }
0xd0: {  	s30 =	sadd.s32 $0x1388, s20;
	v25 =	vadd.s32 s5, v18;
	[tilespmem:s1+$0xFFFFFE80] =	vst v21;
	v28 =	vld.idx.msk [tilespmem:v28+s19+$0x0], $0xffff  }
0xd1: {  	s31 =	sadd.s32 $0x1770, s20;
	v24 =	vadd.s32 s30, v18;
	[tilespmem:s1+$0xFFFFFF00] =	vst v23;
	v20 =	vld.idx.msk [tilespmem:v29+s19+$0x0], $0xffff  }
0xd2: {  	p0 =	por $0x1, $0x1;
	v22 =	vadd.s32 s31, v18;
	[tilespmem:s1+$0x0] =	vst v31;
	v21 =	vld.idx.msk [tilespmem:v30+s19+$0x0], $0xffff  }
0xd3: {  	s0 =	simm.s32 $0x8;
	s5 =	sadd.s32 $0x1F40, s20;
	s4 =	simm.s32 $0x16050;
	[tilespmem:s1+$0x80] =	vst v33;
	v23 =	vld.idx.msk [tilespmem:v32+s19+$0x0], $0xffff  }
.LBB2_25:
0xd4: {  	v29 =	vadd.s32 s5, v18;
	s6 =	sadd.s32 $0x3E8, s5;
	s8 =	sadd.s32 $0x1B58, s5;
	s0 =	sadd.s32 $0x8, s0;
	v30 =	vld.idx.msk [tilespmem:v26+s19+$0x0], $0xffff;
	[tilespmem:s4+$0x100] =	vst v27  }
0xd5: {  	s9 =	sadd.s32 $0xBB8, s5;
	v31 =	vadd.s32 s6, v18;
	s6 =	sadd.s32 $0x7D0, s5;
	v32 =	vadd.s32 s8, v18;
	p1 =	slt.u32 s0, $0x38;
	v33 =	vld.idx.msk [tilespmem:v25+s19+$0x0], $0xffff;
	[tilespmem:s4+$0xFFFFFE00] =	vst v19  }
0xd6: {  	v26 =	vadd.s32 s9, v18;
	s8 =	sadd.s32 $0x1388, s5;
	s4 =	sadd.s32 $0x400, s4;
	v19 =	vmov v28;
	v34 =	vadd.s32 s6, v18;
	s6 =	sadd.s32 $0xFA0, s5;
	v35 =	vld.idx.msk [tilespmem:v24+s19+$0x0], $0xffff  }
0xd7: {  	v24 =	vadd.s32 s8, v18;
	v25 =	vadd.s32 s6, v18;
	s6 =	sadd.s32 $0x1770, s5;
	v27 =	vld.idx.msk [tilespmem:v22+s19+$0x0], $0xffff;
	[tilespmem:s4+$0x180] =	vst v20  }
.Ltmp13:
0xd8: {  	v22 =	vadd.s32 s6, v18;
	[tilespmem:s4+$0xFFFFFE80] =	vst v21;
	(pc) =	sbr.rel @p1 .LBB2_25-.Ltmp13, $4  }
0xd9: {  	v28 =	vld.idx.msk [tilespmem:v29+s19+$0x0], $0xffff;
	[tilespmem:s4+$0xFFFFFF00] =	vst v23  }
0xda: {  	v20 =	vld.idx.msk [tilespmem:v32+s19+$0x0], $0xffff;
	[tilespmem:s4+$0xFFFFFF80] =	vst v30  }
0xdb: {  	v21 =	vld.idx.msk [tilespmem:v31+s19+$0x0], $0xffff;
	[tilespmem:s4+$0x0] =	vst v33  }
0xdc: {  	s5 =	sadd.s32 $0x1F40, s5;
	v23 =	vld.idx.msk [tilespmem:v34+s19+$0x0], $0xffff;
	[tilespmem:s4+$0x80] =	vst v35  }
0xdd: {  	_ = 	snop  }
0xde: {  	v18 =	vmov v19;
	v19 =	vmov v28  }
.LBB2_27:
0xdf: {  	_ =	sdelay $0x2  }
0xe0: {  	[tilespmem:s4+$0x100] =	vst @p0 v27;
	s0 =	sadd.s32 @p0 $0x400, s4  }
0xe1: {  	v26 =	vld.idx.msk [tilespmem:v26+s19+$0x0], $0xffff;
	[tilespmem:s4+$0xFFFFFE00] =	vst @p0 v18;
	s1 =	smov.u32 @p0 s0  }
0xe2: {  	v18 =	vld.idx.msk [tilespmem:v25+s19+$0x0], $0xffff;
	[tilespmem:s1+$0x180] =	vst v20  }
0xe3: {  	v24 =	vld.idx.msk [tilespmem:v24+s19+$0x0], $0xffff;
	[tilespmem:s1+$0xFFFFFE80] =	vst v21  }
0xe4: {  	v20 =	vld.idx.msk [tilespmem:v22+s19+$0x0], $0xffff;
	[tilespmem:s1+$0xFFFFFF00] =	vst v23  }
0xe5: {  	v21 =	vadd.s32 s22, v17;
	[tilespmem:s1+$0xFFFFFE00] =	vst v19  }
0xe6: {  	v22 =	vadd.s32 s21, v17;
	[tilespmem:s1+$0xFFFFFF80] =	vst v26  }
0xe7: {  	p1 =	por $0x1, $0x1;
	[tilespmem:s1+$0x0] =	vst v18;
	v26 =	vadd.s32 s28, v17  }
.Ltmp14:
0xe8: {  	[tilespmem:s1+$0x80] =	vst v24;
	(pc) =	sbr.rel @!p1 .LBB2_28-.Ltmp14, $4  }
0xe9: {  	s21 =	simm.s32 $0x0;
	[tilespmem:s1+$0x100] =	vst v20  }
0xea: {  	v18 =	vld.idx.msk [tilespmem:v21+s21+$0x0], $0xffff  }
0xeb: {  	v25 =	vadd.s32 s19, v17;
	v23 =	vadd.s32 s24, v17;
	v19 =	vld.idx.msk [tilespmem:v22+s21+$0x0], $0xffff  }
0xec: {  	p0 =	por $0x0, $0x0;
	v24 =	vadd.s32 s23, v17;
	s1 =	simm.s32 $0x16060;
	v20 =	vadd.s32 s26, v17;
	v22 =	vadd.s32 s25, v17;
	v21 =	vld.idx.msk [tilespmem:v26+s21+$0x0], $0xffff  }
0xed: {  	_ =	sdelay $0x3  }
0xee: {  	v24 =	vld.idx.msk [tilespmem:v24+s21+$0x0], $0xffff  }
0xef: {  	s0 =	sadd.s32 $0x1B58, s20  }
0xf0: {  	s4 =	sadd.s32 $0x3E8, s20;
	v28 =	vadd.s32 s0, v17  }
0xf1: {  	s28 =	sadd.s32 $0x7D0, s20;
	v30 =	vld.idx.msk [tilespmem:v23+s21+$0x0], $0xffff;
	v29 =	vadd.s32 s4, v17  }
0xf2: {  	v32 =	vld.idx.msk [tilespmem:v22+s21+$0x0], $0xffff;
	s29 =	sadd.s32 $0xBB8, s20;
	p3 =	por $0x1, $0x1;
	v31 =	vadd.s32 s28, v17;
	[tilespmem:s1+$0x180] =	vst v18  }
.Ltmp15:
0xf3: {  	v27 =	vld.idx.msk [tilespmem:v20+s21+$0x0], $0xffff;
	s5 =	sadd.s32 $0xFA0, s20;
	[tilespmem:s1+$0xFFFFFF80] =	vst v24;
	v24 =	vadd.s32 s29, v17;
	(pc) =	sbr.rel @!p3 .LBB2_30-.Ltmp15, $4  }
0xf4: {  	v26 =	vld.idx.msk [tilespmem:v25+s21+$0x0], $0xffff;
	s30 =	sadd.s32 $0x1388, s20;
	v23 =	vadd.s32 s5, v17;
	[tilespmem:s1+$0xFFFFFE80] =	vst v19  }
0xf5: {  	s31 =	sadd.s32 $0x1770, s20;
	v22 =	vadd.s32 s30, v17;
	[tilespmem:s1+$0xFFFFFF00] =	vst v21;
	v18 =	vld.idx.msk [tilespmem:v28+s21+$0x0], $0xffff  }
0xf6: {  	p2 =	por $0x1, $0x1;
	v20 =	vadd.s32 s31, v17;
	[tilespmem:s1+$0x0] =	vst v30;
	v19 =	vld.idx.msk [tilespmem:v29+s21+$0x0], $0xffff  }
0xf7: {  	v25 =	vadd.s32 s20, v17;
	s0 =	simm.s32 $0x8;
	s5 =	sadd.s32 $0x1F40, s20;
	s4 =	simm.s32 $0x16060;
	[tilespmem:s1+$0x80] =	vst v32;
	v21 =	vld.idx.msk [tilespmem:v31+s21+$0x0], $0xffff  }
.LBB2_31:
0xf8: {  	v28 =	vadd.s32 s5, v17;
	s6 =	sadd.s32 $0x3E8, s5;
	s8 =	sadd.s32 $0x1B58, s5;
	s0 =	sadd.s32 $0x8, s0;
	v29 =	vld.idx.msk [tilespmem:v24+s21+$0x0], $0xffff;
	[tilespmem:s4+$0x100] =	vst v27  }
0xf9: {  	s9 =	sadd.s32 $0xBB8, s5;
	v30 =	vadd.s32 s6, v17;
	s6 =	sadd.s32 $0x7D0, s5;
	v31 =	vadd.s32 s8, v17;
	p3 =	slt.u32 s0, $0x38;
	v32 =	vld.idx.msk [tilespmem:v23+s21+$0x0], $0xffff;
	[tilespmem:s4+$0xFFFFFE00] =	vst v26  }
0xfa: {  	v24 =	vadd.s32 s9, v17;
	s8 =	sadd.s32 $0x1388, s5;
	s4 =	sadd.s32 $0x400, s4;
	v33 =	vadd.s32 s6, v17;
	s6 =	sadd.s32 $0xFA0, s5;
	v34 =	vld.idx.msk [tilespmem:v22+s21+$0x0], $0xffff  }
0xfb: {  	v22 =	vadd.s32 s8, v17;
	v23 =	vadd.s32 s6, v17;
	s6 =	sadd.s32 $0x1770, s5;
	v27 =	vld.idx.msk [tilespmem:v20+s21+$0x0], $0xffff;
	[tilespmem:s4+$0x180] =	vst v18  }
.Ltmp16:
0xfc: {  	v20 =	vadd.s32 s6, v17;
	v26 =	vld.idx.msk [tilespmem:v25+s21+$0x0], $0xffff;
	[tilespmem:s4+$0xFFFFFE80] =	vst v19;
	v25 =	vmov v28;
	(pc) =	sbr.rel @p3 .LBB2_31-.Ltmp16, $4  }
0xfd: {  	s21 =	simm.s32 $0x0;
	[tilespmem:s4+$0xFFFFFF00] =	vst v21  }
0xfe: {  	v18 =	vld.idx.msk [tilespmem:v31+s21+$0x0], $0xffff;
	[tilespmem:s4+$0xFFFFFF80] =	vst v29  }
0xff: {  	v19 =	vld.idx.msk [tilespmem:v30+s21+$0x0], $0xffff;
	[tilespmem:s4+$0x0] =	vst v32  }
0x100: {  	s5 =	sadd.s32 $0x1F40, s5;
	v21 =	vld.idx.msk [tilespmem:v33+s21+$0x0], $0xffff;
	[tilespmem:s4+$0x80] =	vst v34  }
.LBB2_32:
0x101: {  	_ =	sdelay $0x3  }
0x102: {  	v17 =	vld.idx.msk [tilespmem:v24+s21+$0x0], $0xffff;
	[tilespmem:s4+$0x100] =	vst @p2 v27;
	s0 =	sadd.s32 @p2 $0x400, s4  }
0x103: {  	v23 =	vld.idx.msk [tilespmem:v23+s21+$0x0], $0xffff;
	[tilespmem:s4+$0xFFFFFE00] =	vst @p2 v26;
	s1 =	smov.u32 @p2 s0  }
0x104: {  	v22 =	vld.idx.msk [tilespmem:v22+s21+$0x0], $0xffff;
	[tilespmem:s1+$0x180] =	vst v18  }
0x105: {  	v18 =	vld.idx.msk [tilespmem:v20+s21+$0x0], $0xffff;
	[tilespmem:s1+$0xFFFFFE80] =	vst v19  }
0x106: {  	v19 =	vld.idx.msk [tilespmem:v25+s21+$0x0], $0xffff;
	[tilespmem:s1+$0xFFFFFF00] =	vst v21  }
0x107: {  	s25 =	sadd.s32 $0x1B58, s21;
	[tilespmem:s1+$0xFFFFFF80] =	vst v17;
	v17 =	vadd.s32 s21, v16  }
0x108: {  	s26 =	sadd.s32 $0x3E8, s21;
	v20 =	vadd.s32 s25, v16;
	[tilespmem:s1+$0x0] =	vst v23  }
0x109: {  	s28 =	sadd.s32 $0x7D0, s21;
	v21 =	vadd.s32 s26, v16;
	[tilespmem:s1+$0x80] =	vst v22  }
0x10a: {  	v25 =	vadd.s32 s28, v16;
	[tilespmem:s1+$0x100] =	vst v18  }
.Ltmp17:
0x10b: {  	[tilespmem:s1+$0xFFFFFE00] =	vst v19;
	(pc) =	sbr.rel @!p1 .LBB2_33-.Ltmp17, $4  }
0x10c: {  	v17 =	vld.idx.msk [tilespmem:v17+s3+$0x0], $0xffff  }
0x10d: {  	s29 =	sadd.s32 $0xBB8, s21;
	v18 =	vld.idx.msk [tilespmem:v20+s3+$0x0], $0xffff  }
0x10e: {  	s30 =	sadd.s32 $0xFA0, s21;
	s31 =	sadd.s32 $0x1388, s21;
	s5 =	sadd.s32 $0x1770, s21;
	v24 =	vadd.s32 s29, v16;
	v19 =	vld.idx.msk [tilespmem:v21+s3+$0x0], $0xffff  }
0x10f: {  	s4 =	sadd.s32 $0x1F40, s21;
	s0 =	simm.s32 $0x16070;
	v23 =	vadd.s32 s30, v16;
	v22 =	vadd.s32 s31, v16;
	v20 =	vadd.s32 s5, v16;
	v21 =	vld.idx.msk [tilespmem:v25+s3+$0x0], $0xffff  }
0x110: {  	_ =	sdelay $0x3  }
0x111: {  	v24 =	vld.idx.msk [tilespmem:v24+s3+$0x0], $0xffff  }
0x112: {  	v26 =	vadd.s32 s4, v16;
	s1 =	sadd.s32 $0x1B58, s4  }
0x113: {  	s5 =	sadd.s32 $0x3E8, s4;
	v27 =	vadd.s32 s1, v16  }
0x114: {  	s28 =	sadd.s32 $0x7D0, s4;
	v29 =	vld.idx.msk [tilespmem:v23+s3+$0x0], $0xffff;
	v28 =	vadd.s32 s5, v16  }
0x115: {  	v31 =	vld.idx.msk [tilespmem:v22+s3+$0x0], $0xffff;
	s29 =	sadd.s32 $0xBB8, s4;
	p1 =	por $0x1, $0x1;
	v30 =	vadd.s32 s28, v16;
	[tilespmem:s0+$0x180] =	vst v18  }
.Ltmp18:
0x116: {  	v25 =	vld.idx.msk [tilespmem:v20+s3+$0x0], $0xffff;
	s6 =	sadd.s32 $0xFA0, s4;
	[tilespmem:s0+$0xFFFFFF80] =	vst v24;
	v24 =	vadd.s32 s29, v16;
	(pc) =	sbr.rel @!p1 .LBB2_35-.Ltmp18, $4  }
0x117: {  	s30 =	sadd.s32 $0x1388, s4;
	v23 =	vadd.s32 s6, v16;
	[tilespmem:s0+$0xFFFFFE80] =	vst v19;
	v26 =	vld.idx.msk [tilespmem:v26+s3+$0x0], $0xffff  }
0x118: {  	s31 =	sadd.s32 $0x1770, s4;
	v22 =	vadd.s32 s30, v16;
	[tilespmem:s0+$0xFFFFFF00] =	vst v21;
	v18 =	vld.idx.msk [tilespmem:v27+s3+$0x0], $0xffff  }
0x119: {  	p0 =	por $0x1, $0x1;
	v20 =	vadd.s32 s31, v16;
	[tilespmem:s0+$0x0] =	vst v29;
	v19 =	vld.idx.msk [tilespmem:v28+s3+$0x0], $0xffff  }
0x11a: {  	s1 =	simm.s32 $0x8;
	s5 =	sadd.s32 $0x1F40, s4;
	s4 =	simm.s32 $0x16070;
	[tilespmem:s0+$0x80] =	vst v31;
	v21 =	vld.idx.msk [tilespmem:v30+s3+$0x0], $0xffff  }
.LBB2_36:
0x11b: {  	v27 =	vadd.s32 s5, v16;
	s6 =	sadd.s32 $0x3E8, s5;
	s8 =	sadd.s32 $0x1B58, s5;
	s1 =	sadd.s32 $0x8, s1;
	v28 =	vld.idx.msk [tilespmem:v24+s3+$0x0], $0xffff;
	[tilespmem:s4+$0x100] =	vst v25  }
0x11c: {  	s9 =	sadd.s32 $0xBB8, s5;
	v29 =	vadd.s32 s6, v16;
	s6 =	sadd.s32 $0x7D0, s5;
	v30 =	vadd.s32 s8, v16;
	p1 =	slt.u32 s1, $0x38;
	v31 =	vld.idx.msk [tilespmem:v23+s3+$0x0], $0xffff;
	[tilespmem:s4+$0xFFFFFE00] =	vst v17  }
0x11d: {  	v24 =	vadd.s32 s9, v16;
	s8 =	sadd.s32 $0x1388, s5;
	s4 =	sadd.s32 $0x400, s4;
	v17 =	vmov v26;
	v32 =	vadd.s32 s6, v16;
	s6 =	sadd.s32 $0xFA0, s5;
	v33 =	vld.idx.msk [tilespmem:v22+s3+$0x0], $0xffff  }
0x11e: {  	v22 =	vadd.s32 s8, v16;
	v23 =	vadd.s32 s6, v16;
	s6 =	sadd.s32 $0x1770, s5;
	v25 =	vld.idx.msk [tilespmem:v20+s3+$0x0], $0xffff;
	[tilespmem:s4+$0x180] =	vst v18  }
.Ltmp19:
0x11f: {  	v20 =	vadd.s32 s6, v16;
	[tilespmem:s4+$0xFFFFFE80] =	vst v19;
	(pc) =	sbr.rel @p1 .LBB2_36-.Ltmp19, $4  }
0x120: {  	v26 =	vld.idx.msk [tilespmem:v27+s3+$0x0], $0xffff;
	[tilespmem:s4+$0xFFFFFF00] =	vst v21  }
0x121: {  	v18 =	vld.idx.msk [tilespmem:v30+s3+$0x0], $0xffff;
	[tilespmem:s4+$0xFFFFFF80] =	vst v28  }
0x122: {  	v19 =	vld.idx.msk [tilespmem:v29+s3+$0x0], $0xffff;
	[tilespmem:s4+$0x0] =	vst v31  }
0x123: {  	s5 =	sadd.s32 $0x1F40, s5;
	v21 =	vld.idx.msk [tilespmem:v32+s3+$0x0], $0xffff;
	[tilespmem:s4+$0x80] =	vst v33  }
0x124: {  	_ = 	snop  }
0x125: {  	v16 =	vmov v17;
	v17 =	vmov v26  }
.LBB2_38:
0x126: {  	_ =	sdelay $0x2  }
0x127: {  	[tilespmem:s4+$0x100] =	vst @p0 v25;
	s1 =	sadd.s32 @p0 $0x400, s4  }
0x128: {  	v24 =	vld.idx.msk [tilespmem:v24+s3+$0x0], $0xffff;
	[tilespmem:s4+$0xFFFFFE00] =	vst @p0 v16;
	s0 =	smov.u32 @p0 s1  }
0x129: {  	v16 =	vld.idx.msk [tilespmem:v23+s3+$0x0], $0xffff;
	[tilespmem:s0+$0x180] =	vst v18  }
0x12a: {  	v22 =	vld.idx.msk [tilespmem:v22+s3+$0x0], $0xffff;
	[tilespmem:s0+$0xFFFFFE80] =	vst v19  }
0x12b: {  	v63 =	vld.idx.msk [tilespmem:v20+s3+$0x0], $0xffff;
	[tilespmem:s0+$0xFFFFFF00] =	vst v21  }
0x12c: {  	[tilespmem:s0+$0xFFFFFE00] =	vst v17  }
0x12d: {  	[tilespmem:s0+$0xFFFFFF80] =	vst v24  }
0x12e: {  	[tilespmem:s0+$0x0] =	vst v16  }
0x12f: {  	[tilespmem:s0+$0x80] =	vst v22  }
0x130: {  	s30 =	simm.s32 $0x8000;
	s31 =	simm.s32 $0x15E00;
	[tilespmem:s0+$0x100] =	vst v63  }
0x131: {  	s19 =	simm.s32 $0x0;
	s20 =	simm.s32 $0x0;
	s0 =	rddreg [dreg:$0x5]  }
0x132: {  	[hbm4b:s0+s2] =	stream.strided.scatter [tilespmem:s31], [sflag:$0x2], $0x2000, s30, s2, $0x38;
	[tilespmem:$0x19E00] =	vst v63  }
.LBB2_39:
0x133: {  	s22 =	sshllo.u32 s20, $0x1  }
0x134: {  	v16 =	vmov s22  }
0x135: {  	v16 =	vand.u32 $0xFF, v16  }
0x136: {  	v17 =	vadd.s32 v0, v16;
	_ =	sdelay $0x2  }
0x137: {  	v18 =	vadd.s32 v1, v16  }
0x138: {  	v19 =	vadd.s32 v2, v16  }
0x139: {  	v24 =	vadd.s32 v4, v16;
	v23 =	vld.idx.msk [tilespmem:v17+s10+$0x0], $0xffff  }
0x13a: {  	v25 =	vadd.s32 v5, v16  }
0x13b: {  	v17 =	vadd.s32 v3, v16  }
0x13c: {  	v26 =	vadd.s32 v6, v16;
	v22 =	vld.idx.msk [tilespmem:v18+s10+$0x0], $0xffff  }
0x13d: {  	s0 =	simm.s32 $0x1B58;
	v21 =	vld.idx.msk [tilespmem:v19+s10+$0x0], $0xffff;
	v16 =	vadd.s32 v7, v16  }
0x13e: {  	s1 =	simm.s32 $0x3E8;
	v19 =	vld.idx.msk [tilespmem:v24+s10+$0x0], $0xffff;
	v27 =	vadd.s32 s0, v23  }
0x13f: {  	s16 =	simm.s32 $0x7D0;
	v18 =	vld.idx.msk [tilespmem:v25+s10+$0x0], $0xffff;
	v24 =	vadd.s32 s1, v23  }
0x140: {  	s18 =	simm.s32 $0xBB8;
	v20 =	vld.idx.msk [tilespmem:v17+s10+$0x0], $0xffff;
	v25 =	vadd.s32 s16, v23  }
0x141: {  	s21 =	simm.s32 $0xFA0;
	v17 =	vld.idx.msk [tilespmem:v26+s10+$0x0], $0xffff;
	v26 =	vadd.s32 s18, v23  }
0x142: {  	s23 =	simm.s32 $0x1388;
	v16 =	vld.idx.msk [tilespmem:v16+s10+$0x0], $0xffff;
	v28 =	vadd.s32 s21, v23  }
0x143: {  	s24 =	simm.s32 $0x1770;
	v29 =	vadd.s32 s23, v23;
	v27 =	vld.idx.msk [tilespmem:v27+s19+$0x0], $0xffff  }
0x144: {  	v30 =	vadd.s32 s24, v23;
	v24 =	vld.idx.msk [tilespmem:v24+s19+$0x0], $0xffff  }
0x145: {  	s25 =	simm.s32 $0x3A98;
	v25 =	vld.idx.msk [tilespmem:v25+s19+$0x0], $0xffff  }
0x146: {  	s26 =	simm.s32 $0x2328;
	v31 =	vadd.s32 s25, v23;
	v26 =	vld.idx.msk [tilespmem:v26+s19+$0x0], $0xffff  }
0x147: {  	s28 =	simm.s32 $0x2710;
	s0 =	simm.s32 $0x18180;
	v32 =	vadd.s32 s26, v23;
	v36 =	vld.idx.msk [tilespmem:v28+s19+$0x0], $0xffff  }
0x148: {  	s30 =	simm.s32 $0x2AF8;
	v37 =	vadd.s32 s28, v23;
	v38 =	vld.idx.msk [tilespmem:v29+s19+$0x0], $0xffff;
	[tilespmem:s0+$0x0] =	vst v27  }
0x149: {  	s4 =	simm.s32 $0x2EE0;
	v35 =	vadd.s32 s30, v23;
	v33 =	vld.idx.msk [tilespmem:v30+s19+$0x0], $0xffff;
	[tilespmem:s0+$0xFFFFFD00] =	vst v24  }
0x14a: {  	s5 =	simm.s32 $0x32C8;
	v34 =	vadd.s32 s4, v23;
	v28 =	vld.idx.msk [tilespmem:v23+s19+$0x0], $0xffff;
	[tilespmem:s0+$0xFFFFFD80] =	vst v25  }
0x14b: {  	s31 =	simm.s32 $0x36B0;
	v27 =	vld.idx.msk [tilespmem:v31+s19+$0x0], $0xffff;
	[tilespmem:s0+$0xFFFFFE00] =	vst v26;
	v31 =	vadd.s32 s5, v23  }
0x14c: {  	s29 =	simm.s32 $0x1F40;
	s21 =	sshll.u32 s20, $0x1;
	v30 =	vld.idx.msk [tilespmem:v32+s19+$0x0], $0xffff;
	v29 =	vadd.s32 s31, v23;
	v24 =	vadd.s32 $0x1F40, v23;
	[tilespmem:s0+$0xFFFFFE80] =	vst v36  }
0x14d: {  	s1 =	simm.s32 $0x8;
	s4 =	simm.s32 $0x3E80;
	s23 =	simm.s32 $0x0;
	v32 =	vld.idx.msk [tilespmem:v37+s19+$0x0], $0xffff;
	[tilespmem:s0+$0xFFFFFF00] =	vst v38;
	v25 =	vadd.s32 s29, v24;
	v26 =	vadd.s32 s19, v24  }
.LBB2_40:
0x14e: {  	s5 =	sadd.s32 $0x3E8, s4;
	s6 =	sadd.s32 $0x1B58, s4;
	s1 =	sadd.s32 $0x8, s1;
	v36 =	vld.idx.msk [tilespmem:v35+s23+$0x0], $0xffff;
	[tilespmem:s0+$0xFFFFFF80] =	vst v33;
	v37 =	vmov v25;
	v25 =	vadd.s32 s4, v24  }
0x14f: {  	s8 =	sadd.s32 $0xBB8, s4;
	v38 =	vadd.s32 s5, v23;
	s5 =	sadd.s32 $0x7D0, s4;
	v39 =	vadd.s32 s6, v23;
	p0 =	slt.u32 s1, $0x38;
	v40 =	vld.idx.msk [tilespmem:v34+s23+$0x0], $0xffff;
	[tilespmem:s0+$0xFFFFFC80] =	vst v28  }
0x150: {  	v35 =	vadd.s32 s8, v23;
	s6 =	sadd.s32 $0x1388, s4;
	s0 =	sadd.s32 $0x400, s0;
	v41 =	vadd.s32 s5, v23;
	s5 =	sadd.s32 $0xFA0, s4;
	v42 =	vld.idx.msk [tilespmem:v31+s23+$0x0], $0xffff  }
0x151: {  	v31 =	vadd.s32 s6, v23;
	v34 =	vadd.s32 s5, v23;
	s5 =	sadd.s32 $0x1770, s4;
	v33 =	vld.idx.msk [tilespmem:v29+s23+$0x0], $0xffff;
	[tilespmem:s0+$0x0] =	vst v27  }
.Ltmp20:
0x152: {  	v29 =	vadd.s32 s5, v23;
	v28 =	vld.idx.msk [tilespmem:v26+s23+$0x0], $0xffff;
	[tilespmem:s0+$0xFFFFFD00] =	vst v30;
	v26 =	vmov v37;
	(pc) =	sbr.rel @p0 .LBB2_40-.Ltmp20, $4  }
0x153: {  	s23 =	simm.s32 $0x0;
	[tilespmem:s0+$0xFFFFFD80] =	vst v32  }
0x154: {  	v27 =	vld.idx.msk [tilespmem:v39+s23+$0x0], $0xffff;
	[tilespmem:s0+$0xFFFFFE00] =	vst v36  }
0x155: {  	v30 =	vld.idx.msk [tilespmem:v38+s23+$0x0], $0xffff;
	[tilespmem:s0+$0xFFFFFE80] =	vst v40  }
0x156: {  	s4 =	sadd.s32 $0x1F40, s4;
	v32 =	vld.idx.msk [tilespmem:v41+s23+$0x0], $0xffff;
	[tilespmem:s0+$0xFFFFFF00] =	vst v42  }
0x157: {  	_ =	sdelay $0x3  }
0x158: {  	v23 =	vld.idx.msk [tilespmem:v35+s23+$0x0], $0xffff;
	[tilespmem:s0+$0xFFFFFF80] =	vst v33  }
0x159: {  	v24 =	vld.idx.msk [tilespmem:v34+s23+$0x0], $0xffff;
	[tilespmem:s0+$0xFFFFFC80] =	vst v28;
	s1 =	sadd.s32 $0x400, s0  }
0x15a: {  	v25 =	vld.idx.msk [tilespmem:v31+s23+$0x0], $0xffff;
	[tilespmem:s1+$0x0] =	vst v27  }
0x15b: {  	v26 =	vld.idx.msk [tilespmem:v26+s23+$0x0], $0xffff;
	[tilespmem:s1+$0xFFFFFD00] =	vst v30  }
0x15c: {  	s25 =	simm.s32 $0xFA0;
	v27 =	vld.idx.msk [tilespmem:v29+s23+$0x0], $0xffff;
	[tilespmem:s1+$0xFFFFFD80] =	vst v32  }
0x15d: {  	s26 =	simm.s32 $0x1388;
	v28 =	vadd.s32 s25, v22;
	[tilespmem:s1+$0xFFFFFE00] =	vst v23  }
0x15e: {  	s28 =	simm.s32 $0x1B58;
	v29 =	vadd.s32 s26, v22;
	[tilespmem:s1+$0xFFFFFE80] =	vst v24  }
0x15f: {  	s29 =	simm.s32 $0x1770;
	v24 =	vadd.s32 s28, v22;
	[tilespmem:s1+$0xFFFFFF00] =	vst v25  }
0x160: {  	s24 =	simm.s32 $0x3E8;
	v30 =	vadd.s32 s29, v22;
	[tilespmem:s1+$0xFFFFFC80] =	vst v26  }
0x161: {  	s0 =	simm.s32 $0xBB8;
	v25 =	vadd.s32 s24, v22;
	[tilespmem:s1+$0xFFFFFF80] =	vst v27  }
0x162: {  	s30 =	simm.s32 $0x7D0;
	v26 =	vadd.s32 s0, v22;
	v28 =	vld.idx.msk [tilespmem:v28+s23+$0x0], $0xffff  }
0x163: {  	v27 =	vadd.s32 s30, v22;
	s1 =	simm.s32 $0x1F40;
	v36 =	vld.idx.msk [tilespmem:v29+s23+$0x0], $0xffff  }
0x164: {  	v31 =	vadd.s32 s1, v22;
	v24 =	vld.idx.msk [tilespmem:v24+s23+$0x0], $0xffff  }
0x165: {  	s11 =	simm.s32 $0x2710;
	v23 =	vadd.s32 s23, v22;
	v32 =	vld.idx.msk [tilespmem:v30+s23+$0x0], $0xffff  }
0x166: {  	s4 =	simm.s32 $0x3A98;
	v63 =	vadd.s32 s11, v22;
	v25 =	vld.idx.msk [tilespmem:v25+s23+$0x0], $0xffff  }
0x167: {  	s31 =	simm.s32 $0x2328;
	s18 =	simm.s32 $0x18190;
	v61 =	vadd.s32 s4, v22;
	v26 =	vld.idx.msk [tilespmem:v26+s23+$0x0], $0xffff  }
0x168: {  	s5 =	simm.s32 $0x2AF8;
	v62 =	vadd.s32 s31, v22;
	v27 =	vld.idx.msk [tilespmem:v27+s23+$0x0], $0xffff;
	[tilespmem:s18+$0xFFFFFE80] =	vst v28  }
0x169: {  	s8 =	simm.s32 $0x2EE0;
	[tilespmem:s18+$0x0] =	vst v24;
	v24 =	vld.idx.msk [tilespmem:v31+s23+$0x0], $0xffff;
	v31 =	vadd.s32 s5, v22  }
0x16a: {  	s9 =	simm.s32 $0x32C8;
	v30 =	vadd.s32 s8, v22;
	v23 =	vld.idx.msk [tilespmem:v23+s23+$0x0], $0xffff;
	[tilespmem:s18+$0xFFFFFF00] =	vst v36  }
0x16b: {  	s6 =	simm.s32 $0x36B0;
	v29 =	vld.idx.msk [tilespmem:v63+s23+$0x0], $0xffff;
	v28 =	vadd.s32 s9, v22;
	[tilespmem:s18+$0xFFFFFD00] =	vst v25  }
0x16c: {  	v25 =	vld.idx.msk [tilespmem:v61+s23+$0x0], $0xffff;
	[tilespmem:s18+$0xFFFFFE00] =	vst v26;
	v26 =	vadd.s32 s6, v22  }
0x16d: {  	s14 =	simm.s32 $0x8;
	s16 =	simm.s32 $0x3E80;
	[tilespmem:s18+$0xFFFFFD80] =	vst v27;
	v27 =	vld.idx.msk [tilespmem:v62+s23+$0x0], $0xffff  }
.LBB2_42:
0x16e: {  	v33 =	vadd.s32 s16, v22;
	s2 =	sadd.s32 $0x3E8, s16;
	s12 =	sadd.s32 $0x1B58, s16;
	s14 =	sadd.s32 $0x8, s14;
	v34 =	vld.idx.msk [tilespmem:v31+s23+$0x0], $0xffff;
	[tilespmem:s18+$0xFFFFFF80] =	vst v32  }
0x16f: {  	s13 =	sadd.s32 $0xBB8, s16;
	v35 =	vadd.s32 s2, v22;
	s2 =	sadd.s32 $0x7D0, s16;
	v36 =	vadd.s32 s12, v22;
	p0 =	slt.u32 s14, $0x38;
	v37 =	vld.idx.msk [tilespmem:v30+s23+$0x0], $0xffff;
	[tilespmem:s18+$0xFFFFFC80] =	vst v23  }
0x170: {  	v31 =	vadd.s32 s13, v22;
	s12 =	sadd.s32 $0x1388, s16;
	s18 =	sadd.s32 $0x400, s18;
	v23 =	vmov v24;
	v38 =	vadd.s32 s2, v22;
	s2 =	sadd.s32 $0xFA0, s16;
	v39 =	vld.idx.msk [tilespmem:v28+s23+$0x0], $0xffff  }
0x171: {  	v28 =	vadd.s32 s12, v22;
	v30 =	vadd.s32 s2, v22;
	s2 =	sadd.s32 $0x1770, s16;
	v32 =	vld.idx.msk [tilespmem:v26+s23+$0x0], $0xffff;
	[tilespmem:s18+$0x0] =	vst v25  }
.Ltmp21:
0x172: {  	v26 =	vadd.s32 s2, v22;
	[tilespmem:s18+$0xFFFFFD00] =	vst v27;
	(pc) =	sbr.rel @p0 .LBB2_42-.Ltmp21, $4  }
0x173: {  	v24 =	vld.idx.msk [tilespmem:v33+s23+$0x0], $0xffff;
	[tilespmem:s18+$0xFFFFFD80] =	vst v29  }
0x174: {  	v25 =	vld.idx.msk [tilespmem:v36+s23+$0x0], $0xffff;
	[tilespmem:s18+$0xFFFFFE00] =	vst v34  }
0x175: {  	v27 =	vld.idx.msk [tilespmem:v35+s23+$0x0], $0xffff;
	[tilespmem:s18+$0xFFFFFE80] =	vst v37  }
0x176: {  	s16 =	sadd.s32 $0x1F40, s16;
	v29 =	vld.idx.msk [tilespmem:v38+s23+$0x0], $0xffff;
	[tilespmem:s18+$0xFFFFFF00] =	vst v39  }
0x177: {  	_ =	sdelay $0x2  }
0x178: {  	[tilespmem:s18+$0xFFFFFF80] =	vst v32  }
0x179: {  	v22 =	vld.idx.msk [tilespmem:v31+s23+$0x0], $0xffff;
	[tilespmem:s18+$0xFFFFFC80] =	vst v23;
	s2 =	sadd.s32 $0x400, s18  }
0x17a: {  	v30 =	vld.idx.msk [tilespmem:v30+s23+$0x0], $0xffff;
	[tilespmem:s2+$0xFFFFFC80] =	vst v24  }
0x17b: {  	v23 =	vld.idx.msk [tilespmem:v28+s23+$0x0], $0xffff;
	[tilespmem:s2+$0x0] =	vst v25  }
0x17c: {  	v25 =	vld.idx.msk [tilespmem:v26+s23+$0x0], $0xffff;
	[tilespmem:s2+$0xFFFFFD00] =	vst v27  }
0x17d: {  	v26 =	vadd.s32 s24, v21;
	[tilespmem:s2+$0xFFFFFD80] =	vst v29  }
0x17e: {  	[tilespmem:s2+$0xFFFFFE00] =	vst v22;
	v22 =	vadd.s32 s28, v21  }
0x17f: {  	p1 =	por $0x1, $0x1;
	[tilespmem:s2+$0xFFFFFE80] =	vst v30;
	v30 =	vadd.s32 s30, v21  }
.Ltmp22:
0x180: {  	[tilespmem:s2+$0xFFFFFF00] =	vst v23;
	(pc) =	sbr.rel @!p1 .LBB2_44-.Ltmp22, $4  }
0x181: {  	s24 =	simm.s32 $0x0;
	[tilespmem:s2+$0xFFFFFF80] =	vst v25  }
0x182: {  	v23 =	vld.idx.msk [tilespmem:v26+s24+$0x0], $0xffff  }
0x183: {  	v28 =	vadd.s32 s0, v21;
	v24 =	vadd.s32 s29, v21;
	v22 =	vld.idx.msk [tilespmem:v22+s24+$0x0], $0xffff  }
0x184: {  	s0 =	simm.s32 $0x181A0;
	p0 =	por $0x0, $0x0;
	v27 =	vadd.s32 s25, v21;
	v29 =	vadd.s32 s23, v21;
	v26 =	vadd.s32 s26, v21;
	v25 =	vld.idx.msk [tilespmem:v30+s24+$0x0], $0xffff  }
0x185: {  	_ =	sdelay $0x3  }
0x186: {  	v28 =	vld.idx.msk [tilespmem:v28+s24+$0x0], $0xffff;
	_ =	sdelay $0x1  }
0x187: {  	v32 =	vadd.s32 s4, v21  }
0x188: {  	v33 =	vadd.s32 s31, v21;
	v34 =	vld.idx.msk [tilespmem:v27+s24+$0x0], $0xffff  }
0x189: {  	v35 =	vadd.s32 s11, v21;
	v36 =	vld.idx.msk [tilespmem:v26+s24+$0x0], $0xffff;
	p3 =	por $0x1, $0x1;
	[tilespmem:s0+$0xFFFFFD00] =	vst v23  }
.Ltmp23:
0x18a: {  	v31 =	vld.idx.msk [tilespmem:v24+s24+$0x0], $0xffff;
	[tilespmem:s0+$0xFFFFFE00] =	vst v28;
	v28 =	vadd.s32 s5, v21;
	(pc) =	sbr.rel @!p3 .LBB2_46-.Ltmp23, $4  }
0x18b: {  	v30 =	vld.idx.msk [tilespmem:v29+s24+$0x0], $0xffff;
	v27 =	vadd.s32 s8, v21;
	[tilespmem:s0+$0x0] =	vst v22  }
0x18c: {  	v26 =	vadd.s32 s9, v21;
	[tilespmem:s0+$0xFFFFFD80] =	vst v25;
	v22 =	vld.idx.msk [tilespmem:v32+s24+$0x0], $0xffff  }
0x18d: {  	s4 =	simm.s32 $0x8;
	v24 =	vadd.s32 s6, v21;
	p2 =	por $0x1, $0x1;
	v23 =	vld.idx.msk [tilespmem:v33+s24+$0x0], $0xffff;
	[tilespmem:s0+$0xFFFFFE80] =	vst v34  }
0x18e: {  	v29 =	vadd.s32 s1, v21;
	s1 =	simm.s32 $0x181A0;
	s16 =	simm.s32 $0x400;
	v25 =	vld.idx.msk [tilespmem:v35+s24+$0x0], $0xffff;
	s5 =	simm.s32 $0x3E80;
	[tilespmem:s0+$0xFFFFFF00] =	vst v36  }
.LBB2_47:
0x18f: {  	v32 =	vadd.s32 s5, v21;
	s2 =	sadd.s32 $0x3E8, s5;
	s6 =	sadd.s32 $0x1B58, s5;
	s4 =	sadd.s32 $0x8, s4;
	v33 =	vld.idx.msk [tilespmem:v28+s24+$0x0], $0xffff;
	[tilespmem:s1+$0xFFFFFF80] =	vst v31  }
0x190: {  	s8 =	sadd.s32 $0xBB8, s5;
	v34 =	vadd.s32 s2, v21;
	s2 =	sadd.s32 $0x7D0, s5;
	v35 =	vadd.s32 s6, v21;
	p3 =	slt.u32 s4, $0x38;
	v36 =	vld.idx.msk [tilespmem:v27+s24+$0x0], $0xffff;
	[tilespmem:s1+$0xFFFFFC80] =	vst v30  }
0x191: {  	v28 =	vadd.s32 s8, v21;
	s6 =	sadd.s32 $0x1388, s5;
	s1 =	sadd.s32 $0x400, s1;
	v37 =	vadd.s32 s2, v21;
	s2 =	sadd.s32 $0xFA0, s5;
	v38 =	vld.idx.msk [tilespmem:v26+s24+$0x0], $0xffff  }
0x192: {  	v26 =	vadd.s32 s6, v21;
	v27 =	vadd.s32 s2, v21;
	s2 =	sadd.s32 $0x1770, s5;
	v31 =	vld.idx.msk [tilespmem:v24+s24+$0x0], $0xffff;
	[tilespmem:s1+$0x0] =	vst v22  }
.Ltmp24:
0x193: {  	v24 =	vadd.s32 s2, v21;
	v30 =	vld.idx.msk [tilespmem:v29+s24+$0x0], $0xffff;
	[tilespmem:s1+$0xFFFFFD00] =	vst v23;
	v29 =	vmov v32;
	(pc) =	sbr.rel @p3 .LBB2_47-.Ltmp24, $4  }
0x194: {  	s24 =	simm.s32 $0x0;
	[tilespmem:s1+$0xFFFFFD80] =	vst v25  }
0x195: {  	v22 =	vld.idx.msk [tilespmem:v35+s24+$0x0], $0xffff;
	[tilespmem:s1+$0xFFFFFE00] =	vst v33  }
0x196: {  	v23 =	vld.idx.msk [tilespmem:v34+s24+$0x0], $0xffff;
	[tilespmem:s1+$0xFFFFFE80] =	vst v36  }
0x197: {  	s5 =	sadd.s32 $0x1F40, s5;
	v25 =	vld.idx.msk [tilespmem:v37+s24+$0x0], $0xffff;
	[tilespmem:s1+$0xFFFFFF00] =	vst v38  }
.LBB2_48:
0x198: {  	_ =	sdelay $0x3  }
0x199: {  	v21 =	vld.idx.msk [tilespmem:v28+s24+$0x0], $0xffff;
	[tilespmem:s1+$0xFFFFFF80] =	vst @p2 v31;
	s2 =	sadd.s32 @p2 $0x400, s1  }
0x19a: {  	v27 =	vld.idx.msk [tilespmem:v27+s24+$0x0], $0xffff;
	[tilespmem:s1+$0xFFFFFC80] =	vst @p2 v30;
	s0 =	smov.u32 @p2 s2  }
0x19b: {  	v26 =	vld.idx.msk [tilespmem:v26+s24+$0x0], $0xffff;
	[tilespmem:s0+$0x0] =	vst v22  }
0x19c: {  	v22 =	vld.idx.msk [tilespmem:v24+s24+$0x0], $0xffff;
	[tilespmem:s0+$0xFFFFFD00] =	vst v23  }
0x19d: {  	v23 =	vld.idx.msk [tilespmem:v29+s24+$0x0], $0xffff;
	[tilespmem:s0+$0xFFFFFD80] =	vst v25  }
0x19e: {  	s26 =	sadd.s32 $0x1B58, s24;
	[tilespmem:s0+$0xFFFFFE00] =	vst v21;
	v21 =	vadd.s32 s24, v20  }
0x19f: {  	s23 =	sadd.s32 $0x3E8, s24;
	v24 =	vadd.s32 s26, v20;
	[tilespmem:s0+$0xFFFFFE80] =	vst v27  }
0x1a0: {  	s1 =	sadd.s32 $0x7D0, s24;
	v25 =	vadd.s32 s23, v20;
	[tilespmem:s0+$0xFFFFFF00] =	vst v26  }
0x1a1: {  	v29 =	vadd.s32 s1, v20;
	[tilespmem:s0+$0xFFFFFF80] =	vst v22  }
.Ltmp25:
0x1a2: {  	[tilespmem:s0+$0xFFFFFC80] =	vst v23;
	(pc) =	sbr.rel @!p1 .LBB2_49-.Ltmp25, $4  }
0x1a3: {  	v21 =	vld.idx.msk [tilespmem:v21+s24+$0x0], $0xffff  }
0x1a4: {  	s28 =	sadd.s32 $0xBB8, s24;
	v22 =	vld.idx.msk [tilespmem:v24+s24+$0x0], $0xffff  }
0x1a5: {  	s29 =	sadd.s32 $0xFA0, s24;
	s30 =	sadd.s32 $0x1388, s24;
	s31 =	sadd.s32 $0x1770, s24;
	v28 =	vadd.s32 s28, v20;
	v23 =	vld.idx.msk [tilespmem:v25+s24+$0x0], $0xffff  }
0x1a6: {  	s25 =	sadd.s32 $0x1F40, s24;
	v27 =	vadd.s32 s29, v20;
	v26 =	vadd.s32 s30, v20;
	s0 =	simm.s32 $0x181B0;
	v24 =	vadd.s32 s31, v20;
	v25 =	vld.idx.msk [tilespmem:v29+s24+$0x0], $0xffff  }
0x1a7: {  	_ =	sdelay $0x3  }
0x1a8: {  	v28 =	vld.idx.msk [tilespmem:v28+s24+$0x0], $0xffff  }
0x1a9: {  	v30 =	vadd.s32 s25, v20;
	s2 =	sadd.s32 $0x1B58, s25  }
0x1aa: {  	s4 =	sadd.s32 $0x3E8, s25;
	v31 =	vadd.s32 s2, v20  }
0x1ab: {  	s12 =	sadd.s32 $0x7D0, s25;
	v33 =	vld.idx.msk [tilespmem:v27+s24+$0x0], $0xffff;
	v32 =	vadd.s32 s4, v20  }
0x1ac: {  	v35 =	vld.idx.msk [tilespmem:v26+s24+$0x0], $0xffff;
	s13 =	sadd.s32 $0xBB8, s25;
	p1 =	por $0x1, $0x1;
	v34 =	vadd.s32 s12, v20;
	[tilespmem:s0+$0x0] =	vst v22  }
.Ltmp26:
0x1ad: {  	v29 =	vld.idx.msk [tilespmem:v24+s24+$0x0], $0xffff;
	s5 =	sadd.s32 $0xFA0, s25;
	[tilespmem:s0+$0xFFFFFE00] =	vst v28;
	v28 =	vadd.s32 s13, v20;
	(pc) =	sbr.rel @!p1 .LBB2_51-.Ltmp26, $4  }
0x1ae: {  	s14 =	sadd.s32 $0x1388, s25;
	v27 =	vadd.s32 s5, v20;
	[tilespmem:s0+$0xFFFFFD00] =	vst v23;
	v30 =	vld.idx.msk [tilespmem:v30+s24+$0x0], $0xffff  }
0x1af: {  	s18 =	sadd.s32 $0x1770, s25;
	v26 =	vadd.s32 s14, v20;
	[tilespmem:s0+$0xFFFFFD80] =	vst v25;
	v22 =	vld.idx.msk [tilespmem:v31+s24+$0x0], $0xffff  }
0x1b0: {  	s6 =	sadd.s32 $0x1F40, s25;
	v24 =	vadd.s32 s18, v20;
	[tilespmem:s0+$0xFFFFFE80] =	vst v33;
	v23 =	vld.idx.msk [tilespmem:v32+s24+$0x0], $0xffff  }
0x1b1: {  	p0 =	por $0x1, $0x1;
	s4 =	simm.s32 $0x8;
	s5 =	simm.s32 $0x181B0;
	[tilespmem:s0+$0xFFFFFF00] =	vst v35;
	v25 =	vld.idx.msk [tilespmem:v34+s24+$0x0], $0xffff  }
.LBB2_52:
0x1b2: {  	v31 =	vadd.s32 s6, v20;
	s2 =	sadd.s32 $0x3E8, s6;
	s8 =	sadd.s32 $0x1B58, s6;
	s4 =	sadd.s32 $0x8, s4;
	v32 =	vld.idx.msk [tilespmem:v28+s24+$0x0], $0xffff;
	[tilespmem:s5+$0xFFFFFF80] =	vst v29  }
0x1b3: {  	s9 =	sadd.s32 $0xBB8, s6;
	v33 =	vadd.s32 s2, v20;
	s2 =	sadd.s32 $0x7D0, s6;
	v34 =	vadd.s32 s8, v20;
	p1 =	slt.u32 s4, $0x38;
	v35 =	vld.idx.msk [tilespmem:v27+s24+$0x0], $0xffff;
	[tilespmem:s5+$0xFFFFFC80] =	vst v21  }
0x1b4: {  	v28 =	vadd.s32 s9, v20;
	s8 =	sadd.s32 $0x1388, s6;
	s5 =	sadd.s32 $0x400, s5;
	v21 =	vmov v30;
	v36 =	vadd.s32 s2, v20;
	s2 =	sadd.s32 $0xFA0, s6;
	v37 =	vld.idx.msk [tilespmem:v26+s24+$0x0], $0xffff  }
0x1b5: {  	v26 =	vadd.s32 s8, v20;
	v27 =	vadd.s32 s2, v20;
	s2 =	sadd.s32 $0x1770, s6;
	v29 =	vld.idx.msk [tilespmem:v24+s24+$0x0], $0xffff;
	[tilespmem:s5+$0x0] =	vst v22  }
.Ltmp27:
0x1b6: {  	v24 =	vadd.s32 s2, v20;
	[tilespmem:s5+$0xFFFFFD00] =	vst v23;
	(pc) =	sbr.rel @p1 .LBB2_52-.Ltmp27, $4  }
0x1b7: {  	v30 =	vld.idx.msk [tilespmem:v31+s24+$0x0], $0xffff;
	[tilespmem:s5+$0xFFFFFD80] =	vst v25  }
0x1b8: {  	v22 =	vld.idx.msk [tilespmem:v34+s24+$0x0], $0xffff;
	[tilespmem:s5+$0xFFFFFE00] =	vst v32  }
0x1b9: {  	v23 =	vld.idx.msk [tilespmem:v33+s24+$0x0], $0xffff;
	[tilespmem:s5+$0xFFFFFE80] =	vst v35  }
0x1ba: {  	s6 =	sadd.s32 $0x1F40, s6;
	v25 =	vld.idx.msk [tilespmem:v36+s24+$0x0], $0xffff;
	[tilespmem:s5+$0xFFFFFF00] =	vst v37  }
0x1bb: {  	_ = 	snop  }
0x1bc: {  	v20 =	vmov v21;
	v21 =	vmov v30  }
.LBB2_54:
0x1bd: {  	_ =	sdelay $0x2  }
0x1be: {  	[tilespmem:s5+$0xFFFFFF80] =	vst @p0 v29;
	s2 =	sadd.s32 @p0 $0x400, s5  }
0x1bf: {  	v28 =	vld.idx.msk [tilespmem:v28+s24+$0x0], $0xffff;
	[tilespmem:s5+$0xFFFFFC80] =	vst @p0 v20;
	s0 =	smov.u32 @p0 s2  }
0x1c0: {  	v20 =	vld.idx.msk [tilespmem:v27+s24+$0x0], $0xffff;
	[tilespmem:s0+$0x0] =	vst v22  }
0x1c1: {  	v26 =	vld.idx.msk [tilespmem:v26+s24+$0x0], $0xffff;
	[tilespmem:s0+$0xFFFFFD00] =	vst v23  }
0x1c2: {  	v22 =	vld.idx.msk [tilespmem:v24+s24+$0x0], $0xffff;
	[tilespmem:s0+$0xFFFFFD80] =	vst v25  }
0x1c3: {  	v23 =	vadd.s32 s26, v19;
	[tilespmem:s0+$0xFFFFFC80] =	vst v21  }
0x1c4: {  	v24 =	vadd.s32 s23, v19;
	[tilespmem:s0+$0xFFFFFE00] =	vst v28  }
0x1c5: {  	p1 =	por $0x1, $0x1;
	[tilespmem:s0+$0xFFFFFE80] =	vst v20;
	v28 =	vadd.s32 s1, v19  }
.Ltmp28:
0x1c6: {  	[tilespmem:s0+$0xFFFFFF00] =	vst v26;
	(pc) =	sbr.rel @!p1 .LBB2_55-.Ltmp28, $4  }
0x1c7: {  	s23 =	simm.s32 $0x0;
	[tilespmem:s0+$0xFFFFFF80] =	vst v22  }
0x1c8: {  	v20 =	vld.idx.msk [tilespmem:v23+s23+$0x0], $0xffff  }
0x1c9: {  	v27 =	vadd.s32 s24, v19;
	v25 =	vadd.s32 s29, v19;
	v21 =	vld.idx.msk [tilespmem:v24+s23+$0x0], $0xffff  }
0x1ca: {  	p0 =	por $0x0, $0x0;
	s24 =	simm.s32 $0x181C0;
	v26 =	vadd.s32 s28, v19;
	v22 =	vadd.s32 s31, v19;
	v24 =	vadd.s32 s30, v19;
	v23 =	vld.idx.msk [tilespmem:v28+s23+$0x0], $0xffff  }
0x1cb: {  	_ =	sdelay $0x3  }
0x1cc: {  	v26 =	vld.idx.msk [tilespmem:v26+s23+$0x0], $0xffff  }
0x1cd: {  	s0 =	sadd.s32 $0x1B58, s25  }
0x1ce: {  	s1 =	sadd.s32 $0x3E8, s25;
	v30 =	vadd.s32 s0, v19  }
0x1cf: {  	s28 =	sadd.s32 $0x7D0, s25;
	v32 =	vld.idx.msk [tilespmem:v25+s23+$0x0], $0xffff;
	v31 =	vadd.s32 s1, v19  }
0x1d0: {  	v34 =	vld.idx.msk [tilespmem:v24+s23+$0x0], $0xffff;
	s29 =	sadd.s32 $0xBB8, s25;
	p3 =	por $0x1, $0x1;
	v33 =	vadd.s32 s28, v19;
	[tilespmem:s24+$0x0] =	vst v20  }
.Ltmp29:
0x1d1: {  	v29 =	vld.idx.msk [tilespmem:v22+s23+$0x0], $0xffff;
	s2 =	sadd.s32 $0xFA0, s25;
	[tilespmem:s24+$0xFFFFFE00] =	vst v26;
	v26 =	vadd.s32 s29, v19;
	(pc) =	sbr.rel @!p3 .LBB2_57-.Ltmp29, $4  }
0x1d2: {  	v28 =	vld.idx.msk [tilespmem:v27+s23+$0x0], $0xffff;
	s30 =	sadd.s32 $0x1388, s25;
	v25 =	vadd.s32 s2, v19;
	[tilespmem:s24+$0xFFFFFD00] =	vst v21  }
0x1d3: {  	s31 =	sadd.s32 $0x1770, s25;
	v24 =	vadd.s32 s30, v19;
	[tilespmem:s24+$0xFFFFFD80] =	vst v23;
	v20 =	vld.idx.msk [tilespmem:v30+s23+$0x0], $0xffff  }
0x1d4: {  	s4 =	sadd.s32 $0x1F40, s25;
	v22 =	vadd.s32 s31, v19;
	[tilespmem:s24+$0xFFFFFE80] =	vst v32;
	v21 =	vld.idx.msk [tilespmem:v31+s23+$0x0], $0xffff  }
0x1d5: {  	v27 =	vadd.s32 s25, v19;
	p2 =	por $0x1, $0x1;
	s0 =	simm.s32 $0x8;
	s1 =	simm.s32 $0x181C0;
	[tilespmem:s24+$0xFFFFFF00] =	vst v34;
	v23 =	vld.idx.msk [tilespmem:v33+s23+$0x0], $0xffff  }
.LBB2_58:
0x1d6: {  	v30 =	vadd.s32 s4, v19;
	s2 =	sadd.s32 $0x3E8, s4;
	s5 =	sadd.s32 $0x1B58, s4;
	s0 =	sadd.s32 $0x8, s0;
	v31 =	vld.idx.msk [tilespmem:v26+s23+$0x0], $0xffff;
	[tilespmem:s1+$0xFFFFFF80] =	vst v29  }
0x1d7: {  	s6 =	sadd.s32 $0xBB8, s4;
	v32 =	vadd.s32 s2, v19;
	s2 =	sadd.s32 $0x7D0, s4;
	v33 =	vadd.s32 s5, v19;
	p3 =	slt.u32 s0, $0x38;
	v34 =	vld.idx.msk [tilespmem:v25+s23+$0x0], $0xffff;
	[tilespmem:s1+$0xFFFFFC80] =	vst v28  }
0x1d8: {  	v26 =	vadd.s32 s6, v19;
	s5 =	sadd.s32 $0x1388, s4;
	s1 =	sadd.s32 $0x400, s1;
	v35 =	vadd.s32 s2, v19;
	s2 =	sadd.s32 $0xFA0, s4;
	v36 =	vld.idx.msk [tilespmem:v24+s23+$0x0], $0xffff  }
0x1d9: {  	v24 =	vadd.s32 s5, v19;
	v25 =	vadd.s32 s2, v19;
	s2 =	sadd.s32 $0x1770, s4;
	v29 =	vld.idx.msk [tilespmem:v22+s23+$0x0], $0xffff;
	[tilespmem:s1+$0x0] =	vst v20  }
.Ltmp30:
0x1da: {  	v22 =	vadd.s32 s2, v19;
	v28 =	vld.idx.msk [tilespmem:v27+s23+$0x0], $0xffff;
	[tilespmem:s1+$0xFFFFFD00] =	vst v21;
	v27 =	vmov v30;
	(pc) =	sbr.rel @p3 .LBB2_58-.Ltmp30, $4  }
0x1db: {  	s23 =	simm.s32 $0x0;
	[tilespmem:s1+$0xFFFFFD80] =	vst v23  }
0x1dc: {  	v20 =	vld.idx.msk [tilespmem:v33+s23+$0x0], $0xffff;
	[tilespmem:s1+$0xFFFFFE00] =	vst v31  }
0x1dd: {  	v21 =	vld.idx.msk [tilespmem:v32+s23+$0x0], $0xffff;
	[tilespmem:s1+$0xFFFFFE80] =	vst v34  }
0x1de: {  	s4 =	sadd.s32 $0x1F40, s4;
	v23 =	vld.idx.msk [tilespmem:v35+s23+$0x0], $0xffff;
	[tilespmem:s1+$0xFFFFFF00] =	vst v36  }
.LBB2_59:
0x1df: {  	_ =	sdelay $0x3  }
0x1e0: {  	v19 =	vld.idx.msk [tilespmem:v26+s23+$0x0], $0xffff;
	[tilespmem:s1+$0xFFFFFF80] =	vst @p2 v29;
	s0 =	sadd.s32 @p2 $0x400, s1  }
0x1e1: {  	v25 =	vld.idx.msk [tilespmem:v25+s23+$0x0], $0xffff;
	[tilespmem:s1+$0xFFFFFC80] =	vst @p2 v28;
	s24 =	smov.u32 @p2 s0  }
0x1e2: {  	v24 =	vld.idx.msk [tilespmem:v24+s23+$0x0], $0xffff;
	[tilespmem:s24+$0x0] =	vst v20  }
0x1e3: {  	v20 =	vld.idx.msk [tilespmem:v22+s23+$0x0], $0xffff;
	[tilespmem:s24+$0xFFFFFD00] =	vst v21  }
0x1e4: {  	v21 =	vld.idx.msk [tilespmem:v27+s23+$0x0], $0xffff;
	[tilespmem:s24+$0xFFFFFD80] =	vst v23  }
0x1e5: {  	s26 =	sadd.s32 $0x1B58, s23;
	[tilespmem:s24+$0xFFFFFE00] =	vst v19;
	v19 =	vadd.s32 s23, v18  }
0x1e6: {  	s25 =	sadd.s32 $0x3E8, s23;
	v22 =	vadd.s32 s26, v18;
	[tilespmem:s24+$0xFFFFFE80] =	vst v25  }
0x1e7: {  	s1 =	sadd.s32 $0x7D0, s23;
	v23 =	vadd.s32 s25, v18;
	[tilespmem:s24+$0xFFFFFF00] =	vst v24  }
0x1e8: {  	v27 =	vadd.s32 s1, v18;
	[tilespmem:s24+$0xFFFFFF80] =	vst v20  }
.Ltmp31:
0x1e9: {  	[tilespmem:s24+$0xFFFFFC80] =	vst v21;
	(pc) =	sbr.rel @!p1 .LBB2_60-.Ltmp31, $4  }
0x1ea: {  	v19 =	vld.idx.msk [tilespmem:v19+s23+$0x0], $0xffff  }
0x1eb: {  	s28 =	sadd.s32 $0xBB8, s23;
	v20 =	vld.idx.msk [tilespmem:v22+s23+$0x0], $0xffff  }
0x1ec: {  	s29 =	sadd.s32 $0xFA0, s23;
	s30 =	sadd.s32 $0x1388, s23;
	s31 =	sadd.s32 $0x1770, s23;
	v26 =	vadd.s32 s28, v18;
	v21 =	vld.idx.msk [tilespmem:v23+s23+$0x0], $0xffff  }
0x1ed: {  	s0 =	simm.s32 $0x181D0;
	v25 =	vadd.s32 s29, v18;
	v24 =	vadd.s32 s30, v18;
	s24 =	sadd.s32 $0x1F40, s23;
	v22 =	vadd.s32 s31, v18;
	v23 =	vld.idx.msk [tilespmem:v27+s23+$0x0], $0xffff  }
0x1ee: {  	_ =	sdelay $0x3  }
0x1ef: {  	v26 =	vld.idx.msk [tilespmem:v26+s23+$0x0], $0xffff  }
0x1f0: {  	v28 =	vadd.s32 s24, v18;
	s2 =	sadd.s32 $0x1B58, s24  }
0x1f1: {  	s4 =	sadd.s32 $0x3E8, s24;
	v29 =	vadd.s32 s2, v18  }
0x1f2: {  	s12 =	sadd.s32 $0x7D0, s24;
	v31 =	vld.idx.msk [tilespmem:v25+s23+$0x0], $0xffff;
	v30 =	vadd.s32 s4, v18  }
0x1f3: {  	v33 =	vld.idx.msk [tilespmem:v24+s23+$0x0], $0xffff;
	s13 =	sadd.s32 $0xBB8, s24;
	p1 =	por $0x1, $0x1;
	v32 =	vadd.s32 s12, v18;
	[tilespmem:s0+$0x0] =	vst v20  }
.Ltmp32:
0x1f4: {  	v27 =	vld.idx.msk [tilespmem:v22+s23+$0x0], $0xffff;
	s5 =	sadd.s32 $0xFA0, s24;
	[tilespmem:s0+$0xFFFFFE00] =	vst v26;
	v26 =	vadd.s32 s13, v18;
	(pc) =	sbr.rel @!p1 .LBB2_62-.Ltmp32, $4  }
0x1f5: {  	s14 =	sadd.s32 $0x1388, s24;
	v25 =	vadd.s32 s5, v18;
	[tilespmem:s0+$0xFFFFFD00] =	vst v21;
	v28 =	vld.idx.msk [tilespmem:v28+s23+$0x0], $0xffff  }
0x1f6: {  	s18 =	sadd.s32 $0x1770, s24;
	v24 =	vadd.s32 s14, v18;
	[tilespmem:s0+$0xFFFFFD80] =	vst v23;
	v20 =	vld.idx.msk [tilespmem:v29+s23+$0x0], $0xffff  }
0x1f7: {  	s6 =	sadd.s32 $0x1F40, s24;
	v22 =	vadd.s32 s18, v18;
	[tilespmem:s0+$0xFFFFFE80] =	vst v31;
	v21 =	vld.idx.msk [tilespmem:v30+s23+$0x0], $0xffff  }
0x1f8: {  	p0 =	por $0x1, $0x1;
	s4 =	simm.s32 $0x8;
	s5 =	simm.s32 $0x181D0;
	[tilespmem:s0+$0xFFFFFF00] =	vst v33;
	v23 =	vld.idx.msk [tilespmem:v32+s23+$0x0], $0xffff  }
.LBB2_63:
0x1f9: {  	v29 =	vadd.s32 s6, v18;
	s2 =	sadd.s32 $0x3E8, s6;
	s8 =	sadd.s32 $0x1B58, s6;
	s4 =	sadd.s32 $0x8, s4;
	v30 =	vld.idx.msk [tilespmem:v26+s23+$0x0], $0xffff;
	[tilespmem:s5+$0xFFFFFF80] =	vst v27  }
0x1fa: {  	s9 =	sadd.s32 $0xBB8, s6;
	v31 =	vadd.s32 s2, v18;
	s2 =	sadd.s32 $0x7D0, s6;
	v32 =	vadd.s32 s8, v18;
	p1 =	slt.u32 s4, $0x38;
	v33 =	vld.idx.msk [tilespmem:v25+s23+$0x0], $0xffff;
	[tilespmem:s5+$0xFFFFFC80] =	vst v19  }
0x1fb: {  	v26 =	vadd.s32 s9, v18;
	s8 =	sadd.s32 $0x1388, s6;
	s5 =	sadd.s32 $0x400, s5;
	v19 =	vmov v28;
	v34 =	vadd.s32 s2, v18;
	s2 =	sadd.s32 $0xFA0, s6;
	v35 =	vld.idx.msk [tilespmem:v24+s23+$0x0], $0xffff  }
0x1fc: {  	v24 =	vadd.s32 s8, v18;
	v25 =	vadd.s32 s2, v18;
	s2 =	sadd.s32 $0x1770, s6;
	v27 =	vld.idx.msk [tilespmem:v22+s23+$0x0], $0xffff;
	[tilespmem:s5+$0x0] =	vst v20  }
.Ltmp33:
0x1fd: {  	v22 =	vadd.s32 s2, v18;
	[tilespmem:s5+$0xFFFFFD00] =	vst v21;
	(pc) =	sbr.rel @p1 .LBB2_63-.Ltmp33, $4  }
0x1fe: {  	v28 =	vld.idx.msk [tilespmem:v29+s23+$0x0], $0xffff;
	[tilespmem:s5+$0xFFFFFD80] =	vst v23  }
0x1ff: {  	v20 =	vld.idx.msk [tilespmem:v32+s23+$0x0], $0xffff;
	[tilespmem:s5+$0xFFFFFE00] =	vst v30  }
0x200: {  	v21 =	vld.idx.msk [tilespmem:v31+s23+$0x0], $0xffff;
	[tilespmem:s5+$0xFFFFFE80] =	vst v33  }
0x201: {  	s6 =	sadd.s32 $0x1F40, s6;
	v23 =	vld.idx.msk [tilespmem:v34+s23+$0x0], $0xffff;
	[tilespmem:s5+$0xFFFFFF00] =	vst v35  }
0x202: {  	_ = 	snop  }
0x203: {  	v18 =	vmov v19;
	v19 =	vmov v28  }
.LBB2_65:
0x204: {  	_ =	sdelay $0x2  }
0x205: {  	[tilespmem:s5+$0xFFFFFF80] =	vst @p0 v27;
	s2 =	sadd.s32 @p0 $0x400, s5  }
0x206: {  	v26 =	vld.idx.msk [tilespmem:v26+s23+$0x0], $0xffff;
	[tilespmem:s5+$0xFFFFFC80] =	vst @p0 v18;
	s0 =	smov.u32 @p0 s2  }
0x207: {  	v18 =	vld.idx.msk [tilespmem:v25+s23+$0x0], $0xffff;
	[tilespmem:s0+$0x0] =	vst v20  }
0x208: {  	v24 =	vld.idx.msk [tilespmem:v24+s23+$0x0], $0xffff;
	[tilespmem:s0+$0xFFFFFD00] =	vst v21  }
0x209: {  	v20 =	vld.idx.msk [tilespmem:v22+s23+$0x0], $0xffff;
	[tilespmem:s0+$0xFFFFFD80] =	vst v23  }
0x20a: {  	v21 =	vadd.s32 s26, v17;
	[tilespmem:s0+$0xFFFFFC80] =	vst v19  }
0x20b: {  	v22 =	vadd.s32 s25, v17;
	[tilespmem:s0+$0xFFFFFE00] =	vst v26  }
0x20c: {  	p1 =	por $0x1, $0x1;
	[tilespmem:s0+$0xFFFFFE80] =	vst v18;
	v26 =	vadd.s32 s1, v17  }
.Ltmp34:
0x20d: {  	[tilespmem:s0+$0xFFFFFF00] =	vst v24;
	(pc) =	sbr.rel @!p1 .LBB2_66-.Ltmp34, $4  }
0x20e: {  	s25 =	simm.s32 $0x0;
	[tilespmem:s0+$0xFFFFFF80] =	vst v20  }
0x20f: {  	v18 =	vld.idx.msk [tilespmem:v21+s25+$0x0], $0xffff  }
0x210: {  	v25 =	vadd.s32 s23, v17;
	v23 =	vadd.s32 s29, v17;
	v19 =	vld.idx.msk [tilespmem:v22+s25+$0x0], $0xffff  }
0x211: {  	p0 =	por $0x0, $0x0;
	v24 =	vadd.s32 s28, v17;
	s1 =	simm.s32 $0x181E0;
	v20 =	vadd.s32 s31, v17;
	v22 =	vadd.s32 s30, v17;
	v21 =	vld.idx.msk [tilespmem:v26+s25+$0x0], $0xffff  }
0x212: {  	_ =	sdelay $0x3  }
0x213: {  	v24 =	vld.idx.msk [tilespmem:v24+s25+$0x0], $0xffff  }
0x214: {  	s0 =	sadd.s32 $0x1B58, s24  }
0x215: {  	s2 =	sadd.s32 $0x3E8, s24;
	v28 =	vadd.s32 s0, v17  }
0x216: {  	s28 =	sadd.s32 $0x7D0, s24;
	v30 =	vld.idx.msk [tilespmem:v23+s25+$0x0], $0xffff;
	v29 =	vadd.s32 s2, v17  }
0x217: {  	v32 =	vld.idx.msk [tilespmem:v22+s25+$0x0], $0xffff;
	s29 =	sadd.s32 $0xBB8, s24;
	p3 =	por $0x1, $0x1;
	v31 =	vadd.s32 s28, v17;
	[tilespmem:s1+$0x0] =	vst v18  }
.Ltmp35:
0x218: {  	v27 =	vld.idx.msk [tilespmem:v20+s25+$0x0], $0xffff;
	s4 =	sadd.s32 $0xFA0, s24;
	[tilespmem:s1+$0xFFFFFE00] =	vst v24;
	v24 =	vadd.s32 s29, v17;
	(pc) =	sbr.rel @!p3 .LBB2_68-.Ltmp35, $4  }
0x219: {  	v26 =	vld.idx.msk [tilespmem:v25+s25+$0x0], $0xffff;
	s30 =	sadd.s32 $0x1388, s24;
	v23 =	vadd.s32 s4, v17;
	[tilespmem:s1+$0xFFFFFD00] =	vst v19  }
0x21a: {  	s31 =	sadd.s32 $0x1770, s24;
	v22 =	vadd.s32 s30, v17;
	[tilespmem:s1+$0xFFFFFD80] =	vst v21;
	v18 =	vld.idx.msk [tilespmem:v28+s25+$0x0], $0xffff  }
0x21b: {  	s5 =	sadd.s32 $0x1F40, s24;
	v20 =	vadd.s32 s31, v17;
	[tilespmem:s1+$0xFFFFFE80] =	vst v30;
	v19 =	vld.idx.msk [tilespmem:v29+s25+$0x0], $0xffff  }
0x21c: {  	v25 =	vadd.s32 s24, v17;
	p2 =	por $0x1, $0x1;
	s0 =	simm.s32 $0x8;
	s4 =	simm.s32 $0x181E0;
	[tilespmem:s1+$0xFFFFFF00] =	vst v32;
	v21 =	vld.idx.msk [tilespmem:v31+s25+$0x0], $0xffff  }
.LBB2_69:
0x21d: {  	v28 =	vadd.s32 s5, v17;
	s2 =	sadd.s32 $0x3E8, s5;
	s6 =	sadd.s32 $0x1B58, s5;
	s0 =	sadd.s32 $0x8, s0;
	v29 =	vld.idx.msk [tilespmem:v24+s25+$0x0], $0xffff;
	[tilespmem:s4+$0xFFFFFF80] =	vst v27  }
0x21e: {  	s8 =	sadd.s32 $0xBB8, s5;
	v30 =	vadd.s32 s2, v17;
	s2 =	sadd.s32 $0x7D0, s5;
	v31 =	vadd.s32 s6, v17;
	p3 =	slt.u32 s0, $0x38;
	v32 =	vld.idx.msk [tilespmem:v23+s25+$0x0], $0xffff;
	[tilespmem:s4+$0xFFFFFC80] =	vst v26  }
0x21f: {  	v24 =	vadd.s32 s8, v17;
	s6 =	sadd.s32 $0x1388, s5;
	s4 =	sadd.s32 $0x400, s4;
	v33 =	vadd.s32 s2, v17;
	s2 =	sadd.s32 $0xFA0, s5;
	v34 =	vld.idx.msk [tilespmem:v22+s25+$0x0], $0xffff  }
0x220: {  	v22 =	vadd.s32 s6, v17;
	v23 =	vadd.s32 s2, v17;
	s2 =	sadd.s32 $0x1770, s5;
	v27 =	vld.idx.msk [tilespmem:v20+s25+$0x0], $0xffff;
	[tilespmem:s4+$0x0] =	vst v18  }
.Ltmp36:
0x221: {  	v20 =	vadd.s32 s2, v17;
	v26 =	vld.idx.msk [tilespmem:v25+s25+$0x0], $0xffff;
	[tilespmem:s4+$0xFFFFFD00] =	vst v19;
	v25 =	vmov v28;
	(pc) =	sbr.rel @p3 .LBB2_69-.Ltmp36, $4  }
0x222: {  	s25 =	simm.s32 $0x0;
	[tilespmem:s4+$0xFFFFFD80] =	vst v21  }
0x223: {  	v18 =	vld.idx.msk [tilespmem:v31+s25+$0x0], $0xffff;
	[tilespmem:s4+$0xFFFFFE00] =	vst v29  }
0x224: {  	v19 =	vld.idx.msk [tilespmem:v30+s25+$0x0], $0xffff;
	[tilespmem:s4+$0xFFFFFE80] =	vst v32  }
0x225: {  	s5 =	sadd.s32 $0x1F40, s5;
	v21 =	vld.idx.msk [tilespmem:v33+s25+$0x0], $0xffff;
	[tilespmem:s4+$0xFFFFFF00] =	vst v34  }
.LBB2_70:
0x226: {  	_ =	sdelay $0x3  }
0x227: {  	v17 =	vld.idx.msk [tilespmem:v24+s25+$0x0], $0xffff;
	[tilespmem:s4+$0xFFFFFF80] =	vst @p2 v27;
	s0 =	sadd.s32 @p2 $0x400, s4  }
0x228: {  	v23 =	vld.idx.msk [tilespmem:v23+s25+$0x0], $0xffff;
	[tilespmem:s4+$0xFFFFFC80] =	vst @p2 v26;
	s1 =	smov.u32 @p2 s0  }
0x229: {  	v22 =	vld.idx.msk [tilespmem:v22+s25+$0x0], $0xffff;
	[tilespmem:s1+$0x0] =	vst v18  }
0x22a: {  	v18 =	vld.idx.msk [tilespmem:v20+s25+$0x0], $0xffff;
	[tilespmem:s1+$0xFFFFFD00] =	vst v19  }
0x22b: {  	v19 =	vld.idx.msk [tilespmem:v25+s25+$0x0], $0xffff;
	[tilespmem:s1+$0xFFFFFD80] =	vst v21  }
0x22c: {  	s24 =	sadd.s32 $0x1B58, s25;
	[tilespmem:s1+$0xFFFFFE00] =	vst v17;
	v17 =	vadd.s32 s25, v16  }
0x22d: {  	s2 =	sadd.s32 $0x3E8, s25;
	v20 =	vadd.s32 s24, v16;
	[tilespmem:s1+$0xFFFFFE80] =	vst v23  }
0x22e: {  	s26 =	sadd.s32 $0x7D0, s25;
	v21 =	vadd.s32 s2, v16;
	[tilespmem:s1+$0xFFFFFF00] =	vst v22  }
0x22f: {  	v25 =	vadd.s32 s26, v16;
	[tilespmem:s1+$0xFFFFFF80] =	vst v18  }
.Ltmp37:
0x230: {  	[tilespmem:s1+$0xFFFFFC80] =	vst v19;
	(pc) =	sbr.rel @!p1 .LBB2_71-.Ltmp37, $4  }
0x231: {  	v17 =	vld.idx.msk [tilespmem:v17+s3+$0x0], $0xffff  }
0x232: {  	s29 =	sadd.s32 $0xFA0, s25;
	v18 =	vld.idx.msk [tilespmem:v20+s3+$0x0], $0xffff  }
0x233: {  	s28 =	sadd.s32 $0xBB8, s25;
	s30 =	sadd.s32 $0x1388, s25;
	s31 =	sadd.s32 $0x1770, s25;
	v24 =	vadd.s32 s29, v16;
	v19 =	vld.idx.msk [tilespmem:v21+s3+$0x0], $0xffff  }
0x234: {  	s4 =	sadd.s32 $0x1F40, s25;
	s0 =	simm.s32 $0x181F0;
	v23 =	vadd.s32 s28, v16;
	v22 =	vadd.s32 s30, v16;
	v20 =	vadd.s32 s31, v16;
	v21 =	vld.idx.msk [tilespmem:v25+s3+$0x0], $0xffff  }
0x235: {  	_ =	sdelay $0x3  }
0x236: {  	v23 =	vld.idx.msk [tilespmem:v23+s3+$0x0], $0xffff  }
0x237: {  	v26 =	vadd.s32 s4, v16;
	s1 =	sadd.s32 $0x1B58, s4  }
0x238: {  	s2 =	sadd.s32 $0x3E8, s4;
	v27 =	vadd.s32 s1, v16  }
0x239: {  	s28 =	sadd.s32 $0x7D0, s4;
	v29 =	vld.idx.msk [tilespmem:v24+s3+$0x0], $0xffff;
	v28 =	vadd.s32 s2, v16  }
0x23a: {  	v31 =	vld.idx.msk [tilespmem:v22+s3+$0x0], $0xffff;
	s29 =	sadd.s32 $0xBB8, s4;
	p1 =	por $0x1, $0x1;
	v30 =	vadd.s32 s28, v16;
	[tilespmem:s0+$0x0] =	vst v18  }
.Ltmp38:
0x23b: {  	v25 =	vld.idx.msk [tilespmem:v20+s3+$0x0], $0xffff;
	s5 =	sadd.s32 $0xFA0, s4;
	[tilespmem:s0+$0xFFFFFE00] =	vst v23;
	v23 =	vadd.s32 s29, v16;
	(pc) =	sbr.rel @!p1 .LBB2_73-.Ltmp38, $4  }
0x23c: {  	s30 =	sadd.s32 $0x1388, s4;
	v24 =	vadd.s32 s5, v16;
	[tilespmem:s0+$0xFFFFFD00] =	vst v19;
	v26 =	vld.idx.msk [tilespmem:v26+s3+$0x0], $0xffff  }
0x23d: {  	s31 =	sadd.s32 $0x1770, s4;
	v22 =	vadd.s32 s30, v16;
	[tilespmem:s0+$0xFFFFFD80] =	vst v21;
	v18 =	vld.idx.msk [tilespmem:v27+s3+$0x0], $0xffff  }
0x23e: {  	p0 =	por $0x1, $0x1;
	v20 =	vadd.s32 s31, v16;
	[tilespmem:s0+$0xFFFFFE80] =	vst v29;
	v19 =	vld.idx.msk [tilespmem:v28+s3+$0x0], $0xffff  }
0x23f: {  	s1 =	simm.s32 $0x8;
	s5 =	sadd.s32 $0x1F40, s4;
	s4 =	simm.s32 $0x181F0;
	[tilespmem:s0+$0xFFFFFF00] =	vst v31;
	v21 =	vld.idx.msk [tilespmem:v30+s3+$0x0], $0xffff  }
.LBB2_74:
0x240: {  	v27 =	vadd.s32 s5, v16;
	s2 =	sadd.s32 $0x3E8, s5;
	s6 =	sadd.s32 $0x1B58, s5;
	s1 =	sadd.s32 $0x8, s1;
	v28 =	vld.idx.msk [tilespmem:v23+s3+$0x0], $0xffff;
	[tilespmem:s4+$0xFFFFFF80] =	vst v25  }
0x241: {  	s8 =	sadd.s32 $0xBB8, s5;
	v29 =	vadd.s32 s2, v16;
	s2 =	sadd.s32 $0x7D0, s5;
	v30 =	vadd.s32 s6, v16;
	p1 =	slt.u32 s1, $0x38;
	v31 =	vld.idx.msk [tilespmem:v24+s3+$0x0], $0xffff;
	[tilespmem:s4+$0xFFFFFC80] =	vst v17  }
0x242: {  	v23 =	vadd.s32 s8, v16;
	s6 =	sadd.s32 $0x1388, s5;
	s4 =	sadd.s32 $0x400, s4;
	v17 =	vmov v26;
	v32 =	vadd.s32 s2, v16;
	s2 =	sadd.s32 $0xFA0, s5;
	v33 =	vld.idx.msk [tilespmem:v22+s3+$0x0], $0xffff  }
0x243: {  	v22 =	vadd.s32 s6, v16;
	v24 =	vadd.s32 s2, v16;
	s2 =	sadd.s32 $0x1770, s5;
	v25 =	vld.idx.msk [tilespmem:v20+s3+$0x0], $0xffff;
	[tilespmem:s4+$0x0] =	vst v18  }
.Ltmp39:
0x244: {  	v20 =	vadd.s32 s2, v16;
	[tilespmem:s4+$0xFFFFFD00] =	vst v19;
	(pc) =	sbr.rel @p1 .LBB2_74-.Ltmp39, $4  }
0x245: {  	v26 =	vld.idx.msk [tilespmem:v27+s3+$0x0], $0xffff;
	[tilespmem:s4+$0xFFFFFD80] =	vst v21  }
0x246: {  	v18 =	vld.idx.msk [tilespmem:v30+s3+$0x0], $0xffff;
	[tilespmem:s4+$0xFFFFFE00] =	vst v28  }
0x247: {  	v19 =	vld.idx.msk [tilespmem:v29+s3+$0x0], $0xffff;
	[tilespmem:s4+$0xFFFFFE80] =	vst v31  }
0x248: {  	s5 =	sadd.s32 $0x1F40, s5;
	v21 =	vld.idx.msk [tilespmem:v32+s3+$0x0], $0xffff;
	[tilespmem:s4+$0xFFFFFF00] =	vst v33  }
0x249: {  	_ = 	snop  }
0x24a: {  	v16 =	vmov v17;
	v17 =	vmov v26  }
.LBB2_76:
0x24b: {  	_ =	sdelay $0x2  }
0x24c: {  	[tilespmem:s4+$0xFFFFFF80] =	vst @p0 v25;
	s1 =	sadd.s32 @p0 $0x400, s4  }
0x24d: {  	v23 =	vld.idx.msk [tilespmem:v23+s3+$0x0], $0xffff;
	[tilespmem:s4+$0xFFFFFC80] =	vst @p0 v16;
	s0 =	smov.u32 @p0 s1  }
0x24e: {  	v24 =	vld.idx.msk [tilespmem:v24+s3+$0x0], $0xffff;
	[tilespmem:s0+$0x0] =	vst v18  }
0x24f: {  	v16 =	vld.idx.msk [tilespmem:v22+s3+$0x0], $0xffff;
	[tilespmem:s0+$0xFFFFFD00] =	vst v19  }
0x250: {  	v18 =	vld.idx.msk [tilespmem:v20+s3+$0x0], $0xffff;
	[tilespmem:s0+$0xFFFFFD80] =	vst v21  }
0x251: {  	[tilespmem:s0+$0xFFFFFC80] =	vst v17  }
0x252: {  	[tilespmem:s0+$0xFFFFFE00] =	vst v23  }
0x253: {  	[tilespmem:s0+$0xFFFFFE80] =	vst v24  }
0x254: {  	s21 =	sadd.s32 $0x2, s21;
	[tilespmem:s0+$0xFFFFFF00] =	vst v16  }
0x255: {  	v16 =	vmov s21;
	[tilespmem:s0+$0xFFFFFF80] =	vst v18  }
0x256: {  	v16 =	vand.u32 $0x1FE, v16;
	_ =	swait.ge [sflag:s15], $0x2000  }
0x257: {  	s23 =	sshll.u32 s22, $0x12;
	v17 =	vadd.s32 v0, v16;
	[sflag:s15] =	ssyncset.done $0x0  }
0x258: {  	s0 =	sor.u32 s7, s23;
	[sflag:s15] =	ssyncadd.s32 $0xFFFFE000  }
0x259: {  	v18 =	vadd.s32 v1, v16;
	s0 =	sshrl.u32 s0, $0x3;
	s24 =	rddreg [dreg:$0x1]  }
0x25a: {  	s25 =	simm.s32 $0x8000;
	s2 =	simm.s32 $0x17E00;
	v19 =	vadd.s32 v2, v16;
	s0 =	sadd.s32 s24, s0  }
0x25b: {  	v25 =	vadd.s32 v4, v16;
	[hbm4b:s0+s16] =	stream.strided.scatter [tilespmem:s2], [sflag:$0x3], $0x2000, s25, s16, $0x38;
	[tilespmem:$0x19E00] =	vst v63  }
0x25c: {  	v23 =	vld.idx.msk [tilespmem:v17+s10+$0x0], $0xffff;
	v17 =	vadd.s32 v3, v16  }
0x25d: {  	v27 =	vadd.s32 v6, v16  }
0x25e: {  	v26 =	vadd.s32 v5, v16;
	v22 =	vld.idx.msk [tilespmem:v18+s10+$0x0], $0xffff  }
0x25f: {  	v21 =	vld.idx.msk [tilespmem:v19+s10+$0x0], $0xffff;
	v16 =	vadd.s32 v7, v16  }
0x260: {  	s22 =	simm.s32 $0x1B58;
	v19 =	vld.idx.msk [tilespmem:v25+s10+$0x0], $0xffff  }
0x261: {  	s0 =	simm.s32 $0x3E8;
	v20 =	vld.idx.msk [tilespmem:v17+s10+$0x0], $0xffff;
	v28 =	vadd.s32 s22, v23  }
0x262: {  	s4 =	simm.s32 $0x7D0;
	v17 =	vld.idx.msk [tilespmem:v27+s10+$0x0], $0xffff;
	v27 =	vadd.s32 s0, v23  }
0x263: {  	s5 =	simm.s32 $0xBB8;
	v18 =	vld.idx.msk [tilespmem:v26+s10+$0x0], $0xffff;
	v29 =	vadd.s32 s4, v23  }
0x264: {  	s8 =	simm.s32 $0xFA0;
	s1 =	simm.s32 $0x0;
	v16 =	vld.idx.msk [tilespmem:v16+s10+$0x0], $0xffff;
	v30 =	vadd.s32 s5, v23  }
0x265: {  	s6 =	simm.s32 $0x1388;
	v33 =	vadd.s32 s8, v23;
	v26 =	vld.idx.msk [tilespmem:v23+s1+$0x0], $0xffff  }
0x266: {  	s9 =	simm.s32 $0x1770;
	v34 =	vadd.s32 s6, v23;
	v28 =	vld.idx.msk [tilespmem:v28+s1+$0x0], $0xffff  }
0x267: {  	v24 =	vadd.s32 $0x1F40, v23;
	v39 =	vadd.s32 s9, v23;
	v40 =	vld.idx.msk [tilespmem:v27+s1+$0x0], $0xffff  }
0x268: {  	s18 =	simm.s32 $0x1F40;
	v25 =	vadd.s32 s1, v24;
	v27 =	vld.idx.msk [tilespmem:v29+s1+$0x0], $0xffff  }
0x269: {  	s12 =	simm.s32 $0x3A98;
	v31 =	vadd.s32 s18, v24;
	v30 =	vld.idx.msk [tilespmem:v30+s1+$0x0], $0xffff  }
0x26a: {  	s26 =	simm.s32 $0x2328;
	s13 =	simm.s32 $0x2710;
	v37 =	vadd.s32 s12, v23;
	v35 =	vld.idx.msk [tilespmem:v33+s1+$0x0], $0xffff  }
0x26b: {  	s11 =	simm.s32 $0x16000;
	s28 =	simm.s32 $0x2AF8;
	s29 =	simm.s32 $0x2EE0;
	v32 =	vadd.s32 s26, v23;
	v36 =	vadd.s32 s13, v23;
	v38 =	vld.idx.msk [tilespmem:v34+s1+$0x0], $0xffff  }
0x26c: {  	s30 =	simm.s32 $0x32C8;
	s31 =	simm.s32 $0x36B0;
	v33 =	vadd.s32 s28, v23;
	v34 =	vadd.s32 s29, v23;
	v39 =	vld.idx.msk [tilespmem:v39+s1+$0x0], $0xffff;
	[tilespmem:s11+$0x180] =	vst v28  }
0x26d: {  	s14 =	simm.s32 $0x8;
	v29 =	vadd.s32 s30, v23;
	v25 =	vld.idx.msk [tilespmem:v25+s1+$0x0], $0xffff;
	v28 =	vadd.s32 s31, v23;
	[tilespmem:s11+$0xFFFFFE80] =	vst v40  }
.LBB2_77:
0x26e: {  	v40 =	vld.idx.msk [tilespmem:v31+s1+$0x0], $0xffff;
	[tilespmem:s11+$0xFFFFFF00] =	vst v27  }
0x26f: {  	v41 =	vld.idx.msk [tilespmem:v37+s1+$0x0], $0xffff;
	[tilespmem:s11+$0xFFFFFF80] =	vst v30  }
0x270: {  	s14 =	sadd.s32 $0x8, s14;
	v42 =	vld.idx.msk [tilespmem:v32+s1+$0x0], $0xffff;
	[tilespmem:s11+$0x0] =	vst v35  }
0x271: {  	s18 =	sadd.s32 $0x1F40, s18;
	p0 =	slt.u32 s14, $0x38;
	v27 =	vld.idx.msk [tilespmem:v36+s1+$0x0], $0xffff;
	[tilespmem:s11+$0x80] =	vst v38  }
.Ltmp40:
0x272: {  	v31 =	vadd.s32 s18, v24;
	s2 =	sadd.s32 $0x3E8, s18;
	s12 =	sadd.s32 $0x1B58, s18;
	v30 =	vld.idx.msk [tilespmem:v33+s1+$0x0], $0xffff;
	[tilespmem:s11+$0x100] =	vst v39;
	(pc) =	sbr.rel @p0 .LBB2_77-.Ltmp40, $4  }
0x273: {  	s13 =	sadd.s32 $0xBB8, s18;
	v32 =	vadd.s32 s2, v23;
	s2 =	sadd.s32 $0x7D0, s18;
	v37 =	vadd.s32 s12, v23;
	v35 =	vld.idx.msk [tilespmem:v34+s1+$0x0], $0xffff;
	[tilespmem:s11+$0xFFFFFE00] =	vst v26;
	v26 =	vmov v25  }
0x274: {  	s12 =	sadd.s32 $0x1388, s18;
	v36 =	vadd.s32 s2, v23;
	s2 =	sadd.s32 $0xFA0, s18;
	v33 =	vadd.s32 s13, v23;
	s11 =	sadd.s32 $0x400, s11;
	v25 =	vmov v40;
	v38 =	vld.idx.msk [tilespmem:v29+s1+$0x0], $0xffff  }
0x275: {  	v34 =	vadd.s32 s2, v23;
	s2 =	sadd.s32 $0x1770, s18;
	v29 =	vadd.s32 s12, v23;
	v39 =	vld.idx.msk [tilespmem:v28+s1+$0x0], $0xffff;
	[tilespmem:s11+$0x180] =	vst v41  }
0x276: {  	v28 =	vadd.s32 s2, v23;
	[tilespmem:s11+$0xFFFFFE80] =	vst v42  }
0x277: {  	_ =	sdelay $0x1  }
0x278: {  	[tilespmem:s11+$0xFFFFFF00] =	vst v27  }
0x279: {  	[tilespmem:s11+$0xFFFFFF80] =	vst v30  }
0x27a: {  	v23 =	vld.idx.msk [tilespmem:v37+s1+$0x0], $0xffff;
	[tilespmem:s11+$0xFFFFFE00] =	vst v26  }
0x27b: {  	v24 =	vld.idx.msk [tilespmem:v32+s1+$0x0], $0xffff;
	s2 =	sadd.s32 $0x400, s11;
	[tilespmem:s11+$0x0] =	vst v35  }
0x27c: {  	v27 =	vld.idx.msk [tilespmem:v36+s1+$0x0], $0xffff;
	[tilespmem:s2+$0xFFFFFE00] =	vst v25  }
0x27d: {  	v30 =	vld.idx.msk [tilespmem:v33+s1+$0x0], $0xffff;
	[tilespmem:s11+$0x80] =	vst v38  }
0x27e: {  	v26 =	vld.idx.msk [tilespmem:v29+s1+$0x0], $0xffff;
	[tilespmem:s11+$0x100] =	vst v39  }
0x27f: {  	v31 =	vld.idx.msk [tilespmem:v34+s1+$0x0], $0xffff;
	[tilespmem:s2+$0x180] =	vst v23  }
0x280: {  	v23 =	vld.idx.msk [tilespmem:v28+s1+$0x0], $0xffff;
	[tilespmem:s2+$0xFFFFFE80] =	vst v24  }
0x281: {  	[tilespmem:s2+$0xFFFFFF00] =	vst v27;
	v24 =	vadd.s32 s22, v22  }
0x282: {  	[tilespmem:s2+$0xFFFFFF80] =	vst v30;
	v27 =	vadd.s32 s0, v22  }
0x283: {  	[tilespmem:s2+$0x80] =	vst v26;
	v26 =	vadd.s32 s4, v22  }
0x284: {  	v25 =	vadd.s32 s8, v22;
	[tilespmem:s2+$0x0] =	vst v31  }
0x285: {  	s23 =	simm.s32 $0x0;
	v28 =	vadd.s32 s6, v22;
	[tilespmem:s2+$0x100] =	vst v23  }
0x286: {  	v23 =	vadd.s32 s5, v22;
	v24 =	vld.idx.msk [tilespmem:v24+s23+$0x0], $0xffff  }
0x287: {  	v29 =	vadd.s32 s9, v22;
	v27 =	vld.idx.msk [tilespmem:v27+s23+$0x0], $0xffff  }
0x288: {  	s25 =	simm.s32 $0x2710;
	v31 =	vadd.s32 s1, v22;
	v26 =	vld.idx.msk [tilespmem:v26+s23+$0x0], $0xffff  }
0x289: {  	v62 =	vadd.s32 s25, v22;
	s22 =	simm.s32 $0x3A98;
	v25 =	vld.idx.msk [tilespmem:v25+s23+$0x0], $0xffff  }
0x28a: {  	s24 =	simm.s32 $0x2328;
	s0 =	simm.s32 $0x16010;
	v60 =	vadd.s32 s22, v22;
	v63 =	vld.idx.msk [tilespmem:v28+s23+$0x0], $0xffff  }
0x28b: {  	s28 =	simm.s32 $0x2AF8;
	v61 =	vadd.s32 s24, v22;
	v59 =	vld.idx.msk [tilespmem:v23+s23+$0x0], $0xffff;
	[tilespmem:s0+$0x180] =	vst v24  }
0x28c: {  	s29 =	simm.s32 $0x2EE0;
	v32 =	vadd.s32 s28, v22;
	v30 =	vld.idx.msk [tilespmem:v29+s23+$0x0], $0xffff;
	[tilespmem:s0+$0xFFFFFE80] =	vst v27  }
0x28d: {  	s30 =	simm.s32 $0x32C8;
	v27 =	vld.idx.msk [tilespmem:v31+s23+$0x0], $0xffff;
	[tilespmem:s0+$0xFFFFFF00] =	vst v26;
	v31 =	vadd.s32 s29, v22  }
0x28e: {  	s31 =	simm.s32 $0x36B0;
	v28 =	vadd.s32 s30, v22;
	v29 =	vld.idx.msk [tilespmem:v62+s23+$0x0], $0xffff;
	[tilespmem:s0+$0x0] =	vst v25  }
0x28f: {  	s26 =	simm.s32 $0x1F40;
	v24 =	vld.idx.msk [tilespmem:v60+s23+$0x0], $0xffff;
	v25 =	vadd.s32 s31, v22;
	[tilespmem:s0+$0x80] =	vst v63  }
0x290: {  	s1 =	simm.s32 $0x8;
	s4 =	simm.s32 $0x3E80;
	v23 =	vadd.s32 s26, v22;
	v26 =	vld.idx.msk [tilespmem:v61+s23+$0x0], $0xffff;
	[tilespmem:s0+$0xFFFFFF80] =	vst v59  }
.LBB2_79:
0x291: {  	v33 =	vadd.s32 s4, v22;
	s2 =	sadd.s32 $0x3E8, s4;
	s5 =	sadd.s32 $0x1B58, s4;
	s1 =	sadd.s32 $0x8, s1;
	v34 =	vld.idx.msk [tilespmem:v32+s23+$0x0], $0xffff;
	[tilespmem:s0+$0x100] =	vst v30  }
0x292: {  	s6 =	sadd.s32 $0xBB8, s4;
	v35 =	vadd.s32 s2, v22;
	s2 =	sadd.s32 $0x7D0, s4;
	v36 =	vadd.s32 s5, v22;
	p0 =	slt.u32 s1, $0x38;
	v37 =	vld.idx.msk [tilespmem:v31+s23+$0x0], $0xffff;
	[tilespmem:s0+$0xFFFFFE00] =	vst v27  }
0x293: {  	v32 =	vadd.s32 s6, v22;
	s5 =	sadd.s32 $0x1388, s4;
	s0 =	sadd.s32 $0x400, s0;
	v38 =	vadd.s32 s2, v22;
	s2 =	sadd.s32 $0xFA0, s4;
	v39 =	vld.idx.msk [tilespmem:v28+s23+$0x0], $0xffff  }
0x294: {  	v28 =	vadd.s32 s5, v22;
	v31 =	vadd.s32 s2, v22;
	s2 =	sadd.s32 $0x1770, s4;
	v30 =	vld.idx.msk [tilespmem:v25+s23+$0x0], $0xffff;
	[tilespmem:s0+$0x180] =	vst v24  }
.Ltmp41:
0x295: {  	v25 =	vadd.s32 s2, v22;
	v27 =	vld.idx.msk [tilespmem:v23+s23+$0x0], $0xffff;
	[tilespmem:s0+$0xFFFFFE80] =	vst v26;
	v23 =	vmov v33;
	(pc) =	sbr.rel @p0 .LBB2_79-.Ltmp41, $4  }
0x296: {  	[tilespmem:s0+$0xFFFFFF00] =	vst v29  }
0x297: {  	v24 =	vld.idx.msk [tilespmem:v36+s23+$0x0], $0xffff;
	[tilespmem:s0+$0xFFFFFF80] =	vst v34  }
0x298: {  	v26 =	vld.idx.msk [tilespmem:v35+s23+$0x0], $0xffff;
	[tilespmem:s0+$0x0] =	vst v37  }
0x299: {  	s4 =	sadd.s32 $0x1F40, s4;
	v29 =	vld.idx.msk [tilespmem:v38+s23+$0x0], $0xffff;
	[tilespmem:s0+$0x80] =	vst v39  }
0x29a: {  	_ =	sdelay $0x3  }
0x29b: {  	v22 =	vld.idx.msk [tilespmem:v32+s23+$0x0], $0xffff;
	[tilespmem:s0+$0x100] =	vst v30  }
0x29c: {  	v30 =	vld.idx.msk [tilespmem:v31+s23+$0x0], $0xffff;
	[tilespmem:s0+$0xFFFFFE00] =	vst v27;
	s26 =	sadd.s32 $0x400, s0  }
0x29d: {  	v27 =	vld.idx.msk [tilespmem:v28+s23+$0x0], $0xffff;
	[tilespmem:s26+$0x180] =	vst v24  }
0x29e: {  	v23 =	vld.idx.msk [tilespmem:v23+s23+$0x0], $0xffff;
	[tilespmem:s26+$0xFFFFFE80] =	vst v26  }
0x29f: {  	v24 =	vld.idx.msk [tilespmem:v25+s23+$0x0], $0xffff;
	[tilespmem:s26+$0xFFFFFF00] =	vst v29  }
0x2a0: {  	s25 =	simm.s32 $0x1B58;
	[tilespmem:s26+$0xFFFFFF80] =	vst v22;
	v22 =	vadd.s32 s23, v21  }
0x2a1: {  	s22 =	simm.s32 $0x3E8;
	v25 =	vadd.s32 s25, v21;
	[tilespmem:s26+$0x0] =	vst v30  }
0x2a2: {  	s28 =	simm.s32 $0x7D0;
	v26 =	vadd.s32 s22, v21;
	[tilespmem:s26+$0x80] =	vst v27  }
0x2a3: {  	p1 =	por $0x1, $0x1;
	v30 =	vadd.s32 s28, v21;
	[tilespmem:s26+$0xFFFFFE00] =	vst v23  }
.Ltmp42:
0x2a4: {  	[tilespmem:s26+$0x100] =	vst v24;
	(pc) =	sbr.rel @!p1 .LBB2_81-.Ltmp42, $4  }
0x2a5: {  	v22 =	vld.idx.msk [tilespmem:v22+s23+$0x0], $0xffff  }
0x2a6: {  	s29 =	simm.s32 $0xFA0;
	v23 =	vld.idx.msk [tilespmem:v25+s23+$0x0], $0xffff  }
0x2a7: {  	s30 =	simm.s32 $0x1388;
	s31 =	simm.s32 $0x1770;
	v28 =	vadd.s32 s29, v21;
	s26 =	simm.s32 $0xBB8;
	v24 =	vld.idx.msk [tilespmem:v26+s23+$0x0], $0xffff  }
0x2a8: {  	s1 =	simm.s32 $0x16020;
	s24 =	simm.s32 $0x1F40;
	p0 =	por $0x0, $0x0;
	v27 =	vadd.s32 s30, v21;
	v29 =	vadd.s32 s26, v21;
	v25 =	vadd.s32 s31, v21;
	v26 =	vld.idx.msk [tilespmem:v30+s23+$0x0], $0xffff  }
0x2a9: {  	_ =	sdelay $0x3  }
0x2aa: {  	v29 =	vld.idx.msk [tilespmem:v29+s23+$0x0], $0xffff  }
0x2ab: {  	v31 =	vadd.s32 s24, v21;
	s0 =	simm.s32 $0x3A98  }
0x2ac: {  	s2 =	simm.s32 $0x2328;
	v32 =	vadd.s32 s0, v21  }
0x2ad: {  	s12 =	simm.s32 $0x2710;
	v34 =	vld.idx.msk [tilespmem:v28+s23+$0x0], $0xffff;
	v33 =	vadd.s32 s2, v21  }
0x2ae: {  	v36 =	vld.idx.msk [tilespmem:v27+s23+$0x0], $0xffff;
	s13 =	simm.s32 $0x2AF8;
	p3 =	por $0x1, $0x1;
	v35 =	vadd.s32 s12, v21;
	[tilespmem:s1+$0x180] =	vst v23  }
.Ltmp43:
0x2af: {  	v30 =	vld.idx.msk [tilespmem:v25+s23+$0x0], $0xffff;
	s4 =	simm.s32 $0x2EE0;
	[tilespmem:s1+$0xFFFFFF80] =	vst v29;
	v29 =	vadd.s32 s13, v21;
	(pc) =	sbr.rel @!p3 .LBB2_83-.Ltmp43, $4  }
0x2b0: {  	s14 =	simm.s32 $0x32C8;
	v28 =	vadd.s32 s4, v21;
	[tilespmem:s1+$0xFFFFFE80] =	vst v24;
	v31 =	vld.idx.msk [tilespmem:v31+s23+$0x0], $0xffff  }
0x2b1: {  	s18 =	simm.s32 $0x36B0;
	v27 =	vadd.s32 s14, v21;
	[tilespmem:s1+$0xFFFFFF00] =	vst v26;
	v23 =	vld.idx.msk [tilespmem:v32+s23+$0x0], $0xffff  }
0x2b2: {  	s5 =	simm.s32 $0x3E80;
	v25 =	vadd.s32 s18, v21;
	[tilespmem:s1+$0x0] =	vst v34;
	v24 =	vld.idx.msk [tilespmem:v33+s23+$0x0], $0xffff  }
0x2b3: {  	p2 =	por $0x1, $0x1;
	s0 =	simm.s32 $0x8;
	s4 =	simm.s32 $0x16020;
	[tilespmem:s1+$0x80] =	vst v36;
	v26 =	vld.idx.msk [tilespmem:v35+s23+$0x0], $0xffff  }
.LBB2_84:
0x2b4: {  	v32 =	vadd.s32 s5, v21;
	s2 =	sadd.s32 $0x3E8, s5;
	s6 =	sadd.s32 $0x1B58, s5;
	s0 =	sadd.s32 $0x8, s0;
	v33 =	vld.idx.msk [tilespmem:v29+s23+$0x0], $0xffff;
	[tilespmem:s4+$0x100] =	vst v30  }
0x2b5: {  	s8 =	sadd.s32 $0xBB8, s5;
	v34 =	vadd.s32 s2, v21;
	s2 =	sadd.s32 $0x7D0, s5;
	v35 =	vadd.s32 s6, v21;
	p3 =	slt.u32 s0, $0x38;
	v36 =	vld.idx.msk [tilespmem:v28+s23+$0x0], $0xffff;
	[tilespmem:s4+$0xFFFFFE00] =	vst v22  }
0x2b6: {  	v29 =	vadd.s32 s8, v21;
	s6 =	sadd.s32 $0x1388, s5;
	s4 =	sadd.s32 $0x400, s4;
	v22 =	vmov v31;
	v37 =	vadd.s32 s2, v21;
	s2 =	sadd.s32 $0xFA0, s5;
	v38 =	vld.idx.msk [tilespmem:v27+s23+$0x0], $0xffff  }
0x2b7: {  	v27 =	vadd.s32 s6, v21;
	v28 =	vadd.s32 s2, v21;
	s2 =	sadd.s32 $0x1770, s5;
	v30 =	vld.idx.msk [tilespmem:v25+s23+$0x0], $0xffff;
	[tilespmem:s4+$0x180] =	vst v23  }
.Ltmp44:
0x2b8: {  	v25 =	vadd.s32 s2, v21;
	[tilespmem:s4+$0xFFFFFE80] =	vst v24;
	(pc) =	sbr.rel @p3 .LBB2_84-.Ltmp44, $4  }
0x2b9: {  	v31 =	vld.idx.msk [tilespmem:v32+s23+$0x0], $0xffff;
	[tilespmem:s4+$0xFFFFFF00] =	vst v26  }
0x2ba: {  	v23 =	vld.idx.msk [tilespmem:v35+s23+$0x0], $0xffff;
	[tilespmem:s4+$0xFFFFFF80] =	vst v33  }
0x2bb: {  	v24 =	vld.idx.msk [tilespmem:v34+s23+$0x0], $0xffff;
	[tilespmem:s4+$0x0] =	vst v36  }
0x2bc: {  	s5 =	sadd.s32 $0x1F40, s5;
	v26 =	vld.idx.msk [tilespmem:v37+s23+$0x0], $0xffff;
	[tilespmem:s4+$0x80] =	vst v38  }
0x2bd: {  	_ = 	snop  }
0x2be: {  	v21 =	vmov v22;
	v22 =	vmov v31  }
.LBB2_86:
0x2bf: {  	_ =	sdelay $0x2  }
0x2c0: {  	[tilespmem:s4+$0x100] =	vst @p2 v30;
	s0 =	sadd.s32 @p2 $0x400, s4  }
0x2c1: {  	v29 =	vld.idx.msk [tilespmem:v29+s23+$0x0], $0xffff;
	[tilespmem:s4+$0xFFFFFE00] =	vst @p2 v21;
	s1 =	smov.u32 @p2 s0  }
0x2c2: {  	v21 =	vld.idx.msk [tilespmem:v28+s23+$0x0], $0xffff;
	[tilespmem:s1+$0x180] =	vst v23  }
0x2c3: {  	v27 =	vld.idx.msk [tilespmem:v27+s23+$0x0], $0xffff;
	[tilespmem:s1+$0xFFFFFE80] =	vst v24  }
0x2c4: {  	v23 =	vld.idx.msk [tilespmem:v25+s23+$0x0], $0xffff;
	[tilespmem:s1+$0xFFFFFF00] =	vst v26  }
0x2c5: {  	v24 =	vadd.s32 s25, v20;
	[tilespmem:s1+$0xFFFFFE00] =	vst v22  }
0x2c6: {  	v25 =	vadd.s32 s22, v20;
	[tilespmem:s1+$0xFFFFFF80] =	vst v29  }
0x2c7: {  	[tilespmem:s1+$0x0] =	vst v21;
	v29 =	vadd.s32 s28, v20  }
.Ltmp45:
0x2c8: {  	[tilespmem:s1+$0x80] =	vst v27;
	(pc) =	sbr.rel @!p1 .LBB2_87-.Ltmp45, $4  }
0x2c9: {  	s22 =	simm.s32 $0x0;
	[tilespmem:s1+$0x100] =	vst v23  }
0x2ca: {  	v21 =	vld.idx.msk [tilespmem:v24+s22+$0x0], $0xffff  }
0x2cb: {  	v28 =	vadd.s32 s23, v20;
	v26 =	vadd.s32 s29, v20;
	v22 =	vld.idx.msk [tilespmem:v25+s22+$0x0], $0xffff  }
0x2cc: {  	v27 =	vadd.s32 s26, v20;
	s1 =	simm.s32 $0x16030;
	v23 =	vadd.s32 s31, v20;
	v25 =	vadd.s32 s30, v20;
	v24 =	vld.idx.msk [tilespmem:v29+s22+$0x0], $0xffff  }
0x2cd: {  	_ =	sdelay $0x3  }
0x2ce: {  	v27 =	vld.idx.msk [tilespmem:v27+s22+$0x0], $0xffff  }
0x2cf: {  	s0 =	simm.s32 $0x3A98  }
0x2d0: {  	s2 =	simm.s32 $0x2328;
	v31 =	vadd.s32 s0, v20  }
0x2d1: {  	s28 =	simm.s32 $0x2710;
	v33 =	vld.idx.msk [tilespmem:v26+s22+$0x0], $0xffff;
	v32 =	vadd.s32 s2, v20  }
0x2d2: {  	v35 =	vld.idx.msk [tilespmem:v25+s22+$0x0], $0xffff;
	s29 =	simm.s32 $0x2AF8;
	p1 =	por $0x1, $0x1;
	v34 =	vadd.s32 s28, v20;
	[tilespmem:s1+$0x180] =	vst v21  }
.Ltmp46:
0x2d3: {  	v30 =	vld.idx.msk [tilespmem:v23+s22+$0x0], $0xffff;
	s4 =	simm.s32 $0x2EE0;
	[tilespmem:s1+$0xFFFFFF80] =	vst v27;
	v27 =	vadd.s32 s29, v20;
	(pc) =	sbr.rel @!p1 .LBB2_89-.Ltmp46, $4  }
0x2d4: {  	v29 =	vld.idx.msk [tilespmem:v28+s22+$0x0], $0xffff;
	s30 =	simm.s32 $0x32C8;
	v26 =	vadd.s32 s4, v20;
	[tilespmem:s1+$0xFFFFFE80] =	vst v22  }
0x2d5: {  	s31 =	simm.s32 $0x36B0;
	v25 =	vadd.s32 s30, v20;
	[tilespmem:s1+$0xFFFFFF00] =	vst v24;
	v21 =	vld.idx.msk [tilespmem:v31+s22+$0x0], $0xffff  }
0x2d6: {  	s5 =	simm.s32 $0x3E80;
	v23 =	vadd.s32 s31, v20;
	[tilespmem:s1+$0x0] =	vst v33;
	v22 =	vld.idx.msk [tilespmem:v32+s22+$0x0], $0xffff  }
0x2d7: {  	v28 =	vadd.s32 s24, v20;
	p0 =	por $0x1, $0x1;
	s0 =	simm.s32 $0x8;
	s4 =	simm.s32 $0x16030;
	[tilespmem:s1+$0x80] =	vst v35;
	v24 =	vld.idx.msk [tilespmem:v34+s22+$0x0], $0xffff  }
.LBB2_90:
0x2d8: {  	v31 =	vadd.s32 s5, v20;
	s2 =	sadd.s32 $0x3E8, s5;
	s6 =	sadd.s32 $0x1B58, s5;
	s0 =	sadd.s32 $0x8, s0;
	v32 =	vld.idx.msk [tilespmem:v27+s22+$0x0], $0xffff;
	[tilespmem:s4+$0x100] =	vst v30  }
0x2d9: {  	s8 =	sadd.s32 $0xBB8, s5;
	v33 =	vadd.s32 s2, v20;
	s2 =	sadd.s32 $0x7D0, s5;
	v34 =	vadd.s32 s6, v20;
	p1 =	slt.u32 s0, $0x38;
	v35 =	vld.idx.msk [tilespmem:v26+s22+$0x0], $0xffff;
	[tilespmem:s4+$0xFFFFFE00] =	vst v29  }
0x2da: {  	v27 =	vadd.s32 s8, v20;
	s6 =	sadd.s32 $0x1388, s5;
	s4 =	sadd.s32 $0x400, s4;
	v36 =	vadd.s32 s2, v20;
	s2 =	sadd.s32 $0xFA0, s5;
	v37 =	vld.idx.msk [tilespmem:v25+s22+$0x0], $0xffff  }
0x2db: {  	v25 =	vadd.s32 s6, v20;
	v26 =	vadd.s32 s2, v20;
	s2 =	sadd.s32 $0x1770, s5;
	v30 =	vld.idx.msk [tilespmem:v23+s22+$0x0], $0xffff;
	[tilespmem:s4+$0x180] =	vst v21  }
.Ltmp47:
0x2dc: {  	v23 =	vadd.s32 s2, v20;
	v29 =	vld.idx.msk [tilespmem:v28+s22+$0x0], $0xffff;
	[tilespmem:s4+$0xFFFFFE80] =	vst v22;
	v28 =	vmov v31;
	(pc) =	sbr.rel @p1 .LBB2_90-.Ltmp47, $4  }
0x2dd: {  	s22 =	simm.s32 $0x0;
	[tilespmem:s4+$0xFFFFFF00] =	vst v24  }
0x2de: {  	v21 =	vld.idx.msk [tilespmem:v34+s22+$0x0], $0xffff;
	[tilespmem:s4+$0xFFFFFF80] =	vst v32  }
0x2df: {  	v22 =	vld.idx.msk [tilespmem:v33+s22+$0x0], $0xffff;
	[tilespmem:s4+$0x0] =	vst v35  }
0x2e0: {  	s5 =	sadd.s32 $0x1F40, s5;
	v24 =	vld.idx.msk [tilespmem:v36+s22+$0x0], $0xffff;
	[tilespmem:s4+$0x80] =	vst v37  }
.LBB2_91:
0x2e1: {  	_ =	sdelay $0x3  }
0x2e2: {  	v20 =	vld.idx.msk [tilespmem:v27+s22+$0x0], $0xffff;
	[tilespmem:s4+$0x100] =	vst @p0 v30;
	s0 =	sadd.s32 @p0 $0x400, s4  }
0x2e3: {  	v26 =	vld.idx.msk [tilespmem:v26+s22+$0x0], $0xffff;
	[tilespmem:s4+$0xFFFFFE00] =	vst @p0 v29;
	s1 =	smov.u32 @p0 s0  }
0x2e4: {  	v25 =	vld.idx.msk [tilespmem:v25+s22+$0x0], $0xffff;
	[tilespmem:s1+$0x180] =	vst v21  }
0x2e5: {  	v21 =	vld.idx.msk [tilespmem:v23+s22+$0x0], $0xffff;
	[tilespmem:s1+$0xFFFFFE80] =	vst v22  }
0x2e6: {  	v22 =	vld.idx.msk [tilespmem:v28+s22+$0x0], $0xffff;
	[tilespmem:s1+$0xFFFFFF00] =	vst v24  }
0x2e7: {  	s25 =	sadd.s32 $0x1B58, s22;
	[tilespmem:s1+$0xFFFFFF80] =	vst v20;
	v20 =	vadd.s32 s22, v19  }
0x2e8: {  	s23 =	sadd.s32 $0x3E8, s22;
	v23 =	vadd.s32 s25, v19;
	[tilespmem:s1+$0x0] =	vst v26  }
0x2e9: {  	s28 =	sadd.s32 $0x7D0, s22;
	v24 =	vadd.s32 s23, v19;
	[tilespmem:s1+$0x80] =	vst v25  }
0x2ea: {  	p1 =	por $0x1, $0x1;
	v28 =	vadd.s32 s28, v19;
	[tilespmem:s1+$0x100] =	vst v21  }
.Ltmp48:
0x2eb: {  	[tilespmem:s1+$0xFFFFFE00] =	vst v22;
	(pc) =	sbr.rel @!p1 .LBB2_92-.Ltmp48, $4  }
0x2ec: {  	v20 =	vld.idx.msk [tilespmem:v20+s22+$0x0], $0xffff  }
0x2ed: {  	s26 =	sadd.s32 $0xBB8, s22;
	v21 =	vld.idx.msk [tilespmem:v23+s22+$0x0], $0xffff  }
0x2ee: {  	s29 =	sadd.s32 $0xFA0, s22;
	s30 =	sadd.s32 $0x1388, s22;
	s31 =	sadd.s32 $0x1770, s22;
	v27 =	vadd.s32 s26, v19;
	v22 =	vld.idx.msk [tilespmem:v24+s22+$0x0], $0xffff  }
0x2ef: {  	s24 =	sadd.s32 $0x1F40, s22;
	p0 =	por $0x0, $0x0;
	v26 =	vadd.s32 s29, v19;
	v25 =	vadd.s32 s30, v19;
	s1 =	simm.s32 $0x16040;
	v23 =	vadd.s32 s31, v19;
	v24 =	vld.idx.msk [tilespmem:v28+s22+$0x0], $0xffff  }
0x2f0: {  	_ =	sdelay $0x3  }
0x2f1: {  	v27 =	vld.idx.msk [tilespmem:v27+s22+$0x0], $0xffff  }
0x2f2: {  	v29 =	vadd.s32 s24, v19;
	s0 =	sadd.s32 $0x1B58, s24  }
0x2f3: {  	s2 =	sadd.s32 $0x3E8, s24;
	v30 =	vadd.s32 s0, v19  }
0x2f4: {  	s12 =	sadd.s32 $0x7D0, s24;
	v32 =	vld.idx.msk [tilespmem:v26+s22+$0x0], $0xffff;
	v31 =	vadd.s32 s2, v19  }
0x2f5: {  	v34 =	vld.idx.msk [tilespmem:v25+s22+$0x0], $0xffff;
	s13 =	sadd.s32 $0xBB8, s24;
	p3 =	por $0x1, $0x1;
	v33 =	vadd.s32 s12, v19;
	[tilespmem:s1+$0x180] =	vst v21  }
.Ltmp49:
0x2f6: {  	v28 =	vld.idx.msk [tilespmem:v23+s22+$0x0], $0xffff;
	s4 =	sadd.s32 $0xFA0, s24;
	[tilespmem:s1+$0xFFFFFF80] =	vst v27;
	v27 =	vadd.s32 s13, v19;
	(pc) =	sbr.rel @!p3 .LBB2_94-.Ltmp49, $4  }
0x2f7: {  	s14 =	sadd.s32 $0x1388, s24;
	v26 =	vadd.s32 s4, v19;
	[tilespmem:s1+$0xFFFFFE80] =	vst v22;
	v29 =	vld.idx.msk [tilespmem:v29+s22+$0x0], $0xffff  }
0x2f8: {  	s18 =	sadd.s32 $0x1770, s24;
	v25 =	vadd.s32 s14, v19;
	[tilespmem:s1+$0xFFFFFF00] =	vst v24;
	v21 =	vld.idx.msk [tilespmem:v30+s22+$0x0], $0xffff  }
0x2f9: {  	s5 =	sadd.s32 $0x1F40, s24;
	v23 =	vadd.s32 s18, v19;
	[tilespmem:s1+$0x0] =	vst v32;
	v22 =	vld.idx.msk [tilespmem:v31+s22+$0x0], $0xffff  }
0x2fa: {  	p2 =	por $0x1, $0x1;
	s0 =	simm.s32 $0x8;
	s4 =	simm.s32 $0x16040;
	[tilespmem:s1+$0x80] =	vst v34;
	v24 =	vld.idx.msk [tilespmem:v33+s22+$0x0], $0xffff  }
.LBB2_95:
0x2fb: {  	v30 =	vadd.s32 s5, v19;
	s2 =	sadd.s32 $0x3E8, s5;
	s6 =	sadd.s32 $0x1B58, s5;
	s0 =	sadd.s32 $0x8, s0;
	v31 =	vld.idx.msk [tilespmem:v27+s22+$0x0], $0xffff;
	[tilespmem:s4+$0x100] =	vst v28  }
0x2fc: {  	s8 =	sadd.s32 $0xBB8, s5;
	v32 =	vadd.s32 s2, v19;
	s2 =	sadd.s32 $0x7D0, s5;
	v33 =	vadd.s32 s6, v19;
	p3 =	slt.u32 s0, $0x38;
	v34 =	vld.idx.msk [tilespmem:v26+s22+$0x0], $0xffff;
	[tilespmem:s4+$0xFFFFFE00] =	vst v20  }
0x2fd: {  	v27 =	vadd.s32 s8, v19;
	s6 =	sadd.s32 $0x1388, s5;
	s4 =	sadd.s32 $0x400, s4;
	v20 =	vmov v29;
	v35 =	vadd.s32 s2, v19;
	s2 =	sadd.s32 $0xFA0, s5;
	v36 =	vld.idx.msk [tilespmem:v25+s22+$0x0], $0xffff  }
0x2fe: {  	v25 =	vadd.s32 s6, v19;
	v26 =	vadd.s32 s2, v19;
	s2 =	sadd.s32 $0x1770, s5;
	v28 =	vld.idx.msk [tilespmem:v23+s22+$0x0], $0xffff;
	[tilespmem:s4+$0x180] =	vst v21  }
.Ltmp50:
0x2ff: {  	v23 =	vadd.s32 s2, v19;
	[tilespmem:s4+$0xFFFFFE80] =	vst v22;
	(pc) =	sbr.rel @p3 .LBB2_95-.Ltmp50, $4  }
0x300: {  	v29 =	vld.idx.msk [tilespmem:v30+s22+$0x0], $0xffff;
	[tilespmem:s4+$0xFFFFFF00] =	vst v24  }
0x301: {  	v21 =	vld.idx.msk [tilespmem:v33+s22+$0x0], $0xffff;
	[tilespmem:s4+$0xFFFFFF80] =	vst v31  }
0x302: {  	v22 =	vld.idx.msk [tilespmem:v32+s22+$0x0], $0xffff;
	[tilespmem:s4+$0x0] =	vst v34  }
0x303: {  	s5 =	sadd.s32 $0x1F40, s5;
	v24 =	vld.idx.msk [tilespmem:v35+s22+$0x0], $0xffff;
	[tilespmem:s4+$0x80] =	vst v36  }
0x304: {  	_ = 	snop  }
0x305: {  	v19 =	vmov v20;
	v20 =	vmov v29  }
.LBB2_97:
0x306: {  	_ =	sdelay $0x2  }
0x307: {  	[tilespmem:s4+$0x100] =	vst @p2 v28;
	s0 =	sadd.s32 @p2 $0x400, s4  }
0x308: {  	v27 =	vld.idx.msk [tilespmem:v27+s22+$0x0], $0xffff;
	[tilespmem:s4+$0xFFFFFE00] =	vst @p2 v19;
	s1 =	smov.u32 @p2 s0  }
0x309: {  	v19 =	vld.idx.msk [tilespmem:v26+s22+$0x0], $0xffff;
	[tilespmem:s1+$0x180] =	vst v21  }
0x30a: {  	v25 =	vld.idx.msk [tilespmem:v25+s22+$0x0], $0xffff;
	[tilespmem:s1+$0xFFFFFE80] =	vst v22  }
0x30b: {  	v21 =	vld.idx.msk [tilespmem:v23+s22+$0x0], $0xffff;
	[tilespmem:s1+$0xFFFFFF00] =	vst v24  }
0x30c: {  	v22 =	vadd.s32 s25, v18;
	[tilespmem:s1+$0xFFFFFE00] =	vst v20  }
0x30d: {  	v23 =	vadd.s32 s23, v18;
	[tilespmem:s1+$0xFFFFFF80] =	vst v27  }
0x30e: {  	[tilespmem:s1+$0x0] =	vst v19;
	v27 =	vadd.s32 s28, v18  }
.Ltmp51:
0x30f: {  	[tilespmem:s1+$0x80] =	vst v25;
	(pc) =	sbr.rel @!p1 .LBB2_98-.Ltmp51, $4  }
0x310: {  	s23 =	simm.s32 $0x0;
	[tilespmem:s1+$0x100] =	vst v21  }
0x311: {  	v19 =	vld.idx.msk [tilespmem:v22+s23+$0x0], $0xffff  }
0x312: {  	v26 =	vadd.s32 s22, v18;
	v24 =	vadd.s32 s29, v18;
	v20 =	vld.idx.msk [tilespmem:v23+s23+$0x0], $0xffff  }
0x313: {  	v25 =	vadd.s32 s26, v18;
	s1 =	simm.s32 $0x16050;
	v21 =	vadd.s32 s31, v18;
	v23 =	vadd.s32 s30, v18;
	v22 =	vld.idx.msk [tilespmem:v27+s23+$0x0], $0xffff  }
0x314: {  	_ =	sdelay $0x3  }
0x315: {  	v25 =	vld.idx.msk [tilespmem:v25+s23+$0x0], $0xffff  }
0x316: {  	s0 =	sadd.s32 $0x1B58, s24  }
0x317: {  	s2 =	sadd.s32 $0x3E8, s24;
	v29 =	vadd.s32 s0, v18  }
0x318: {  	s28 =	sadd.s32 $0x7D0, s24;
	v31 =	vld.idx.msk [tilespmem:v24+s23+$0x0], $0xffff;
	v30 =	vadd.s32 s2, v18  }
0x319: {  	v33 =	vld.idx.msk [tilespmem:v23+s23+$0x0], $0xffff;
	s29 =	sadd.s32 $0xBB8, s24;
	p1 =	por $0x1, $0x1;
	v32 =	vadd.s32 s28, v18;
	[tilespmem:s1+$0x180] =	vst v19  }
.Ltmp52:
0x31a: {  	v28 =	vld.idx.msk [tilespmem:v21+s23+$0x0], $0xffff;
	s4 =	sadd.s32 $0xFA0, s24;
	[tilespmem:s1+$0xFFFFFF80] =	vst v25;
	v25 =	vadd.s32 s29, v18;
	(pc) =	sbr.rel @!p1 .LBB2_100-.Ltmp52, $4  }
0x31b: {  	v27 =	vld.idx.msk [tilespmem:v26+s23+$0x0], $0xffff;
	s30 =	sadd.s32 $0x1388, s24;
	v24 =	vadd.s32 s4, v18;
	[tilespmem:s1+$0xFFFFFE80] =	vst v20  }
0x31c: {  	s31 =	sadd.s32 $0x1770, s24;
	v23 =	vadd.s32 s30, v18;
	[tilespmem:s1+$0xFFFFFF00] =	vst v22;
	v19 =	vld.idx.msk [tilespmem:v29+s23+$0x0], $0xffff  }
0x31d: {  	s5 =	sadd.s32 $0x1F40, s24;
	v21 =	vadd.s32 s31, v18;
	[tilespmem:s1+$0x0] =	vst v31;
	v20 =	vld.idx.msk [tilespmem:v30+s23+$0x0], $0xffff  }
0x31e: {  	v26 =	vadd.s32 s24, v18;
	p0 =	por $0x1, $0x1;
	s0 =	simm.s32 $0x8;
	s4 =	simm.s32 $0x16050;
	[tilespmem:s1+$0x80] =	vst v33;
	v22 =	vld.idx.msk [tilespmem:v32+s23+$0x0], $0xffff  }
.LBB2_101:
0x31f: {  	v29 =	vadd.s32 s5, v18;
	s2 =	sadd.s32 $0x3E8, s5;
	s6 =	sadd.s32 $0x1B58, s5;
	s0 =	sadd.s32 $0x8, s0;
	v30 =	vld.idx.msk [tilespmem:v25+s23+$0x0], $0xffff;
	[tilespmem:s4+$0x100] =	vst v28  }
0x320: {  	s8 =	sadd.s32 $0xBB8, s5;
	v31 =	vadd.s32 s2, v18;
	s2 =	sadd.s32 $0x7D0, s5;
	v32 =	vadd.s32 s6, v18;
	p1 =	slt.u32 s0, $0x38;
	v33 =	vld.idx.msk [tilespmem:v24+s23+$0x0], $0xffff;
	[tilespmem:s4+$0xFFFFFE00] =	vst v27  }
0x321: {  	v25 =	vadd.s32 s8, v18;
	s6 =	sadd.s32 $0x1388, s5;
	s4 =	sadd.s32 $0x400, s4;
	v34 =	vadd.s32 s2, v18;
	s2 =	sadd.s32 $0xFA0, s5;
	v35 =	vld.idx.msk [tilespmem:v23+s23+$0x0], $0xffff  }
0x322: {  	v23 =	vadd.s32 s6, v18;
	v24 =	vadd.s32 s2, v18;
	s2 =	sadd.s32 $0x1770, s5;
	v28 =	vld.idx.msk [tilespmem:v21+s23+$0x0], $0xffff;
	[tilespmem:s4+$0x180] =	vst v19  }
.Ltmp53:
0x323: {  	v21 =	vadd.s32 s2, v18;
	v27 =	vld.idx.msk [tilespmem:v26+s23+$0x0], $0xffff;
	[tilespmem:s4+$0xFFFFFE80] =	vst v20;
	v26 =	vmov v29;
	(pc) =	sbr.rel @p1 .LBB2_101-.Ltmp53, $4  }
0x324: {  	s23 =	simm.s32 $0x0;
	[tilespmem:s4+$0xFFFFFF00] =	vst v22  }
0x325: {  	v19 =	vld.idx.msk [tilespmem:v32+s23+$0x0], $0xffff;
	[tilespmem:s4+$0xFFFFFF80] =	vst v30  }
0x326: {  	v20 =	vld.idx.msk [tilespmem:v31+s23+$0x0], $0xffff;
	[tilespmem:s4+$0x0] =	vst v33  }
0x327: {  	s5 =	sadd.s32 $0x1F40, s5;
	v22 =	vld.idx.msk [tilespmem:v34+s23+$0x0], $0xffff;
	[tilespmem:s4+$0x80] =	vst v35  }
.LBB2_102:
0x328: {  	_ =	sdelay $0x3  }
0x329: {  	v18 =	vld.idx.msk [tilespmem:v25+s23+$0x0], $0xffff;
	[tilespmem:s4+$0x100] =	vst @p0 v28;
	s0 =	sadd.s32 @p0 $0x400, s4  }
0x32a: {  	v24 =	vld.idx.msk [tilespmem:v24+s23+$0x0], $0xffff;
	[tilespmem:s4+$0xFFFFFE00] =	vst @p0 v27;
	s1 =	smov.u32 @p0 s0  }
0x32b: {  	v23 =	vld.idx.msk [tilespmem:v23+s23+$0x0], $0xffff;
	[tilespmem:s1+$0x180] =	vst v19  }
0x32c: {  	v19 =	vld.idx.msk [tilespmem:v21+s23+$0x0], $0xffff;
	[tilespmem:s1+$0xFFFFFE80] =	vst v20  }
0x32d: {  	v20 =	vld.idx.msk [tilespmem:v26+s23+$0x0], $0xffff;
	[tilespmem:s1+$0xFFFFFF00] =	vst v22  }
0x32e: {  	s25 =	sadd.s32 $0x1B58, s23;
	[tilespmem:s1+$0xFFFFFF80] =	vst v18;
	v18 =	vadd.s32 s23, v17  }
0x32f: {  	s24 =	sadd.s32 $0x3E8, s23;
	v21 =	vadd.s32 s25, v17;
	[tilespmem:s1+$0x0] =	vst v24  }
0x330: {  	s26 =	sadd.s32 $0x7D0, s23;
	v22 =	vadd.s32 s24, v17;
	[tilespmem:s1+$0x80] =	vst v23  }
0x331: {  	p1 =	por $0x1, $0x1;
	v26 =	vadd.s32 s26, v17;
	[tilespmem:s1+$0x100] =	vst v19  }
.Ltmp54:
0x332: {  	[tilespmem:s1+$0xFFFFFE00] =	vst v20;
	(pc) =	sbr.rel @!p1 .LBB2_103-.Ltmp54, $4  }
0x333: {  	v18 =	vld.idx.msk [tilespmem:v18+s23+$0x0], $0xffff  }
0x334: {  	s28 =	sadd.s32 $0xBB8, s23;
	v19 =	vld.idx.msk [tilespmem:v21+s23+$0x0], $0xffff  }
0x335: {  	s29 =	sadd.s32 $0xFA0, s23;
	s30 =	sadd.s32 $0x1388, s23;
	s31 =	sadd.s32 $0x1770, s23;
	v25 =	vadd.s32 s28, v17;
	v20 =	vld.idx.msk [tilespmem:v22+s23+$0x0], $0xffff  }
0x336: {  	s22 =	sadd.s32 $0x1F40, s23;
	p0 =	por $0x0, $0x0;
	v24 =	vadd.s32 s29, v17;
	v23 =	vadd.s32 s30, v17;
	s1 =	simm.s32 $0x16060;
	v21 =	vadd.s32 s31, v17;
	v22 =	vld.idx.msk [tilespmem:v26+s23+$0x0], $0xffff  }
0x337: {  	_ =	sdelay $0x3  }
0x338: {  	v25 =	vld.idx.msk [tilespmem:v25+s23+$0x0], $0xffff  }
0x339: {  	v27 =	vadd.s32 s22, v17;
	s0 =	sadd.s32 $0x1B58, s22  }
0x33a: {  	s2 =	sadd.s32 $0x3E8, s22;
	v28 =	vadd.s32 s0, v17  }
0x33b: {  	s12 =	sadd.s32 $0x7D0, s22;
	v30 =	vld.idx.msk [tilespmem:v24+s23+$0x0], $0xffff;
	v29 =	vadd.s32 s2, v17  }
0x33c: {  	v32 =	vld.idx.msk [tilespmem:v23+s23+$0x0], $0xffff;
	s13 =	sadd.s32 $0xBB8, s22;
	p3 =	por $0x1, $0x1;
	v31 =	vadd.s32 s12, v17;
	[tilespmem:s1+$0x180] =	vst v19  }
.Ltmp55:
0x33d: {  	v26 =	vld.idx.msk [tilespmem:v21+s23+$0x0], $0xffff;
	s4 =	sadd.s32 $0xFA0, s22;
	[tilespmem:s1+$0xFFFFFF80] =	vst v25;
	v25 =	vadd.s32 s13, v17;
	(pc) =	sbr.rel @!p3 .LBB2_105-.Ltmp55, $4  }
0x33e: {  	s14 =	sadd.s32 $0x1388, s22;
	v24 =	vadd.s32 s4, v17;
	[tilespmem:s1+$0xFFFFFE80] =	vst v20;
	v27 =	vld.idx.msk [tilespmem:v27+s23+$0x0], $0xffff  }
0x33f: {  	s18 =	sadd.s32 $0x1770, s22;
	v23 =	vadd.s32 s14, v17;
	[tilespmem:s1+$0xFFFFFF00] =	vst v22;
	v19 =	vld.idx.msk [tilespmem:v28+s23+$0x0], $0xffff  }
0x340: {  	s5 =	sadd.s32 $0x1F40, s22;
	v21 =	vadd.s32 s18, v17;
	[tilespmem:s1+$0x0] =	vst v30;
	v20 =	vld.idx.msk [tilespmem:v29+s23+$0x0], $0xffff  }
0x341: {  	p2 =	por $0x1, $0x1;
	s0 =	simm.s32 $0x8;
	s4 =	simm.s32 $0x16060;
	[tilespmem:s1+$0x80] =	vst v32;
	v22 =	vld.idx.msk [tilespmem:v31+s23+$0x0], $0xffff  }
.LBB2_106:
0x342: {  	v28 =	vadd.s32 s5, v17;
	s2 =	sadd.s32 $0x3E8, s5;
	s6 =	sadd.s32 $0x1B58, s5;
	s0 =	sadd.s32 $0x8, s0;
	v29 =	vld.idx.msk [tilespmem:v25+s23+$0x0], $0xffff;
	[tilespmem:s4+$0x100] =	vst v26  }
0x343: {  	s8 =	sadd.s32 $0xBB8, s5;
	v30 =	vadd.s32 s2, v17;
	s2 =	sadd.s32 $0x7D0, s5;
	v31 =	vadd.s32 s6, v17;
	p3 =	slt.u32 s0, $0x38;
	v32 =	vld.idx.msk [tilespmem:v24+s23+$0x0], $0xffff;
	[tilespmem:s4+$0xFFFFFE00] =	vst v18  }
0x344: {  	v25 =	vadd.s32 s8, v17;
	s6 =	sadd.s32 $0x1388, s5;
	s4 =	sadd.s32 $0x400, s4;
	v18 =	vmov v27;
	v33 =	vadd.s32 s2, v17;
	s2 =	sadd.s32 $0xFA0, s5;
	v34 =	vld.idx.msk [tilespmem:v23+s23+$0x0], $0xffff  }
0x345: {  	v23 =	vadd.s32 s6, v17;
	v24 =	vadd.s32 s2, v17;
	s2 =	sadd.s32 $0x1770, s5;
	v26 =	vld.idx.msk [tilespmem:v21+s23+$0x0], $0xffff;
	[tilespmem:s4+$0x180] =	vst v19  }
.Ltmp56:
0x346: {  	v21 =	vadd.s32 s2, v17;
	[tilespmem:s4+$0xFFFFFE80] =	vst v20;
	(pc) =	sbr.rel @p3 .LBB2_106-.Ltmp56, $4  }
0x347: {  	v27 =	vld.idx.msk [tilespmem:v28+s23+$0x0], $0xffff;
	[tilespmem:s4+$0xFFFFFF00] =	vst v22  }
0x348: {  	v19 =	vld.idx.msk [tilespmem:v31+s23+$0x0], $0xffff;
	[tilespmem:s4+$0xFFFFFF80] =	vst v29  }
0x349: {  	v20 =	vld.idx.msk [tilespmem:v30+s23+$0x0], $0xffff;
	[tilespmem:s4+$0x0] =	vst v32  }
0x34a: {  	s5 =	sadd.s32 $0x1F40, s5;
	v22 =	vld.idx.msk [tilespmem:v33+s23+$0x0], $0xffff;
	[tilespmem:s4+$0x80] =	vst v34  }
0x34b: {  	_ = 	snop  }
0x34c: {  	v17 =	vmov v18;
	v18 =	vmov v27  }
.LBB2_108:
0x34d: {  	_ =	sdelay $0x2  }
0x34e: {  	[tilespmem:s4+$0x100] =	vst @p2 v26;
	s0 =	sadd.s32 @p2 $0x400, s4  }
0x34f: {  	v25 =	vld.idx.msk [tilespmem:v25+s23+$0x0], $0xffff;
	[tilespmem:s4+$0xFFFFFE00] =	vst @p2 v17;
	s1 =	smov.u32 @p2 s0  }
0x350: {  	v17 =	vld.idx.msk [tilespmem:v24+s23+$0x0], $0xffff;
	[tilespmem:s1+$0x180] =	vst v19  }
0x351: {  	v23 =	vld.idx.msk [tilespmem:v23+s23+$0x0], $0xffff;
	[tilespmem:s1+$0xFFFFFE80] =	vst v20  }
0x352: {  	v19 =	vld.idx.msk [tilespmem:v21+s23+$0x0], $0xffff;
	[tilespmem:s1+$0xFFFFFF00] =	vst v22  }
0x353: {  	v20 =	vadd.s32 s23, v16;
	[tilespmem:s1+$0xFFFFFE00] =	vst v18  }
0x354: {  	v21 =	vadd.s32 s25, v16;
	[tilespmem:s1+$0xFFFFFF80] =	vst v25  }
0x355: {  	v22 =	vadd.s32 s24, v16;
	[tilespmem:s1+$0x0] =	vst v17  }
0x356: {  	[tilespmem:s1+$0x80] =	vst v23;
	v25 =	vadd.s32 s26, v16  }
.Ltmp57:
0x357: {  	[tilespmem:s1+$0x100] =	vst v19;
	(pc) =	sbr.rel @!p1 .LBB2_109-.Ltmp57, $4  }
0x358: {  	v17 =	vld.idx.msk [tilespmem:v20+s3+$0x0], $0xffff  }
0x359: {  	v18 =	vld.idx.msk [tilespmem:v21+s3+$0x0], $0xffff  }
0x35a: {  	v24 =	vadd.s32 s28, v16;
	v19 =	vld.idx.msk [tilespmem:v22+s3+$0x0], $0xffff  }
0x35b: {  	s0 =	simm.s32 $0x16070;
	v23 =	vadd.s32 s29, v16;
	v22 =	vadd.s32 s30, v16;
	v20 =	vadd.s32 s31, v16;
	v21 =	vld.idx.msk [tilespmem:v25+s3+$0x0], $0xffff  }
0x35c: {  	_ =	sdelay $0x3  }
0x35d: {  	v24 =	vld.idx.msk [tilespmem:v24+s3+$0x0], $0xffff  }
0x35e: {  	v26 =	vadd.s32 s22, v16;
	s1 =	sadd.s32 $0x1B58, s22  }
0x35f: {  	s2 =	sadd.s32 $0x3E8, s22;
	v27 =	vadd.s32 s1, v16  }
0x360: {  	s28 =	sadd.s32 $0x7D0, s22;
	v29 =	vld.idx.msk [tilespmem:v23+s3+$0x0], $0xffff;
	v28 =	vadd.s32 s2, v16  }
0x361: {  	v31 =	vld.idx.msk [tilespmem:v22+s3+$0x0], $0xffff;
	s29 =	sadd.s32 $0xBB8, s22;
	p1 =	por $0x1, $0x1;
	v30 =	vadd.s32 s28, v16;
	[tilespmem:s0+$0x180] =	vst v18  }
.Ltmp58:
0x362: {  	v25 =	vld.idx.msk [tilespmem:v20+s3+$0x0], $0xffff;
	s4 =	sadd.s32 $0xFA0, s22;
	[tilespmem:s0+$0xFFFFFF80] =	vst v24;
	v24 =	vadd.s32 s29, v16;
	(pc) =	sbr.rel @!p1 .LBB2_111-.Ltmp58, $4  }
0x363: {  	s30 =	sadd.s32 $0x1388, s22;
	v23 =	vadd.s32 s4, v16;
	[tilespmem:s0+$0xFFFFFE80] =	vst v19;
	v26 =	vld.idx.msk [tilespmem:v26+s3+$0x0], $0xffff  }
0x364: {  	s31 =	sadd.s32 $0x1770, s22;
	v22 =	vadd.s32 s30, v16;
	[tilespmem:s0+$0xFFFFFF00] =	vst v21;
	v18 =	vld.idx.msk [tilespmem:v27+s3+$0x0], $0xffff  }
0x365: {  	s5 =	sadd.s32 $0x1F40, s22;
	v20 =	vadd.s32 s31, v16;
	[tilespmem:s0+$0x0] =	vst v29;
	v19 =	vld.idx.msk [tilespmem:v28+s3+$0x0], $0xffff  }
0x366: {  	p0 =	por $0x1, $0x1;
	s1 =	simm.s32 $0x8;
	s4 =	simm.s32 $0x16070;
	[tilespmem:s0+$0x80] =	vst v31;
	v21 =	vld.idx.msk [tilespmem:v30+s3+$0x0], $0xffff  }
.LBB2_112:
0x367: {  	v27 =	vadd.s32 s5, v16;
	s2 =	sadd.s32 $0x3E8, s5;
	s6 =	sadd.s32 $0x1B58, s5;
	s1 =	sadd.s32 $0x8, s1;
	v28 =	vld.idx.msk [tilespmem:v24+s3+$0x0], $0xffff;
	[tilespmem:s4+$0x100] =	vst v25  }
0x368: {  	s8 =	sadd.s32 $0xBB8, s5;
	v29 =	vadd.s32 s2, v16;
	s2 =	sadd.s32 $0x7D0, s5;
	v30 =	vadd.s32 s6, v16;
	p1 =	slt.u32 s1, $0x38;
	v31 =	vld.idx.msk [tilespmem:v23+s3+$0x0], $0xffff;
	[tilespmem:s4+$0xFFFFFE00] =	vst v17  }
0x369: {  	v24 =	vadd.s32 s8, v16;
	s6 =	sadd.s32 $0x1388, s5;
	s4 =	sadd.s32 $0x400, s4;
	v17 =	vmov v26;
	v32 =	vadd.s32 s2, v16;
	s2 =	sadd.s32 $0xFA0, s5;
	v33 =	vld.idx.msk [tilespmem:v22+s3+$0x0], $0xffff  }
0x36a: {  	v22 =	vadd.s32 s6, v16;
	v23 =	vadd.s32 s2, v16;
	s2 =	sadd.s32 $0x1770, s5;
	v25 =	vld.idx.msk [tilespmem:v20+s3+$0x0], $0xffff;
	[tilespmem:s4+$0x180] =	vst v18  }
.Ltmp59:
0x36b: {  	v20 =	vadd.s32 s2, v16;
	[tilespmem:s4+$0xFFFFFE80] =	vst v19;
	(pc) =	sbr.rel @p1 .LBB2_112-.Ltmp59, $4  }
0x36c: {  	v26 =	vld.idx.msk [tilespmem:v27+s3+$0x0], $0xffff;
	[tilespmem:s4+$0xFFFFFF00] =	vst v21  }
0x36d: {  	v18 =	vld.idx.msk [tilespmem:v30+s3+$0x0], $0xffff;
	[tilespmem:s4+$0xFFFFFF80] =	vst v28  }
0x36e: {  	v19 =	vld.idx.msk [tilespmem:v29+s3+$0x0], $0xffff;
	[tilespmem:s4+$0x0] =	vst v31  }
0x36f: {  	s5 =	sadd.s32 $0x1F40, s5;
	v21 =	vld.idx.msk [tilespmem:v32+s3+$0x0], $0xffff;
	[tilespmem:s4+$0x80] =	vst v33  }
0x370: {  	_ = 	snop  }
0x371: {  	v16 =	vmov v17;
	v17 =	vmov v26  }
.LBB2_114:
0x372: {  	_ =	sdelay $0x2  }
0x373: {  	[tilespmem:s4+$0x100] =	vst @p0 v25;
	s1 =	sadd.s32 @p0 $0x400, s4  }
0x374: {  	v24 =	vld.idx.msk [tilespmem:v24+s3+$0x0], $0xffff;
	[tilespmem:s4+$0xFFFFFE00] =	vst @p0 v16;
	s0 =	smov.u32 @p0 s1  }
0x375: {  	v16 =	vld.idx.msk [tilespmem:v23+s3+$0x0], $0xffff;
	[tilespmem:s0+$0x180] =	vst v18  }
0x376: {  	v22 =	vld.idx.msk [tilespmem:v22+s3+$0x0], $0xffff;
	[tilespmem:s0+$0xFFFFFE80] =	vst v19  }
0x377: {  	v63 =	vld.idx.msk [tilespmem:v20+s3+$0x0], $0xffff;
	[tilespmem:s0+$0xFFFFFF00] =	vst v21  }
0x378: {  	[tilespmem:s0+$0xFFFFFE00] =	vst v17  }
0x379: {  	[tilespmem:s0+$0xFFFFFF80] =	vst v24  }
0x37a: {  	[tilespmem:s0+$0x0] =	vst v16  }
0x37b: {  	[tilespmem:s0+$0x80] =	vst v22  }
0x37c: {  	s20 =	sadd.s32 $0x1, s20;
	[tilespmem:s0+$0x100] =	vst v63  }
0x37d: {  	p0 =	sne.s32 s20, $0x63;
	_ =	swait.ge [sflag:s17], $0x2000  }
.Ltmp60:
0x37e: {  	s29 =	sshll.u32 s21, $0x12;
	[sflag:s17] =	ssyncset.done $0x0;
	(pc) =	sbr.rel @p0 .LBB2_39-.Ltmp60, $4  }
.Ltmp61:
0x37f: {  	s0 =	sor.u32 s7, s29;
	[sflag:s17] =	ssyncadd.s32 $0xFFFFE000;
	(pc) =	sbr.rel @!p0 .LBB2_115-.Ltmp61, $4  }
0x380: {  	s0 =	sshrl.u32 s0, $0x3;
	s30 =	rddreg [dreg:$0x1]  }
0x381: {  	s31 =	simm.s32 $0x8000;
	s2 =	simm.s32 $0x15E00;
	s0 =	sadd.s32 s30, s0  }
0x382: {  	[hbm4b:s0+s16] =	stream.strided.scatter [tilespmem:s2], [sflag:$0x2], $0x2000, s31, s16, $0x38;
	[tilespmem:$0x19E00] =	vst v63  }
0x383: {  	_ = 	snop  }
.LBB2_44:
.Ltmp62:
0x384: {  	(pc) =	sbr.rel .LBB2_48-.Ltmp62, $2  }
0x385: {  	_ =	sdelay $0x2  }
0x386: {  	s1 =	simm.s32 $0x181A0;
	p2 =	por $0x0, $0x0;
	s16 =	simm.s32 $0x400  }
.LBB2_49:
.Ltmp63:
0x387: {  	(pc) =	sbr.rel .LBB2_54-.Ltmp63, $2  }
0x388: {  	_ =	sdelay $0x2  }
0x389: {  	s5 =	simm.s32 $0x181B0  }
.LBB2_55:
.Ltmp64:
0x38a: {  	(pc) =	sbr.rel .LBB2_59-.Ltmp64, $2  }
0x38b: {  	_ =	sdelay $0x2  }
0x38c: {  	s1 =	simm.s32 $0x181C0;
	p2 =	por $0x0, $0x0  }
.LBB2_60:
.Ltmp65:
0x38d: {  	(pc) =	sbr.rel .LBB2_65-.Ltmp65, $2  }
0x38e: {  	_ =	sdelay $0x2  }
0x38f: {  	s5 =	simm.s32 $0x181D0  }
.LBB2_66:
.Ltmp66:
0x390: {  	(pc) =	sbr.rel .LBB2_70-.Ltmp66, $2  }
0x391: {  	_ =	sdelay $0x2  }
0x392: {  	s4 =	simm.s32 $0x181E0;
	p2 =	por $0x0, $0x0  }
.LBB2_71:
.Ltmp67:
0x393: {  	(pc) =	sbr.rel .LBB2_76-.Ltmp67, $2  }
0x394: {  	_ =	sdelay $0x2  }
0x395: {  	s4 =	simm.s32 $0x181F0  }
.LBB2_81:
.Ltmp68:
0x396: {  	(pc) =	sbr.rel .LBB2_86-.Ltmp68, $2  }
0x397: {  	_ =	sdelay $0x2  }
0x398: {  	s4 =	simm.s32 $0x16020;
	p2 =	por $0x0, $0x0  }
.LBB2_87:
.Ltmp69:
0x399: {  	(pc) =	sbr.rel .LBB2_91-.Ltmp69, $2  }
0x39a: {  	_ =	sdelay $0x2  }
0x39b: {  	s4 =	simm.s32 $0x16030  }
.LBB2_92:
.Ltmp70:
0x39c: {  	(pc) =	sbr.rel .LBB2_97-.Ltmp70, $2  }
0x39d: {  	_ =	sdelay $0x2  }
0x39e: {  	s4 =	simm.s32 $0x16040;
	p2 =	por $0x0, $0x0  }
.LBB2_98:
.Ltmp71:
0x39f: {  	(pc) =	sbr.rel .LBB2_102-.Ltmp71, $2  }
0x3a0: {  	_ =	sdelay $0x2  }
0x3a1: {  	s4 =	simm.s32 $0x16050  }
.LBB2_103:
.Ltmp72:
0x3a2: {  	(pc) =	sbr.rel .LBB2_108-.Ltmp72, $2  }
0x3a3: {  	_ =	sdelay $0x2  }
0x3a4: {  	s4 =	simm.s32 $0x16060;
	p2 =	por $0x0, $0x0  }
.LBB2_109:
.Ltmp73:
0x3a5: {  	(pc) =	sbr.rel .LBB2_114-.Ltmp73, $2  }
0x3a6: {  	_ =	sdelay $0x2  }
0x3a7: {  	s4 =	simm.s32 $0x16070  }
.LBB2_46:
.Ltmp74:
0x3a8: {  	(pc) =	sbr.rel .LBB2_48-.Ltmp74, $2  }
0x3a9: {  	_ =	sdelay $0x2  }
0x3aa: {  	s1 =	simm.s32 $0x181A0  }
.LBB2_51:
.Ltmp75:
0x3ab: {  	(pc) =	sbr.rel .LBB2_54-.Ltmp75, $2  }
0x3ac: {  	_ =	sdelay $0x2  }
0x3ad: {  	v20 =	vmov v21;
	s5 =	simm.s32 $0x181B0;
	v21 =	vmov v30  }
.LBB2_57:
.Ltmp76:
0x3ae: {  	(pc) =	sbr.rel .LBB2_59-.Ltmp76, $2  }
0x3af: {  	_ =	sdelay $0x2  }
0x3b0: {  	s1 =	simm.s32 $0x181C0  }
.LBB2_62:
.Ltmp77:
0x3b1: {  	(pc) =	sbr.rel .LBB2_65-.Ltmp77, $2  }
0x3b2: {  	_ =	sdelay $0x2  }
0x3b3: {  	v18 =	vmov v19;
	s5 =	simm.s32 $0x181D0;
	v19 =	vmov v28  }
.LBB2_68:
.Ltmp78:
0x3b4: {  	(pc) =	sbr.rel .LBB2_70-.Ltmp78, $2  }
0x3b5: {  	_ =	sdelay $0x2  }
0x3b6: {  	s4 =	simm.s32 $0x181E0  }
.LBB2_73:
.Ltmp79:
0x3b7: {  	(pc) =	sbr.rel .LBB2_76-.Ltmp79, $2  }
0x3b8: {  	_ =	sdelay $0x2  }
0x3b9: {  	v16 =	vmov v17;
	s4 =	simm.s32 $0x181F0;
	v17 =	vmov v26  }
.LBB2_83:
.Ltmp80:
0x3ba: {  	(pc) =	sbr.rel .LBB2_86-.Ltmp80, $2  }
0x3bb: {  	_ =	sdelay $0x2  }
0x3bc: {  	v21 =	vmov v22;
	s4 =	simm.s32 $0x16020;
	v22 =	vmov v31  }
.LBB2_89:
.Ltmp81:
0x3bd: {  	(pc) =	sbr.rel .LBB2_91-.Ltmp81, $2  }
0x3be: {  	_ =	sdelay $0x2  }
0x3bf: {  	s4 =	simm.s32 $0x16030  }
.LBB2_94:
.Ltmp82:
0x3c0: {  	(pc) =	sbr.rel .LBB2_97-.Ltmp82, $2  }
0x3c1: {  	_ =	sdelay $0x2  }
0x3c2: {  	v19 =	vmov v20;
	s4 =	simm.s32 $0x16040;
	v20 =	vmov v29  }
.LBB2_100:
.Ltmp83:
0x3c3: {  	(pc) =	sbr.rel .LBB2_102-.Ltmp83, $2  }
0x3c4: {  	_ =	sdelay $0x2  }
0x3c5: {  	s4 =	simm.s32 $0x16050  }
.LBB2_105:
.Ltmp84:
0x3c6: {  	(pc) =	sbr.rel .LBB2_108-.Ltmp84, $2  }
0x3c7: {  	_ =	sdelay $0x2  }
0x3c8: {  	v17 =	vmov v18;
	s4 =	simm.s32 $0x16060;
	v18 =	vmov v27  }
.LBB2_111:
.Ltmp85:
0x3c9: {  	(pc) =	sbr.rel .LBB2_114-.Ltmp85, $2  }
0x3ca: {  	_ =	sdelay $0x2  }
0x3cb: {  	v16 =	vmov v17;
	s4 =	simm.s32 $0x16070;
	v17 =	vmov v26  }
.LBB2_115:
0x3cc: {  	_ =	sdelay $0x3  }
0x3cd: {  	v23 =	vld.idx.msk [tilespmem:v8+s10+$0x0], $0xffff;
	_ =	sdelay $0x1  }
0x3ce: {  	v22 =	vld.idx.msk [tilespmem:v9+s10+$0x0], $0xffff  }
0x3cf: {  	v21 =	vld.idx.msk [tilespmem:v10+s10+$0x0], $0xffff  }
0x3d0: {  	v20 =	vld.idx.msk [tilespmem:v11+s10+$0x0], $0xffff;
	s19 =	simm.s32 $0x1B58  }
0x3d1: {  	v19 =	vld.idx.msk [tilespmem:v12+s10+$0x0], $0xffff;
	s0 =	simm.s32 $0x3E8;
	v27 =	vadd.s32 s19, v23  }
0x3d2: {  	v18 =	vld.idx.msk [tilespmem:v13+s10+$0x0], $0xffff;
	s4 =	simm.s32 $0x7D0;
	v28 =	vadd.s32 s0, v23  }
0x3d3: {  	v17 =	vld.idx.msk [tilespmem:v14+s10+$0x0], $0xffff;
	s5 =	simm.s32 $0xBB8;
	v29 =	vadd.s32 s4, v23  }
0x3d4: {  	s1 =	simm.s32 $0x0;
	v16 =	vld.idx.msk [tilespmem:v15+s10+$0x0], $0xffff;
	s8 =	simm.s32 $0xFA0;
	v30 =	vadd.s32 s5, v23  }
0x3d5: {  	s6 =	simm.s32 $0x1388;
	v33 =	vadd.s32 s8, v23;
	v26 =	vld.idx.msk [tilespmem:v23+s1+$0x0], $0xffff  }
0x3d6: {  	v24 =	vadd.s32 $0x1F40, v23;
	v34 =	vadd.s32 s6, v23;
	v39 =	vld.idx.msk [tilespmem:v27+s1+$0x0], $0xffff  }
0x3d7: {  	s9 =	simm.s32 $0x1770;
	v25 =	vadd.s32 s1, v24;
	v41 =	vld.idx.msk [tilespmem:v28+s1+$0x0], $0xffff  }
0x3d8: {  	s18 =	simm.s32 $0x1F40;
	v40 =	vadd.s32 s9, v23;
	v27 =	vld.idx.msk [tilespmem:v29+s1+$0x0], $0xffff  }
0x3d9: {  	s12 =	simm.s32 $0x3A98;
	v31 =	vadd.s32 s18, v24;
	v30 =	vld.idx.msk [tilespmem:v30+s1+$0x0], $0xffff  }
0x3da: {  	s2 =	simm.s32 $0x2328;
	s13 =	simm.s32 $0x2710;
	v37 =	vadd.s32 s12, v23;
	v35 =	vld.idx.msk [tilespmem:v33+s1+$0x0], $0xffff  }
0x3db: {  	s11 =	simm.s32 $0x18180;
	s28 =	simm.s32 $0x2AF8;
	s29 =	simm.s32 $0x2EE0;
	v32 =	vadd.s32 s2, v23;
	v36 =	vadd.s32 s13, v23;
	v38 =	vld.idx.msk [tilespmem:v34+s1+$0x0], $0xffff  }
0x3dc: {  	s30 =	simm.s32 $0x32C8;
	s31 =	simm.s32 $0x36B0;
	v33 =	vadd.s32 s28, v23;
	v34 =	vadd.s32 s29, v23;
	v25 =	vld.idx.msk [tilespmem:v25+s1+$0x0], $0xffff;
	[tilespmem:s11+$0x0] =	vst v39  }
0x3dd: {  	s14 =	simm.s32 $0x8;
	v29 =	vadd.s32 s30, v23;
	v28 =	vadd.s32 s31, v23;
	v39 =	vld.idx.msk [tilespmem:v40+s1+$0x0], $0xffff;
	[tilespmem:s11+$0xFFFFFD00] =	vst v41  }
.LBB2_116:
0x3de: {  	v40 =	vld.idx.msk [tilespmem:v31+s1+$0x0], $0xffff;
	[tilespmem:s11+$0xFFFFFD80] =	vst v27  }
0x3df: {  	v41 =	vld.idx.msk [tilespmem:v37+s1+$0x0], $0xffff;
	[tilespmem:s11+$0xFFFFFE00] =	vst v30  }
0x3e0: {  	s14 =	sadd.s32 $0x8, s14;
	v42 =	vld.idx.msk [tilespmem:v32+s1+$0x0], $0xffff;
	[tilespmem:s11+$0xFFFFFE80] =	vst v35  }
0x3e1: {  	s18 =	sadd.s32 $0x1F40, s18;
	p0 =	slt.u32 s14, $0x38;
	v27 =	vld.idx.msk [tilespmem:v36+s1+$0x0], $0xffff;
	[tilespmem:s11+$0xFFFFFF00] =	vst v38  }
.Ltmp86:
0x3e2: {  	v31 =	vadd.s32 s18, v24;
	s2 =	sadd.s32 $0x3E8, s18;
	s12 =	sadd.s32 $0x1B58, s18;
	v30 =	vld.idx.msk [tilespmem:v33+s1+$0x0], $0xffff;
	[tilespmem:s11+$0xFFFFFF80] =	vst v39;
	(pc) =	sbr.rel @p0 .LBB2_116-.Ltmp86, $4  }
0x3e3: {  	s13 =	sadd.s32 $0xBB8, s18;
	v32 =	vadd.s32 s2, v23;
	s2 =	sadd.s32 $0x7D0, s18;
	v37 =	vadd.s32 s12, v23;
	v35 =	vld.idx.msk [tilespmem:v34+s1+$0x0], $0xffff;
	[tilespmem:s11+$0xFFFFFC80] =	vst v26;
	v26 =	vmov v25  }
0x3e4: {  	s12 =	sadd.s32 $0x1388, s18;
	v36 =	vadd.s32 s2, v23;
	s2 =	sadd.s32 $0xFA0, s18;
	v33 =	vadd.s32 s13, v23;
	s11 =	sadd.s32 $0x400, s11;
	v25 =	vmov v40;
	v38 =	vld.idx.msk [tilespmem:v29+s1+$0x0], $0xffff  }
0x3e5: {  	v34 =	vadd.s32 s2, v23;
	s2 =	sadd.s32 $0x1770, s18;
	v29 =	vadd.s32 s12, v23;
	v39 =	vld.idx.msk [tilespmem:v28+s1+$0x0], $0xffff;
	[tilespmem:s11+$0x0] =	vst v41  }
0x3e6: {  	v28 =	vadd.s32 s2, v23;
	[tilespmem:s11+$0xFFFFFD00] =	vst v42  }
0x3e7: {  	_ =	sdelay $0x1  }
0x3e8: {  	[tilespmem:s11+$0xFFFFFD80] =	vst v27  }
0x3e9: {  	[tilespmem:s11+$0xFFFFFE00] =	vst v30  }
0x3ea: {  	v23 =	vld.idx.msk [tilespmem:v37+s1+$0x0], $0xffff;
	[tilespmem:s11+$0xFFFFFC80] =	vst v26  }
0x3eb: {  	v24 =	vld.idx.msk [tilespmem:v32+s1+$0x0], $0xffff;
	s2 =	sadd.s32 $0x400, s11;
	[tilespmem:s11+$0xFFFFFE80] =	vst v35  }
0x3ec: {  	v27 =	vld.idx.msk [tilespmem:v36+s1+$0x0], $0xffff;
	[tilespmem:s2+$0xFFFFFC80] =	vst v25  }
0x3ed: {  	v30 =	vld.idx.msk [tilespmem:v33+s1+$0x0], $0xffff;
	[tilespmem:s11+$0xFFFFFF00] =	vst v38  }
0x3ee: {  	v26 =	vld.idx.msk [tilespmem:v29+s1+$0x0], $0xffff;
	[tilespmem:s11+$0xFFFFFF80] =	vst v39  }
0x3ef: {  	v31 =	vld.idx.msk [tilespmem:v34+s1+$0x0], $0xffff;
	[tilespmem:s2+$0x0] =	vst v23  }
0x3f0: {  	v23 =	vld.idx.msk [tilespmem:v28+s1+$0x0], $0xffff;
	[tilespmem:s2+$0xFFFFFD00] =	vst v24  }
0x3f1: {  	[tilespmem:s2+$0xFFFFFD80] =	vst v27;
	v24 =	vadd.s32 s19, v22  }
0x3f2: {  	[tilespmem:s2+$0xFFFFFE00] =	vst v30;
	v27 =	vadd.s32 s0, v22  }
0x3f3: {  	[tilespmem:s2+$0xFFFFFF00] =	vst v26;
	v26 =	vadd.s32 s4, v22  }
0x3f4: {  	v25 =	vadd.s32 s8, v22;
	[tilespmem:s2+$0xFFFFFE80] =	vst v31  }
0x3f5: {  	s20 =	simm.s32 $0x0;
	v28 =	vadd.s32 s6, v22;
	[tilespmem:s2+$0xFFFFFF80] =	vst v23  }
0x3f6: {  	v23 =	vadd.s32 s5, v22;
	v24 =	vld.idx.msk [tilespmem:v24+s20+$0x0], $0xffff  }
0x3f7: {  	v29 =	vadd.s32 s9, v22;
	v27 =	vld.idx.msk [tilespmem:v27+s20+$0x0], $0xffff  }
0x3f8: {  	s25 =	simm.s32 $0x2710;
	v31 =	vadd.s32 s1, v22;
	v26 =	vld.idx.msk [tilespmem:v26+s20+$0x0], $0xffff  }
0x3f9: {  	s23 =	simm.s32 $0x3A98;
	v62 =	vadd.s32 s25, v22;
	v25 =	vld.idx.msk [tilespmem:v25+s20+$0x0], $0xffff  }
0x3fa: {  	s24 =	simm.s32 $0x2328;
	v60 =	vadd.s32 s23, v22;
	s0 =	simm.s32 $0x18190;
	v63 =	vld.idx.msk [tilespmem:v28+s20+$0x0], $0xffff  }
0x3fb: {  	s28 =	simm.s32 $0x2AF8;
	v61 =	vadd.s32 s24, v22;
	v59 =	vld.idx.msk [tilespmem:v23+s20+$0x0], $0xffff;
	[tilespmem:s0+$0x0] =	vst v24  }
0x3fc: {  	s29 =	simm.s32 $0x2EE0;
	v32 =	vadd.s32 s28, v22;
	v30 =	vld.idx.msk [tilespmem:v29+s20+$0x0], $0xffff;
	[tilespmem:s0+$0xFFFFFD00] =	vst v27  }
0x3fd: {  	s30 =	simm.s32 $0x32C8;
	v27 =	vld.idx.msk [tilespmem:v31+s20+$0x0], $0xffff;
	[tilespmem:s0+$0xFFFFFD80] =	vst v26;
	v31 =	vadd.s32 s29, v22  }
0x3fe: {  	s31 =	simm.s32 $0x36B0;
	v28 =	vadd.s32 s30, v22;
	v29 =	vld.idx.msk [tilespmem:v62+s20+$0x0], $0xffff;
	[tilespmem:s0+$0xFFFFFE80] =	vst v25  }
0x3ff: {  	s26 =	simm.s32 $0x1F40;
	v24 =	vld.idx.msk [tilespmem:v60+s20+$0x0], $0xffff;
	v25 =	vadd.s32 s31, v22;
	[tilespmem:s0+$0xFFFFFF00] =	vst v63  }
0x400: {  	s1 =	simm.s32 $0x8;
	s4 =	simm.s32 $0x3E80;
	v23 =	vadd.s32 s26, v22;
	v26 =	vld.idx.msk [tilespmem:v61+s20+$0x0], $0xffff;
	[tilespmem:s0+$0xFFFFFE00] =	vst v59  }
.LBB2_118:
0x401: {  	v33 =	vadd.s32 s4, v22;
	s2 =	sadd.s32 $0x3E8, s4;
	s5 =	sadd.s32 $0x1B58, s4;
	s1 =	sadd.s32 $0x8, s1;
	v34 =	vld.idx.msk [tilespmem:v32+s20+$0x0], $0xffff;
	[tilespmem:s0+$0xFFFFFF80] =	vst v30  }
0x402: {  	s6 =	sadd.s32 $0xBB8, s4;
	v35 =	vadd.s32 s2, v22;
	s2 =	sadd.s32 $0x7D0, s4;
	v36 =	vadd.s32 s5, v22;
	p0 =	slt.u32 s1, $0x38;
	v37 =	vld.idx.msk [tilespmem:v31+s20+$0x0], $0xffff;
	[tilespmem:s0+$0xFFFFFC80] =	vst v27  }
0x403: {  	v32 =	vadd.s32 s6, v22;
	s5 =	sadd.s32 $0x1388, s4;
	s0 =	sadd.s32 $0x400, s0;
	v38 =	vadd.s32 s2, v22;
	s2 =	sadd.s32 $0xFA0, s4;
	v39 =	vld.idx.msk [tilespmem:v28+s20+$0x0], $0xffff  }
0x404: {  	v28 =	vadd.s32 s5, v22;
	v31 =	vadd.s32 s2, v22;
	s2 =	sadd.s32 $0x1770, s4;
	v30 =	vld.idx.msk [tilespmem:v25+s20+$0x0], $0xffff;
	[tilespmem:s0+$0x0] =	vst v24  }
.Ltmp87:
0x405: {  	v25 =	vadd.s32 s2, v22;
	v27 =	vld.idx.msk [tilespmem:v23+s20+$0x0], $0xffff;
	[tilespmem:s0+$0xFFFFFD00] =	vst v26;
	v23 =	vmov v33;
	(pc) =	sbr.rel @p0 .LBB2_118-.Ltmp87, $4  }
0x406: {  	[tilespmem:s0+$0xFFFFFD80] =	vst v29  }
0x407: {  	v24 =	vld.idx.msk [tilespmem:v36+s20+$0x0], $0xffff;
	[tilespmem:s0+$0xFFFFFE00] =	vst v34  }
0x408: {  	v26 =	vld.idx.msk [tilespmem:v35+s20+$0x0], $0xffff;
	[tilespmem:s0+$0xFFFFFE80] =	vst v37  }
0x409: {  	s4 =	sadd.s32 $0x1F40, s4;
	v29 =	vld.idx.msk [tilespmem:v38+s20+$0x0], $0xffff;
	[tilespmem:s0+$0xFFFFFF00] =	vst v39  }
0x40a: {  	_ =	sdelay $0x3  }
0x40b: {  	v22 =	vld.idx.msk [tilespmem:v32+s20+$0x0], $0xffff;
	[tilespmem:s0+$0xFFFFFF80] =	vst v30  }
0x40c: {  	v30 =	vld.idx.msk [tilespmem:v31+s20+$0x0], $0xffff;
	[tilespmem:s0+$0xFFFFFC80] =	vst v27;
	s31 =	sadd.s32 $0x400, s0  }
0x40d: {  	v27 =	vld.idx.msk [tilespmem:v28+s20+$0x0], $0xffff;
	[tilespmem:s31+$0x0] =	vst v24  }
0x40e: {  	v23 =	vld.idx.msk [tilespmem:v23+s20+$0x0], $0xffff;
	[tilespmem:s31+$0xFFFFFD00] =	vst v26  }
0x40f: {  	v24 =	vld.idx.msk [tilespmem:v25+s20+$0x0], $0xffff;
	[tilespmem:s31+$0xFFFFFD80] =	vst v29  }
0x410: {  	s22 =	simm.s32 $0x1B58;
	[tilespmem:s31+$0xFFFFFE00] =	vst v22;
	v22 =	vadd.s32 s20, v21  }
0x411: {  	s19 =	simm.s32 $0x3E8;
	v25 =	vadd.s32 s22, v21;
	[tilespmem:s31+$0xFFFFFE80] =	vst v30  }
0x412: {  	s24 =	simm.s32 $0x7D0;
	v26 =	vadd.s32 s19, v21;
	[tilespmem:s31+$0xFFFFFF00] =	vst v27  }
0x413: {  	p1 =	por $0x1, $0x1;
	v30 =	vadd.s32 s24, v21;
	[tilespmem:s31+$0xFFFFFC80] =	vst v23  }
.Ltmp88:
0x414: {  	[tilespmem:s31+$0xFFFFFF80] =	vst v24;
	(pc) =	sbr.rel @!p1 .LBB2_120-.Ltmp88, $4  }
0x415: {  	v22 =	vld.idx.msk [tilespmem:v22+s20+$0x0], $0xffff  }
0x416: {  	s25 =	simm.s32 $0xFA0;
	v23 =	vld.idx.msk [tilespmem:v25+s20+$0x0], $0xffff  }
0x417: {  	s23 =	simm.s32 $0xBB8;
	s26 =	simm.s32 $0x1388;
	s28 =	simm.s32 $0x1770;
	v28 =	vadd.s32 s25, v21;
	v24 =	vld.idx.msk [tilespmem:v26+s20+$0x0], $0xffff  }
0x418: {  	s1 =	simm.s32 $0x181A0;
	s21 =	simm.s32 $0x1F40;
	p0 =	por $0x0, $0x0;
	v29 =	vadd.s32 s23, v21;
	v27 =	vadd.s32 s26, v21;
	v25 =	vadd.s32 s28, v21;
	v26 =	vld.idx.msk [tilespmem:v30+s20+$0x0], $0xffff  }
0x419: {  	_ =	sdelay $0x3  }
0x41a: {  	v29 =	vld.idx.msk [tilespmem:v29+s20+$0x0], $0xffff  }
0x41b: {  	v31 =	vadd.s32 s21, v21;
	s0 =	simm.s32 $0x3A98  }
0x41c: {  	s2 =	simm.s32 $0x2328;
	v32 =	vadd.s32 s0, v21  }
0x41d: {  	s18 =	simm.s32 $0x2710;
	v34 =	vld.idx.msk [tilespmem:v28+s20+$0x0], $0xffff;
	v33 =	vadd.s32 s2, v21  }
0x41e: {  	v36 =	vld.idx.msk [tilespmem:v27+s20+$0x0], $0xffff;
	s29 =	simm.s32 $0x2AF8;
	p3 =	por $0x1, $0x1;
	v35 =	vadd.s32 s18, v21;
	[tilespmem:s1+$0x0] =	vst v23  }
.Ltmp89:
0x41f: {  	v30 =	vld.idx.msk [tilespmem:v25+s20+$0x0], $0xffff;
	s4 =	simm.s32 $0x2EE0;
	[tilespmem:s1+$0xFFFFFE00] =	vst v29;
	v29 =	vadd.s32 s29, v21;
	(pc) =	sbr.rel @!p3 .LBB2_122-.Ltmp89, $4  }
0x420: {  	s30 =	simm.s32 $0x32C8;
	v28 =	vadd.s32 s4, v21;
	[tilespmem:s1+$0xFFFFFD00] =	vst v24;
	v31 =	vld.idx.msk [tilespmem:v31+s20+$0x0], $0xffff  }
0x421: {  	s31 =	simm.s32 $0x36B0;
	v27 =	vadd.s32 s30, v21;
	[tilespmem:s1+$0xFFFFFD80] =	vst v26;
	v23 =	vld.idx.msk [tilespmem:v32+s20+$0x0], $0xffff  }
0x422: {  	s5 =	simm.s32 $0x3E80;
	v25 =	vadd.s32 s31, v21;
	[tilespmem:s1+$0xFFFFFE80] =	vst v34;
	v24 =	vld.idx.msk [tilespmem:v33+s20+$0x0], $0xffff  }
0x423: {  	p2 =	por $0x1, $0x1;
	s0 =	simm.s32 $0x8;
	s4 =	simm.s32 $0x181A0;
	[tilespmem:s1+$0xFFFFFF00] =	vst v36;
	v26 =	vld.idx.msk [tilespmem:v35+s20+$0x0], $0xffff  }
.LBB2_123:
0x424: {  	v32 =	vadd.s32 s5, v21;
	s2 =	sadd.s32 $0x3E8, s5;
	s6 =	sadd.s32 $0x1B58, s5;
	s0 =	sadd.s32 $0x8, s0;
	v33 =	vld.idx.msk [tilespmem:v29+s20+$0x0], $0xffff;
	[tilespmem:s4+$0xFFFFFF80] =	vst v30  }
0x425: {  	s8 =	sadd.s32 $0xBB8, s5;
	v34 =	vadd.s32 s2, v21;
	s2 =	sadd.s32 $0x7D0, s5;
	v35 =	vadd.s32 s6, v21;
	p3 =	slt.u32 s0, $0x38;
	v36 =	vld.idx.msk [tilespmem:v28+s20+$0x0], $0xffff;
	[tilespmem:s4+$0xFFFFFC80] =	vst v22  }
0x426: {  	v29 =	vadd.s32 s8, v21;
	s6 =	sadd.s32 $0x1388, s5;
	s4 =	sadd.s32 $0x400, s4;
	v22 =	vmov v31;
	v37 =	vadd.s32 s2, v21;
	s2 =	sadd.s32 $0xFA0, s5;
	v38 =	vld.idx.msk [tilespmem:v27+s20+$0x0], $0xffff  }
0x427: {  	v27 =	vadd.s32 s6, v21;
	v28 =	vadd.s32 s2, v21;
	s2 =	sadd.s32 $0x1770, s5;
	v30 =	vld.idx.msk [tilespmem:v25+s20+$0x0], $0xffff;
	[tilespmem:s4+$0x0] =	vst v23  }
.Ltmp90:
0x428: {  	v25 =	vadd.s32 s2, v21;
	[tilespmem:s4+$0xFFFFFD00] =	vst v24;
	(pc) =	sbr.rel @p3 .LBB2_123-.Ltmp90, $4  }
0x429: {  	v31 =	vld.idx.msk [tilespmem:v32+s20+$0x0], $0xffff;
	[tilespmem:s4+$0xFFFFFD80] =	vst v26  }
0x42a: {  	v23 =	vld.idx.msk [tilespmem:v35+s20+$0x0], $0xffff;
	[tilespmem:s4+$0xFFFFFE00] =	vst v33  }
0x42b: {  	v24 =	vld.idx.msk [tilespmem:v34+s20+$0x0], $0xffff;
	[tilespmem:s4+$0xFFFFFE80] =	vst v36  }
0x42c: {  	s5 =	sadd.s32 $0x1F40, s5;
	v26 =	vld.idx.msk [tilespmem:v37+s20+$0x0], $0xffff;
	[tilespmem:s4+$0xFFFFFF00] =	vst v38  }
0x42d: {  	_ = 	snop  }
0x42e: {  	v21 =	vmov v22;
	v22 =	vmov v31  }
.LBB2_125:
0x42f: {  	_ =	sdelay $0x2  }
0x430: {  	[tilespmem:s4+$0xFFFFFF80] =	vst @p2 v30;
	s0 =	sadd.s32 @p2 $0x400, s4  }
0x431: {  	v29 =	vld.idx.msk [tilespmem:v29+s20+$0x0], $0xffff;
	[tilespmem:s4+$0xFFFFFC80] =	vst @p2 v21;
	s1 =	smov.u32 @p2 s0  }
0x432: {  	v21 =	vld.idx.msk [tilespmem:v28+s20+$0x0], $0xffff;
	[tilespmem:s1+$0x0] =	vst v23  }
0x433: {  	v27 =	vld.idx.msk [tilespmem:v27+s20+$0x0], $0xffff;
	[tilespmem:s1+$0xFFFFFD00] =	vst v24  }
0x434: {  	v23 =	vld.idx.msk [tilespmem:v25+s20+$0x0], $0xffff;
	[tilespmem:s1+$0xFFFFFD80] =	vst v26  }
0x435: {  	v24 =	vadd.s32 s22, v20;
	[tilespmem:s1+$0xFFFFFC80] =	vst v22  }
0x436: {  	v25 =	vadd.s32 s19, v20;
	[tilespmem:s1+$0xFFFFFE00] =	vst v29  }
0x437: {  	[tilespmem:s1+$0xFFFFFE80] =	vst v21;
	v29 =	vadd.s32 s24, v20  }
.Ltmp91:
0x438: {  	[tilespmem:s1+$0xFFFFFF00] =	vst v27;
	(pc) =	sbr.rel @!p1 .LBB2_126-.Ltmp91, $4  }
0x439: {  	s19 =	simm.s32 $0x0;
	[tilespmem:s1+$0xFFFFFF80] =	vst v23  }
0x43a: {  	v21 =	vld.idx.msk [tilespmem:v24+s19+$0x0], $0xffff  }
0x43b: {  	v28 =	vadd.s32 s20, v20;
	v26 =	vadd.s32 s25, v20;
	v22 =	vld.idx.msk [tilespmem:v25+s19+$0x0], $0xffff  }
0x43c: {  	v27 =	vadd.s32 s23, v20;
	s1 =	simm.s32 $0x181B0;
	v23 =	vadd.s32 s28, v20;
	v25 =	vadd.s32 s26, v20;
	v24 =	vld.idx.msk [tilespmem:v29+s19+$0x0], $0xffff  }
0x43d: {  	_ =	sdelay $0x3  }
0x43e: {  	v27 =	vld.idx.msk [tilespmem:v27+s19+$0x0], $0xffff  }
0x43f: {  	s0 =	simm.s32 $0x3A98  }
0x440: {  	s2 =	simm.s32 $0x2328;
	v31 =	vadd.s32 s0, v20  }
0x441: {  	s28 =	simm.s32 $0x2710;
	v33 =	vld.idx.msk [tilespmem:v26+s19+$0x0], $0xffff;
	v32 =	vadd.s32 s2, v20  }
0x442: {  	v35 =	vld.idx.msk [tilespmem:v25+s19+$0x0], $0xffff;
	s29 =	simm.s32 $0x2AF8;
	p1 =	por $0x1, $0x1;
	v34 =	vadd.s32 s28, v20;
	[tilespmem:s1+$0x0] =	vst v21  }
.Ltmp92:
0x443: {  	v30 =	vld.idx.msk [tilespmem:v23+s19+$0x0], $0xffff;
	s4 =	simm.s32 $0x2EE0;
	[tilespmem:s1+$0xFFFFFE00] =	vst v27;
	v27 =	vadd.s32 s29, v20;
	(pc) =	sbr.rel @!p1 .LBB2_128-.Ltmp92, $4  }
0x444: {  	v29 =	vld.idx.msk [tilespmem:v28+s19+$0x0], $0xffff;
	s30 =	simm.s32 $0x32C8;
	v26 =	vadd.s32 s4, v20;
	[tilespmem:s1+$0xFFFFFD00] =	vst v22  }
0x445: {  	s31 =	simm.s32 $0x36B0;
	v25 =	vadd.s32 s30, v20;
	[tilespmem:s1+$0xFFFFFD80] =	vst v24;
	v21 =	vld.idx.msk [tilespmem:v31+s19+$0x0], $0xffff  }
0x446: {  	s5 =	simm.s32 $0x3E80;
	v23 =	vadd.s32 s31, v20;
	[tilespmem:s1+$0xFFFFFE80] =	vst v33;
	v22 =	vld.idx.msk [tilespmem:v32+s19+$0x0], $0xffff  }
0x447: {  	v28 =	vadd.s32 s21, v20;
	p0 =	por $0x1, $0x1;
	s0 =	simm.s32 $0x8;
	s4 =	simm.s32 $0x181B0;
	[tilespmem:s1+$0xFFFFFF00] =	vst v35;
	v24 =	vld.idx.msk [tilespmem:v34+s19+$0x0], $0xffff  }
.LBB2_129:
0x448: {  	v31 =	vadd.s32 s5, v20;
	s2 =	sadd.s32 $0x3E8, s5;
	s6 =	sadd.s32 $0x1B58, s5;
	s0 =	sadd.s32 $0x8, s0;
	v32 =	vld.idx.msk [tilespmem:v27+s19+$0x0], $0xffff;
	[tilespmem:s4+$0xFFFFFF80] =	vst v30  }
0x449: {  	s8 =	sadd.s32 $0xBB8, s5;
	v33 =	vadd.s32 s2, v20;
	s2 =	sadd.s32 $0x7D0, s5;
	v34 =	vadd.s32 s6, v20;
	p1 =	slt.u32 s0, $0x38;
	v35 =	vld.idx.msk [tilespmem:v26+s19+$0x0], $0xffff;
	[tilespmem:s4+$0xFFFFFC80] =	vst v29  }
0x44a: {  	v27 =	vadd.s32 s8, v20;
	s6 =	sadd.s32 $0x1388, s5;
	s4 =	sadd.s32 $0x400, s4;
	v36 =	vadd.s32 s2, v20;
	s2 =	sadd.s32 $0xFA0, s5;
	v37 =	vld.idx.msk [tilespmem:v25+s19+$0x0], $0xffff  }
0x44b: {  	v25 =	vadd.s32 s6, v20;
	v26 =	vadd.s32 s2, v20;
	s2 =	sadd.s32 $0x1770, s5;
	v30 =	vld.idx.msk [tilespmem:v23+s19+$0x0], $0xffff;
	[tilespmem:s4+$0x0] =	vst v21  }
.Ltmp93:
0x44c: {  	v23 =	vadd.s32 s2, v20;
	v29 =	vld.idx.msk [tilespmem:v28+s19+$0x0], $0xffff;
	[tilespmem:s4+$0xFFFFFD00] =	vst v22;
	v28 =	vmov v31;
	(pc) =	sbr.rel @p1 .LBB2_129-.Ltmp93, $4  }
0x44d: {  	s19 =	simm.s32 $0x0;
	[tilespmem:s4+$0xFFFFFD80] =	vst v24  }
0x44e: {  	v21 =	vld.idx.msk [tilespmem:v34+s19+$0x0], $0xffff;
	[tilespmem:s4+$0xFFFFFE00] =	vst v32  }
0x44f: {  	v22 =	vld.idx.msk [tilespmem:v33+s19+$0x0], $0xffff;
	[tilespmem:s4+$0xFFFFFE80] =	vst v35  }
0x450: {  	s5 =	sadd.s32 $0x1F40, s5;
	v24 =	vld.idx.msk [tilespmem:v36+s19+$0x0], $0xffff;
	[tilespmem:s4+$0xFFFFFF00] =	vst v37  }
.LBB2_130:
0x451: {  	_ =	sdelay $0x3  }
0x452: {  	v20 =	vld.idx.msk [tilespmem:v27+s19+$0x0], $0xffff;
	[tilespmem:s4+$0xFFFFFF80] =	vst @p0 v30;
	s0 =	sadd.s32 @p0 $0x400, s4  }
0x453: {  	v26 =	vld.idx.msk [tilespmem:v26+s19+$0x0], $0xffff;
	[tilespmem:s4+$0xFFFFFC80] =	vst @p0 v29;
	s1 =	smov.u32 @p0 s0  }
0x454: {  	v25 =	vld.idx.msk [tilespmem:v25+s19+$0x0], $0xffff;
	[tilespmem:s1+$0x0] =	vst v21  }
0x455: {  	v21 =	vld.idx.msk [tilespmem:v23+s19+$0x0], $0xffff;
	[tilespmem:s1+$0xFFFFFD00] =	vst v22  }
0x456: {  	v22 =	vld.idx.msk [tilespmem:v28+s19+$0x0], $0xffff;
	[tilespmem:s1+$0xFFFFFD80] =	vst v24  }
0x457: {  	s22 =	sadd.s32 $0x1B58, s19;
	[tilespmem:s1+$0xFFFFFE00] =	vst v20;
	v20 =	vadd.s32 s19, v19  }
0x458: {  	s20 =	sadd.s32 $0x3E8, s19;
	v23 =	vadd.s32 s22, v19;
	[tilespmem:s1+$0xFFFFFE80] =	vst v26  }
0x459: {  	s24 =	sadd.s32 $0x7D0, s19;
	v24 =	vadd.s32 s20, v19;
	[tilespmem:s1+$0xFFFFFF00] =	vst v25  }
0x45a: {  	p1 =	por $0x1, $0x1;
	v28 =	vadd.s32 s24, v19;
	[tilespmem:s1+$0xFFFFFF80] =	vst v21  }
.Ltmp94:
0x45b: {  	[tilespmem:s1+$0xFFFFFC80] =	vst v22;
	(pc) =	sbr.rel @!p1 .LBB2_131-.Ltmp94, $4  }
0x45c: {  	v20 =	vld.idx.msk [tilespmem:v20+s19+$0x0], $0xffff  }
0x45d: {  	s23 =	sadd.s32 $0xBB8, s19;
	v21 =	vld.idx.msk [tilespmem:v23+s19+$0x0], $0xffff  }
0x45e: {  	s25 =	sadd.s32 $0xFA0, s19;
	s26 =	sadd.s32 $0x1388, s19;
	s28 =	sadd.s32 $0x1770, s19;
	v27 =	vadd.s32 s23, v19;
	v22 =	vld.idx.msk [tilespmem:v24+s19+$0x0], $0xffff  }
0x45f: {  	s21 =	sadd.s32 $0x1F40, s19;
	p0 =	por $0x0, $0x0;
	v26 =	vadd.s32 s25, v19;
	v25 =	vadd.s32 s26, v19;
	s1 =	simm.s32 $0x181C0;
	v23 =	vadd.s32 s28, v19;
	v24 =	vld.idx.msk [tilespmem:v28+s19+$0x0], $0xffff  }
0x460: {  	_ =	sdelay $0x3  }
0x461: {  	v27 =	vld.idx.msk [tilespmem:v27+s19+$0x0], $0xffff  }
0x462: {  	v29 =	vadd.s32 s21, v19;
	s0 =	sadd.s32 $0x1B58, s21  }
0x463: {  	s2 =	sadd.s32 $0x3E8, s21;
	v30 =	vadd.s32 s0, v19  }
0x464: {  	s18 =	sadd.s32 $0x7D0, s21;
	v32 =	vld.idx.msk [tilespmem:v26+s19+$0x0], $0xffff;
	v31 =	vadd.s32 s2, v19  }
0x465: {  	v34 =	vld.idx.msk [tilespmem:v25+s19+$0x0], $0xffff;
	s29 =	sadd.s32 $0xBB8, s21;
	p3 =	por $0x1, $0x1;
	v33 =	vadd.s32 s18, v19;
	[tilespmem:s1+$0x0] =	vst v21  }
.Ltmp95:
0x466: {  	v28 =	vld.idx.msk [tilespmem:v23+s19+$0x0], $0xffff;
	s4 =	sadd.s32 $0xFA0, s21;
	[tilespmem:s1+$0xFFFFFE00] =	vst v27;
	v27 =	vadd.s32 s29, v19;
	(pc) =	sbr.rel @!p3 .LBB2_133-.Ltmp95, $4  }
0x467: {  	s30 =	sadd.s32 $0x1388, s21;
	v26 =	vadd.s32 s4, v19;
	[tilespmem:s1+$0xFFFFFD00] =	vst v22;
	v29 =	vld.idx.msk [tilespmem:v29+s19+$0x0], $0xffff  }
0x468: {  	s31 =	sadd.s32 $0x1770, s21;
	v25 =	vadd.s32 s30, v19;
	[tilespmem:s1+$0xFFFFFD80] =	vst v24;
	v21 =	vld.idx.msk [tilespmem:v30+s19+$0x0], $0xffff  }
0x469: {  	s5 =	sadd.s32 $0x1F40, s21;
	v23 =	vadd.s32 s31, v19;
	[tilespmem:s1+$0xFFFFFE80] =	vst v32;
	v22 =	vld.idx.msk [tilespmem:v31+s19+$0x0], $0xffff  }
0x46a: {  	p2 =	por $0x1, $0x1;
	s0 =	simm.s32 $0x8;
	s4 =	simm.s32 $0x181C0;
	[tilespmem:s1+$0xFFFFFF00] =	vst v34;
	v24 =	vld.idx.msk [tilespmem:v33+s19+$0x0], $0xffff  }
.LBB2_134:
0x46b: {  	v30 =	vadd.s32 s5, v19;
	s2 =	sadd.s32 $0x3E8, s5;
	s6 =	sadd.s32 $0x1B58, s5;
	s0 =	sadd.s32 $0x8, s0;
	v31 =	vld.idx.msk [tilespmem:v27+s19+$0x0], $0xffff;
	[tilespmem:s4+$0xFFFFFF80] =	vst v28  }
0x46c: {  	s8 =	sadd.s32 $0xBB8, s5;
	v32 =	vadd.s32 s2, v19;
	s2 =	sadd.s32 $0x7D0, s5;
	v33 =	vadd.s32 s6, v19;
	p3 =	slt.u32 s0, $0x38;
	v34 =	vld.idx.msk [tilespmem:v26+s19+$0x0], $0xffff;
	[tilespmem:s4+$0xFFFFFC80] =	vst v20  }
0x46d: {  	v27 =	vadd.s32 s8, v19;
	s6 =	sadd.s32 $0x1388, s5;
	s4 =	sadd.s32 $0x400, s4;
	v20 =	vmov v29;
	v35 =	vadd.s32 s2, v19;
	s2 =	sadd.s32 $0xFA0, s5;
	v36 =	vld.idx.msk [tilespmem:v25+s19+$0x0], $0xffff  }
0x46e: {  	v25 =	vadd.s32 s6, v19;
	v26 =	vadd.s32 s2, v19;
	s2 =	sadd.s32 $0x1770, s5;
	v28 =	vld.idx.msk [tilespmem:v23+s19+$0x0], $0xffff;
	[tilespmem:s4+$0x0] =	vst v21  }
.Ltmp96:
0x46f: {  	v23 =	vadd.s32 s2, v19;
	[tilespmem:s4+$0xFFFFFD00] =	vst v22;
	(pc) =	sbr.rel @p3 .LBB2_134-.Ltmp96, $4  }
0x470: {  	v29 =	vld.idx.msk [tilespmem:v30+s19+$0x0], $0xffff;
	[tilespmem:s4+$0xFFFFFD80] =	vst v24  }
0x471: {  	v21 =	vld.idx.msk [tilespmem:v33+s19+$0x0], $0xffff;
	[tilespmem:s4+$0xFFFFFE00] =	vst v31  }
0x472: {  	v22 =	vld.idx.msk [tilespmem:v32+s19+$0x0], $0xffff;
	[tilespmem:s4+$0xFFFFFE80] =	vst v34  }
0x473: {  	s5 =	sadd.s32 $0x1F40, s5;
	v24 =	vld.idx.msk [tilespmem:v35+s19+$0x0], $0xffff;
	[tilespmem:s4+$0xFFFFFF00] =	vst v36  }
0x474: {  	_ = 	snop  }
0x475: {  	v19 =	vmov v20;
	v20 =	vmov v29  }
.LBB2_136:
0x476: {  	_ =	sdelay $0x2  }
0x477: {  	[tilespmem:s4+$0xFFFFFF80] =	vst @p2 v28;
	s0 =	sadd.s32 @p2 $0x400, s4  }
0x478: {  	v27 =	vld.idx.msk [tilespmem:v27+s19+$0x0], $0xffff;
	[tilespmem:s4+$0xFFFFFC80] =	vst @p2 v19;
	s1 =	smov.u32 @p2 s0  }
0x479: {  	v19 =	vld.idx.msk [tilespmem:v26+s19+$0x0], $0xffff;
	[tilespmem:s1+$0x0] =	vst v21  }
0x47a: {  	v25 =	vld.idx.msk [tilespmem:v25+s19+$0x0], $0xffff;
	[tilespmem:s1+$0xFFFFFD00] =	vst v22  }
0x47b: {  	v21 =	vld.idx.msk [tilespmem:v23+s19+$0x0], $0xffff;
	[tilespmem:s1+$0xFFFFFD80] =	vst v24  }
0x47c: {  	v22 =	vadd.s32 s22, v18;
	[tilespmem:s1+$0xFFFFFC80] =	vst v20  }
0x47d: {  	v23 =	vadd.s32 s20, v18;
	[tilespmem:s1+$0xFFFFFE00] =	vst v27  }
0x47e: {  	[tilespmem:s1+$0xFFFFFE80] =	vst v19;
	v27 =	vadd.s32 s24, v18  }
.Ltmp97:
0x47f: {  	[tilespmem:s1+$0xFFFFFF00] =	vst v25;
	(pc) =	sbr.rel @!p1 .LBB2_137-.Ltmp97, $4  }
0x480: {  	s20 =	simm.s32 $0x0;
	[tilespmem:s1+$0xFFFFFF80] =	vst v21  }
0x481: {  	v19 =	vld.idx.msk [tilespmem:v22+s20+$0x0], $0xffff  }
0x482: {  	v26 =	vadd.s32 s19, v18;
	v24 =	vadd.s32 s25, v18;
	v20 =	vld.idx.msk [tilespmem:v23+s20+$0x0], $0xffff  }
0x483: {  	v25 =	vadd.s32 s23, v18;
	s1 =	simm.s32 $0x181D0;
	v21 =	vadd.s32 s28, v18;
	v23 =	vadd.s32 s26, v18;
	v22 =	vld.idx.msk [tilespmem:v27+s20+$0x0], $0xffff  }
0x484: {  	_ =	sdelay $0x3  }
0x485: {  	v25 =	vld.idx.msk [tilespmem:v25+s20+$0x0], $0xffff  }
0x486: {  	s0 =	sadd.s32 $0x1B58, s21  }
0x487: {  	s2 =	sadd.s32 $0x3E8, s21;
	v29 =	vadd.s32 s0, v18  }
0x488: {  	s28 =	sadd.s32 $0x7D0, s21;
	v31 =	vld.idx.msk [tilespmem:v24+s20+$0x0], $0xffff;
	v30 =	vadd.s32 s2, v18  }
0x489: {  	v33 =	vld.idx.msk [tilespmem:v23+s20+$0x0], $0xffff;
	s29 =	sadd.s32 $0xBB8, s21;
	p1 =	por $0x1, $0x1;
	v32 =	vadd.s32 s28, v18;
	[tilespmem:s1+$0x0] =	vst v19  }
.Ltmp98:
0x48a: {  	v28 =	vld.idx.msk [tilespmem:v21+s20+$0x0], $0xffff;
	s4 =	sadd.s32 $0xFA0, s21;
	[tilespmem:s1+$0xFFFFFE00] =	vst v25;
	v25 =	vadd.s32 s29, v18;
	(pc) =	sbr.rel @!p1 .LBB2_139-.Ltmp98, $4  }
0x48b: {  	v27 =	vld.idx.msk [tilespmem:v26+s20+$0x0], $0xffff;
	s30 =	sadd.s32 $0x1388, s21;
	v24 =	vadd.s32 s4, v18;
	[tilespmem:s1+$0xFFFFFD00] =	vst v20  }
0x48c: {  	s31 =	sadd.s32 $0x1770, s21;
	v23 =	vadd.s32 s30, v18;
	[tilespmem:s1+$0xFFFFFD80] =	vst v22;
	v19 =	vld.idx.msk [tilespmem:v29+s20+$0x0], $0xffff  }
0x48d: {  	s5 =	sadd.s32 $0x1F40, s21;
	v21 =	vadd.s32 s31, v18;
	[tilespmem:s1+$0xFFFFFE80] =	vst v31;
	v20 =	vld.idx.msk [tilespmem:v30+s20+$0x0], $0xffff  }
0x48e: {  	v26 =	vadd.s32 s21, v18;
	p0 =	por $0x1, $0x1;
	s0 =	simm.s32 $0x8;
	s4 =	simm.s32 $0x181D0;
	[tilespmem:s1+$0xFFFFFF00] =	vst v33;
	v22 =	vld.idx.msk [tilespmem:v32+s20+$0x0], $0xffff  }
.LBB2_140:
0x48f: {  	v29 =	vadd.s32 s5, v18;
	s2 =	sadd.s32 $0x3E8, s5;
	s6 =	sadd.s32 $0x1B58, s5;
	s0 =	sadd.s32 $0x8, s0;
	v30 =	vld.idx.msk [tilespmem:v25+s20+$0x0], $0xffff;
	[tilespmem:s4+$0xFFFFFF80] =	vst v28  }
0x490: {  	s8 =	sadd.s32 $0xBB8, s5;
	v31 =	vadd.s32 s2, v18;
	s2 =	sadd.s32 $0x7D0, s5;
	v32 =	vadd.s32 s6, v18;
	p1 =	slt.u32 s0, $0x38;
	v33 =	vld.idx.msk [tilespmem:v24+s20+$0x0], $0xffff;
	[tilespmem:s4+$0xFFFFFC80] =	vst v27  }
0x491: {  	v25 =	vadd.s32 s8, v18;
	s6 =	sadd.s32 $0x1388, s5;
	s4 =	sadd.s32 $0x400, s4;
	v34 =	vadd.s32 s2, v18;
	s2 =	sadd.s32 $0xFA0, s5;
	v35 =	vld.idx.msk [tilespmem:v23+s20+$0x0], $0xffff  }
0x492: {  	v23 =	vadd.s32 s6, v18;
	v24 =	vadd.s32 s2, v18;
	s2 =	sadd.s32 $0x1770, s5;
	v28 =	vld.idx.msk [tilespmem:v21+s20+$0x0], $0xffff;
	[tilespmem:s4+$0x0] =	vst v19  }
.Ltmp99:
0x493: {  	v21 =	vadd.s32 s2, v18;
	v27 =	vld.idx.msk [tilespmem:v26+s20+$0x0], $0xffff;
	[tilespmem:s4+$0xFFFFFD00] =	vst v20;
	v26 =	vmov v29;
	(pc) =	sbr.rel @p1 .LBB2_140-.Ltmp99, $4  }
0x494: {  	s20 =	simm.s32 $0x0;
	[tilespmem:s4+$0xFFFFFD80] =	vst v22  }
0x495: {  	v19 =	vld.idx.msk [tilespmem:v32+s20+$0x0], $0xffff;
	[tilespmem:s4+$0xFFFFFE00] =	vst v30  }
0x496: {  	v20 =	vld.idx.msk [tilespmem:v31+s20+$0x0], $0xffff;
	[tilespmem:s4+$0xFFFFFE80] =	vst v33  }
0x497: {  	s5 =	sadd.s32 $0x1F40, s5;
	v22 =	vld.idx.msk [tilespmem:v34+s20+$0x0], $0xffff;
	[tilespmem:s4+$0xFFFFFF00] =	vst v35  }
.LBB2_141:
0x498: {  	_ =	sdelay $0x3  }
0x499: {  	v18 =	vld.idx.msk [tilespmem:v25+s20+$0x0], $0xffff;
	[tilespmem:s4+$0xFFFFFF80] =	vst @p0 v28;
	s0 =	sadd.s32 @p0 $0x400, s4  }
0x49a: {  	v24 =	vld.idx.msk [tilespmem:v24+s20+$0x0], $0xffff;
	[tilespmem:s4+$0xFFFFFC80] =	vst @p0 v27;
	s1 =	smov.u32 @p0 s0  }
0x49b: {  	v23 =	vld.idx.msk [tilespmem:v23+s20+$0x0], $0xffff;
	[tilespmem:s1+$0x0] =	vst v19  }
0x49c: {  	v19 =	vld.idx.msk [tilespmem:v21+s20+$0x0], $0xffff;
	[tilespmem:s1+$0xFFFFFD00] =	vst v20  }
0x49d: {  	v20 =	vld.idx.msk [tilespmem:v26+s20+$0x0], $0xffff;
	[tilespmem:s1+$0xFFFFFD80] =	vst v22  }
0x49e: {  	s22 =	sadd.s32 $0x1B58, s20;
	[tilespmem:s1+$0xFFFFFE00] =	vst v18;
	v18 =	vadd.s32 s20, v17  }
0x49f: {  	s21 =	sadd.s32 $0x3E8, s20;
	v21 =	vadd.s32 s22, v17;
	[tilespmem:s1+$0xFFFFFE80] =	vst v24  }
0x4a0: {  	s23 =	sadd.s32 $0x7D0, s20;
	v22 =	vadd.s32 s21, v17;
	[tilespmem:s1+$0xFFFFFF00] =	vst v23  }
0x4a1: {  	p1 =	por $0x1, $0x1;
	v26 =	vadd.s32 s23, v17;
	[tilespmem:s1+$0xFFFFFF80] =	vst v19  }
.Ltmp100:
0x4a2: {  	[tilespmem:s1+$0xFFFFFC80] =	vst v20;
	(pc) =	sbr.rel @!p1 .LBB2_142-.Ltmp100, $4  }
0x4a3: {  	v18 =	vld.idx.msk [tilespmem:v18+s20+$0x0], $0xffff  }
0x4a4: {  	s24 =	sadd.s32 $0xBB8, s20;
	v19 =	vld.idx.msk [tilespmem:v21+s20+$0x0], $0xffff  }
0x4a5: {  	s25 =	sadd.s32 $0xFA0, s20;
	s26 =	sadd.s32 $0x1388, s20;
	s28 =	sadd.s32 $0x1770, s20;
	v25 =	vadd.s32 s24, v17;
	v20 =	vld.idx.msk [tilespmem:v22+s20+$0x0], $0xffff  }
0x4a6: {  	s19 =	sadd.s32 $0x1F40, s20;
	p0 =	por $0x0, $0x0;
	v24 =	vadd.s32 s25, v17;
	v23 =	vadd.s32 s26, v17;
	s1 =	simm.s32 $0x181E0;
	v21 =	vadd.s32 s28, v17;
	v22 =	vld.idx.msk [tilespmem:v26+s20+$0x0], $0xffff  }
0x4a7: {  	_ =	sdelay $0x3  }
0x4a8: {  	v25 =	vld.idx.msk [tilespmem:v25+s20+$0x0], $0xffff  }
0x4a9: {  	v27 =	vadd.s32 s19, v17;
	s0 =	sadd.s32 $0x1B58, s19  }
0x4aa: {  	s2 =	sadd.s32 $0x3E8, s19;
	v28 =	vadd.s32 s0, v17  }
0x4ab: {  	s18 =	sadd.s32 $0x7D0, s19;
	v30 =	vld.idx.msk [tilespmem:v24+s20+$0x0], $0xffff;
	v29 =	vadd.s32 s2, v17  }
0x4ac: {  	v32 =	vld.idx.msk [tilespmem:v23+s20+$0x0], $0xffff;
	s29 =	sadd.s32 $0xBB8, s19;
	p3 =	por $0x1, $0x1;
	v31 =	vadd.s32 s18, v17;
	[tilespmem:s1+$0x0] =	vst v19  }
.Ltmp101:
0x4ad: {  	v26 =	vld.idx.msk [tilespmem:v21+s20+$0x0], $0xffff;
	s4 =	sadd.s32 $0xFA0, s19;
	[tilespmem:s1+$0xFFFFFE00] =	vst v25;
	v25 =	vadd.s32 s29, v17;
	(pc) =	sbr.rel @!p3 .LBB2_144-.Ltmp101, $4  }
0x4ae: {  	s30 =	sadd.s32 $0x1388, s19;
	v24 =	vadd.s32 s4, v17;
	[tilespmem:s1+$0xFFFFFD00] =	vst v20;
	v27 =	vld.idx.msk [tilespmem:v27+s20+$0x0], $0xffff  }
0x4af: {  	s31 =	sadd.s32 $0x1770, s19;
	v23 =	vadd.s32 s30, v17;
	[tilespmem:s1+$0xFFFFFD80] =	vst v22;
	v19 =	vld.idx.msk [tilespmem:v28+s20+$0x0], $0xffff  }
0x4b0: {  	s5 =	sadd.s32 $0x1F40, s19;
	v21 =	vadd.s32 s31, v17;
	[tilespmem:s1+$0xFFFFFE80] =	vst v30;
	v20 =	vld.idx.msk [tilespmem:v29+s20+$0x0], $0xffff  }
0x4b1: {  	p2 =	por $0x1, $0x1;
	s0 =	simm.s32 $0x8;
	s4 =	simm.s32 $0x181E0;
	[tilespmem:s1+$0xFFFFFF00] =	vst v32;
	v22 =	vld.idx.msk [tilespmem:v31+s20+$0x0], $0xffff  }
.LBB2_145:
0x4b2: {  	v28 =	vadd.s32 s5, v17;
	s2 =	sadd.s32 $0x3E8, s5;
	s6 =	sadd.s32 $0x1B58, s5;
	s0 =	sadd.s32 $0x8, s0;
	v29 =	vld.idx.msk [tilespmem:v25+s20+$0x0], $0xffff;
	[tilespmem:s4+$0xFFFFFF80] =	vst v26  }
0x4b3: {  	s8 =	sadd.s32 $0xBB8, s5;
	v30 =	vadd.s32 s2, v17;
	s2 =	sadd.s32 $0x7D0, s5;
	v31 =	vadd.s32 s6, v17;
	p3 =	slt.u32 s0, $0x38;
	v32 =	vld.idx.msk [tilespmem:v24+s20+$0x0], $0xffff;
	[tilespmem:s4+$0xFFFFFC80] =	vst v18  }
0x4b4: {  	v25 =	vadd.s32 s8, v17;
	s6 =	sadd.s32 $0x1388, s5;
	s4 =	sadd.s32 $0x400, s4;
	v18 =	vmov v27;
	v33 =	vadd.s32 s2, v17;
	s2 =	sadd.s32 $0xFA0, s5;
	v34 =	vld.idx.msk [tilespmem:v23+s20+$0x0], $0xffff  }
0x4b5: {  	v23 =	vadd.s32 s6, v17;
	v24 =	vadd.s32 s2, v17;
	s2 =	sadd.s32 $0x1770, s5;
	v26 =	vld.idx.msk [tilespmem:v21+s20+$0x0], $0xffff;
	[tilespmem:s4+$0x0] =	vst v19  }
.Ltmp102:
0x4b6: {  	v21 =	vadd.s32 s2, v17;
	[tilespmem:s4+$0xFFFFFD00] =	vst v20;
	(pc) =	sbr.rel @p3 .LBB2_145-.Ltmp102, $4  }
0x4b7: {  	v27 =	vld.idx.msk [tilespmem:v28+s20+$0x0], $0xffff;
	[tilespmem:s4+$0xFFFFFD80] =	vst v22  }
0x4b8: {  	v19 =	vld.idx.msk [tilespmem:v31+s20+$0x0], $0xffff;
	[tilespmem:s4+$0xFFFFFE00] =	vst v29  }
0x4b9: {  	v20 =	vld.idx.msk [tilespmem:v30+s20+$0x0], $0xffff;
	[tilespmem:s4+$0xFFFFFE80] =	vst v32  }
0x4ba: {  	s5 =	sadd.s32 $0x1F40, s5;
	v22 =	vld.idx.msk [tilespmem:v33+s20+$0x0], $0xffff;
	[tilespmem:s4+$0xFFFFFF00] =	vst v34  }
0x4bb: {  	_ = 	snop  }
0x4bc: {  	v17 =	vmov v18;
	v18 =	vmov v27  }
.LBB2_147:
0x4bd: {  	_ =	sdelay $0x2  }
0x4be: {  	[tilespmem:s4+$0xFFFFFF80] =	vst @p2 v26;
	s0 =	sadd.s32 @p2 $0x400, s4  }
0x4bf: {  	v25 =	vld.idx.msk [tilespmem:v25+s20+$0x0], $0xffff;
	[tilespmem:s4+$0xFFFFFC80] =	vst @p2 v17;
	s1 =	smov.u32 @p2 s0  }
0x4c0: {  	v17 =	vld.idx.msk [tilespmem:v24+s20+$0x0], $0xffff;
	[tilespmem:s1+$0x0] =	vst v19  }
0x4c1: {  	v23 =	vld.idx.msk [tilespmem:v23+s20+$0x0], $0xffff;
	[tilespmem:s1+$0xFFFFFD00] =	vst v20  }
0x4c2: {  	v19 =	vld.idx.msk [tilespmem:v21+s20+$0x0], $0xffff;
	[tilespmem:s1+$0xFFFFFD80] =	vst v22  }
0x4c3: {  	v20 =	vadd.s32 s20, v16;
	[tilespmem:s1+$0xFFFFFC80] =	vst v18  }
0x4c4: {  	v21 =	vadd.s32 s22, v16;
	[tilespmem:s1+$0xFFFFFE00] =	vst v25  }
0x4c5: {  	v22 =	vadd.s32 s21, v16;
	[tilespmem:s1+$0xFFFFFE80] =	vst v17  }
0x4c6: {  	[tilespmem:s1+$0xFFFFFF00] =	vst v23;
	v25 =	vadd.s32 s23, v16  }
.Ltmp103:
0x4c7: {  	[tilespmem:s1+$0xFFFFFF80] =	vst v19;
	(pc) =	sbr.rel @!p1 .LBB2_148-.Ltmp103, $4  }
0x4c8: {  	v17 =	vld.idx.msk [tilespmem:v20+s3+$0x0], $0xffff  }
0x4c9: {  	v18 =	vld.idx.msk [tilespmem:v21+s3+$0x0], $0xffff  }
0x4ca: {  	v24 =	vadd.s32 s24, v16;
	v19 =	vld.idx.msk [tilespmem:v22+s3+$0x0], $0xffff  }
0x4cb: {  	s0 =	simm.s32 $0x181F0;
	v23 =	vadd.s32 s25, v16;
	v22 =	vadd.s32 s26, v16;
	v20 =	vadd.s32 s28, v16;
	v21 =	vld.idx.msk [tilespmem:v25+s3+$0x0], $0xffff  }
0x4cc: {  	_ =	sdelay $0x3  }
0x4cd: {  	v24 =	vld.idx.msk [tilespmem:v24+s3+$0x0], $0xffff  }
0x4ce: {  	v26 =	vadd.s32 s19, v16;
	s1 =	sadd.s32 $0x1B58, s19  }
0x4cf: {  	s2 =	sadd.s32 $0x3E8, s19;
	v27 =	vadd.s32 s1, v16  }
0x4d0: {  	s28 =	sadd.s32 $0x7D0, s19;
	v29 =	vld.idx.msk [tilespmem:v23+s3+$0x0], $0xffff;
	v28 =	vadd.s32 s2, v16  }
0x4d1: {  	v31 =	vld.idx.msk [tilespmem:v22+s3+$0x0], $0xffff;
	s29 =	sadd.s32 $0xBB8, s19;
	p1 =	por $0x1, $0x1;
	v30 =	vadd.s32 s28, v16;
	[tilespmem:s0+$0x0] =	vst v18  }
.Ltmp104:
0x4d2: {  	v25 =	vld.idx.msk [tilespmem:v20+s3+$0x0], $0xffff;
	s4 =	sadd.s32 $0xFA0, s19;
	[tilespmem:s0+$0xFFFFFE00] =	vst v24;
	v24 =	vadd.s32 s29, v16;
	(pc) =	sbr.rel @!p1 .LBB2_150-.Ltmp104, $4  }
0x4d3: {  	s30 =	sadd.s32 $0x1388, s19;
	v23 =	vadd.s32 s4, v16;
	[tilespmem:s0+$0xFFFFFD00] =	vst v19;
	v26 =	vld.idx.msk [tilespmem:v26+s3+$0x0], $0xffff  }
0x4d4: {  	s31 =	sadd.s32 $0x1770, s19;
	v22 =	vadd.s32 s30, v16;
	[tilespmem:s0+$0xFFFFFD80] =	vst v21;
	v18 =	vld.idx.msk [tilespmem:v27+s3+$0x0], $0xffff  }
0x4d5: {  	s5 =	sadd.s32 $0x1F40, s19;
	v20 =	vadd.s32 s31, v16;
	[tilespmem:s0+$0xFFFFFE80] =	vst v29;
	v19 =	vld.idx.msk [tilespmem:v28+s3+$0x0], $0xffff  }
0x4d6: {  	p0 =	por $0x1, $0x1;
	s1 =	simm.s32 $0x8;
	s4 =	simm.s32 $0x181F0;
	[tilespmem:s0+$0xFFFFFF00] =	vst v31;
	v21 =	vld.idx.msk [tilespmem:v30+s3+$0x0], $0xffff  }
.LBB2_151:
0x4d7: {  	v27 =	vadd.s32 s5, v16;
	s2 =	sadd.s32 $0x3E8, s5;
	s6 =	sadd.s32 $0x1B58, s5;
	s1 =	sadd.s32 $0x8, s1;
	v28 =	vld.idx.msk [tilespmem:v24+s3+$0x0], $0xffff;
	[tilespmem:s4+$0xFFFFFF80] =	vst v25  }
0x4d8: {  	s8 =	sadd.s32 $0xBB8, s5;
	v29 =	vadd.s32 s2, v16;
	s2 =	sadd.s32 $0x7D0, s5;
	v30 =	vadd.s32 s6, v16;
	p1 =	slt.u32 s1, $0x38;
	v31 =	vld.idx.msk [tilespmem:v23+s3+$0x0], $0xffff;
	[tilespmem:s4+$0xFFFFFC80] =	vst v17  }
0x4d9: {  	v24 =	vadd.s32 s8, v16;
	s6 =	sadd.s32 $0x1388, s5;
	s4 =	sadd.s32 $0x400, s4;
	v17 =	vmov v26;
	v32 =	vadd.s32 s2, v16;
	s2 =	sadd.s32 $0xFA0, s5;
	v33 =	vld.idx.msk [tilespmem:v22+s3+$0x0], $0xffff  }
0x4da: {  	v22 =	vadd.s32 s6, v16;
	v23 =	vadd.s32 s2, v16;
	s2 =	sadd.s32 $0x1770, s5;
	v25 =	vld.idx.msk [tilespmem:v20+s3+$0x0], $0xffff;
	[tilespmem:s4+$0x0] =	vst v18  }
.Ltmp105:
0x4db: {  	v20 =	vadd.s32 s2, v16;
	[tilespmem:s4+$0xFFFFFD00] =	vst v19;
	(pc) =	sbr.rel @p1 .LBB2_151-.Ltmp105, $4  }
0x4dc: {  	v26 =	vld.idx.msk [tilespmem:v27+s3+$0x0], $0xffff;
	[tilespmem:s4+$0xFFFFFD80] =	vst v21  }
0x4dd: {  	v18 =	vld.idx.msk [tilespmem:v30+s3+$0x0], $0xffff;
	[tilespmem:s4+$0xFFFFFE00] =	vst v28  }
0x4de: {  	v19 =	vld.idx.msk [tilespmem:v29+s3+$0x0], $0xffff;
	[tilespmem:s4+$0xFFFFFE80] =	vst v31  }
0x4df: {  	s5 =	sadd.s32 $0x1F40, s5;
	v21 =	vld.idx.msk [tilespmem:v32+s3+$0x0], $0xffff;
	[tilespmem:s4+$0xFFFFFF00] =	vst v33  }
0x4e0: {  	_ = 	snop  }
0x4e1: {  	v16 =	vmov v17;
	s5 =	rddreg [dreg:$0x8];
	v17 =	vmov v26  }
.LBB2_153:
0x4e2: {  	_ =	sdelay $0x2  }
0x4e3: {  	[tilespmem:s4+$0xFFFFFF80] =	vst @p0 v25;
	s1 =	sadd.s32 @p0 $0x400, s4  }
0x4e4: {  	v24 =	vld.idx.msk [tilespmem:v24+s3+$0x0], $0xffff;
	[tilespmem:s4+$0xFFFFFC80] =	vst @p0 v16;
	s0 =	smov.u32 @p0 s1  }
0x4e5: {  	v16 =	vld.idx.msk [tilespmem:v23+s3+$0x0], $0xffff;
	[tilespmem:s0+$0x0] =	vst v18  }
0x4e6: {  	v22 =	vld.idx.msk [tilespmem:v22+s3+$0x0], $0xffff;
	[tilespmem:s0+$0xFFFFFD00] =	vst v19  }
0x4e7: {  	v63 =	vld.idx.msk [tilespmem:v20+s3+$0x0], $0xffff;
	[tilespmem:s0+$0xFFFFFD80] =	vst v21  }
0x4e8: {  	[tilespmem:s0+$0xFFFFFC80] =	vst v17  }
0x4e9: {  	[tilespmem:s0+$0xFFFFFE00] =	vst v24  }
0x4ea: {  	[tilespmem:s0+$0xFFFFFE80] =	vst v16  }
0x4eb: {  	[tilespmem:s0+$0xFFFFFF00] =	vst v22  }
0x4ec: {  	[tilespmem:s0+$0xFFFFFF80] =	vst v63  }
0x4ed: {  	_ =	swait.ge [sflag:s15], $0x2000  }
0x4ee: {  	s30 =	simm.s32 $0x8000;
	[sflag:s15] =	ssyncset.done $0x0  }
0x4ef: {  	s2 =	simm.s32 $0x17E00;
	s29 =	rddreg [dreg:$0x6];
	[sflag:s15] =	ssyncadd.s32 $0xFFFFE000  }
0x4f0: {  	[hbm4b:s29+s16] =	stream.strided.scatter [tilespmem:s2], [sflag:$0x3], $0x2000, s30, s16, $0x38;
	[tilespmem:$0x19E00] =	vst v63  }
0x4f1: {  	_ =	swait.ge [sflag:s17], $0x2000  }
0x4f2: {  	s2 =	sadd.s32 $0x1, s5;
	s31 =	rddreg [dreg:$0x7]  }
0x4f3: {  	p0 =	sne.s32 s2, s31  }
.Ltmp106:
0x4f4: {  	_ = 	snop;
	(pc) =	sbr.rel @p0 .LBB2_1-.Ltmp106, $4  }
.Ltmp107:
0x4f5: {  	_ = 	snop;
	(pc) =	sbr.rel @!p0 .LBB2_154-.Ltmp107, $4  }
0x4f6: {  	_ = 	snop  }
0x4f7: {  	[sflag:s17] =	ssyncset.done $0x0  }
0x4f8: {  	[sflag:s17] =	ssyncadd.s32 $0xFFFFE000  }
0x4f9: {  	_ = 	snop  }
.LBB2_6:
.Ltmp108:
0x4fa: {  	(pc) =	sbr.rel .LBB2_10-.Ltmp108, $2  }
0x4fb: {  	_ =	sdelay $0x2  }
0x4fc: {  	s1 =	simm.s32 $0x16020;
	p2 =	por $0x0, $0x0  }
.LBB2_11:
.Ltmp109:
0x4fd: {  	(pc) =	sbr.rel .LBB2_16-.Ltmp109, $2  }
0x4fe: {  	_ =	sdelay $0x2  }
0x4ff: {  	s4 =	simm.s32 $0x16030  }
.LBB2_17:
.Ltmp110:
0x500: {  	(pc) =	sbr.rel .LBB2_21-.Ltmp110, $2  }
0x501: {  	_ =	sdelay $0x2  }
0x502: {  	s4 =	simm.s32 $0x16040;
	p2 =	por $0x0, $0x0  }
.LBB2_22:
.Ltmp111:
0x503: {  	(pc) =	sbr.rel .LBB2_27-.Ltmp111, $2  }
0x504: {  	_ =	sdelay $0x2  }
0x505: {  	s4 =	simm.s32 $0x16050  }
.LBB2_28:
.Ltmp112:
0x506: {  	(pc) =	sbr.rel .LBB2_32-.Ltmp112, $2  }
0x507: {  	_ =	sdelay $0x2  }
0x508: {  	s4 =	simm.s32 $0x16060;
	p2 =	por $0x0, $0x0  }
.LBB2_33:
.Ltmp113:
0x509: {  	(pc) =	sbr.rel .LBB2_38-.Ltmp113, $2  }
0x50a: {  	_ =	sdelay $0x2  }
0x50b: {  	s4 =	simm.s32 $0x16070  }
.LBB2_120:
.Ltmp114:
0x50c: {  	(pc) =	sbr.rel .LBB2_125-.Ltmp114, $2  }
0x50d: {  	_ =	sdelay $0x2  }
0x50e: {  	s4 =	simm.s32 $0x181A0;
	p2 =	por $0x0, $0x0  }
.LBB2_126:
.Ltmp115:
0x50f: {  	(pc) =	sbr.rel .LBB2_130-.Ltmp115, $2  }
0x510: {  	_ =	sdelay $0x2  }
0x511: {  	s4 =	simm.s32 $0x181B0  }
.LBB2_131:
.Ltmp116:
0x512: {  	(pc) =	sbr.rel .LBB2_136-.Ltmp116, $2  }
0x513: {  	_ =	sdelay $0x2  }
0x514: {  	s4 =	simm.s32 $0x181C0;
	p2 =	por $0x0, $0x0  }
.LBB2_137:
.Ltmp117:
0x515: {  	(pc) =	sbr.rel .LBB2_141-.Ltmp117, $2  }
0x516: {  	_ =	sdelay $0x2  }
0x517: {  	s4 =	simm.s32 $0x181D0  }
.LBB2_142:
.Ltmp118:
0x518: {  	(pc) =	sbr.rel .LBB2_147-.Ltmp118, $2  }
0x519: {  	_ =	sdelay $0x2  }
0x51a: {  	s4 =	simm.s32 $0x181E0;
	p2 =	por $0x0, $0x0  }
.LBB2_148:
.Ltmp119:
0x51b: {  	(pc) =	sbr.rel .LBB2_153-.Ltmp119, $2  }
0x51c: {  	_ =	sdelay $0x2  }
0x51d: {  	s4 =	simm.s32 $0x181F0;
	s5 =	rddreg [dreg:$0x8]  }
.LBB2_8:
.Ltmp120:
0x51e: {  	(pc) =	sbr.rel .LBB2_10-.Ltmp120, $2  }
0x51f: {  	_ =	sdelay $0x2  }
0x520: {  	s1 =	simm.s32 $0x16020  }
.LBB2_13:
.Ltmp121:
0x521: {  	(pc) =	sbr.rel .LBB2_16-.Ltmp121, $2  }
0x522: {  	_ =	sdelay $0x2  }
0x523: {  	v20 =	vmov v21;
	s4 =	simm.s32 $0x16030;
	v21 =	vmov v30  }
.LBB2_19:
.Ltmp122:
0x524: {  	(pc) =	sbr.rel .LBB2_21-.Ltmp122, $2  }
0x525: {  	_ =	sdelay $0x2  }
0x526: {  	s4 =	simm.s32 $0x16040  }
.LBB2_24:
.Ltmp123:
0x527: {  	(pc) =	sbr.rel .LBB2_27-.Ltmp123, $2  }
0x528: {  	_ =	sdelay $0x2  }
0x529: {  	v18 =	vmov v19;
	s4 =	simm.s32 $0x16050;
	v19 =	vmov v28  }
.LBB2_30:
.Ltmp124:
0x52a: {  	(pc) =	sbr.rel .LBB2_32-.Ltmp124, $2  }
0x52b: {  	_ =	sdelay $0x2  }
0x52c: {  	s4 =	simm.s32 $0x16060  }
.LBB2_35:
.Ltmp125:
0x52d: {  	(pc) =	sbr.rel .LBB2_38-.Ltmp125, $2  }
0x52e: {  	_ =	sdelay $0x2  }
0x52f: {  	v16 =	vmov v17;
	s4 =	simm.s32 $0x16070;
	v17 =	vmov v26  }
.LBB2_122:
.Ltmp126:
0x530: {  	(pc) =	sbr.rel .LBB2_125-.Ltmp126, $2  }
0x531: {  	_ =	sdelay $0x2  }
0x532: {  	v21 =	vmov v22;
	s4 =	simm.s32 $0x181A0;
	v22 =	vmov v31  }
.LBB2_128:
.Ltmp127:
0x533: {  	(pc) =	sbr.rel .LBB2_130-.Ltmp127, $2  }
0x534: {  	_ =	sdelay $0x2  }
0x535: {  	s4 =	simm.s32 $0x181B0  }
.LBB2_133:
.Ltmp128:
0x536: {  	(pc) =	sbr.rel .LBB2_136-.Ltmp128, $2  }
0x537: {  	_ =	sdelay $0x2  }
0x538: {  	v19 =	vmov v20;
	s4 =	simm.s32 $0x181C0;
	v20 =	vmov v29  }
.LBB2_139:
.Ltmp129:
0x539: {  	(pc) =	sbr.rel .LBB2_141-.Ltmp129, $2  }
0x53a: {  	_ =	sdelay $0x2  }
0x53b: {  	s4 =	simm.s32 $0x181D0  }
.LBB2_144:
.Ltmp130:
0x53c: {  	(pc) =	sbr.rel .LBB2_147-.Ltmp130, $2  }
0x53d: {  	_ =	sdelay $0x2  }
0x53e: {  	v17 =	vmov v18;
	s4 =	simm.s32 $0x181E0;
	v18 =	vmov v27  }
.LBB2_150:
.Ltmp131:
0x53f: {  	(pc) =	sbr.rel .LBB2_153-.Ltmp131, $2  }
0x540: {  	_ =	sdelay $0x2  }
0x541: {  	v16 =	vmov v17;
	s4 =	simm.s32 $0x181F0;
	s5 =	rddreg [dreg:$0x8];
	v17 =	vmov v26  }
.LBB2_154:
0x542: {  	_ =	sfence.sel $0x180000  }
0x543: {  	[bflag:$0x0] =	sbarrier.arrive $0xFFFF  }
0x544: {  	_ =	strace $0x90000047  }
0x545: {  	s0 =	stileid.u32;
	[bflag:$0x2] =	sbarrier.arrive $0xFFFF  }
0x546: {  	p0 =	sne.s32 s0, $0x0;
	s0 =	rddreg [dreg:$0x2]  }
0x547: {  	s0 =	sadd.s32 @!p0 $0x100000, s0  }
0x548: {  	[sflag:s0] =	ssyncadd.tile.s32 @!p0 $0x1;
	_ =	shalt  }
.Lfunc_end2:
_tile_overlayer_lowered:
.L_overlay_start_2:
0x549: {  	(tag) =	ssettag $0x2  }
0x54a: {  	s0 =	rddreg [dreg:$0x0];
	s2 =	stileid.u32  }
0x54b: {  	s1 =	rddreg [dreg:$0x1];
	p0 =	sne.s32 s2, $0x0  }
0x54c: {  	s3 =	rddreg [dreg:$0x2];
	[bflag:$0x3] =	sbarrier.arrive $0xFFFF;
	s2 =	simm.s32 @!p0 $0x1C04  }
0x54d: {  	[timem:s3], [sflag:s2] =	dma.local @!p0 [hbm:s0], s1  }
0x54e: {  	s0 =	simm.s32 @!p0 $0x4  }
0x54f: {  	_ =	swait.ge @!p0 [sflag:s0], s1  }
0x550: {  	s1 =	ssub.s32 @!p0 $0x0, s1;
	[sflag:s0] =	ssyncset.done @!p0 $0x0  }
0x551: {  	[sflag:s0] =	ssyncadd.s32 @!p0 s1  }
0x552: {  	[bflag:$0x3] =	sbarrier.arrive $0xFFFF  }
0x553: {  	_ =	shalt  }

</sc_bundles>
